<compile_context>
chip_gen: v7x
topology: tpu7x:2x2x1
jax: 0.10.2.dev20260603
libtpu: 0.0.44.dev20260713+nightly
codegen_flags: <defaults>
</compile_context>

<pallas_src>
import jax
import jax.numpy as jnp
from jax import lax
from jax.experimental import pallas as pl
from jax.experimental.pallas import tpu as pltpu
from jax.experimental.pallas import tpu_sc as plsc

RING = 4
LOOKAHEAD = 2


def _make_kernel(B, V, E, S):
    info = plsc.get_sparse_core_info()
    NC, NS, L = info.num_cores, info.num_subcores, info.num_lanes
    NW = NC * NS
    CH = S
    assert B % (NW * CH) == 0 and E % L == 0
    BPW = B // NW
    NCH = BPW // CH

    mesh = plsc.VectorSubcoreMesh(core_axis_name="c", subcore_axis_name="s")

    def body(x_hbm, wt_hbm, pt_hbm, out_hbm, idx_all, pos_v, rows, gsems, wsems):
        wid = lax.axis_index("s") * NC + lax.axis_index("c")
        base = wid * BPW

        idx_cp = pltpu.make_async_copy(
            x_hbm.at[pl.ds(wid * NCH, NCH), :], idx_all, wsems[0])
        pos_cp = pltpu.make_async_copy(pt_hbm, pos_v, wsems[1])
        idx_cp.start()
        pos_cp.start()

        def gather(chunk, b):
            return pltpu.make_async_copy(
                wt_hbm.at[idx_all.at[chunk]], rows[b], gsems[b])

        def write(chunk, b):
            off = pl.multiple_of(base + chunk * CH, CH)
            return pltpu.make_async_copy(
                rows[b], out_hbm.at[pl.ds(off, CH)], wsems[b])

        idx_cp.wait()
        for b in range(LOOKAHEAD):
            gather(b, b).start()
        pos_cp.wait()

        @pl.loop(0, NCH, step=RING)
        def _(g):
            for b in range(RING):
                c = g + b
                gather(c, b).wait()
                p = c + LOOKAHEAD

                @pl.when(p < NCH)
                def _():
                    pb = (b + LOOKAHEAD) % RING

                    @pl.when(p >= RING)
                    def _():
                        write(p - RING, pb).wait()

                    gather(p, pb).start()

                @pl.loop(0, CH, unroll=8)
                def _(r):
                    for col in range(E // L):
                        sl = pl.ds(col * L, L)
                        plsc.addupdate(rows[b].at[r, sl], pos_v[r, sl])

                write(c, b).start()

        for b in range(RING):
            write(NCH - RING + b, b).wait()

    return pl.kernel(
        body,
        out_type=jax.ShapeDtypeStruct((B, E), jnp.float32),
        mesh=mesh,
        scratch_types=[
            pltpu.VMEM((NCH, CH), jnp.int32),
            pltpu.VMEM((S, E), jnp.float32),
            [pltpu.VMEM((CH, E), jnp.float32)] * RING,
            [pltpu.SemaphoreType.DMA] * RING,
            [pltpu.SemaphoreType.DMA] * RING,
        ],
    )


@jax.jit
def kernel(x, word_table, pos_table):
    N, S = x.shape
    V, E = word_table.shape
    flat = _make_kernel(N * S, V, E, S)(
        x.astype(jnp.int32), word_table, pos_table
    )
    return flat.reshape(N, S, E)

# --- scband reference (transcript-rebuilt; emitter-appended) ---
"""Pipeline reference for scband-token-and-position-embedding-3204045602984 (READ-ONLY COPY).

The authoritative reference and input builder live on the scoring server;
editing this copy changes nothing except your own understanding.
"""

import jax, jax.numpy as jnp
import numpy as np

VOCAB = 100000
EMBED = 128
MAXLEN = 128
BATCH = 4096
SEQ = 128

def setup_inputs(seed: int = 0) -> dict:
    key = jax.random.key(seed)
    k1, k2, k3 = jax.random.split(key, 3)
    x = jax.random.randint(k1, (BATCH, SEQ), 0, VOCAB, dtype=jnp.int64 if jax.config.jax_enable_x64 else jnp.int32)
    word_table = jax.random.normal(k2, (VOCAB, EMBED), dtype=jnp.float32)
    pos_table = jax.random.normal(k3, (MAXLEN, EMBED), dtype=jnp.float32)
    return {"x": x, "word_table": word_table, "pos_table": pos_table}

def reference(x, word_table, pos_table):
    N, seq_len = x.shape
    positions = jnp.broadcast_to(jnp.arange(seq_len), (N, seq_len))
    output1 = jnp.take(word_table, x, axis=0)
    output2 = jnp.take(pos_table, positions, axis=0)
    return output1 + output2

if __name__ == "__main__":
    import jax
    _d = setup_inputs()
    print(jax.jit(kernel)(*tuple(_d.values())))

</pallas_src>

<mosaic_0001>
#map = affine_map<(d0, d1) -> (0, 0)>
module attributes {stable_mosaic.version = 14 : i64} {
  func.func @body(%arg0: i32, %arg1: i32, %arg2: memref<4096x128xi32, #tpu.memory_space<hbm>>, %arg3: memref<100000x128xf32, #tpu.memory_space<hbm>>, %arg4: memref<128x128xf32, #tpu.memory_space<hbm>>, %arg5: memref<524288x128xf32, #tpu.memory_space<hbm>>, %arg6: memref<128x128xi32, #tpu.memory_space<vmem>>, %arg7: memref<128x128xf32, #tpu.memory_space<vmem>>, %arg8: memref<128x128xf32, #tpu.memory_space<vmem>>, %arg9: memref<128x128xf32, #tpu.memory_space<vmem>>, %arg10: memref<128x128xf32, #tpu.memory_space<vmem>>, %arg11: memref<128x128xf32, #tpu.memory_space<vmem>>, %arg12: memref<!tpu.dma_semaphore, #tpu.memory_space<semaphore_mem>>, %arg13: memref<!tpu.dma_semaphore, #tpu.memory_space<semaphore_mem>>, %arg14: memref<!tpu.dma_semaphore, #tpu.memory_space<semaphore_mem>>, %arg15: memref<!tpu.dma_semaphore, #tpu.memory_space<semaphore_mem>>, %arg16: memref<!tpu.dma_semaphore, #tpu.memory_space<semaphore_mem>>, %arg17: memref<!tpu.dma_semaphore, #tpu.memory_space<semaphore_mem>>, %arg18: memref<!tpu.dma_semaphore, #tpu.memory_space<semaphore_mem>>, %arg19: memref<!tpu.dma_semaphore, #tpu.memory_space<semaphore_mem>>) attributes {dimension_semantics = [#tpu.dimension_semantics<core_parallel>, #tpu.dimension_semantics<subcore_parallel>], iteration_bounds = array<i64: 2, 16>, scalar_prefetch = 0 : i64, scratch_operands = 14 : i64, tpu.core_type = #tpu.core_type<sc_vector_subcore>, window_params = [{transform_indices = #map}, {transform_indices = #map}, {transform_indices = #map}, {transform_indices = #map}]} {
    %mul3A = arith.constant 2 : i32
    %mul3A_0 = arith.muli %arg1, %mul3A : i32
    %add3A = arith.addi %mul3A_0, %arg0 : i32
    %mul3A_1 = arith.constant 16384 : i32
    %mul3A_2 = arith.muli %add3A, %mul3A_1 : i32
    %mul3A_3 = arith.constant 128 : i32
    %mul3A_4 = arith.muli %add3A, %mul3A_3 : i32
    %dma_start3A = arith.constant 0 : i32
    %dma_start3A_5 = tpu.memref_slice %arg2[%mul3A_4, %dma_start3A] : memref<4096x128xi32, #tpu.memory_space<hbm>> -> memref<128x128xi32, #tpu.memory_space<hbm>>
    %dma_start3A_6 = arith.constant 0 : i32
    %dma_start3A_7 = tpu.memref_slice %arg2[%mul3A_4, %dma_start3A_6] : memref<4096x128xi32, #tpu.memory_space<hbm>> -> memref<128x128xi32, #tpu.memory_space<hbm>>
    tpu.enqueue_dma source(%dma_start3A_7 : memref<128x128xi32, #tpu.memory_space<hbm>>) target(%arg6 : memref<128x128xi32, #tpu.memory_space<vmem>>) target_semaphore(%arg16 : memref<!tpu.dma_semaphore, #tpu.memory_space<semaphore_mem>>)
    tpu.enqueue_dma source(%arg4 : memref<128x128xf32, #tpu.memory_space<hbm>>) target(%arg7 : memref<128x128xf32, #tpu.memory_space<vmem>>) target_semaphore(%arg17 : memref<!tpu.dma_semaphore, #tpu.memory_space<semaphore_mem>>)
    %dma_wait3A = arith.constant 0 : i32
    %dma_wait3A_8 = tpu.memref_slice %arg2[%mul3A_4, %dma_wait3A] : memref<4096x128xi32, #tpu.memory_space<hbm>> -> memref<128x128xi32, #tpu.memory_space<hbm>>
    %dma_wait3A_9 = arith.constant 0 : i32
    %dma_wait3A_10 = tpu.memref_slice %arg2[%mul3A_4, %dma_wait3A_9] : memref<4096x128xi32, #tpu.memory_space<hbm>> -> memref<128x128xi32, #tpu.memory_space<hbm>>
    tpu.wait_dma2 semaphore(%arg16 : memref<!tpu.dma_semaphore, #tpu.memory_space<semaphore_mem>>) src(%dma_wait3A_10 : memref<128x128xi32, #tpu.memory_space<hbm>>) dst(%arg6 : memref<128x128xi32, #tpu.memory_space<vmem>>)
    %dma_start3A_11 = arith.constant 0 : i32
    %dma_start3A_12 = arith.constant 0 : i32
    %dma_start3A_13 = tpu.memref_slice %arg6[%dma_start3A_11, %dma_start3A_12] : memref<128x128xi32, #tpu.memory_space<vmem>> -> memref<1x128xi32, #tpu.memory_space<vmem>>
    %dma_start3A_14 = tpu.memref_squeeze %dma_start3A_13 : memref<1x128xi32, #tpu.memory_space<vmem>> -> memref<128xi32, #tpu.memory_space<vmem>>
    %dma_start3A_15 = arith.constant 0 : i32
    %dma_start3A_16 = arith.constant 0 : i32
    %dma_start3A_17 = tpu.memref_slice %arg3[%dma_start3A_15, %dma_start3A_16] : memref<100000x128xf32, #tpu.memory_space<hbm>> -> memref<100000x128xf32, #tpu.memory_space<hbm>>
    tpu.enqueue_indirect_dma source(%dma_start3A_17 : memref<100000x128xf32, #tpu.memory_space<hbm>>) target(%arg8 : memref<128x128xf32, #tpu.memory_space<vmem>>) offsets(%dma_start3A_14 : memref<128xi32, #tpu.memory_space<vmem>>) semaphore(%arg12 : memref<!tpu.dma_semaphore, #tpu.memory_space<semaphore_mem>>)
    %dma_start3A_18 = arith.constant 1 : i32
    %dma_start3A_19 = arith.constant 0 : i32
    %dma_start3A_20 = tpu.memref_slice %arg6[%dma_start3A_18, %dma_start3A_19] : memref<128x128xi32, #tpu.memory_space<vmem>> -> memref<1x128xi32, #tpu.memory_space<vmem>>
    %dma_start3A_21 = tpu.memref_squeeze %dma_start3A_20 : memref<1x128xi32, #tpu.memory_space<vmem>> -> memref<128xi32, #tpu.memory_space<vmem>>
    %dma_start3A_22 = arith.constant 0 : i32
    %dma_start3A_23 = arith.constant 0 : i32
    %dma_start3A_24 = tpu.memref_slice %arg3[%dma_start3A_22, %dma_start3A_23] : memref<100000x128xf32, #tpu.memory_space<hbm>> -> memref<100000x128xf32, #tpu.memory_space<hbm>>
    tpu.enqueue_indirect_dma source(%dma_start3A_24 : memref<100000x128xf32, #tpu.memory_space<hbm>>) target(%arg9 : memref<128x128xf32, #tpu.memory_space<vmem>>) offsets(%dma_start3A_21 : memref<128xi32, #tpu.memory_space<vmem>>) semaphore(%arg13 : memref<!tpu.dma_semaphore, #tpu.memory_space<semaphore_mem>>)
    tpu.wait_dma2 semaphore(%arg17 : memref<!tpu.dma_semaphore, #tpu.memory_space<semaphore_mem>>) src(%arg4 : memref<128x128xf32, #tpu.memory_space<hbm>>) dst(%arg7 : memref<128x128xf32, #tpu.memory_space<vmem>>)
    %scan3A = arith.constant 0 : i32
    %scan3A_25 = arith.constant 32 : i32
    %scan3A_26 = arith.addi %scan3A, %scan3A_25 : i32
    %scan3A_27 = arith.constant 1 : i32
    scf.for %scan3A_56 = %scan3A to %scan3A_26 step %scan3A_27  : i32 {
      %mul3A_57 = arith.constant 4 : i32
      %mul3A_58 = arith.muli %scan3A_56, %mul3A_57 : i32
      %add3A_59 = arith.constant 0 : i32
      %add3A_60 = arith.addi %add3A_59, %mul3A_58 : i32
      %add3A_61 = arith.constant 0 : i32
      %add3A_62 = arith.addi %add3A_60, %add3A_61 : i32
      %dma_wait3A_63 = arith.constant 0 : i32
      %dma_wait3A_64 = tpu.memref_slice %arg6[%add3A_62, %dma_wait3A_63] : memref<128x128xi32, #tpu.memory_space<vmem>> -> memref<1x128xi32, #tpu.memory_space<vmem>>
      %dma_wait3A_65 = tpu.memref_squeeze %dma_wait3A_64 : memref<1x128xi32, #tpu.memory_space<vmem>> -> memref<128xi32, #tpu.memory_space<vmem>>
      %dma_wait3A_66 = arith.constant 0 : i32
      %dma_wait3A_67 = arith.constant 0 : i32
      %dma_wait3A_68 = tpu.memref_slice %arg3[%dma_wait3A_66, %dma_wait3A_67] : memref<100000x128xf32, #tpu.memory_space<hbm>> -> memref<100000x128xf32, #tpu.memory_space<hbm>>
      tpu.wait_indirect_dma semaphore(%arg12 : memref<!tpu.dma_semaphore, #tpu.memory_space<semaphore_mem>>) src(%dma_wait3A_68 : memref<100000x128xf32, #tpu.memory_space<hbm>>) dst(%arg8 : memref<128x128xf32, #tpu.memory_space<vmem>>)
      %add3A_69 = arith.constant 2 : i32
      %add3A_70 = arith.addi %add3A_62, %add3A_69 : i32
      %lt3A = arith.constant 128 : i32
      %lt3A_71 = arith.cmpi slt, %add3A_70, %lt3A : i32
      %convert_element_type3A = arith.extui %lt3A_71 : i1 to i32
      %cond3A = arith.constant 0 : i32
      %cond3A_72 = arith.cmpi ne, %convert_element_type3A, %cond3A : i32
      scf.if %cond3A_72 {
        %ge3A = arith.constant 4 : i32
        %ge3A_170 = arith.cmpi sge, %add3A_70, %ge3A : i32
        %convert_element_type3A_171 = arith.extui %ge3A_170 : i1 to i32
        %cond3A_172 = arith.constant 0 : i32
        %cond3A_173 = arith.cmpi ne, %convert_element_type3A_171, %cond3A_172 : i32
        scf.if %cond3A_173 {
          %sub3A = arith.constant 4 : i32
          %sub3A_180 = arith.subi %add3A_70, %sub3A : i32
          %mul3A_181 = arith.constant 128 : i32
          %mul3A_182 = arith.muli %sub3A_180, %mul3A_181 : i32
          %add3A_183 = arith.addi %mul3A_2, %mul3A_182 : i32
          %multiple_of3A_184 = tpu.assume_multiple %add3A_183, 128 : i32
          %dma_wait3A_185 = arith.constant 0 : i32
          %dma_wait3A_186 = tpu.memref_slice %arg5[%multiple_of3A_184, %dma_wait3A_185] : memref<524288x128xf32, #tpu.memory_space<hbm>> -> memref<128x128xf32, #tpu.memory_space<hbm>>
          %dma_wait3A_187 = arith.constant 0 : i32
          %dma_wait3A_188 = tpu.memref_slice %arg5[%multiple_of3A_184, %dma_wait3A_187] : memref<524288x128xf32, #tpu.memory_space<hbm>> -> memref<128x128xf32, #tpu.memory_space<hbm>>
          tpu.wait_dma2 semaphore(%arg18 : memref<!tpu.dma_semaphore, #tpu.memory_space<semaphore_mem>>) src(%arg10 : memref<128x128xf32, #tpu.memory_space<vmem>>) dst(%dma_wait3A_188 : memref<128x128xf32, #tpu.memory_space<hbm>>)
        } else {
        }
        %dma_start3A_174 = arith.constant 0 : i32
        %dma_start3A_175 = tpu.memref_slice %arg6[%add3A_70, %dma_start3A_174] : memref<128x128xi32, #tpu.memory_space<vmem>> -> memref<1x128xi32, #tpu.memory_space<vmem>>
        %dma_start3A_176 = tpu.memref_squeeze %dma_start3A_175 : memref<1x128xi32, #tpu.memory_space<vmem>> -> memref<128xi32, #tpu.memory_space<vmem>>
        %dma_start3A_177 = arith.constant 0 : i32
        %dma_start3A_178 = arith.constant 0 : i32
        %dma_start3A_179 = tpu.memref_slice %arg3[%dma_start3A_177, %dma_start3A_178] : memref<100000x128xf32, #tpu.memory_space<hbm>> -> memref<100000x128xf32, #tpu.memory_space<hbm>>
        tpu.enqueue_indirect_dma source(%dma_start3A_179 : memref<100000x128xf32, #tpu.memory_space<hbm>>) target(%arg10 : memref<128x128xf32, #tpu.memory_space<vmem>>) offsets(%dma_start3A_176 : memref<128xi32, #tpu.memory_space<vmem>>) semaphore(%arg14 : memref<!tpu.dma_semaphore, #tpu.memory_space<semaphore_mem>>)
      } else {
      }
      %scan3A_73 = arith.constant 0 : i32
      %scan3A_74 = arith.constant 128 : i32
      %scan3A_75 = arith.addi %scan3A_73, %scan3A_74 : i32
      %scan3A_76 = arith.constant 8 : i32
      scf.for %scan3A_170 = %scan3A_73 to %scan3A_75 step %scan3A_76  : i32 {
        %mul3A_171 = arith.constant 1 : i32
        %mul3A_172 = arith.muli %scan3A_170, %mul3A_171 : i32
        %add3A_173 = arith.constant 0 : i32
        %add3A_174 = arith.addi %add3A_173, %mul3A_172 : i32
        %get3A = arith.index_cast %add3A_174 : i32 to index
        %get3A_175 = arith.constant 0 : index
        %get3A_176 = tpu.vector_load %arg7[%get3A, %get3A_175] {strides = array<i32>} : memref<128x128xf32, #tpu.memory_space<vmem>>, vector<1x16xf32>,
        %get3A_177 = vector.shape_cast %get3A_176 : vector<1x16xf32> to vector<16xf32>
        %swap3A = arith.index_cast %add3A_174 : i32 to index
        %swap3A_178 = arith.constant 0 : index
        %swap3A_179 = tpu.vector_load %arg8[%swap3A, %swap3A_178] {strides = array<i32>} : memref<128x128xf32, #tpu.memory_space<vmem>>, vector<1x16xf32>,
        %swap3A_180 = vector.shape_cast %swap3A_179 : vector<1x16xf32> to vector<16xf32>
        %swap3A_181 = vector.shape_cast %get3A_177 : vector<16xf32> to vector<1x16xf32>
        tpu.vector_store %arg8[%swap3A, %swap3A_178], %swap3A_181 {add = true, strides = array<i32>} : memref<128x128xf32, #tpu.memory_space<vmem>>, vector<1x16xf32>,
        %get3A_182 = arith.index_cast %add3A_174 : i32 to index
        %get3A_183 = arith.constant 16 : index
        %get3A_184 = tpu.vector_load %arg7[%get3A_182, %get3A_183] {strides = array<i32>} : memref<128x128xf32, #tpu.memory_space<vmem>>, vector<1x16xf32>,
        %get3A_185 = vector.shape_cast %get3A_184 : vector<1x16xf32> to vector<16xf32>
        %swap3A_186 = arith.index_cast %add3A_174 : i32 to index
        %swap3A_187 = arith.constant 16 : index
        %swap3A_188 = tpu.vector_load %arg8[%swap3A_186, %swap3A_187] {strides = array<i32>} : memref<128x128xf32, #tpu.memory_space<vmem>>, vector<1x16xf32>,
        %swap3A_189 = vector.shape_cast %swap3A_188 : vector<1x16xf32> to vector<16xf32>
        %swap3A_190 = vector.shape_cast %get3A_185 : vector<16xf32> to vector<1x16xf32>
        tpu.vector_store %arg8[%swap3A_186, %swap3A_187], %swap3A_190 {add = true, strides = array<i32>} : memref<128x128xf32, #tpu.memory_space<vmem>>, vector<1x16xf32>,
        %get3A_191 = arith.index_cast %add3A_174 : i32 to index
        %get3A_192 = arith.constant 32 : index
        %get3A_193 = tpu.vector_load %arg7[%get3A_191, %get3A_192] {strides = array<i32>} : memref<128x128xf32, #tpu.memory_space<vmem>>, vector<1x16xf32>,
        %get3A_194 = vector.shape_cast %get3A_193 : vector<1x16xf32> to vector<16xf32>
        %swap3A_195 = arith.index_cast %add3A_174 : i32 to index
        %swap3A_196 = arith.constant 32 : index
        %swap3A_197 = tpu.vector_load %arg8[%swap3A_195, %swap3A_196] {strides = array<i32>} : memref<128x128xf32, #tpu.memory_space<vmem>>, vector<1x16xf32>,
        %swap3A_198 = vector.shape_cast %swap3A_197 : vector<1x16xf32> to vector<16xf32>
        %swap3A_199 = vector.shape_cast %get3A_194 : vector<16xf32> to vector<1x16xf32>
        tpu.vector_store %arg8[%swap3A_195, %swap3A_196], %swap3A_199 {add = true, strides = array<i32>} : memref<128x128xf32, #tpu.memory_space<vmem>>, vector<1x16xf32>,
        %get3A_200 = arith.index_cast %add3A_174 : i32 to index
        %get3A_201 = arith.constant 48 : index
        %get3A_202 = tpu.vector_load %arg7[%get3A_200, %get3A_201] {strides = array<i32>} : memref<128x128xf32, #tpu.memory_space<vmem>>, vector<1x16xf32>,
        %get3A_203 = vector.shape_cast %get3A_202 : vector<1x16xf32> to vector<16xf32>
        %swap3A_204 = arith.index_cast %add3A_174 : i32 to index
        %swap3A_205 = arith.constant 48 : index
        %swap3A_206 = tpu.vector_load %arg8[%swap3A_204, %swap3A_205] {strides = array<i32>} : memref<128x128xf32, #tpu.memory_space<vmem>>, vector<1x16xf32>,
        %swap3A_207 = vector.shape_cast %swap3A_206 : vector<1x16xf32> to vector<16xf32>
        %swap3A_208 = vector.shape_cast %get3A_203 : vector<16xf32> to vector<1x16xf32>
        tpu.vector_store %arg8[%swap3A_204, %swap3A_205], %swap3A_208 {add = true, strides = array<i32>} : memref<128x128xf32, #tpu.memory_space<vmem>>, vector<1x16xf32>,
        %get3A_209 = arith.index_cast %add3A_174 : i32 to index
        %get3A_210 = arith.constant 64 : index
        %get3A_211 = tpu.vector_load %arg7[%get3A_209, %get3A_210] {strides = array<i32>} : memref<128x128xf32, #tpu.memory_space<vmem>>, vector<1x16xf32>,
        %get3A_212 = vector.shape_cast %get3A_211 : vector<1x16xf32> to vector<16xf32>
        %swap3A_213 = arith.index_cast %add3A_174 : i32 to index
        %swap3A_214 = arith.constant 64 : index
        %swap3A_215 = tpu.vector_load %arg8[%swap3A_213, %swap3A_214] {strides = array<i32>} : memref<128x128xf32, #tpu.memory_space<vmem>>, vector<1x16xf32>,
        %swap3A_216 = vector.shape_cast %swap3A_215 : vector<1x16xf32> to vector<16xf32>
        %swap3A_217 = vector.shape_cast %get3A_212 : vector<16xf32> to vector<1x16xf32>
        tpu.vector_store %arg8[%swap3A_213, %swap3A_214], %swap3A_217 {add = true, strides = array<i32>} : memref<128x128xf32, #tpu.memory_space<vmem>>, vector<1x16xf32>,
        %get3A_218 = arith.index_cast %add3A_174 : i32 to index
        %get3A_219 = arith.constant 80 : index
        %get3A_220 = tpu.vector_load %arg7[%get3A_218, %get3A_219] {strides = array<i32>} : memref<128x128xf32, #tpu.memory_space<vmem>>, vector<1x16xf32>,
        %get3A_221 = vector.shape_cast %get3A_220 : vector<1x16xf32> to vector<16xf32>
        %swap3A_222 = arith.index_cast %add3A_174 : i32 to index
        %swap3A_223 = arith.constant 80 : index
        %swap3A_224 = tpu.vector_load %arg8[%swap3A_222, %swap3A_223] {strides = array<i32>} : memref<128x128xf32, #tpu.memory_space<vmem>>, vector<1x16xf32>,
        %swap3A_225 = vector.shape_cast %swap3A_224 : vector<1x16xf32> to vector<16xf32>
        %swap3A_226 = vector.shape_cast %get3A_221 : vector<16xf32> to vector<1x16xf32>
        tpu.vector_store %arg8[%swap3A_222, %swap3A_223], %swap3A_226 {add = true, strides = array<i32>} : memref<128x128xf32, #tpu.memory_space<vmem>>, vector<1x16xf32>,
        %get3A_227 = arith.index_cast %add3A_174 : i32 to index
        %get3A_228 = arith.constant 96 : index
        %get3A_229 = tpu.vector_load %arg7[%get3A_227, %get3A_228] {strides = array<i32>} : memref<128x128xf32, #tpu.memory_space<vmem>>, vector<1x16xf32>,
        %get3A_230 = vector.shape_cast %get3A_229 : vector<1x16xf32> to vector<16xf32>
        %swap3A_231 = arith.index_cast %add3A_174 : i32 to index
        %swap3A_232 = arith.constant 96 : index
        %swap3A_233 = tpu.vector_load %arg8[%swap3A_231, %swap3A_232] {strides = array<i32>} : memref<128x128xf32, #tpu.memory_space<vmem>>, vector<1x16xf32>,
        %swap3A_234 = vector.shape_cast %swap3A_233 : vector<1x16xf32> to vector<16xf32>
        %swap3A_235 = vector.shape_cast %get3A_230 : vector<16xf32> to vector<1x16xf32>
        tpu.vector_store %arg8[%swap3A_231, %swap3A_232], %swap3A_235 {add = true, strides = array<i32>} : memref<128x128xf32, #tpu.memory_space<vmem>>, vector<1x16xf32>,
        %get3A_236 = arith.index_cast %add3A_174 : i32 to index
        %get3A_237 = arith.constant 112 : index
        %get3A_238 = tpu.vector_load %arg7[%get3A_236, %get3A_237] {strides = array<i32>} : memref<128x128xf32, #tpu.memory_space<vmem>>, vector<1x16xf32>,
        %get3A_239 = vector.shape_cast %get3A_238 : vector<1x16xf32> to vector<16xf32>
        %swap3A_240 = arith.index_cast %add3A_174 : i32 to index
        %swap3A_241 = arith.constant 112 : index
        %swap3A_242 = tpu.vector_load %arg8[%swap3A_240, %swap3A_241] {strides = array<i32>} : memref<128x128xf32, #tpu.memory_space<vmem>>, vector<1x16xf32>,
        %swap3A_243 = vector.shape_cast %swap3A_242 : vector<1x16xf32> to vector<16xf32>
        %swap3A_244 = vector.shape_cast %get3A_239 : vector<16xf32> to vector<1x16xf32>
        tpu.vector_store %arg8[%swap3A_240, %swap3A_241], %swap3A_244 {add = true, strides = array<i32>} : memref<128x128xf32, #tpu.memory_space<vmem>>, vector<1x16xf32>,
        %scan3A_245 = arith.constant 1 : i32
        %scan3A_246 = arith.addi %scan3A_170, %scan3A_245 : i32
        %mul3A_247 = arith.constant 1 : i32
        %mul3A_248 = arith.muli %scan3A_246, %mul3A_247 : i32
        %add3A_249 = arith.constant 0 : i32
        %add3A_250 = arith.addi %add3A_249, %mul3A_248 : i32
        %get3A_251 = arith.index_cast %add3A_250 : i32 to index
        %get3A_252 = arith.constant 0 : index
        %get3A_253 = tpu.vector_load %arg7[%get3A_251, %get3A_252] {strides = array<i32>} : memref<128x128xf32, #tpu.memory_space<vmem>>, vector<1x16xf32>,
        %get3A_254 = vector.shape_cast %get3A_253 : vector<1x16xf32> to vector<16xf32>
        %swap3A_255 = arith.index_cast %add3A_250 : i32 to index
        %swap3A_256 = arith.constant 0 : index
        %swap3A_257 = tpu.vector_load %arg8[%swap3A_255, %swap3A_256] {strides = array<i32>} : memref<128x128xf32, #tpu.memory_space<vmem>>, vector<1x16xf32>,
        %swap3A_258 = vector.shape_cast %swap3A_257 : vector<1x16xf32> to vector<16xf32>
        %swap3A_259 = vector.shape_cast %get3A_254 : vector<16xf32> to vector<1x16xf32>
        tpu.vector_store %arg8[%swap3A_255, %swap3A_256], %swap3A_259 {add = true, strides = array<i32>} : memref<128x128xf32, #tpu.memory_space<vmem>>, vector<1x16xf32>,
        %get3A_260 = arith.index_cast %add3A_250 : i32 to index
        %get3A_261 = arith.constant 16 : index
        %get3A_262 = tpu.vector_load %arg7[%get3A_260, %get3A_261] {strides = array<i32>} : memref<128x128xf32, #tpu.memory_space<vmem>>, vector<1x16xf32>,
        %get3A_263 = vector.shape_cast %get3A_262 : vector<1x16xf32> to vector<16xf32>
        %swap3A_264 = arith.index_cast %add3A_250 : i32 to index
        %swap3A_265 = arith.constant 16 : index
        %swap3A_266 = tpu.vector_load %arg8[%swap3A_264, %swap3A_265] {strides = array<i32>} : memref<128x128xf32, #tpu.memory_space<vmem>>, vector<1x16xf32>,
        %swap3A_267 = vector.shape_cast %swap3A_266 : vector<1x16xf32> to vector<16xf32>
        %swap3A_268 = vector.shape_cast %get3A_263 : vector<16xf32> to vector<1x16xf32>
        tpu.vector_store %arg8[%swap3A_264, %swap3A_265], %swap3A_268 {add = true, strides = array<i32>} : memref<128x128xf32, #tpu.memory_space<vmem>>, vector<1x16xf32>,
        %get3A_269 = arith.index_cast %add3A_250 : i32 to index
        %get3A_270 = arith.constant 32 : index
        %get3A_271 = tpu.vector_load %arg7[%get3A_269, %get3A_270] {strides = array<i32>} : memref<128x128xf32, #tpu.memory_space<vmem>>, vector<1x16xf32>,
        %get3A_272 = vector.shape_cast %get3A_271 : vector<1x16xf32> to vector<16xf32>
        %swap3A_273 = arith.index_cast %add3A_250 : i32 to index
        %swap3A_274 = arith.constant 32 : index
        %swap3A_275 = tpu.vector_load %arg8[%swap3A_273, %swap3A_274] {strides = array<i32>} : memref<128x128xf32, #tpu.memory_space<vmem>>, vector<1x16xf32>,
        %swap3A_276 = vector.shape_cast %swap3A_275 : vector<1x16xf32> to vector<16xf32>
        %swap3A_277 = vector.shape_cast %get3A_272 : vector<16xf32> to vector<1x16xf32>
        tpu.vector_store %arg8[%swap3A_273, %swap3A_274], %swap3A_277 {add = true, strides = array<i32>} : memref<128x128xf32, #tpu.memory_space<vmem>>, vector<1x16xf32>,
        %get3A_278 = arith.index_cast %add3A_250 : i32 to index
        %get3A_279 = arith.constant 48 : index
        %get3A_280 = tpu.vector_load %arg7[%get3A_278, %get3A_279] {strides = array<i32>} : memref<128x128xf32, #tpu.memory_space<vmem>>, vector<1x16xf32>,
        %get3A_281 = vector.shape_cast %get3A_280 : vector<1x16xf32> to vector<16xf32>
        %swap3A_282 = arith.index_cast %add3A_250 : i32 to index
        %swap3A_283 = arith.constant 48 : index
        %swap3A_284 = tpu.vector_load %arg8[%swap3A_282, %swap3A_283] {strides = array<i32>} : memref<128x128xf32, #tpu.memory_space<vmem>>, vector<1x16xf32>,
        %swap3A_285 = vector.shape_cast %swap3A_284 : vector<1x16xf32> to vector<16xf32>
        %swap3A_286 = vector.shape_cast %get3A_281 : vector<16xf32> to vector<1x16xf32>
        tpu.vector_store %arg8[%swap3A_282, %swap3A_283], %swap3A_286 {add = true, strides = array<i32>} : memref<128x128xf32, #tpu.memory_space<vmem>>, vector<1x16xf32>,
        %get3A_287 = arith.index_cast %add3A_250 : i32 to index
        %get3A_288 = arith.constant 64 : index
        %get3A_289 = tpu.vector_load %arg7[%get3A_287, %get3A_288] {strides = array<i32>} : memref<128x128xf32, #tpu.memory_space<vmem>>, vector<1x16xf32>,
        %get3A_290 = vector.shape_cast %get3A_289 : vector<1x16xf32> to vector<16xf32>
        %swap3A_291 = arith.index_cast %add3A_250 : i32 to index
        %swap3A_292 = arith.constant 64 : index
        %swap3A_293 = tpu.vector_load %arg8[%swap3A_291, %swap3A_292] {strides = array<i32>} : memref<128x128xf32, #tpu.memory_space<vmem>>, vector<1x16xf32>,
        %swap3A_294 = vector.shape_cast %swap3A_293 : vector<1x16xf32> to vector<16xf32>
        %swap3A_295 = vector.shape_cast %get3A_290 : vector<16xf32> to vector<1x16xf32>
        tpu.vector_store %arg8[%swap3A_291, %swap3A_292], %swap3A_295 {add = true, strides = array<i32>} : memref<128x128xf32, #tpu.memory_space<vmem>>, vector<1x16xf32>,
        %get3A_296 = arith.index_cast %add3A_250 : i32 to index
        %get3A_297 = arith.constant 80 : index
        %get3A_298 = tpu.vector_load %arg7[%get3A_296, %get3A_297] {strides = array<i32>} : memref<128x128xf32, #tpu.memory_space<vmem>>, vector<1x16xf32>,
        %get3A_299 = vector.shape_cast %get3A_298 : vector<1x16xf32> to vector<16xf32>
        %swap3A_300 = arith.index_cast %add3A_250 : i32 to index
        %swap3A_301 = arith.constant 80 : index
        %swap3A_302 = tpu.vector_load %arg8[%swap3A_300, %swap3A_301] {strides = array<i32>} : memref<128x128xf32, #tpu.memory_space<vmem>>, vector<1x16xf32>,
        %swap3A_303 = vector.shape_cast %swap3A_302 : vector<1x16xf32> to vector<16xf32>
        %swap3A_304 = vector.shape_cast %get3A_299 : vector<16xf32> to vector<1x16xf32>
        tpu.vector_store %arg8[%swap3A_300, %swap3A_301], %swap3A_304 {add = true, strides = array<i32>} : memref<128x128xf32, #tpu.memory_space<vmem>>, vector<1x16xf32>,
        %get3A_305 = arith.index_cast %add3A_250 : i32 to index
        %get3A_306 = arith.constant 96 : index
        %get3A_307 = tpu.vector_load %arg7[%get3A_305, %get3A_306] {strides = array<i32>} : memref<128x128xf32, #tpu.memory_space<vmem>>, vector<1x16xf32>,
        %get3A_308 = vector.shape_cast %get3A_307 : vector<1x16xf32> to vector<16xf32>
        %swap3A_309 = arith.index_cast %add3A_250 : i32 to index
        %swap3A_310 = arith.constant 96 : index
        %swap3A_311 = tpu.vector_load %arg8[%swap3A_309, %swap3A_310] {strides = array<i32>} : memref<128x128xf32, #tpu.memory_space<vmem>>, vector<1x16xf32>,
        %swap3A_312 = vector.shape_cast %swap3A_311 : vector<1x16xf32> to vector<16xf32>
        %swap3A_313 = vector.shape_cast %get3A_308 : vector<16xf32> to vector<1x16xf32>
        tpu.vector_store %arg8[%swap3A_309, %swap3A_310], %swap3A_313 {add = true, strides = array<i32>} : memref<128x128xf32, #tpu.memory_space<vmem>>, vector<1x16xf32>,
        %get3A_314 = arith.index_cast %add3A_250 : i32 to index
        %get3A_315 = arith.constant 112 : index
        %get3A_316 = tpu.vector_load %arg7[%get3A_314, %get3A_315] {strides = array<i32>} : memref<128x128xf32, #tpu.memory_space<vmem>>, vector<1x16xf32>,
        %get3A_317 = vector.shape_cast %get3A_316 : vector<1x16xf32> to vector<16xf32>
        %swap3A_318 = arith.index_cast %add3A_250 : i32 to index
        %swap3A_319 = arith.constant 112 : index
        %swap3A_320 = tpu.vector_load %arg8[%swap3A_318, %swap3A_319] {strides = array<i32>} : memref<128x128xf32, #tpu.memory_space<vmem>>, vector<1x16xf32>,
        %swap3A_321 = vector.shape_cast %swap3A_320 : vector<1x16xf32> to vector<16xf32>
        %swap3A_322 = vector.shape_cast %get3A_317 : vector<16xf32> to vector<1x16xf32>
        tpu.vector_store %arg8[%swap3A_318, %swap3A_319], %swap3A_322 {add = true, strides = array<i32>} : memref<128x128xf32, #tpu.memory_space<vmem>>, vector<1x16xf32>,
        %scan3A_323 = arith.constant 2 : i32
        %scan3A_324 = arith.addi %scan3A_170, %scan3A_323 : i32
        %mul3A_325 = arith.constant 1 : i32
        %mul3A_326 = arith.muli %scan3A_324, %mul3A_325 : i32
        %add3A_327 = arith.constant 0 : i32
        %add3A_328 = arith.addi %add3A_327, %mul3A_326 : i32
        %get3A_329 = arith.index_cast %add3A_328 : i32 to index
        %get3A_330 = arith.constant 0 : index
        %get3A_331 = tpu.vector_load %arg7[%get3A_329, %get3A_330] {strides = array<i32>} : memref<128x128xf32, #tpu.memory_space<vmem>>, vector<1x16xf32>,
        %get3A_332 = vector.shape_cast %get3A_331 : vector<1x16xf32> to vector<16xf32>
        %swap3A_333 = arith.index_cast %add3A_328 : i32 to index
        %swap3A_334 = arith.constant 0 : index
        %swap3A_335 = tpu.vector_load %arg8[%swap3A_333, %swap3A_334] {strides = array<i32>} : memref<128x128xf32, #tpu.memory_space<vmem>>, vector<1x16xf32>,
        %swap3A_336 = vector.shape_cast %swap3A_335 : vector<1x16xf32> to vector<16xf32>
        %swap3A_337 = vector.shape_cast %get3A_332 : vector<16xf32> to vector<1x16xf32>
        tpu.vector_store %arg8[%swap3A_333, %swap3A_334], %swap3A_337 {add = true, strides = array<i32>} : memref<128x128xf32, #tpu.memory_space<vmem>>, vector<1x16xf32>,
        %get3A_338 = arith.index_cast %add3A_328 : i32 to index
        %get3A_339 = arith.constant 16 : index
        %get3A_340 = tpu.vector_load %arg7[%get3A_338, %get3A_339] {strides = array<i32>} : memref<128x128xf32, #tpu.memory_space<vmem>>, vector<1x16xf32>,
        %get3A_341 = vector.shape_cast %get3A_340 : vector<1x16xf32> to vector<16xf32>
        %swap3A_342 = arith.index_cast %add3A_328 : i32 to index
        %swap3A_343 = arith.constant 16 : index
        %swap3A_344 = tpu.vector_load %arg8[%swap3A_342, %swap3A_343] {strides = array<i32>} : memref<128x128xf32, #tpu.memory_space<vmem>>, vector<1x16xf32>,
        %swap3A_345 = vector.shape_cast %swap3A_344 : vector<1x16xf32> to vector<16xf32>
        %swap3A_346 = vector.shape_cast %get3A_341 : vector<16xf32> to vector<1x16xf32>
        tpu.vector_store %arg8[%swap3A_342, %swap3A_343], %swap3A_346 {add = true, strides = array<i32>} : memref<128x128xf32, #tpu.memory_space<vmem>>, vector<1x16xf32>,
        %get3A_347 = arith.index_cast %add3A_328 : i32 to index
        %get3A_348 = arith.constant 32 : index
        %get3A_349 = tpu.vector_load %arg7[%get3A_347, %get3A_348] {strides = array<i32>} : memref<128x128xf32, #tpu.memory_space<vmem>>, vector<1x16xf32>,
        %get3A_350 = vector.shape_cast %get3A_349 : vector<1x16xf32> to vector<16xf32>
        %swap3A_351 = arith.index_cast %add3A_328 : i32 to index
        %swap3A_352 = arith.constant 32 : index
        %swap3A_353 = tpu.vector_load %arg8[%swap3A_351, %swap3A_352] {strides = array<i32>} : memref<128x128xf32, #tpu.memory_space<vmem>>, vector<1x16xf32>,
        %swap3A_354 = vector.shape_cast %swap3A_353 : vector<1x16xf32> to vector<16xf32>
        %swap3A_355 = vector.shape_cast %get3A_350 : vector<16xf32> to vector<1x16xf32>
        tpu.vector_store %arg8[%swap3A_351, %swap3A_352], %swap3A_355 {add = true, strides = array<i32>} : memref<128x128xf32, #tpu.memory_space<vmem>>, vector<1x16xf32>,
        %get3A_356 = arith.index_cast %add3A_328 : i32 to index
        %get3A_357 = arith.constant 48 : index
        %get3A_358 = tpu.vector_load %arg7[%get3A_356, %get3A_357] {strides = array<i32>} : memref<128x128xf32, #tpu.memory_space<vmem>>, vector<1x16xf32>,
        %get3A_359 = vector.shape_cast %get3A_358 : vector<1x16xf32> to vector<16xf32>
        %swap3A_360 = arith.index_cast %add3A_328 : i32 to index
        %swap3A_361 = arith.constant 48 : index
        %swap3A_362 = tpu.vector_load %arg8[%swap3A_360, %swap3A_361] {strides = array<i32>} : memref<128x128xf32, #tpu.memory_space<vmem>>, vector<1x16xf32>,
        %swap3A_363 = vector.shape_cast %swap3A_362 : vector<1x16xf32> to vector<16xf32>
        %swap3A_364 = vector.shape_cast %get3A_359 : vector<16xf32> to vector<1x16xf32>
        tpu.vector_store %arg8[%swap3A_360, %swap3A_361], %swap3A_364 {add = true, strides = array<i32>} : memref<128x128xf32, #tpu.memory_space<vmem>>, vector<1x16xf32>,
        %get3A_365 = arith.index_cast %add3A_328 : i32 to index
        %get3A_366 = arith.constant 64 : index
        %get3A_367 = tpu.vector_load %arg7[%get3A_365, %get3A_366] {strides = array<i32>} : memref<128x128xf32, #tpu.memory_space<vmem>>, vector<1x16xf32>,
        %get3A_368 = vector.shape_cast %get3A_367 : vector<1x16xf32> to vector<16xf32>
        %swap3A_369 = arith.index_cast %add3A_328 : i32 to index
        %swap3A_370 = arith.constant 64 : index
        %swap3A_371 = tpu.vector_load %arg8[%swap3A_369, %swap3A_370] {strides = array<i32>} : memref<128x128xf32, #tpu.memory_space<vmem>>, vector<1x16xf32>,
        %swap3A_372 = vector.shape_cast %swap3A_371 : vector<1x16xf32> to vector<16xf32>
        %swap3A_373 = vector.shape_cast %get3A_368 : vector<16xf32> to vector<1x16xf32>
        tpu.vector_store %arg8[%swap3A_369, %swap3A_370], %swap3A_373 {add = true, strides = array<i32>} : memref<128x128xf32, #tpu.memory_space<vmem>>, vector<1x16xf32>,
        %get3A_374 = arith.index_cast %add3A_328 : i32 to index
        %get3A_375 = arith.constant 80 : index
        %get3A_376 = tpu.vector_load %arg7[%get3A_374, %get3A_375] {strides = array<i32>} : memref<128x128xf32, #tpu.memory_space<vmem>>, vector<1x16xf32>,
        %get3A_377 = vector.shape_cast %get3A_376 : vector<1x16xf32> to vector<16xf32>
        %swap3A_378 = arith.index_cast %add3A_328 : i32 to index
        %swap3A_379 = arith.constant 80 : index
        %swap3A_380 = tpu.vector_load %arg8[%swap3A_378, %swap3A_379] {strides = array<i32>} : memref<128x128xf32, #tpu.memory_space<vmem>>, vector<1x16xf32>,
        %swap3A_381 = vector.shape_cast %swap3A_380 : vector<1x16xf32> to vector<16xf32>
        %swap3A_382 = vector.shape_cast %get3A_377 : vector<16xf32> to vector<1x16xf32>
        tpu.vector_store %arg8[%swap3A_378, %swap3A_379], %swap3A_382 {add = true, strides = array<i32>} : memref<128x128xf32, #tpu.memory_space<vmem>>, vector<1x16xf32>,
        %get3A_383 = arith.index_cast %add3A_328 : i32 to index
        %get3A_384 = arith.constant 96 : index
        %get3A_385 = tpu.vector_load %arg7[%get3A_383, %get3A_384] {strides = array<i32>} : memref<128x128xf32, #tpu.memory_space<vmem>>, vector<1x16xf32>,
        %get3A_386 = vector.shape_cast %get3A_385 : vector<1x16xf32> to vector<16xf32>
        %swap3A_387 = arith.index_cast %add3A_328 : i32 to index
        %swap3A_388 = arith.constant 96 : index
        %swap3A_389 = tpu.vector_load %arg8[%swap3A_387, %swap3A_388] {strides = array<i32>} : memref<128x128xf32, #tpu.memory_space<vmem>>, vector<1x16xf32>,
        %swap3A_390 = vector.shape_cast %swap3A_389 : vector<1x16xf32> to vector<16xf32>
        %swap3A_391 = vector.shape_cast %get3A_386 : vector<16xf32> to vector<1x16xf32>
        tpu.vector_store %arg8[%swap3A_387, %swap3A_388], %swap3A_391 {add = true, strides = array<i32>} : memref<128x128xf32, #tpu.memory_space<vmem>>, vector<1x16xf32>,
        %get3A_392 = arith.index_cast %add3A_328 : i32 to index
        %get3A_393 = arith.constant 112 : index
        %get3A_394 = tpu.vector_load %arg7[%get3A_392, %get3A_393] {strides = array<i32>} : memref<128x128xf32, #tpu.memory_space<vmem>>, vector<1x16xf32>,
        %get3A_395 = vector.shape_cast %get3A_394 : vector<1x16xf32> to vector<16xf32>
        %swap3A_396 = arith.index_cast %add3A_328 : i32 to index
        %swap3A_397 = arith.constant 112 : index
        %swap3A_398 = tpu.vector_load %arg8[%swap3A_396, %swap3A_397] {strides = array<i32>} : memref<128x128xf32, #tpu.memory_space<vmem>>, vector<1x16xf32>,
        %swap3A_399 = vector.shape_cast %swap3A_398 : vector<1x16xf32> to vector<16xf32>
        %swap3A_400 = vector.shape_cast %get3A_395 : vector<16xf32> to vector<1x16xf32>
        tpu.vector_store %arg8[%swap3A_396, %swap3A_397], %swap3A_400 {add = true, strides = array<i32>} : memref<128x128xf32, #tpu.memory_space<vmem>>, vector<1x16xf32>,
        %scan3A_401 = arith.constant 3 : i32
        %scan3A_402 = arith.addi %scan3A_170, %scan3A_401 : i32
        %mul3A_403 = arith.constant 1 : i32
        %mul3A_404 = arith.muli %scan3A_402, %mul3A_403 : i32
        %add3A_405 = arith.constant 0 : i32
        %add3A_406 = arith.addi %add3A_405, %mul3A_404 : i32
        %get3A_407 = arith.index_cast %add3A_406 : i32 to index
        %get3A_408 = arith.constant 0 : index
        %get3A_409 = tpu.vector_load %arg7[%get3A_407, %get3A_408] {strides = array<i32>} : memref<128x128xf32, #tpu.memory_space<vmem>>, vector<1x16xf32>,
        %get3A_410 = vector.shape_cast %get3A_409 : vector<1x16xf32> to vector<16xf32>
        %swap3A_411 = arith.index_cast %add3A_406 : i32 to index
        %swap3A_412 = arith.constant 0 : index
        %swap3A_413 = tpu.vector_load %arg8[%swap3A_411, %swap3A_412] {strides = array<i32>} : memref<128x128xf32, #tpu.memory_space<vmem>>, vector<1x16xf32>,
        %swap3A_414 = vector.shape_cast %swap3A_413 : vector<1x16xf32> to vector<16xf32>
        %swap3A_415 = vector.shape_cast %get3A_410 : vector<16xf32> to vector<1x16xf32>
        tpu.vector_store %arg8[%swap3A_411, %swap3A_412], %swap3A_415 {add = true, strides = array<i32>} : memref<128x128xf32, #tpu.memory_space<vmem>>, vector<1x16xf32>,
        %get3A_416 = arith.index_cast %add3A_406 : i32 to index
        %get3A_417 = arith.constant 16 : index
        %get3A_418 = tpu.vector_load %arg7[%get3A_416, %get3A_417] {strides = array<i32>} : memref<128x128xf32, #tpu.memory_space<vmem>>, vector<1x16xf32>,
        %get3A_419 = vector.shape_cast %get3A_418 : vector<1x16xf32> to vector<16xf32>
        %swap3A_420 = arith.index_cast %add3A_406 : i32 to index
        %swap3A_421 = arith.constant 16 : index
        %swap3A_422 = tpu.vector_load %arg8[%swap3A_420, %swap3A_421] {strides = array<i32>} : memref<128x128xf32, #tpu.memory_space<vmem>>, vector<1x16xf32>,
        %swap3A_423 = vector.shape_cast %swap3A_422 : vector<1x16xf32> to vector<16xf32>
        %swap3A_424 = vector.shape_cast %get3A_419 : vector<16xf32> to vector<1x16xf32>
        tpu.vector_store %arg8[%swap3A_420, %swap3A_421], %swap3A_424 {add = true, strides = array<i32>} : memref<128x128xf32, #tpu.memory_space<vmem>>, vector<1x16xf32>,
        %get3A_425 = arith.index_cast %add3A_406 : i32 to index
        %get3A_426 = arith.constant 32 : index
        %get3A_427 = tpu.vector_load %arg7[%get3A_425, %get3A_426] {strides = array<i32>} : memref<128x128xf32, #tpu.memory_space<vmem>>, vector<1x16xf32>,
        %get3A_428 = vector.shape_cast %get3A_427 : vector<1x16xf32> to vector<16xf32>
        %swap3A_429 = arith.index_cast %add3A_406 : i32 to index
        %swap3A_430 = arith.constant 32 : index
        %swap3A_431 = tpu.vector_load %arg8[%swap3A_429, %swap3A_430] {strides = array<i32>} : memref<128x128xf32, #tpu.memory_space<vmem>>, vector<1x16xf32>,
        %swap3A_432 = vector.shape_cast %swap3A_431 : vector<1x16xf32> to vector<16xf32>
        %swap3A_433 = vector.shape_cast %get3A_428 : vector<16xf32> to vector<1x16xf32>
        tpu.vector_store %arg8[%swap3A_429, %swap3A_430], %swap3A_433 {add = true, strides = array<i32>} : memref<128x128xf32, #tpu.memory_space<vmem>>, vector<1x16xf32>,
        %get3A_434 = arith.index_cast %add3A_406 : i32 to index
        %get3A_435 = arith.constant 48 : index
        %get3A_436 = tpu.vector_load %arg7[%get3A_434, %get3A_435] {strides = array<i32>} : memref<128x128xf32, #tpu.memory_space<vmem>>, vector<1x16xf32>,
        %get3A_437 = vector.shape_cast %get3A_436 : vector<1x16xf32> to vector<16xf32>
        %swap3A_438 = arith.index_cast %add3A_406 : i32 to index
        %swap3A_439 = arith.constant 48 : index
        %swap3A_440 = tpu.vector_load %arg8[%swap3A_438, %swap3A_439] {strides = array<i32>} : memref<128x128xf32, #tpu.memory_space<vmem>>, vector<1x16xf32>,
        %swap3A_441 = vector.shape_cast %swap3A_440 : vector<1x16xf32> to vector<16xf32>
        %swap3A_442 = vector.shape_cast %get3A_437 : vector<16xf32> to vector<1x16xf32>
        tpu.vector_store %arg8[%swap3A_438, %swap3A_439], %swap3A_442 {add = true, strides = array<i32>} : memref<128x128xf32, #tpu.memory_space<vmem>>, vector<1x16xf32>,
        %get3A_443 = arith.index_cast %add3A_406 : i32 to index
        %get3A_444 = arith.constant 64 : index
        %get3A_445 = tpu.vector_load %arg7[%get3A_443, %get3A_444] {strides = array<i32>} : memref<128x128xf32, #tpu.memory_space<vmem>>, vector<1x16xf32>,
        %get3A_446 = vector.shape_cast %get3A_445 : vector<1x16xf32> to vector<16xf32>
        %swap3A_447 = arith.index_cast %add3A_406 : i32 to index
        %swap3A_448 = arith.constant 64 : index
        %swap3A_449 = tpu.vector_load %arg8[%swap3A_447, %swap3A_448] {strides = array<i32>} : memref<128x128xf32, #tpu.memory_space<vmem>>, vector<1x16xf32>,
        %swap3A_450 = vector.shape_cast %swap3A_449 : vector<1x16xf32> to vector<16xf32>
        %swap3A_451 = vector.shape_cast %get3A_446 : vector<16xf32> to vector<1x16xf32>
        tpu.vector_store %arg8[%swap3A_447, %swap3A_448], %swap3A_451 {add = true, strides = array<i32>} : memref<128x128xf32, #tpu.memory_space<vmem>>, vector<1x16xf32>,
        %get3A_452 = arith.index_cast %add3A_406 : i32 to index
        %get3A_453 = arith.constant 80 : index
        %get3A_454 = tpu.vector_load %arg7[%get3A_452, %get3A_453] {strides = array<i32>} : memref<128x128xf32, #tpu.memory_space<vmem>>, vector<1x16xf32>,
        %get3A_455 = vector.shape_cast %get3A_454 : vector<1x16xf32> to vector<16xf32>
        %swap3A_456 = arith.index_cast %add3A_406 : i32 to index
        %swap3A_457 = arith.constant 80 : index
        %swap3A_458 = tpu.vector_load %arg8[%swap3A_456, %swap3A_457] {strides = array<i32>} : memref<128x128xf32, #tpu.memory_space<vmem>>, vector<1x16xf32>,
        %swap3A_459 = vector.shape_cast %swap3A_458 : vector<1x16xf32> to vector<16xf32>
        %swap3A_460 = vector.shape_cast %get3A_455 : vector<16xf32> to vector<1x16xf32>
        tpu.vector_store %arg8[%swap3A_456, %swap3A_457], %swap3A_460 {add = true, strides = array<i32>} : memref<128x128xf32, #tpu.memory_space<vmem>>, vector<1x16xf32>,
        %get3A_461 = arith.index_cast %add3A_406 : i32 to index
        %get3A_462 = arith.constant 96 : index
        %get3A_463 = tpu.vector_load %arg7[%get3A_461, %get3A_462] {strides = array<i32>} : memref<128x128xf32, #tpu.memory_space<vmem>>, vector<1x16xf32>,
        %get3A_464 = vector.shape_cast %get3A_463 : vector<1x16xf32> to vector<16xf32>
        %swap3A_465 = arith.index_cast %add3A_406 : i32 to index
        %swap3A_466 = arith.constant 96 : index
        %swap3A_467 = tpu.vector_load %arg8[%swap3A_465, %swap3A_466] {strides = array<i32>} : memref<128x128xf32, #tpu.memory_space<vmem>>, vector<1x16xf32>,
        %swap3A_468 = vector.shape_cast %swap3A_467 : vector<1x16xf32> to vector<16xf32>
        %swap3A_469 = vector.shape_cast %get3A_464 : vector<16xf32> to vector<1x16xf32>
        tpu.vector_store %arg8[%swap3A_465, %swap3A_466], %swap3A_469 {add = true, strides = array<i32>} : memref<128x128xf32, #tpu.memory_space<vmem>>, vector<1x16xf32>,
        %get3A_470 = arith.index_cast %add3A_406 : i32 to index
        %get3A_471 = arith.constant 112 : index
        %get3A_472 = tpu.vector_load %arg7[%get3A_470, %get3A_471] {strides = array<i32>} : memref<128x128xf32, #tpu.memory_space<vmem>>, vector<1x16xf32>,
        %get3A_473 = vector.shape_cast %get3A_472 : vector<1x16xf32> to vector<16xf32>
        %swap3A_474 = arith.index_cast %add3A_406 : i32 to index
        %swap3A_475 = arith.constant 112 : index
        %swap3A_476 = tpu.vector_load %arg8[%swap3A_474, %swap3A_475] {strides = array<i32>} : memref<128x128xf32, #tpu.memory_space<vmem>>, vector<1x16xf32>,
        %swap3A_477 = vector.shape_cast %swap3A_476 : vector<1x16xf32> to vector<16xf32>
        %swap3A_478 = vector.shape_cast %get3A_473 : vector<16xf32> to vector<1x16xf32>
        tpu.vector_store %arg8[%swap3A_474, %swap3A_475], %swap3A_478 {add = true, strides = array<i32>} : memref<128x128xf32, #tpu.memory_space<vmem>>, vector<1x16xf32>,
        %scan3A_479 = arith.constant 4 : i32
        %scan3A_480 = arith.addi %scan3A_170, %scan3A_479 : i32
        %mul3A_481 = arith.constant 1 : i32
        %mul3A_482 = arith.muli %scan3A_480, %mul3A_481 : i32
        %add3A_483 = arith.constant 0 : i32
        %add3A_484 = arith.addi %add3A_483, %mul3A_482 : i32
        %get3A_485 = arith.index_cast %add3A_484 : i32 to index
        %get3A_486 = arith.constant 0 : index
        %get3A_487 = tpu.vector_load %arg7[%get3A_485, %get3A_486] {strides = array<i32>} : memref<128x128xf32, #tpu.memory_space<vmem>>, vector<1x16xf32>,
        %get3A_488 = vector.shape_cast %get3A_487 : vector<1x16xf32> to vector<16xf32>
        %swap3A_489 = arith.index_cast %add3A_484 : i32 to index
        %swap3A_490 = arith.constant 0 : index
        %swap3A_491 = tpu.vector_load %arg8[%swap3A_489, %swap3A_490] {strides = array<i32>} : memref<128x128xf32, #tpu.memory_space<vmem>>, vector<1x16xf32>,
        %swap3A_492 = vector.shape_cast %swap3A_491 : vector<1x16xf32> to vector<16xf32>
        %swap3A_493 = vector.shape_cast %get3A_488 : vector<16xf32> to vector<1x16xf32>
        tpu.vector_store %arg8[%swap3A_489, %swap3A_490], %swap3A_493 {add = true, strides = array<i32>} : memref<128x128xf32, #tpu.memory_space<vmem>>, vector<1x16xf32>,
        %get3A_494 = arith.index_cast %add3A_484 : i32 to index
        %get3A_495 = arith.constant 16 : index
        %get3A_496 = tpu.vector_load %arg7[%get3A_494, %get3A_495] {strides = array<i32>} : memref<128x128xf32, #tpu.memory_space<vmem>>, vector<1x16xf32>,
        %get3A_497 = vector.shape_cast %get3A_496 : vector<1x16xf32> to vector<16xf32>
        %swap3A_498 = arith.index_cast %add3A_484 : i32 to index
        %swap3A_499 = arith.constant 16 : index
        %swap3A_500 = tpu.vector_load %arg8[%swap3A_498, %swap3A_499] {strides = array<i32>} : memref<128x128xf32, #tpu.memory_space<vmem>>, vector<1x16xf32>,
        %swap3A_501 = vector.shape_cast %swap3A_500 : vector<1x16xf32> to vector<16xf32>
        %swap3A_502 = vector.shape_cast %get3A_497 : vector<16xf32> to vector<1x16xf32>
        tpu.vector_store %arg8[%swap3A_498, %swap3A_499], %swap3A_502 {add = true, strides = array<i32>} : memref<128x128xf32, #tpu.memory_space<vmem>>, vector<1x16xf32>,
        %get3A_503 = arith.index_cast %add3A_484 : i32 to index
        %get3A_504 = arith.constant 32 : index
        %get3A_505 = tpu.vector_load %arg7[%get3A_503, %get3A_504] {strides = array<i32>} : memref<128x128xf32, #tpu.memory_space<vmem>>, vector<1x16xf32>,
        %get3A_506 = vector.shape_cast %get3A_505 : vector<1x16xf32> to vector<16xf32>
        %swap3A_507 = arith.index_cast %add3A_484 : i32 to index
        %swap3A_508 = arith.constant 32 : index
        %swap3A_509 = tpu.vector_load %arg8[%swap3A_507, %swap3A_508] {strides = array<i32>} : memref<128x128xf32, #tpu.memory_space<vmem>>, vector<1x16xf32>,
        %swap3A_510 = vector.shape_cast %swap3A_509 : vector<1x16xf32> to vector<16xf32>
        %swap3A_511 = vector.shape_cast %get3A_506 : vector<16xf32> to vector<1x16xf32>
        tpu.vector_store %arg8[%swap3A_507, %swap3A_508], %swap3A_511 {add = true, strides = array<i32>} : memref<128x128xf32, #tpu.memory_space<vmem>>, vector<1x16xf32>,
        %get3A_512 = arith.index_cast %add3A_484 : i32 to index
        %get3A_513 = arith.constant 48 : index
        %get3A_514 = tpu.vector_load %arg7[%get3A_512, %get3A_513] {strides = array<i32>} : memref<128x128xf32, #tpu.memory_space<vmem>>, vector<1x16xf32>,
        %get3A_515 = vector.shape_cast %get3A_514 : vector<1x16xf32> to vector<16xf32>
        %swap3A_516 = arith.index_cast %add3A_484 : i32 to index
        %swap3A_517 = arith.constant 48 : index
        %swap3A_518 = tpu.vector_load %arg8[%swap3A_516, %swap3A_517] {strides = array<i32>} : memref<128x128xf32, #tpu.memory_space<vmem>>, vector<1x16xf32>,
        %swap3A_519 = vector.shape_cast %swap3A_518 : vector<1x16xf32> to vector<16xf32>
        %swap3A_520 = vector.shape_cast %get3A_515 : vector<16xf32> to vector<1x16xf32>
        tpu.vector_store %arg8[%swap3A_516, %swap3A_517], %swap3A_520 {add = true, strides = array<i32>} : memref<128x128xf32, #tpu.memory_space<vmem>>, vector<1x16xf32>,
        %get3A_521 = arith.index_cast %add3A_484 : i32 to index
        %get3A_522 = arith.constant 64 : index
        %get3A_523 = tpu.vector_load %arg7[%get3A_521, %get3A_522] {strides = array<i32>} : memref<128x128xf32, #tpu.memory_space<vmem>>, vector<1x16xf32>,
        %get3A_524 = vector.shape_cast %get3A_523 : vector<1x16xf32> to vector<16xf32>
        %swap3A_525 = arith.index_cast %add3A_484 : i32 to index
        %swap3A_526 = arith.constant 64 : index
        %swap3A_527 = tpu.vector_load %arg8[%swap3A_525, %swap3A_526] {strides = array<i32>} : memref<128x128xf32, #tpu.memory_space<vmem>>, vector<1x16xf32>,
        %swap3A_528 = vector.shape_cast %swap3A_527 : vector<1x16xf32> to vector<16xf32>
        %swap3A_529 = vector.shape_cast %get3A_524 : vector<16xf32> to vector<1x16xf32>
        tpu.vector_store %arg8[%swap3A_525, %swap3A_526], %swap3A_529 {add = true, strides = array<i32>} : memref<128x128xf32, #tpu.memory_space<vmem>>, vector<1x16xf32>,
        %get3A_530 = arith.index_cast %add3A_484 : i32 to index
        %get3A_531 = arith.constant 80 : index
        %get3A_532 = tpu.vector_load %arg7[%get3A_530, %get3A_531] {strides = array<i32>} : memref<128x128xf32, #tpu.memory_space<vmem>>, vector<1x16xf32>,
        %get3A_533 = vector.shape_cast %get3A_532 : vector<1x16xf32> to vector<16xf32>
        %swap3A_534 = arith.index_cast %add3A_484 : i32 to index
        %swap3A_535 = arith.constant 80 : index
        %swap3A_536 = tpu.vector_load %arg8[%swap3A_534, %swap3A_535] {strides = array<i32>} : memref<128x128xf32, #tpu.memory_space<vmem>>, vector<1x16xf32>,
        %swap3A_537 = vector.shape_cast %swap3A_536 : vector<1x16xf32> to vector<16xf32>
        %swap3A_538 = vector.shape_cast %get3A_533 : vector<16xf32> to vector<1x16xf32>
        tpu.vector_store %arg8[%swap3A_534, %swap3A_535], %swap3A_538 {add = true, strides = array<i32>} : memref<128x128xf32, #tpu.memory_space<vmem>>, vector<1x16xf32>,
        %get3A_539 = arith.index_cast %add3A_484 : i32 to index
        %get3A_540 = arith.constant 96 : index
        %get3A_541 = tpu.vector_load %arg7[%get3A_539, %get3A_540] {strides = array<i32>} : memref<128x128xf32, #tpu.memory_space<vmem>>, vector<1x16xf32>,
        %get3A_542 = vector.shape_cast %get3A_541 : vector<1x16xf32> to vector<16xf32>
        %swap3A_543 = arith.index_cast %add3A_484 : i32 to index
        %swap3A_544 = arith.constant 96 : index
        %swap3A_545 = tpu.vector_load %arg8[%swap3A_543, %swap3A_544] {strides = array<i32>} : memref<128x128xf32, #tpu.memory_space<vmem>>, vector<1x16xf32>,
        %swap3A_546 = vector.shape_cast %swap3A_545 : vector<1x16xf32> to vector<16xf32>
        %swap3A_547 = vector.shape_cast %get3A_542 : vector<16xf32> to vector<1x16xf32>
        tpu.vector_store %arg8[%swap3A_543, %swap3A_544], %swap3A_547 {add = true, strides = array<i32>} : memref<128x128xf32, #tpu.memory_space<vmem>>, vector<1x16xf32>,
        %get3A_548 = arith.index_cast %add3A_484 : i32 to index
        %get3A_549 = arith.constant 112 : index
        %get3A_550 = tpu.vector_load %arg7[%get3A_548, %get3A_549] {strides = array<i32>} : memref<128x128xf32, #tpu.memory_space<vmem>>, vector<1x16xf32>,
        %get3A_551 = vector.shape_cast %get3A_550 : vector<1x16xf32> to vector<16xf32>
        %swap3A_552 = arith.index_cast %add3A_484 : i32 to index
        %swap3A_553 = arith.constant 112 : index
        %swap3A_554 = tpu.vector_load %arg8[%swap3A_552, %swap3A_553] {strides = array<i32>} : memref<128x128xf32, #tpu.memory_space<vmem>>, vector<1x16xf32>,
        %swap3A_555 = vector.shape_cast %swap3A_554 : vector<1x16xf32> to vector<16xf32>
        %swap3A_556 = vector.shape_cast %get3A_551 : vector<16xf32> to vector<1x16xf32>
        tpu.vector_store %arg8[%swap3A_552, %swap3A_553], %swap3A_556 {add = true, strides = array<i32>} : memref<128x128xf32, #tpu.memory_space<vmem>>, vector<1x16xf32>,
        %scan3A_557 = arith.constant 5 : i32
        %scan3A_558 = arith.addi %scan3A_170, %scan3A_557 : i32
        %mul3A_559 = arith.constant 1 : i32
        %mul3A_560 = arith.muli %scan3A_558, %mul3A_559 : i32
        %add3A_561 = arith.constant 0 : i32
        %add3A_562 = arith.addi %add3A_561, %mul3A_560 : i32
        %get3A_563 = arith.index_cast %add3A_562 : i32 to index
        %get3A_564 = arith.constant 0 : index
        %get3A_565 = tpu.vector_load %arg7[%get3A_563, %get3A_564] {strides = array<i32>} : memref<128x128xf32, #tpu.memory_space<vmem>>, vector<1x16xf32>,
        %get3A_566 = vector.shape_cast %get3A_565 : vector<1x16xf32> to vector<16xf32>
        %swap3A_567 = arith.index_cast %add3A_562 : i32 to index
        %swap3A_568 = arith.constant 0 : index
        %swap3A_569 = tpu.vector_load %arg8[%swap3A_567, %swap3A_568] {strides = array<i32>} : memref<128x128xf32, #tpu.memory_space<vmem>>, vector<1x16xf32>,
        %swap3A_570 = vector.shape_cast %swap3A_569 : vector<1x16xf32> to vector<16xf32>
        %swap3A_571 = vector.shape_cast %get3A_566 : vector<16xf32> to vector<1x16xf32>
        tpu.vector_store %arg8[%swap3A_567, %swap3A_568], %swap3A_571 {add = true, strides = array<i32>} : memref<128x128xf32, #tpu.memory_space<vmem>>, vector<1x16xf32>,
        %get3A_572 = arith.index_cast %add3A_562 : i32 to index
        %get3A_573 = arith.constant 16 : index
        %get3A_574 = tpu.vector_load %arg7[%get3A_572, %get3A_573] {strides = array<i32>} : memref<128x128xf32, #tpu.memory_space<vmem>>, vector<1x16xf32>,
        %get3A_575 = vector.shape_cast %get3A_574 : vector<1x16xf32> to vector<16xf32>
        %swap3A_576 = arith.index_cast %add3A_562 : i32 to index
        %swap3A_577 = arith.constant 16 : index
        %swap3A_578 = tpu.vector_load %arg8[%swap3A_576, %swap3A_577] {strides = array<i32>} : memref<128x128xf32, #tpu.memory_space<vmem>>, vector<1x16xf32>,
        %swap3A_579 = vector.shape_cast %swap3A_578 : vector<1x16xf32> to vector<16xf32>
        %swap3A_580 = vector.shape_cast %get3A_575 : vector<16xf32> to vector<1x16xf32>
        tpu.vector_store %arg8[%swap3A_576, %swap3A_577], %swap3A_580 {add = true, strides = array<i32>} : memref<128x128xf32, #tpu.memory_space<vmem>>, vector<1x16xf32>,
        %get3A_581 = arith.index_cast %add3A_562 : i32 to index
        %get3A_582 = arith.constant 32 : index
        %get3A_583 = tpu.vector_load %arg7[%get3A_581, %get3A_582] {strides = array<i32>} : memref<128x128xf32, #tpu.memory_space<vmem>>, vector<1x16xf32>,
        %get3A_584 = vector.shape_cast %get3A_583 : vector<1x16xf32> to vector<16xf32>
        %swap3A_585 = arith.index_cast %add3A_562 : i32 to index
        %swap3A_586 = arith.constant 32 : index
        %swap3A_587 = tpu.vector_load %arg8[%swap3A_585, %swap3A_586] {strides = array<i32>} : memref<128x128xf32, #tpu.memory_space<vmem>>, vector<1x16xf32>,
        %swap3A_588 = vector.shape_cast %swap3A_587 : vector<1x16xf32> to vector<16xf32>
        %swap3A_589 = vector.shape_cast %get3A_584 : vector<16xf32> to vector<1x16xf32>
        tpu.vector_store %arg8[%swap3A_585, %swap3A_586], %swap3A_589 {add = true, strides = array<i32>} : memref<128x128xf32, #tpu.memory_space<vmem>>, vector<1x16xf32>,
        %get3A_590 = arith.index_cast %add3A_562 : i32 to index
        %get3A_591 = arith.constant 48 : index
        %get3A_592 = tpu.vector_load %arg7[%get3A_590, %get3A_591] {strides = array<i32>} : memref<128x128xf32, #tpu.memory_space<vmem>>, vector<1x16xf32>,
        %get3A_593 = vector.shape_cast %get3A_592 : vector<1x16xf32> to vector<16xf32>
        %swap3A_594 = arith.index_cast %add3A_562 : i32 to index
        %swap3A_595 = arith.constant 48 : index
        %swap3A_596 = tpu.vector_load %arg8[%swap3A_594, %swap3A_595] {strides = array<i32>} : memref<128x128xf32, #tpu.memory_space<vmem>>, vector<1x16xf32>,
        %swap3A_597 = vector.shape_cast %swap3A_596 : vector<1x16xf32> to vector<16xf32>
        %swap3A_598 = vector.shape_cast %get3A_593 : vector<16xf32> to vector<1x16xf32>
        tpu.vector_store %arg8[%swap3A_594, %swap3A_595], %swap3A_598 {add = true, strides = array<i32>} : memref<128x128xf32, #tpu.memory_space<vmem>>, vector<1x16xf32>,
        %get3A_599 = arith.index_cast %add3A_562 : i32 to index
        %get3A_600 = arith.constant 64 : index
        %get3A_601 = tpu.vector_load %arg7[%get3A_599, %get3A_600] {strides = array<i32>} : memref<128x128xf32, #tpu.memory_space<vmem>>, vector<1x16xf32>,
        %get3A_602 = vector.shape_cast %get3A_601 : vector<1x16xf32> to vector<16xf32>
        %swap3A_603 = arith.index_cast %add3A_562 : i32 to index
        %swap3A_604 = arith.constant 64 : index
        %swap3A_605 = tpu.vector_load %arg8[%swap3A_603, %swap3A_604] {strides = array<i32>} : memref<128x128xf32, #tpu.memory_space<vmem>>, vector<1x16xf32>,
        %swap3A_606 = vector.shape_cast %swap3A_605 : vector<1x16xf32> to vector<16xf32>
        %swap3A_607 = vector.shape_cast %get3A_602 : vector<16xf32> to vector<1x16xf32>
        tpu.vector_store %arg8[%swap3A_603, %swap3A_604], %swap3A_607 {add = true, strides = array<i32>} : memref<128x128xf32, #tpu.memory_space<vmem>>, vector<1x16xf32>,
        %get3A_608 = arith.index_cast %add3A_562 : i32 to index
        %get3A_609 = arith.constant 80 : index
        %get3A_610 = tpu.vector_load %arg7[%get3A_608, %get3A_609] {strides = array<i32>} : memref<128x128xf32, #tpu.memory_space<vmem>>, vector<1x16xf32>,
        %get3A_611 = vector.shape_cast %get3A_610 : vector<1x16xf32> to vector<16xf32>
        %swap3A_612 = arith.index_cast %add3A_562 : i32 to index
        %swap3A_613 = arith.constant 80 : index
        %swap3A_614 = tpu.vector_load %arg8[%swap3A_612, %swap3A_613] {strides = array<i32>} : memref<128x128xf32, #tpu.memory_space<vmem>>, vector<1x16xf32>,
        %swap3A_615 = vector.shape_cast %swap3A_614 : vector<1x16xf32> to vector<16xf32>
        %swap3A_616 = vector.shape_cast %get3A_611 : vector<16xf32> to vector<1x16xf32>
        tpu.vector_store %arg8[%swap3A_612, %swap3A_613], %swap3A_616 {add = true, strides = array<i32>} : memref<128x128xf32, #tpu.memory_space<vmem>>, vector<1x16xf32>,
        %get3A_617 = arith.index_cast %add3A_562 : i32 to index
        %get3A_618 = arith.constant 96 : index
        %get3A_619 = tpu.vector_load %arg7[%get3A_617, %get3A_618] {strides = array<i32>} : memref<128x128xf32, #tpu.memory_space<vmem>>, vector<1x16xf32>,
        %get3A_620 = vector.shape_cast %get3A_619 : vector<1x16xf32> to vector<16xf32>
        %swap3A_621 = arith.index_cast %add3A_562 : i32 to index
        %swap3A_622 = arith.constant 96 : index
        %swap3A_623 = tpu.vector_load %arg8[%swap3A_621, %swap3A_622] {strides = array<i32>} : memref<128x128xf32, #tpu.memory_space<vmem>>, vector<1x16xf32>,
        %swap3A_624 = vector.shape_cast %swap3A_623 : vector<1x16xf32> to vector<16xf32>
        %swap3A_625 = vector.shape_cast %get3A_620 : vector<16xf32> to vector<1x16xf32>
        tpu.vector_store %arg8[%swap3A_621, %swap3A_622], %swap3A_625 {add = true, strides = array<i32>} : memref<128x128xf32, #tpu.memory_space<vmem>>, vector<1x16xf32>,
        %get3A_626 = arith.index_cast %add3A_562 : i32 to index
        %get3A_627 = arith.constant 112 : index
        %get3A_628 = tpu.vector_load %arg7[%get3A_626, %get3A_627] {strides = array<i32>} : memref<128x128xf32, #tpu.memory_space<vmem>>, vector<1x16xf32>,
        %get3A_629 = vector.shape_cast %get3A_628 : vector<1x16xf32> to vector<16xf32>
        %swap3A_630 = arith.index_cast %add3A_562 : i32 to index
        %swap3A_631 = arith.constant 112 : index
        %swap3A_632 = tpu.vector_load %arg8[%swap3A_630, %swap3A_631] {strides = array<i32>} : memref<128x128xf32, #tpu.memory_space<vmem>>, vector<1x16xf32>,
        %swap3A_633 = vector.shape_cast %swap3A_632 : vector<1x16xf32> to vector<16xf32>
        %swap3A_634 = vector.shape_cast %get3A_629 : vector<16xf32> to vector<1x16xf32>
        tpu.vector_store %arg8[%swap3A_630, %swap3A_631], %swap3A_634 {add = true, strides = array<i32>} : memref<128x128xf32, #tpu.memory_space<vmem>>, vector<1x16xf32>,
        %scan3A_635 = arith.constant 6 : i32
        %scan3A_636 = arith.addi %scan3A_170, %scan3A_635 : i32
        %mul3A_637 = arith.constant 1 : i32
        %mul3A_638 = arith.muli %scan3A_636, %mul3A_637 : i32
        %add3A_639 = arith.constant 0 : i32
        %add3A_640 = arith.addi %add3A_639, %mul3A_638 : i32
        %get3A_641 = arith.index_cast %add3A_640 : i32 to index
        %get3A_642 = arith.constant 0 : index
        %get3A_643 = tpu.vector_load %arg7[%get3A_641, %get3A_642] {strides = array<i32>} : memref<128x128xf32, #tpu.memory_space<vmem>>, vector<1x16xf32>,
        %get3A_644 = vector.shape_cast %get3A_643 : vector<1x16xf32> to vector<16xf32>
        %swap3A_645 = arith.index_cast %add3A_640 : i32 to index
        %swap3A_646 = arith.constant 0 : index
        %swap3A_647 = tpu.vector_load %arg8[%swap3A_645, %swap3A_646] {strides = array<i32>} : memref<128x128xf32, #tpu.memory_space<vmem>>, vector<1x16xf32>,
        %swap3A_648 = vector.shape_cast %swap3A_647 : vector<1x16xf32> to vector<16xf32>
        %swap3A_649 = vector.shape_cast %get3A_644 : vector<16xf32> to vector<1x16xf32>
        tpu.vector_store %arg8[%swap3A_645, %swap3A_646], %swap3A_649 {add = true, strides = array<i32>} : memref<128x128xf32, #tpu.memory_space<vmem>>, vector<1x16xf32>,
        %get3A_650 = arith.index_cast %add3A_640 : i32 to index
        %get3A_651 = arith.constant 16 : index
        %get3A_652 = tpu.vector_load %arg7[%get3A_650, %get3A_651] {strides = array<i32>} : memref<128x128xf32, #tpu.memory_space<vmem>>, vector<1x16xf32>,
        %get3A_653 = vector.shape_cast %get3A_652 : vector<1x16xf32> to vector<16xf32>
        %swap3A_654 = arith.index_cast %add3A_640 : i32 to index
        %swap3A_655 = arith.constant 16 : index
        %swap3A_656 = tpu.vector_load %arg8[%swap3A_654, %swap3A_655] {strides = array<i32>} : memref<128x128xf32, #tpu.memory_space<vmem>>, vector<1x16xf32>,
        %swap3A_657 = vector.shape_cast %swap3A_656 : vector<1x16xf32> to vector<16xf32>
        %swap3A_658 = vector.shape_cast %get3A_653 : vector<16xf32> to vector<1x16xf32>
        tpu.vector_store %arg8[%swap3A_654, %swap3A_655], %swap3A_658 {add = true, strides = array<i32>} : memref<128x128xf32, #tpu.memory_space<vmem>>, vector<1x16xf32>,
        %get3A_659 = arith.index_cast %add3A_640 : i32 to index
        %get3A_660 = arith.constant 32 : index
        %get3A_661 = tpu.vector_load %arg7[%get3A_659, %get3A_660] {strides = array<i32>} : memref<128x128xf32, #tpu.memory_space<vmem>>, vector<1x16xf32>,
        %get3A_662 = vector.shape_cast %get3A_661 : vector<1x16xf32> to vector<16xf32>
        %swap3A_663 = arith.index_cast %add3A_640 : i32 to index
        %swap3A_664 = arith.constant 32 : index
        %swap3A_665 = tpu.vector_load %arg8[%swap3A_663, %swap3A_664] {strides = array<i32>} : memref<128x128xf32, #tpu.memory_space<vmem>>, vector<1x16xf32>,
        %swap3A_666 = vector.shape_cast %swap3A_665 : vector<1x16xf32> to vector<16xf32>
        %swap3A_667 = vector.shape_cast %get3A_662 : vector<16xf32> to vector<1x16xf32>
        tpu.vector_store %arg8[%swap3A_663, %swap3A_664], %swap3A_667 {add = true, strides = array<i32>} : memref<128x128xf32, #tpu.memory_space<vmem>>, vector<1x16xf32>,
        %get3A_668 = arith.index_cast %add3A_640 : i32 to index
        %get3A_669 = arith.constant 48 : index
        %get3A_670 = tpu.vector_load %arg7[%get3A_668, %get3A_669] {strides = array<i32>} : memref<128x128xf32, #tpu.memory_space<vmem>>, vector<1x16xf32>,
        %get3A_671 = vector.shape_cast %get3A_670 : vector<1x16xf32> to vector<16xf32>
        %swap3A_672 = arith.index_cast %add3A_640 : i32 to index
        %swap3A_673 = arith.constant 48 : index
        %swap3A_674 = tpu.vector_load %arg8[%swap3A_672, %swap3A_673] {strides = array<i32>} : memref<128x128xf32, #tpu.memory_space<vmem>>, vector<1x16xf32>,
        %swap3A_675 = vector.shape_cast %swap3A_674 : vector<1x16xf32> to vector<16xf32>
        %swap3A_676 = vector.shape_cast %get3A_671 : vector<16xf32> to vector<1x16xf32>
        tpu.vector_store %arg8[%swap3A_672, %swap3A_673], %swap3A_676 {add = true, strides = array<i32>} : memref<128x128xf32, #tpu.memory_space<vmem>>, vector<1x16xf32>,
        %get3A_677 = arith.index_cast %add3A_640 : i32 to index
        %get3A_678 = arith.constant 64 : index
        %get3A_679 = tpu.vector_load %arg7[%get3A_677, %get3A_678] {strides = array<i32>} : memref<128x128xf32, #tpu.memory_space<vmem>>, vector<1x16xf32>,
        %get3A_680 = vector.shape_cast %get3A_679 : vector<1x16xf32> to vector<16xf32>
        %swap3A_681 = arith.index_cast %add3A_640 : i32 to index
        %swap3A_682 = arith.constant 64 : index
        %swap3A_683 = tpu.vector_load %arg8[%swap3A_681, %swap3A_682] {strides = array<i32>} : memref<128x128xf32, #tpu.memory_space<vmem>>, vector<1x16xf32>,
        %swap3A_684 = vector.shape_cast %swap3A_683 : vector<1x16xf32> to vector<16xf32>
        %swap3A_685 = vector.shape_cast %get3A_680 : vector<16xf32> to vector<1x16xf32>
        tpu.vector_store %arg8[%swap3A_681, %swap3A_682], %swap3A_685 {add = true, strides = array<i32>} : memref<128x128xf32, #tpu.memory_space<vmem>>, vector<1x16xf32>,
        %get3A_686 = arith.index_cast %add3A_640 : i32 to index
        %get3A_687 = arith.constant 80 : index
        %get3A_688 = tpu.vector_load %arg7[%get3A_686, %get3A_687] {strides = array<i32>} : memref<128x128xf32, #tpu.memory_space<vmem>>, vector<1x16xf32>,
        %get3A_689 = vector.shape_cast %get3A_688 : vector<1x16xf32> to vector<16xf32>
        %swap3A_690 = arith.index_cast %add3A_640 : i32 to index
        %swap3A_691 = arith.constant 80 : index
        %swap3A_692 = tpu.vector_load %arg8[%swap3A_690, %swap3A_691] {strides = array<i32>} : memref<128x128xf32, #tpu.memory_space<vmem>>, vector<1x16xf32>,
        %swap3A_693 = vector.shape_cast %swap3A_692 : vector<1x16xf32> to vector<16xf32>
        %swap3A_694 = vector.shape_cast %get3A_689 : vector<16xf32> to vector<1x16xf32>
        tpu.vector_store %arg8[%swap3A_690, %swap3A_691], %swap3A_694 {add = true, strides = array<i32>} : memref<128x128xf32, #tpu.memory_space<vmem>>, vector<1x16xf32>,
        %get3A_695 = arith.index_cast %add3A_640 : i32 to index
        %get3A_696 = arith.constant 96 : index
        %get3A_697 = tpu.vector_load %arg7[%get3A_695, %get3A_696] {strides = array<i32>} : memref<128x128xf32, #tpu.memory_space<vmem>>, vector<1x16xf32>,
        %get3A_698 = vector.shape_cast %get3A_697 : vector<1x16xf32> to vector<16xf32>
        %swap3A_699 = arith.index_cast %add3A_640 : i32 to index
        %swap3A_700 = arith.constant 96 : index
        %swap3A_701 = tpu.vector_load %arg8[%swap3A_699, %swap3A_700] {strides = array<i32>} : memref<128x128xf32, #tpu.memory_space<vmem>>, vector<1x16xf32>,
        %swap3A_702 = vector.shape_cast %swap3A_701 : vector<1x16xf32> to vector<16xf32>
        %swap3A_703 = vector.shape_cast %get3A_698 : vector<16xf32> to vector<1x16xf32>
        tpu.vector_store %arg8[%swap3A_699, %swap3A_700], %swap3A_703 {add = true, strides = array<i32>} : memref<128x128xf32, #tpu.memory_space<vmem>>, vector<1x16xf32>,
        %get3A_704 = arith.index_cast %add3A_640 : i32 to index
        %get3A_705 = arith.constant 112 : index
        %get3A_706 = tpu.vector_load %arg7[%get3A_704, %get3A_705] {strides = array<i32>} : memref<128x128xf32, #tpu.memory_space<vmem>>, vector<1x16xf32>,
        %get3A_707 = vector.shape_cast %get3A_706 : vector<1x16xf32> to vector<16xf32>
        %swap3A_708 = arith.index_cast %add3A_640 : i32 to index
        %swap3A_709 = arith.constant 112 : index
        %swap3A_710 = tpu.vector_load %arg8[%swap3A_708, %swap3A_709] {strides = array<i32>} : memref<128x128xf32, #tpu.memory_space<vmem>>, vector<1x16xf32>,
        %swap3A_711 = vector.shape_cast %swap3A_710 : vector<1x16xf32> to vector<16xf32>
        %swap3A_712 = vector.shape_cast %get3A_707 : vector<16xf32> to vector<1x16xf32>
        tpu.vector_store %arg8[%swap3A_708, %swap3A_709], %swap3A_712 {add = true, strides = array<i32>} : memref<128x128xf32, #tpu.memory_space<vmem>>, vector<1x16xf32>,
        %scan3A_713 = arith.constant 7 : i32
        %scan3A_714 = arith.addi %scan3A_170, %scan3A_713 : i32
        %mul3A_715 = arith.constant 1 : i32
        %mul3A_716 = arith.muli %scan3A_714, %mul3A_715 : i32
        %add3A_717 = arith.constant 0 : i32
        %add3A_718 = arith.addi %add3A_717, %mul3A_716 : i32
        %get3A_719 = arith.index_cast %add3A_718 : i32 to index
        %get3A_720 = arith.constant 0 : index
        %get3A_721 = tpu.vector_load %arg7[%get3A_719, %get3A_720] {strides = array<i32>} : memref<128x128xf32, #tpu.memory_space<vmem>>, vector<1x16xf32>,
        %get3A_722 = vector.shape_cast %get3A_721 : vector<1x16xf32> to vector<16xf32>
        %swap3A_723 = arith.index_cast %add3A_718 : i32 to index
        %swap3A_724 = arith.constant 0 : index
        %swap3A_725 = tpu.vector_load %arg8[%swap3A_723, %swap3A_724] {strides = array<i32>} : memref<128x128xf32, #tpu.memory_space<vmem>>, vector<1x16xf32>,
        %swap3A_726 = vector.shape_cast %swap3A_725 : vector<1x16xf32> to vector<16xf32>
        %swap3A_727 = vector.shape_cast %get3A_722 : vector<16xf32> to vector<1x16xf32>
        tpu.vector_store %arg8[%swap3A_723, %swap3A_724], %swap3A_727 {add = true, strides = array<i32>} : memref<128x128xf32, #tpu.memory_space<vmem>>, vector<1x16xf32>,
        %get3A_728 = arith.index_cast %add3A_718 : i32 to index
        %get3A_729 = arith.constant 16 : index
        %get3A_730 = tpu.vector_load %arg7[%get3A_728, %get3A_729] {strides = array<i32>} : memref<128x128xf32, #tpu.memory_space<vmem>>, vector<1x16xf32>,
        %get3A_731 = vector.shape_cast %get3A_730 : vector<1x16xf32> to vector<16xf32>
        %swap3A_732 = arith.index_cast %add3A_718 : i32 to index
        %swap3A_733 = arith.constant 16 : index
        %swap3A_734 = tpu.vector_load %arg8[%swap3A_732, %swap3A_733] {strides = array<i32>} : memref<128x128xf32, #tpu.memory_space<vmem>>, vector<1x16xf32>,
        %swap3A_735 = vector.shape_cast %swap3A_734 : vector<1x16xf32> to vector<16xf32>
        %swap3A_736 = vector.shape_cast %get3A_731 : vector<16xf32> to vector<1x16xf32>
        tpu.vector_store %arg8[%swap3A_732, %swap3A_733], %swap3A_736 {add = true, strides = array<i32>} : memref<128x128xf32, #tpu.memory_space<vmem>>, vector<1x16xf32>,
        %get3A_737 = arith.index_cast %add3A_718 : i32 to index
        %get3A_738 = arith.constant 32 : index
        %get3A_739 = tpu.vector_load %arg7[%get3A_737, %get3A_738] {strides = array<i32>} : memref<128x128xf32, #tpu.memory_space<vmem>>, vector<1x16xf32>,
        %get3A_740 = vector.shape_cast %get3A_739 : vector<1x16xf32> to vector<16xf32>
        %swap3A_741 = arith.index_cast %add3A_718 : i32 to index
        %swap3A_742 = arith.constant 32 : index
        %swap3A_743 = tpu.vector_load %arg8[%swap3A_741, %swap3A_742] {strides = array<i32>} : memref<128x128xf32, #tpu.memory_space<vmem>>, vector<1x16xf32>,
        %swap3A_744 = vector.shape_cast %swap3A_743 : vector<1x16xf32> to vector<16xf32>
        %swap3A_745 = vector.shape_cast %get3A_740 : vector<16xf32> to vector<1x16xf32>
        tpu.vector_store %arg8[%swap3A_741, %swap3A_742], %swap3A_745 {add = true, strides = array<i32>} : memref<128x128xf32, #tpu.memory_space<vmem>>, vector<1x16xf32>,
        %get3A_746 = arith.index_cast %add3A_718 : i32 to index
        %get3A_747 = arith.constant 48 : index
        %get3A_748 = tpu.vector_load %arg7[%get3A_746, %get3A_747] {strides = array<i32>} : memref<128x128xf32, #tpu.memory_space<vmem>>, vector<1x16xf32>,
        %get3A_749 = vector.shape_cast %get3A_748 : vector<1x16xf32> to vector<16xf32>
        %swap3A_750 = arith.index_cast %add3A_718 : i32 to index
        %swap3A_751 = arith.constant 48 : index
        %swap3A_752 = tpu.vector_load %arg8[%swap3A_750, %swap3A_751] {strides = array<i32>} : memref<128x128xf32, #tpu.memory_space<vmem>>, vector<1x16xf32>,
        %swap3A_753 = vector.shape_cast %swap3A_752 : vector<1x16xf32> to vector<16xf32>
        %swap3A_754 = vector.shape_cast %get3A_749 : vector<16xf32> to vector<1x16xf32>
        tpu.vector_store %arg8[%swap3A_750, %swap3A_751], %swap3A_754 {add = true, strides = array<i32>} : memref<128x128xf32, #tpu.memory_space<vmem>>, vector<1x16xf32>,
        %get3A_755 = arith.index_cast %add3A_718 : i32 to index
        %get3A_756 = arith.constant 64 : index
        %get3A_757 = tpu.vector_load %arg7[%get3A_755, %get3A_756] {strides = array<i32>} : memref<128x128xf32, #tpu.memory_space<vmem>>, vector<1x16xf32>,
        %get3A_758 = vector.shape_cast %get3A_757 : vector<1x16xf32> to vector<16xf32>
        %swap3A_759 = arith.index_cast %add3A_718 : i32 to index
        %swap3A_760 = arith.constant 64 : index
        %swap3A_761 = tpu.vector_load %arg8[%swap3A_759, %swap3A_760] {strides = array<i32>} : memref<128x128xf32, #tpu.memory_space<vmem>>, vector<1x16xf32>,
        %swap3A_762 = vector.shape_cast %swap3A_761 : vector<1x16xf32> to vector<16xf32>
        %swap3A_763 = vector.shape_cast %get3A_758 : vector<16xf32> to vector<1x16xf32>
        tpu.vector_store %arg8[%swap3A_759, %swap3A_760], %swap3A_763 {add = true, strides = array<i32>} : memref<128x128xf32, #tpu.memory_space<vmem>>, vector<1x16xf32>,
        %get3A_764 = arith.index_cast %add3A_718 : i32 to index
        %get3A_765 = arith.constant 80 : index
        %get3A_766 = tpu.vector_load %arg7[%get3A_764, %get3A_765] {strides = array<i32>} : memref<128x128xf32, #tpu.memory_space<vmem>>, vector<1x16xf32>,
        %get3A_767 = vector.shape_cast %get3A_766 : vector<1x16xf32> to vector<16xf32>
        %swap3A_768 = arith.index_cast %add3A_718 : i32 to index
        %swap3A_769 = arith.constant 80 : index
        %swap3A_770 = tpu.vector_load %arg8[%swap3A_768, %swap3A_769] {strides = array<i32>} : memref<128x128xf32, #tpu.memory_space<vmem>>, vector<1x16xf32>,
        %swap3A_771 = vector.shape_cast %swap3A_770 : vector<1x16xf32> to vector<16xf32>
        %swap3A_772 = vector.shape_cast %get3A_767 : vector<16xf32> to vector<1x16xf32>
        tpu.vector_store %arg8[%swap3A_768, %swap3A_769], %swap3A_772 {add = true, strides = array<i32>} : memref<128x128xf32, #tpu.memory_space<vmem>>, vector<1x16xf32>,
        %get3A_773 = arith.index_cast %add3A_718 : i32 to index
        %get3A_774 = arith.constant 96 : index
        %get3A_775 = tpu.vector_load %arg7[%get3A_773, %get3A_774] {strides = array<i32>} : memref<128x128xf32, #tpu.memory_space<vmem>>, vector<1x16xf32>,
        %get3A_776 = vector.shape_cast %get3A_775 : vector<1x16xf32> to vector<16xf32>
        %swap3A_777 = arith.index_cast %add3A_718 : i32 to index
        %swap3A_778 = arith.constant 96 : index
        %swap3A_779 = tpu.vector_load %arg8[%swap3A_777, %swap3A_778] {strides = array<i32>} : memref<128x128xf32, #tpu.memory_space<vmem>>, vector<1x16xf32>,
        %swap3A_780 = vector.shape_cast %swap3A_779 : vector<1x16xf32> to vector<16xf32>
        %swap3A_781 = vector.shape_cast %get3A_776 : vector<16xf32> to vector<1x16xf32>
        tpu.vector_store %arg8[%swap3A_777, %swap3A_778], %swap3A_781 {add = true, strides = array<i32>} : memref<128x128xf32, #tpu.memory_space<vmem>>, vector<1x16xf32>,
        %get3A_782 = arith.index_cast %add3A_718 : i32 to index
        %get3A_783 = arith.constant 112 : index
        %get3A_784 = tpu.vector_load %arg7[%get3A_782, %get3A_783] {strides = array<i32>} : memref<128x128xf32, #tpu.memory_space<vmem>>, vector<1x16xf32>,
        %get3A_785 = vector.shape_cast %get3A_784 : vector<1x16xf32> to vector<16xf32>
        %swap3A_786 = arith.index_cast %add3A_718 : i32 to index
        %swap3A_787 = arith.constant 112 : index
        %swap3A_788 = tpu.vector_load %arg8[%swap3A_786, %swap3A_787] {strides = array<i32>} : memref<128x128xf32, #tpu.memory_space<vmem>>, vector<1x16xf32>,
        %swap3A_789 = vector.shape_cast %swap3A_788 : vector<1x16xf32> to vector<16xf32>
        %swap3A_790 = vector.shape_cast %get3A_785 : vector<16xf32> to vector<1x16xf32>
        tpu.vector_store %arg8[%swap3A_786, %swap3A_787], %swap3A_790 {add = true, strides = array<i32>} : memref<128x128xf32, #tpu.memory_space<vmem>>, vector<1x16xf32>,
      }
      %scan3A_77 = arith.constant 128 : i32
      %mul3A_78 = arith.constant 128 : i32
      %mul3A_79 = arith.muli %add3A_62, %mul3A_78 : i32
      %add3A_80 = arith.addi %mul3A_2, %mul3A_79 : i32
      %multiple_of3A_81 = tpu.assume_multiple %add3A_80, 128 : i32
      %dma_start3A_82 = arith.constant 0 : i32
      %dma_start3A_83 = tpu.memref_slice %arg5[%multiple_of3A_81, %dma_start3A_82] : memref<524288x128xf32, #tpu.memory_space<hbm>> -> memref<128x128xf32, #tpu.memory_space<hbm>>
      %dma_start3A_84 = arith.constant 0 : i32
      %dma_start3A_85 = tpu.memref_slice %arg5[%multiple_of3A_81, %dma_start3A_84] : memref<524288x128xf32, #tpu.memory_space<hbm>> -> memref<128x128xf32, #tpu.memory_space<hbm>>
      tpu.enqueue_dma source(%arg8 : memref<128x128xf32, #tpu.memory_space<vmem>>) target(%dma_start3A_85 : memref<128x128xf32, #tpu.memory_space<hbm>>) target_semaphore(%arg16 : memref<!tpu.dma_semaphore, #tpu.memory_space<semaphore_mem>>)
      %add3A_86 = arith.constant 1 : i32
      %add3A_87 = arith.addi %add3A_60, %add3A_86 : i32
      %dma_wait3A_88 = arith.constant 0 : i32
      %dma_wait3A_89 = tpu.memref_slice %arg6[%add3A_87, %dma_wait3A_88] : memref<128x128xi32, #tpu.memory_space<vmem>> -> memref<1x128xi32, #tpu.memory_space<vmem>>
      %dma_wait3A_90 = tpu.memref_squeeze %dma_wait3A_89 : memref<1x128xi32, #tpu.memory_space<vmem>> -> memref<128xi32, #tpu.memory_space<vmem>>
      %dma_wait3A_91 = arith.constant 0 : i32
      %dma_wait3A_92 = arith.constant 0 : i32
      %dma_wait3A_93 = tpu.memref_slice %arg3[%dma_wait3A_91, %dma_wait3A_92] : memref<100000x128xf32, #tpu.memory_space<hbm>> -> memref<100000x128xf32, #tpu.memory_space<hbm>>
      tpu.wait_indirect_dma semaphore(%arg13 : memref<!tpu.dma_semaphore, #tpu.memory_space<semaphore_mem>>) src(%dma_wait3A_93 : memref<100000x128xf32, #tpu.memory_space<hbm>>) dst(%arg9 : memref<128x128xf32, #tpu.memory_space<vmem>>)
      %add3A_94 = arith.constant 2 : i32
      %add3A_95 = arith.addi %add3A_87, %add3A_94 : i32
      %lt3A_96 = arith.constant 128 : i32
      %lt3A_97 = arith.cmpi slt, %add3A_95, %lt3A_96 : i32
      %convert_element_type3A_98 = arith.extui %lt3A_97 : i1 to i32
      %cond3A_99 = arith.constant 0 : i32
      %cond3A_100 = arith.cmpi ne, %convert_element_type3A_98, %cond3A_99 : i32
      scf.if %cond3A_100 {
        %ge3A = arith.constant 4 : i32
        %ge3A_170 = arith.cmpi sge, %add3A_95, %ge3A : i32
        %convert_element_type3A_171 = arith.extui %ge3A_170 : i1 to i32
        %cond3A_172 = arith.constant 0 : i32
        %cond3A_173 = arith.cmpi ne, %convert_element_type3A_171, %cond3A_172 : i32
        scf.if %cond3A_173 {
          %sub3A = arith.constant 4 : i32
          %sub3A_180 = arith.subi %add3A_95, %sub3A : i32
          %mul3A_181 = arith.constant 128 : i32
          %mul3A_182 = arith.muli %sub3A_180, %mul3A_181 : i32
          %add3A_183 = arith.addi %mul3A_2, %mul3A_182 : i32
          %multiple_of3A_184 = tpu.assume_multiple %add3A_183, 128 : i32
          %dma_wait3A_185 = arith.constant 0 : i32
          %dma_wait3A_186 = tpu.memref_slice %arg5[%multiple_of3A_184, %dma_wait3A_185] : memref<524288x128xf32, #tpu.memory_space<hbm>> -> memref<128x128xf32, #tpu.memory_space<hbm>>
          %dma_wait3A_187 = arith.constant 0 : i32
          %dma_wait3A_188 = tpu.memref_slice %arg5[%multiple_of3A_184, %dma_wait3A_187] : memref<524288x128xf32, #tpu.memory_space<hbm>> -> memref<128x128xf32, #tpu.memory_space<hbm>>
          tpu.wait_dma2 semaphore(%arg19 : memref<!tpu.dma_semaphore, #tpu.memory_space<semaphore_mem>>) src(%arg11 : memref<128x128xf32, #tpu.memory_space<vmem>>) dst(%dma_wait3A_188 : memref<128x128xf32, #tpu.memory_space<hbm>>)
        } else {
        }
        %dma_start3A_174 = arith.constant 0 : i32
        %dma_start3A_175 = tpu.memref_slice %arg6[%add3A_95, %dma_start3A_174] : memref<128x128xi32, #tpu.memory_space<vmem>> -> memref<1x128xi32, #tpu.memory_space<vmem>>
        %dma_start3A_176 = tpu.memref_squeeze %dma_start3A_175 : memref<1x128xi32, #tpu.memory_space<vmem>> -> memref<128xi32, #tpu.memory_space<vmem>>
        %dma_start3A_177 = arith.constant 0 : i32
        %dma_start3A_178 = arith.constant 0 : i32
        %dma_start3A_179 = tpu.memref_slice %arg3[%dma_start3A_177, %dma_start3A_178] : memref<100000x128xf32, #tpu.memory_space<hbm>> -> memref<100000x128xf32, #tpu.memory_space<hbm>>
        tpu.enqueue_indirect_dma source(%dma_start3A_179 : memref<100000x128xf32, #tpu.memory_space<hbm>>) target(%arg11 : memref<128x128xf32, #tpu.memory_space<vmem>>) offsets(%dma_start3A_176 : memref<128xi32, #tpu.memory_space<vmem>>) semaphore(%arg15 : memref<!tpu.dma_semaphore, #tpu.memory_space<semaphore_mem>>)
      } else {
      }
      %scan3A_101 = arith.constant 0 : i32
      %scan3A_102 = arith.constant 128 : i32
      %scan3A_103 = arith.addi %scan3A_101, %scan3A_102 : i32
      %scan3A_104 = arith.constant 8 : i32
      scf.for %scan3A_170 = %scan3A_101 to %scan3A_103 step %scan3A_104  : i32 {
        %mul3A_171 = arith.constant 1 : i32
        %mul3A_172 = arith.muli %scan3A_170, %mul3A_171 : i32
        %add3A_173 = arith.constant 0 : i32
        %add3A_174 = arith.addi %add3A_173, %mul3A_172 : i32
        %get3A = arith.index_cast %add3A_174 : i32 to index
        %get3A_175 = arith.constant 0 : index
        %get3A_176 = tpu.vector_load %arg7[%get3A, %get3A_175] {strides = array<i32>} : memref<128x128xf32, #tpu.memory_space<vmem>>, vector<1x16xf32>,
        %get3A_177 = vector.shape_cast %get3A_176 : vector<1x16xf32> to vector<16xf32>
        %swap3A = arith.index_cast %add3A_174 : i32 to index
        %swap3A_178 = arith.constant 0 : index
        %swap3A_179 = tpu.vector_load %arg9[%swap3A, %swap3A_178] {strides = array<i32>} : memref<128x128xf32, #tpu.memory_space<vmem>>, vector<1x16xf32>,
        %swap3A_180 = vector.shape_cast %swap3A_179 : vector<1x16xf32> to vector<16xf32>
        %swap3A_181 = vector.shape_cast %get3A_177 : vector<16xf32> to vector<1x16xf32>
        tpu.vector_store %arg9[%swap3A, %swap3A_178], %swap3A_181 {add = true, strides = array<i32>} : memref<128x128xf32, #tpu.memory_space<vmem>>, vector<1x16xf32>,
        %get3A_182 = arith.index_cast %add3A_174 : i32 to index
        %get3A_183 = arith.constant 16 : index
        %get3A_184 = tpu.vector_load %arg7[%get3A_182, %get3A_183] {strides = array<i32>} : memref<128x128xf32, #tpu.memory_space<vmem>>, vector<1x16xf32>,
        %get3A_185 = vector.shape_cast %get3A_184 : vector<1x16xf32> to vector<16xf32>
        %swap3A_186 = arith.index_cast %add3A_174 : i32 to index
        %swap3A_187 = arith.constant 16 : index
        %swap3A_188 = tpu.vector_load %arg9[%swap3A_186, %swap3A_187] {strides = array<i32>} : memref<128x128xf32, #tpu.memory_space<vmem>>, vector<1x16xf32>,
        %swap3A_189 = vector.shape_cast %swap3A_188 : vector<1x16xf32> to vector<16xf32>
        %swap3A_190 = vector.shape_cast %get3A_185 : vector<16xf32> to vector<1x16xf32>
        tpu.vector_store %arg9[%swap3A_186, %swap3A_187], %swap3A_190 {add = true, strides = array<i32>} : memref<128x128xf32, #tpu.memory_space<vmem>>, vector<1x16xf32>,
        %get3A_191 = arith.index_cast %add3A_174 : i32 to index
        %get3A_192 = arith.constant 32 : index
        %get3A_193 = tpu.vector_load %arg7[%get3A_191, %get3A_192] {strides = array<i32>} : memref<128x128xf32, #tpu.memory_space<vmem>>, vector<1x16xf32>,
        %get3A_194 = vector.shape_cast %get3A_193 : vector<1x16xf32> to vector<16xf32>
        %swap3A_195 = arith.index_cast %add3A_174 : i32 to index
        %swap3A_196 = arith.constant 32 : index
        %swap3A_197 = tpu.vector_load %arg9[%swap3A_195, %swap3A_196] {strides = array<i32>} : memref<128x128xf32, #tpu.memory_space<vmem>>, vector<1x16xf32>,
        %swap3A_198 = vector.shape_cast %swap3A_197 : vector<1x16xf32> to vector<16xf32>
        %swap3A_199 = vector.shape_cast %get3A_194 : vector<16xf32> to vector<1x16xf32>
        tpu.vector_store %arg9[%swap3A_195, %swap3A_196], %swap3A_199 {add = true, strides = array<i32>} : memref<128x128xf32, #tpu.memory_space<vmem>>, vector<1x16xf32>,
        %get3A_200 = arith.index_cast %add3A_174 : i32 to index
        %get3A_201 = arith.constant 48 : index
        %get3A_202 = tpu.vector_load %arg7[%get3A_200, %get3A_201] {strides = array<i32>} : memref<128x128xf32, #tpu.memory_space<vmem>>, vector<1x16xf32>,
        %get3A_203 = vector.shape_cast %get3A_202 : vector<1x16xf32> to vector<16xf32>
        %swap3A_204 = arith.index_cast %add3A_174 : i32 to index
        %swap3A_205 = arith.constant 48 : index
        %swap3A_206 = tpu.vector_load %arg9[%swap3A_204, %swap3A_205] {strides = array<i32>} : memref<128x128xf32, #tpu.memory_space<vmem>>, vector<1x16xf32>,
        %swap3A_207 = vector.shape_cast %swap3A_206 : vector<1x16xf32> to vector<16xf32>
        %swap3A_208 = vector.shape_cast %get3A_203 : vector<16xf32> to vector<1x16xf32>
        tpu.vector_store %arg9[%swap3A_204, %swap3A_205], %swap3A_208 {add = true, strides = array<i32>} : memref<128x128xf32, #tpu.memory_space<vmem>>, vector<1x16xf32>,
        %get3A_209 = arith.index_cast %add3A_174 : i32 to index
        %get3A_210 = arith.constant 64 : index
        %get3A_211 = tpu.vector_load %arg7[%get3A_209, %get3A_210] {strides = array<i32>} : memref<128x128xf32, #tpu.memory_space<vmem>>, vector<1x16xf32>,
        %get3A_212 = vector.shape_cast %get3A_211 : vector<1x16xf32> to vector<16xf32>
        %swap3A_213 = arith.index_cast %add3A_174 : i32 to index
        %swap3A_214 = arith.constant 64 : index
        %swap3A_215 = tpu.vector_load %arg9[%swap3A_213, %swap3A_214] {strides = array<i32>} : memref<128x128xf32, #tpu.memory_space<vmem>>, vector<1x16xf32>,
        %swap3A_216 = vector.shape_cast %swap3A_215 : vector<1x16xf32> to vector<16xf32>
        %swap3A_217 = vector.shape_cast %get3A_212 : vector<16xf32> to vector<1x16xf32>
        tpu.vector_store %arg9[%swap3A_213, %swap3A_214], %swap3A_217 {add = true, strides = array<i32>} : memref<128x128xf32, #tpu.memory_space<vmem>>, vector<1x16xf32>,
        %get3A_218 = arith.index_cast %add3A_174 : i32 to index
        %get3A_219 = arith.constant 80 : index
        %get3A_220 = tpu.vector_load %arg7[%get3A_218, %get3A_219] {strides = array<i32>} : memref<128x128xf32, #tpu.memory_space<vmem>>, vector<1x16xf32>,
        %get3A_221 = vector.shape_cast %get3A_220 : vector<1x16xf32> to vector<16xf32>
        %swap3A_222 = arith.index_cast %add3A_174 : i32 to index
        %swap3A_223 = arith.constant 80 : index
        %swap3A_224 = tpu.vector_load %arg9[%swap3A_222, %swap3A_223] {strides = array<i32>} : memref<128x128xf32, #tpu.memory_space<vmem>>, vector<1x16xf32>,
        %swap3A_225 = vector.shape_cast %swap3A_224 : vector<1x16xf32> to vector<16xf32>
        %swap3A_226 = vector.shape_cast %get3A_221 : vector<16xf32> to vector<1x16xf32>
        tpu.vector_store %arg9[%swap3A_222, %swap3A_223], %swap3A_226 {add = true, strides = array<i32>} : memref<128x128xf32, #tpu.memory_space<vmem>>, vector<1x16xf32>,
        %get3A_227 = arith.index_cast %add3A_174 : i32 to index
        %get3A_228 = arith.constant 96 : index
        %get3A_229 = tpu.vector_load %arg7[%get3A_227, %get3A_228] {strides = array<i32>} : memref<128x128xf32, #tpu.memory_space<vmem>>, vector<1x16xf32>,
        %get3A_230 = vector.shape_cast %get3A_229 : vector<1x16xf32> to vector<16xf32>
        %swap3A_231 = arith.index_cast %add3A_174 : i32 to index
        %swap3A_232 = arith.constant 96 : index
        %swap3A_233 = tpu.vector_load %arg9[%swap3A_231, %swap3A_232] {strides = array<i32>} : memref<128x128xf32, #tpu.memory_space<vmem>>, vector<1x16xf32>,
        %swap3A_234 = vector.shape_cast %swap3A_233 : vector<1x16xf32> to vector<16xf32>
        %swap3A_235 = vector.shape_cast %get3A_230 : vector<16xf32> to vector<1x16xf32>
        tpu.vector_store %arg9[%swap3A_231, %swap3A_232], %swap3A_235 {add = true, strides = array<i32>} : memref<128x128xf32, #tpu.memory_space<vmem>>, vector<1x16xf32>,
        %get3A_236 = arith.index_cast %add3A_174 : i32 to index
        %get3A_237 = arith.constant 112 : index
        %get3A_238 = tpu.vector_load %arg7[%get3A_236, %get3A_237] {strides = array<i32>} : memref<128x128xf32, #tpu.memory_space<vmem>>, vector<1x16xf32>,
        %get3A_239 = vector.shape_cast %get3A_238 : vector<1x16xf32> to vector<16xf32>
        %swap3A_240 = arith.index_cast %add3A_174 : i32 to index
        %swap3A_241 = arith.constant 112 : index
        %swap3A_242 = tpu.vector_load %arg9[%swap3A_240, %swap3A_241] {strides = array<i32>} : memref<128x128xf32, #tpu.memory_space<vmem>>, vector<1x16xf32>,
        %swap3A_243 = vector.shape_cast %swap3A_242 : vector<1x16xf32> to vector<16xf32>
        %swap3A_244 = vector.shape_cast %get3A_239 : vector<16xf32> to vector<1x16xf32>
        tpu.vector_store %arg9[%swap3A_240, %swap3A_241], %swap3A_244 {add = true, strides = array<i32>} : memref<128x128xf32, #tpu.memory_space<vmem>>, vector<1x16xf32>,
        %scan3A_245 = arith.constant 1 : i32
        %scan3A_246 = arith.addi %scan3A_170, %scan3A_245 : i32
        %mul3A_247 = arith.constant 1 : i32
        %mul3A_248 = arith.muli %scan3A_246, %mul3A_247 : i32
        %add3A_249 = arith.constant 0 : i32
        %add3A_250 = arith.addi %add3A_249, %mul3A_248 : i32
        %get3A_251 = arith.index_cast %add3A_250 : i32 to index
        %get3A_252 = arith.constant 0 : index
        %get3A_253 = tpu.vector_load %arg7[%get3A_251, %get3A_252] {strides = array<i32>} : memref<128x128xf32, #tpu.memory_space<vmem>>, vector<1x16xf32>,
        %get3A_254 = vector.shape_cast %get3A_253 : vector<1x16xf32> to vector<16xf32>
        %swap3A_255 = arith.index_cast %add3A_250 : i32 to index
        %swap3A_256 = arith.constant 0 : index
        %swap3A_257 = tpu.vector_load %arg9[%swap3A_255, %swap3A_256] {strides = array<i32>} : memref<128x128xf32, #tpu.memory_space<vmem>>, vector<1x16xf32>,
        %swap3A_258 = vector.shape_cast %swap3A_257 : vector<1x16xf32> to vector<16xf32>
        %swap3A_259 = vector.shape_cast %get3A_254 : vector<16xf32> to vector<1x16xf32>
        tpu.vector_store %arg9[%swap3A_255, %swap3A_256], %swap3A_259 {add = true, strides = array<i32>} : memref<128x128xf32, #tpu.memory_space<vmem>>, vector<1x16xf32>,
        %get3A_260 = arith.index_cast %add3A_250 : i32 to index
        %get3A_261 = arith.constant 16 : index
        %get3A_262 = tpu.vector_load %arg7[%get3A_260, %get3A_261] {strides = array<i32>} : memref<128x128xf32, #tpu.memory_space<vmem>>, vector<1x16xf32>,
        %get3A_263 = vector.shape_cast %get3A_262 : vector<1x16xf32> to vector<16xf32>
        %swap3A_264 = arith.index_cast %add3A_250 : i32 to index
        %swap3A_265 = arith.constant 16 : index
        %swap3A_266 = tpu.vector_load %arg9[%swap3A_264, %swap3A_265] {strides = array<i32>} : memref<128x128xf32, #tpu.memory_space<vmem>>, vector<1x16xf32>,
        %swap3A_267 = vector.shape_cast %swap3A_266 : vector<1x16xf32> to vector<16xf32>
        %swap3A_268 = vector.shape_cast %get3A_263 : vector<16xf32> to vector<1x16xf32>
        tpu.vector_store %arg9[%swap3A_264, %swap3A_265], %swap3A_268 {add = true, strides = array<i32>} : memref<128x128xf32, #tpu.memory_space<vmem>>, vector<1x16xf32>,
        %get3A_269 = arith.index_cast %add3A_250 : i32 to index
        %get3A_270 = arith.constant 32 : index
        %get3A_271 = tpu.vector_load %arg7[%get3A_269, %get3A_270] {strides = array<i32>} : memref<128x128xf32, #tpu.memory_space<vmem>>, vector<1x16xf32>,
        %get3A_272 = vector.shape_cast %get3A_271 : vector<1x16xf32> to vector<16xf32>
        %swap3A_273 = arith.index_cast %add3A_250 : i32 to index
        %swap3A_274 = arith.constant 32 : index
        %swap3A_275 = tpu.vector_load %arg9[%swap3A_273, %swap3A_274] {strides = array<i32>} : memref<128x128xf32, #tpu.memory_space<vmem>>, vector<1x16xf32>,
        %swap3A_276 = vector.shape_cast %swap3A_275 : vector<1x16xf32> to vector<16xf32>
        %swap3A_277 = vector.shape_cast %get3A_272 : vector<16xf32> to vector<1x16xf32>
        tpu.vector_store %arg9[%swap3A_273, %swap3A_274], %swap3A_277 {add = true, strides = array<i32>} : memref<128x128xf32, #tpu.memory_space<vmem>>, vector<1x16xf32>,
        %get3A_278 = arith.index_cast %add3A_250 : i32 to index
        %get3A_279 = arith.constant 48 : index
        %get3A_280 = tpu.vector_load %arg7[%get3A_278, %get3A_279] {strides = array<i32>} : memref<128x128xf32, #tpu.memory_space<vmem>>, vector<1x16xf32>,
        %get3A_281 = vector.shape_cast %get3A_280 : vector<1x16xf32> to vector<16xf32>
        %swap3A_282 = arith.index_cast %add3A_250 : i32 to index
        %swap3A_283 = arith.constant 48 : index
        %swap3A_284 = tpu.vector_load %arg9[%swap3A_282, %swap3A_283] {strides = array<i32>} : memref<128x128xf32, #tpu.memory_space<vmem>>, vector<1x16xf32>,
        %swap3A_285 = vector.shape_cast %swap3A_284 : vector<1x16xf32> to vector<16xf32>
        %swap3A_286 = vector.shape_cast %get3A_281 : vector<16xf32> to vector<1x16xf32>
        tpu.vector_store %arg9[%swap3A_282, %swap3A_283], %swap3A_286 {add = true, strides = array<i32>} : memref<128x128xf32, #tpu.memory_space<vmem>>, vector<1x16xf32>,
        %get3A_287 = arith.index_cast %add3A_250 : i32 to index
        %get3A_288 = arith.constant 64 : index
        %get3A_289 = tpu.vector_load %arg7[%get3A_287, %get3A_288] {strides = array<i32>} : memref<128x128xf32, #tpu.memory_space<vmem>>, vector<1x16xf32>,
        %get3A_290 = vector.shape_cast %get3A_289 : vector<1x16xf32> to vector<16xf32>
        %swap3A_291 = arith.index_cast %add3A_250 : i32 to index
        %swap3A_292 = arith.constant 64 : index
        %swap3A_293 = tpu.vector_load %arg9[%swap3A_291, %swap3A_292] {strides = array<i32>} : memref<128x128xf32, #tpu.memory_space<vmem>>, vector<1x16xf32>,
        %swap3A_294 = vector.shape_cast %swap3A_293 : vector<1x16xf32> to vector<16xf32>
        %swap3A_295 = vector.shape_cast %get3A_290 : vector<16xf32> to vector<1x16xf32>
        tpu.vector_store %arg9[%swap3A_291, %swap3A_292], %swap3A_295 {add = true, strides = array<i32>} : memref<128x128xf32, #tpu.memory_space<vmem>>, vector<1x16xf32>,
        %get3A_296 = arith.index_cast %add3A_250 : i32 to index
        %get3A_297 = arith.constant 80 : index
        %get3A_298 = tpu.vector_load %arg7[%get3A_296, %get3A_297] {strides = array<i32>} : memref<128x128xf32, #tpu.memory_space<vmem>>, vector<1x16xf32>,
        %get3A_299 = vector.shape_cast %get3A_298 : vector<1x16xf32> to vector<16xf32>
        %swap3A_300 = arith.index_cast %add3A_250 : i32 to index
        %swap3A_301 = arith.constant 80 : index
        %swap3A_302 = tpu.vector_load %arg9[%swap3A_300, %swap3A_301] {strides = array<i32>} : memref<128x128xf32, #tpu.memory_space<vmem>>, vector<1x16xf32>,
        %swap3A_303 = vector.shape_cast %swap3A_302 : vector<1x16xf32> to vector<16xf32>
        %swap3A_304 = vector.shape_cast %get3A_299 : vector<16xf32> to vector<1x16xf32>
        tpu.vector_store %arg9[%swap3A_300, %swap3A_301], %swap3A_304 {add = true, strides = array<i32>} : memref<128x128xf32, #tpu.memory_space<vmem>>, vector<1x16xf32>,
        %get3A_305 = arith.index_cast %add3A_250 : i32 to index
        %get3A_306 = arith.constant 96 : index
        %get3A_307 = tpu.vector_load %arg7[%get3A_305, %get3A_306] {strides = array<i32>} : memref<128x128xf32, #tpu.memory_space<vmem>>, vector<1x16xf32>,
        %get3A_308 = vector.shape_cast %get3A_307 : vector<1x16xf32> to vector<16xf32>
        %swap3A_309 = arith.index_cast %add3A_250 : i32 to index
        %swap3A_310 = arith.constant 96 : index
        %swap3A_311 = tpu.vector_load %arg9[%swap3A_309, %swap3A_310] {strides = array<i32>} : memref<128x128xf32, #tpu.memory_space<vmem>>, vector<1x16xf32>,
        %swap3A_312 = vector.shape_cast %swap3A_311 : vector<1x16xf32> to vector<16xf32>
        %swap3A_313 = vector.shape_cast %get3A_308 : vector<16xf32> to vector<1x16xf32>
        tpu.vector_store %arg9[%swap3A_309, %swap3A_310], %swap3A_313 {add = true, strides = array<i32>} : memref<128x128xf32, #tpu.memory_space<vmem>>, vector<1x16xf32>,
        %get3A_314 = arith.index_cast %add3A_250 : i32 to index
        %get3A_315 = arith.constant 112 : index
        %get3A_316 = tpu.vector_load %arg7[%get3A_314, %get3A_315] {strides = array<i32>} : memref<128x128xf32, #tpu.memory_space<vmem>>, vector<1x16xf32>,
        %get3A_317 = vector.shape_cast %get3A_316 : vector<1x16xf32> to vector<16xf32>
        %swap3A_318 = arith.index_cast %add3A_250 : i32 to index
        %swap3A_319 = arith.constant 112 : index
        %swap3A_320 = tpu.vector_load %arg9[%swap3A_318, %swap3A_319] {strides = array<i32>} : memref<128x128xf32, #tpu.memory_space<vmem>>, vector<1x16xf32>,
        %swap3A_321 = vector.shape_cast %swap3A_320 : vector<1x16xf32> to vector<16xf32>
        %swap3A_322 = vector.shape_cast %get3A_317 : vector<16xf32> to vector<1x16xf32>
        tpu.vector_store %arg9[%swap3A_318, %swap3A_319], %swap3A_322 {add = true, strides = array<i32>} : memref<128x128xf32, #tpu.memory_space<vmem>>, vector<1x16xf32>,
        %scan3A_323 = arith.constant 2 : i32
        %scan3A_324 = arith.addi %scan3A_170, %scan3A_323 : i32
        %mul3A_325 = arith.constant 1 : i32
        %mul3A_326 = arith.muli %scan3A_324, %mul3A_325 : i32
        %add3A_327 = arith.constant 0 : i32
        %add3A_328 = arith.addi %add3A_327, %mul3A_326 : i32
        %get3A_329 = arith.index_cast %add3A_328 : i32 to index
        %get3A_330 = arith.constant 0 : index
        %get3A_331 = tpu.vector_load %arg7[%get3A_329, %get3A_330] {strides = array<i32>} : memref<128x128xf32, #tpu.memory_space<vmem>>, vector<1x16xf32>,
        %get3A_332 = vector.shape_cast %get3A_331 : vector<1x16xf32> to vector<16xf32>
        %swap3A_333 = arith.index_cast %add3A_328 : i32 to index
        %swap3A_334 = arith.constant 0 : index
        %swap3A_335 = tpu.vector_load %arg9[%swap3A_333, %swap3A_334] {strides = array<i32>} : memref<128x128xf32, #tpu.memory_space<vmem>>, vector<1x16xf32>,
        %swap3A_336 = vector.shape_cast %swap3A_335 : vector<1x16xf32> to vector<16xf32>
        %swap3A_337 = vector.shape_cast %get3A_332 : vector<16xf32> to vector<1x16xf32>
        tpu.vector_store %arg9[%swap3A_333, %swap3A_334], %swap3A_337 {add = true, strides = array<i32>} : memref<128x128xf32, #tpu.memory_space<vmem>>, vector<1x16xf32>,
        %get3A_338 = arith.index_cast %add3A_328 : i32 to index
        %get3A_339 = arith.constant 16 : index
        %get3A_340 = tpu.vector_load %arg7[%get3A_338, %get3A_339] {strides = array<i32>} : memref<128x128xf32, #tpu.memory_space<vmem>>, vector<1x16xf32>,
        %get3A_341 = vector.shape_cast %get3A_340 : vector<1x16xf32> to vector<16xf32>
        %swap3A_342 = arith.index_cast %add3A_328 : i32 to index
        %swap3A_343 = arith.constant 16 : index
        %swap3A_344 = tpu.vector_load %arg9[%swap3A_342, %swap3A_343] {strides = array<i32>} : memref<128x128xf32, #tpu.memory_space<vmem>>, vector<1x16xf32>,
        %swap3A_345 = vector.shape_cast %swap3A_344 : vector<1x16xf32> to vector<16xf32>
        %swap3A_346 = vector.shape_cast %get3A_341 : vector<16xf32> to vector<1x16xf32>
        tpu.vector_store %arg9[%swap3A_342, %swap3A_343], %swap3A_346 {add = true, strides = array<i32>} : memref<128x128xf32, #tpu.memory_space<vmem>>, vector<1x16xf32>,
        %get3A_347 = arith.index_cast %add3A_328 : i32 to index
        %get3A_348 = arith.constant 32 : index
        %get3A_349 = tpu.vector_load %arg7[%get3A_347, %get3A_348] {strides = array<i32>} : memref<128x128xf32, #tpu.memory_space<vmem>>, vector<1x16xf32>,
        %get3A_350 = vector.shape_cast %get3A_349 : vector<1x16xf32> to vector<16xf32>
        %swap3A_351 = arith.index_cast %add3A_328 : i32 to index
        %swap3A_352 = arith.constant 32 : index
        %swap3A_353 = tpu.vector_load %arg9[%swap3A_351, %swap3A_352] {strides = array<i32>} : memref<128x128xf32, #tpu.memory_space<vmem>>, vector<1x16xf32>,
        %swap3A_354 = vector.shape_cast %swap3A_353 : vector<1x16xf32> to vector<16xf32>
        %swap3A_355 = vector.shape_cast %get3A_350 : vector<16xf32> to vector<1x16xf32>
        tpu.vector_store %arg9[%swap3A_351, %swap3A_352], %swap3A_355 {add = true, strides = array<i32>} : memref<128x128xf32, #tpu.memory_space<vmem>>, vector<1x16xf32>,
        %get3A_356 = arith.index_cast %add3A_328 : i32 to index
        %get3A_357 = arith.constant 48 : index
        %get3A_358 = tpu.vector_load %arg7[%get3A_356, %get3A_357] {strides = array<i32>} : memref<128x128xf32, #tpu.memory_space<vmem>>, vector<1x16xf32>,
        %get3A_359 = vector.shape_cast %get3A_358 : vector<1x16xf32> to vector<16xf32>
        %swap3A_360 = arith.index_cast %add3A_328 : i32 to index
        %swap3A_361 = arith.constant 48 : index
        %swap3A_362 = tpu.vector_load %arg9[%swap3A_360, %swap3A_361] {strides = array<i32>} : memref<128x128xf32, #tpu.memory_space<vmem>>, vector<1x16xf32>,
        %swap3A_363 = vector.shape_cast %swap3A_362 : vector<1x16xf32> to vector<16xf32>
        %swap3A_364 = vector.shape_cast %get3A_359 : vector<16xf32> to vector<1x16xf32>
        tpu.vector_store %arg9[%swap3A_360, %swap3A_361], %swap3A_364 {add = true, strides = array<i32>} : memref<128x128xf32, #tpu.memory_space<vmem>>, vector<1x16xf32>,
        %get3A_365 = arith.index_cast %add3A_328 : i32 to index
        %get3A_366 = arith.constant 64 : index
        %get3A_367 = tpu.vector_load %arg7[%get3A_365, %get3A_366] {strides = array<i32>} : memref<128x128xf32, #tpu.memory_space<vmem>>, vector<1x16xf32>,
        %get3A_368 = vector.shape_cast %get3A_367 : vector<1x16xf32> to vector<16xf32>
        %swap3A_369 = arith.index_cast %add3A_328 : i32 to index
        %swap3A_370 = arith.constant 64 : index
        %swap3A_371 = tpu.vector_load %arg9[%swap3A_369, %swap3A_370] {strides = array<i32>} : memref<128x128xf32, #tpu.memory_space<vmem>>, vector<1x16xf32>,
        %swap3A_372 = vector.shape_cast %swap3A_371 : vector<1x16xf32> to vector<16xf32>
        %swap3A_373 = vector.shape_cast %get3A_368 : vector<16xf32> to vector<1x16xf32>
        tpu.vector_store %arg9[%swap3A_369, %swap3A_370], %swap3A_373 {add = true, strides = array<i32>} : memref<128x128xf32, #tpu.memory_space<vmem>>, vector<1x16xf32>,
        %get3A_374 = arith.index_cast %add3A_328 : i32 to index
        %get3A_375 = arith.constant 80 : index
        %get3A_376 = tpu.vector_load %arg7[%get3A_374, %get3A_375] {strides = array<i32>} : memref<128x128xf32, #tpu.memory_space<vmem>>, vector<1x16xf32>,
        %get3A_377 = vector.shape_cast %get3A_376 : vector<1x16xf32> to vector<16xf32>
        %swap3A_378 = arith.index_cast %add3A_328 : i32 to index
        %swap3A_379 = arith.constant 80 : index
        %swap3A_380 = tpu.vector_load %arg9[%swap3A_378, %swap3A_379] {strides = array<i32>} : memref<128x128xf32, #tpu.memory_space<vmem>>, vector<1x16xf32>,
        %swap3A_381 = vector.shape_cast %swap3A_380 : vector<1x16xf32> to vector<16xf32>
        %swap3A_382 = vector.shape_cast %get3A_377 : vector<16xf32> to vector<1x16xf32>
        tpu.vector_store %arg9[%swap3A_378, %swap3A_379], %swap3A_382 {add = true, strides = array<i32>} : memref<128x128xf32, #tpu.memory_space<vmem>>, vector<1x16xf32>,
        %get3A_383 = arith.index_cast %add3A_328 : i32 to index
        %get3A_384 = arith.constant 96 : index
        %get3A_385 = tpu.vector_load %arg7[%get3A_383, %get3A_384] {strides = array<i32>} : memref<128x128xf32, #tpu.memory_space<vmem>>, vector<1x16xf32>,
        %get3A_386 = vector.shape_cast %get3A_385 : vector<1x16xf32> to vector<16xf32>
        %swap3A_387 = arith.index_cast %add3A_328 : i32 to index
        %swap3A_388 = arith.constant 96 : index
        %swap3A_389 = tpu.vector_load %arg9[%swap3A_387, %swap3A_388] {strides = array<i32>} : memref<128x128xf32, #tpu.memory_space<vmem>>, vector<1x16xf32>,
        %swap3A_390 = vector.shape_cast %swap3A_389 : vector<1x16xf32> to vector<16xf32>
        %swap3A_391 = vector.shape_cast %get3A_386 : vector<16xf32> to vector<1x16xf32>
        tpu.vector_store %arg9[%swap3A_387, %swap3A_388], %swap3A_391 {add = true, strides = array<i32>} : memref<128x128xf32, #tpu.memory_space<vmem>>, vector<1x16xf32>,
        %get3A_392 = arith.index_cast %add3A_328 : i32 to index
        %get3A_393 = arith.constant 112 : index
        %get3A_394 = tpu.vector_load %arg7[%get3A_392, %get3A_393] {strides = array<i32>} : memref<128x128xf32, #tpu.memory_space<vmem>>, vector<1x16xf32>,
        %get3A_395 = vector.shape_cast %get3A_394 : vector<1x16xf32> to vector<16xf32>
        %swap3A_396 = arith.index_cast %add3A_328 : i32 to index
        %swap3A_397 = arith.constant 112 : index
        %swap3A_398 = tpu.vector_load %arg9[%swap3A_396, %swap3A_397] {strides = array<i32>} : memref<128x128xf32, #tpu.memory_space<vmem>>, vector<1x16xf32>,
        %swap3A_399 = vector.shape_cast %swap3A_398 : vector<1x16xf32> to vector<16xf32>
        %swap3A_400 = vector.shape_cast %get3A_395 : vector<16xf32> to vector<1x16xf32>
        tpu.vector_store %arg9[%swap3A_396, %swap3A_397], %swap3A_400 {add = true, strides = array<i32>} : memref<128x128xf32, #tpu.memory_space<vmem>>, vector<1x16xf32>,
        %scan3A_401 = arith.constant 3 : i32
        %scan3A_402 = arith.addi %scan3A_170, %scan3A_401 : i32
        %mul3A_403 = arith.constant 1 : i32
        %mul3A_404 = arith.muli %scan3A_402, %mul3A_403 : i32
        %add3A_405 = arith.constant 0 : i32
        %add3A_406 = arith.addi %add3A_405, %mul3A_404 : i32
        %get3A_407 = arith.index_cast %add3A_406 : i32 to index
        %get3A_408 = arith.constant 0 : index
        %get3A_409 = tpu.vector_load %arg7[%get3A_407, %get3A_408] {strides = array<i32>} : memref<128x128xf32, #tpu.memory_space<vmem>>, vector<1x16xf32>,
        %get3A_410 = vector.shape_cast %get3A_409 : vector<1x16xf32> to vector<16xf32>
        %swap3A_411 = arith.index_cast %add3A_406 : i32 to index
        %swap3A_412 = arith.constant 0 : index
        %swap3A_413 = tpu.vector_load %arg9[%swap3A_411, %swap3A_412] {strides = array<i32>} : memref<128x128xf32, #tpu.memory_space<vmem>>, vector<1x16xf32>,
        %swap3A_414 = vector.shape_cast %swap3A_413 : vector<1x16xf32> to vector<16xf32>
        %swap3A_415 = vector.shape_cast %get3A_410 : vector<16xf32> to vector<1x16xf32>
        tpu.vector_store %arg9[%swap3A_411, %swap3A_412], %swap3A_415 {add = true, strides = array<i32>} : memref<128x128xf32, #tpu.memory_space<vmem>>, vector<1x16xf32>,
        %get3A_416 = arith.index_cast %add3A_406 : i32 to index
        %get3A_417 = arith.constant 16 : index
        %get3A_418 = tpu.vector_load %arg7[%get3A_416, %get3A_417] {strides = array<i32>} : memref<128x128xf32, #tpu.memory_space<vmem>>, vector<1x16xf32>,
        %get3A_419 = vector.shape_cast %get3A_418 : vector<1x16xf32> to vector<16xf32>
        %swap3A_420 = arith.index_cast %add3A_406 : i32 to index
        %swap3A_421 = arith.constant 16 : index
        %swap3A_422 = tpu.vector_load %arg9[%swap3A_420, %swap3A_421] {strides = array<i32>} : memref<128x128xf32, #tpu.memory_space<vmem>>, vector<1x16xf32>,
        %swap3A_423 = vector.shape_cast %swap3A_422 : vector<1x16xf32> to vector<16xf32>
        %swap3A_424 = vector.shape_cast %get3A_419 : vector<16xf32> to vector<1x16xf32>
        tpu.vector_store %arg9[%swap3A_420, %swap3A_421], %swap3A_424 {add = true, strides = array<i32>} : memref<128x128xf32, #tpu.memory_space<vmem>>, vector<1x16xf32>,
        %get3A_425 = arith.index_cast %add3A_406 : i32 to index
        %get3A_426 = arith.constant 32 : index
        %get3A_427 = tpu.vector_load %arg7[%get3A_425, %get3A_426] {strides = array<i32>} : memref<128x128xf32, #tpu.memory_space<vmem>>, vector<1x16xf32>,
        %get3A_428 = vector.shape_cast %get3A_427 : vector<1x16xf32> to vector<16xf32>
        %swap3A_429 = arith.index_cast %add3A_406 : i32 to index
        %swap3A_430 = arith.constant 32 : index
        %swap3A_431 = tpu.vector_load %arg9[%swap3A_429, %swap3A_430] {strides = array<i32>} : memref<128x128xf32, #tpu.memory_space<vmem>>, vector<1x16xf32>,
        %swap3A_432 = vector.shape_cast %swap3A_431 : vector<1x16xf32> to vector<16xf32>
        %swap3A_433 = vector.shape_cast %get3A_428 : vector<16xf32> to vector<1x16xf32>
        tpu.vector_store %arg9[%swap3A_429, %swap3A_430], %swap3A_433 {add = true, strides = array<i32>} : memref<128x128xf32, #tpu.memory_space<vmem>>, vector<1x16xf32>,
        %get3A_434 = arith.index_cast %add3A_406 : i32 to index
        %get3A_435 = arith.constant 48 : index
        %get3A_436 = tpu.vector_load %arg7[%get3A_434, %get3A_435] {strides = array<i32>} : memref<128x128xf32, #tpu.memory_space<vmem>>, vector<1x16xf32>,
        %get3A_437 = vector.shape_cast %get3A_436 : vector<1x16xf32> to vector<16xf32>
        %swap3A_438 = arith.index_cast %add3A_406 : i32 to index
        %swap3A_439 = arith.constant 48 : index
        %swap3A_440 = tpu.vector_load %arg9[%swap3A_438, %swap3A_439] {strides = array<i32>} : memref<128x128xf32, #tpu.memory_space<vmem>>, vector<1x16xf32>,
        %swap3A_441 = vector.shape_cast %swap3A_440 : vector<1x16xf32> to vector<16xf32>
        %swap3A_442 = vector.shape_cast %get3A_437 : vector<16xf32> to vector<1x16xf32>
        tpu.vector_store %arg9[%swap3A_438, %swap3A_439], %swap3A_442 {add = true, strides = array<i32>} : memref<128x128xf32, #tpu.memory_space<vmem>>, vector<1x16xf32>,
        %get3A_443 = arith.index_cast %add3A_406 : i32 to index
        %get3A_444 = arith.constant 64 : index
        %get3A_445 = tpu.vector_load %arg7[%get3A_443, %get3A_444] {strides = array<i32>} : memref<128x128xf32, #tpu.memory_space<vmem>>, vector<1x16xf32>,
        %get3A_446 = vector.shape_cast %get3A_445 : vector<1x16xf32> to vector<16xf32>
        %swap3A_447 = arith.index_cast %add3A_406 : i32 to index
        %swap3A_448 = arith.constant 64 : index
        %swap3A_449 = tpu.vector_load %arg9[%swap3A_447, %swap3A_448] {strides = array<i32>} : memref<128x128xf32, #tpu.memory_space<vmem>>, vector<1x16xf32>,
        %swap3A_450 = vector.shape_cast %swap3A_449 : vector<1x16xf32> to vector<16xf32>
        %swap3A_451 = vector.shape_cast %get3A_446 : vector<16xf32> to vector<1x16xf32>
        tpu.vector_store %arg9[%swap3A_447, %swap3A_448], %swap3A_451 {add = true, strides = array<i32>} : memref<128x128xf32, #tpu.memory_space<vmem>>, vector<1x16xf32>,
        %get3A_452 = arith.index_cast %add3A_406 : i32 to index
        %get3A_453 = arith.constant 80 : index
        %get3A_454 = tpu.vector_load %arg7[%get3A_452, %get3A_453] {strides = array<i32>} : memref<128x128xf32, #tpu.memory_space<vmem>>, vector<1x16xf32>,
        %get3A_455 = vector.shape_cast %get3A_454 : vector<1x16xf32> to vector<16xf32>
        %swap3A_456 = arith.index_cast %add3A_406 : i32 to index
        %swap3A_457 = arith.constant 80 : index
        %swap3A_458 = tpu.vector_load %arg9[%swap3A_456, %swap3A_457] {strides = array<i32>} : memref<128x128xf32, #tpu.memory_space<vmem>>, vector<1x16xf32>,
        %swap3A_459 = vector.shape_cast %swap3A_458 : vector<1x16xf32> to vector<16xf32>
        %swap3A_460 = vector.shape_cast %get3A_455 : vector<16xf32> to vector<1x16xf32>
        tpu.vector_store %arg9[%swap3A_456, %swap3A_457], %swap3A_460 {add = true, strides = array<i32>} : memref<128x128xf32, #tpu.memory_space<vmem>>, vector<1x16xf32>,
        %get3A_461 = arith.index_cast %add3A_406 : i32 to index
        %get3A_462 = arith.constant 96 : index
        %get3A_463 = tpu.vector_load %arg7[%get3A_461, %get3A_462] {strides = array<i32>} : memref<128x128xf32, #tpu.memory_space<vmem>>, vector<1x16xf32>,
        %get3A_464 = vector.shape_cast %get3A_463 : vector<1x16xf32> to vector<16xf32>
        %swap3A_465 = arith.index_cast %add3A_406 : i32 to index
        %swap3A_466 = arith.constant 96 : index
        %swap3A_467 = tpu.vector_load %arg9[%swap3A_465, %swap3A_466] {strides = array<i32>} : memref<128x128xf32, #tpu.memory_space<vmem>>, vector<1x16xf32>,
        %swap3A_468 = vector.shape_cast %swap3A_467 : vector<1x16xf32> to vector<16xf32>
        %swap3A_469 = vector.shape_cast %get3A_464 : vector<16xf32> to vector<1x16xf32>
        tpu.vector_store %arg9[%swap3A_465, %swap3A_466], %swap3A_469 {add = true, strides = array<i32>} : memref<128x128xf32, #tpu.memory_space<vmem>>, vector<1x16xf32>,
        %get3A_470 = arith.index_cast %add3A_406 : i32 to index
        %get3A_471 = arith.constant 112 : index
        %get3A_472 = tpu.vector_load %arg7[%get3A_470, %get3A_471] {strides = array<i32>} : memref<128x128xf32, #tpu.memory_space<vmem>>, vector<1x16xf32>,
        %get3A_473 = vector.shape_cast %get3A_472 : vector<1x16xf32> to vector<16xf32>
        %swap3A_474 = arith.index_cast %add3A_406 : i32 to index
        %swap3A_475 = arith.constant 112 : index
        %swap3A_476 = tpu.vector_load %arg9[%swap3A_474, %swap3A_475] {strides = array<i32>} : memref<128x128xf32, #tpu.memory_space<vmem>>, vector<1x16xf32>,
        %swap3A_477 = vector.shape_cast %swap3A_476 : vector<1x16xf32> to vector<16xf32>
        %swap3A_478 = vector.shape_cast %get3A_473 : vector<16xf32> to vector<1x16xf32>
        tpu.vector_store %arg9[%swap3A_474, %swap3A_475], %swap3A_478 {add = true, strides = array<i32>} : memref<128x128xf32, #tpu.memory_space<vmem>>, vector<1x16xf32>,
        %scan3A_479 = arith.constant 4 : i32
        %scan3A_480 = arith.addi %scan3A_170, %scan3A_479 : i32
        %mul3A_481 = arith.constant 1 : i32
        %mul3A_482 = arith.muli %scan3A_480, %mul3A_481 : i32
        %add3A_483 = arith.constant 0 : i32
        %add3A_484 = arith.addi %add3A_483, %mul3A_482 : i32
        %get3A_485 = arith.index_cast %add3A_484 : i32 to index
        %get3A_486 = arith.constant 0 : index
        %get3A_487 = tpu.vector_load %arg7[%get3A_485, %get3A_486] {strides = array<i32>} : memref<128x128xf32, #tpu.memory_space<vmem>>, vector<1x16xf32>,
        %get3A_488 = vector.shape_cast %get3A_487 : vector<1x16xf32> to vector<16xf32>
        %swap3A_489 = arith.index_cast %add3A_484 : i32 to index
        %swap3A_490 = arith.constant 0 : index
        %swap3A_491 = tpu.vector_load %arg9[%swap3A_489, %swap3A_490] {strides = array<i32>} : memref<128x128xf32, #tpu.memory_space<vmem>>, vector<1x16xf32>,
        %swap3A_492 = vector.shape_cast %swap3A_491 : vector<1x16xf32> to vector<16xf32>
        %swap3A_493 = vector.shape_cast %get3A_488 : vector<16xf32> to vector<1x16xf32>
        tpu.vector_store %arg9[%swap3A_489, %swap3A_490], %swap3A_493 {add = true, strides = array<i32>} : memref<128x128xf32, #tpu.memory_space<vmem>>, vector<1x16xf32>,
        %get3A_494 = arith.index_cast %add3A_484 : i32 to index
        %get3A_495 = arith.constant 16 : index
        %get3A_496 = tpu.vector_load %arg7[%get3A_494, %get3A_495] {strides = array<i32>} : memref<128x128xf32, #tpu.memory_space<vmem>>, vector<1x16xf32>,
        %get3A_497 = vector.shape_cast %get3A_496 : vector<1x16xf32> to vector<16xf32>
        %swap3A_498 = arith.index_cast %add3A_484 : i32 to index
        %swap3A_499 = arith.constant 16 : index
        %swap3A_500 = tpu.vector_load %arg9[%swap3A_498, %swap3A_499] {strides = array<i32>} : memref<128x128xf32, #tpu.memory_space<vmem>>, vector<1x16xf32>,
        %swap3A_501 = vector.shape_cast %swap3A_500 : vector<1x16xf32> to vector<16xf32>
        %swap3A_502 = vector.shape_cast %get3A_497 : vector<16xf32> to vector<1x16xf32>
        tpu.vector_store %arg9[%swap3A_498, %swap3A_499], %swap3A_502 {add = true, strides = array<i32>} : memref<128x128xf32, #tpu.memory_space<vmem>>, vector<1x16xf32>,
        %get3A_503 = arith.index_cast %add3A_484 : i32 to index
        %get3A_504 = arith.constant 32 : index
        %get3A_505 = tpu.vector_load %arg7[%get3A_503, %get3A_504] {strides = array<i32>} : memref<128x128xf32, #tpu.memory_space<vmem>>, vector<1x16xf32>,
        %get3A_506 = vector.shape_cast %get3A_505 : vector<1x16xf32> to vector<16xf32>
        %swap3A_507 = arith.index_cast %add3A_484 : i32 to index
        %swap3A_508 = arith.constant 32 : index
        %swap3A_509 = tpu.vector_load %arg9[%swap3A_507, %swap3A_508] {strides = array<i32>} : memref<128x128xf32, #tpu.memory_space<vmem>>, vector<1x16xf32>,
        %swap3A_510 = vector.shape_cast %swap3A_509 : vector<1x16xf32> to vector<16xf32>
        %swap3A_511 = vector.shape_cast %get3A_506 : vector<16xf32> to vector<1x16xf32>
        tpu.vector_store %arg9[%swap3A_507, %swap3A_508], %swap3A_511 {add = true, strides = array<i32>} : memref<128x128xf32, #tpu.memory_space<vmem>>, vector<1x16xf32>,
        %get3A_512 = arith.index_cast %add3A_484 : i32 to index
        %get3A_513 = arith.constant 48 : index
        %get3A_514 = tpu.vector_load %arg7[%get3A_512, %get3A_513] {strides = array<i32>} : memref<128x128xf32, #tpu.memory_space<vmem>>, vector<1x16xf32>,
        %get3A_515 = vector.shape_cast %get3A_514 : vector<1x16xf32> to vector<16xf32>
        %swap3A_516 = arith.index_cast %add3A_484 : i32 to index
        %swap3A_517 = arith.constant 48 : index
        %swap3A_518 = tpu.vector_load %arg9[%swap3A_516, %swap3A_517] {strides = array<i32>} : memref<128x128xf32, #tpu.memory_space<vmem>>, vector<1x16xf32>,
        %swap3A_519 = vector.shape_cast %swap3A_518 : vector<1x16xf32> to vector<16xf32>
        %swap3A_520 = vector.shape_cast %get3A_515 : vector<16xf32> to vector<1x16xf32>
        tpu.vector_store %arg9[%swap3A_516, %swap3A_517], %swap3A_520 {add = true, strides = array<i32>} : memref<128x128xf32, #tpu.memory_space<vmem>>, vector<1x16xf32>,
        %get3A_521 = arith.index_cast %add3A_484 : i32 to index
        %get3A_522 = arith.constant 64 : index
        %get3A_523 = tpu.vector_load %arg7[%get3A_521, %get3A_522] {strides = array<i32>} : memref<128x128xf32, #tpu.memory_space<vmem>>, vector<1x16xf32>,
        %get3A_524 = vector.shape_cast %get3A_523 : vector<1x16xf32> to vector<16xf32>
        %swap3A_525 = arith.index_cast %add3A_484 : i32 to index
        %swap3A_526 = arith.constant 64 : index
        %swap3A_527 = tpu.vector_load %arg9[%swap3A_525, %swap3A_526] {strides = array<i32>} : memref<128x128xf32, #tpu.memory_space<vmem>>, vector<1x16xf32>,
        %swap3A_528 = vector.shape_cast %swap3A_527 : vector<1x16xf32> to vector<16xf32>
        %swap3A_529 = vector.shape_cast %get3A_524 : vector<16xf32> to vector<1x16xf32>
        tpu.vector_store %arg9[%swap3A_525, %swap3A_526], %swap3A_529 {add = true, strides = array<i32>} : memref<128x128xf32, #tpu.memory_space<vmem>>, vector<1x16xf32>,
        %get3A_530 = arith.index_cast %add3A_484 : i32 to index
        %get3A_531 = arith.constant 80 : index
        %get3A_532 = tpu.vector_load %arg7[%get3A_530, %get3A_531] {strides = array<i32>} : memref<128x128xf32, #tpu.memory_space<vmem>>, vector<1x16xf32>,
        %get3A_533 = vector.shape_cast %get3A_532 : vector<1x16xf32> to vector<16xf32>
        %swap3A_534 = arith.index_cast %add3A_484 : i32 to index
        %swap3A_535 = arith.constant 80 : index
        %swap3A_536 = tpu.vector_load %arg9[%swap3A_534, %swap3A_535] {strides = array<i32>} : memref<128x128xf32, #tpu.memory_space<vmem>>, vector<1x16xf32>,
        %swap3A_537 = vector.shape_cast %swap3A_536 : vector<1x16xf32> to vector<16xf32>
        %swap3A_538 = vector.shape_cast %get3A_533 : vector<16xf32> to vector<1x16xf32>
        tpu.vector_store %arg9[%swap3A_534, %swap3A_535], %swap3A_538 {add = true, strides = array<i32>} : memref<128x128xf32, #tpu.memory_space<vmem>>, vector<1x16xf32>,
        %get3A_539 = arith.index_cast %add3A_484 : i32 to index
        %get3A_540 = arith.constant 96 : index
        %get3A_541 = tpu.vector_load %arg7[%get3A_539, %get3A_540] {strides = array<i32>} : memref<128x128xf32, #tpu.memory_space<vmem>>, vector<1x16xf32>,
        %get3A_542 = vector.shape_cast %get3A_541 : vector<1x16xf32> to vector<16xf32>
        %swap3A_543 = arith.index_cast %add3A_484 : i32 to index
        %swap3A_544 = arith.constant 96 : index
        %swap3A_545 = tpu.vector_load %arg9[%swap3A_543, %swap3A_544] {strides = array<i32>} : memref<128x128xf32, #tpu.memory_space<vmem>>, vector<1x16xf32>,
        %swap3A_546 = vector.shape_cast %swap3A_545 : vector<1x16xf32> to vector<16xf32>
        %swap3A_547 = vector.shape_cast %get3A_542 : vector<16xf32> to vector<1x16xf32>
        tpu.vector_store %arg9[%swap3A_543, %swap3A_544], %swap3A_547 {add = true, strides = array<i32>} : memref<128x128xf32, #tpu.memory_space<vmem>>, vector<1x16xf32>,
        %get3A_548 = arith.index_cast %add3A_484 : i32 to index
        %get3A_549 = arith.constant 112 : index
        %get3A_550 = tpu.vector_load %arg7[%get3A_548, %get3A_549] {strides = array<i32>} : memref<128x128xf32, #tpu.memory_space<vmem>>, vector<1x16xf32>,
        %get3A_551 = vector.shape_cast %get3A_550 : vector<1x16xf32> to vector<16xf32>
        %swap3A_552 = arith.index_cast %add3A_484 : i32 to index
        %swap3A_553 = arith.constant 112 : index
        %swap3A_554 = tpu.vector_load %arg9[%swap3A_552, %swap3A_553] {strides = array<i32>} : memref<128x128xf32, #tpu.memory_space<vmem>>, vector<1x16xf32>,
        %swap3A_555 = vector.shape_cast %swap3A_554 : vector<1x16xf32> to vector<16xf32>
        %swap3A_556 = vector.shape_cast %get3A_551 : vector<16xf32> to vector<1x16xf32>
        tpu.vector_store %arg9[%swap3A_552, %swap3A_553], %swap3A_556 {add = true, strides = array<i32>} : memref<128x128xf32, #tpu.memory_space<vmem>>, vector<1x16xf32>,
        %scan3A_557 = arith.constant 5 : i32
        %scan3A_558 = arith.addi %scan3A_170, %scan3A_557 : i32
        %mul3A_559 = arith.constant 1 : i32
        %mul3A_560 = arith.muli %scan3A_558, %mul3A_559 : i32
        %add3A_561 = arith.constant 0 : i32
        %add3A_562 = arith.addi %add3A_561, %mul3A_560 : i32
        %get3A_563 = arith.index_cast %add3A_562 : i32 to index
        %get3A_564 = arith.constant 0 : index
        %get3A_565 = tpu.vector_load %arg7[%get3A_563, %get3A_564] {strides = array<i32>} : memref<128x128xf32, #tpu.memory_space<vmem>>, vector<1x16xf32>,
        %get3A_566 = vector.shape_cast %get3A_565 : vector<1x16xf32> to vector<16xf32>
        %swap3A_567 = arith.index_cast %add3A_562 : i32 to index
        %swap3A_568 = arith.constant 0 : index
        %swap3A_569 = tpu.vector_load %arg9[%swap3A_567, %swap3A_568] {strides = array<i32>} : memref<128x128xf32, #tpu.memory_space<vmem>>, vector<1x16xf32>,
        %swap3A_570 = vector.shape_cast %swap3A_569 : vector<1x16xf32> to vector<16xf32>
        %swap3A_571 = vector.shape_cast %get3A_566 : vector<16xf32> to vector<1x16xf32>
        tpu.vector_store %arg9[%swap3A_567, %swap3A_568], %swap3A_571 {add = true, strides = array<i32>} : memref<128x128xf32, #tpu.memory_space<vmem>>, vector<1x16xf32>,
        %get3A_572 = arith.index_cast %add3A_562 : i32 to index
        %get3A_573 = arith.constant 16 : index
        %get3A_574 = tpu.vector_load %arg7[%get3A_572, %get3A_573] {strides = array<i32>} : memref<128x128xf32, #tpu.memory_space<vmem>>, vector<1x16xf32>,
        %get3A_575 = vector.shape_cast %get3A_574 : vector<1x16xf32> to vector<16xf32>
        %swap3A_576 = arith.index_cast %add3A_562 : i32 to index
        %swap3A_577 = arith.constant 16 : index
        %swap3A_578 = tpu.vector_load %arg9[%swap3A_576, %swap3A_577] {strides = array<i32>} : memref<128x128xf32, #tpu.memory_space<vmem>>, vector<1x16xf32>,
        %swap3A_579 = vector.shape_cast %swap3A_578 : vector<1x16xf32> to vector<16xf32>
        %swap3A_580 = vector.shape_cast %get3A_575 : vector<16xf32> to vector<1x16xf32>
        tpu.vector_store %arg9[%swap3A_576, %swap3A_577], %swap3A_580 {add = true, strides = array<i32>} : memref<128x128xf32, #tpu.memory_space<vmem>>, vector<1x16xf32>,
        %get3A_581 = arith.index_cast %add3A_562 : i32 to index
        %get3A_582 = arith.constant 32 : index
        %get3A_583 = tpu.vector_load %arg7[%get3A_581, %get3A_582] {strides = array<i32>} : memref<128x128xf32, #tpu.memory_space<vmem>>, vector<1x16xf32>,
        %get3A_584 = vector.shape_cast %get3A_583 : vector<1x16xf32> to vector<16xf32>
        %swap3A_585 = arith.index_cast %add3A_562 : i32 to index
        %swap3A_586 = arith.constant 32 : index
        %swap3A_587 = tpu.vector_load %arg9[%swap3A_585, %swap3A_586] {strides = array<i32>} : memref<128x128xf32, #tpu.memory_space<vmem>>, vector<1x16xf32>,
        %swap3A_588 = vector.shape_cast %swap3A_587 : vector<1x16xf32> to vector<16xf32>
        %swap3A_589 = vector.shape_cast %get3A_584 : vector<16xf32> to vector<1x16xf32>
        tpu.vector_store %arg9[%swap3A_585, %swap3A_586], %swap3A_589 {add = true, strides = array<i32>} : memref<128x128xf32, #tpu.memory_space<vmem>>, vector<1x16xf32>,
        %get3A_590 = arith.index_cast %add3A_562 : i32 to index
        %get3A_591 = arith.constant 48 : index
        %get3A_592 = tpu.vector_load %arg7[%get3A_590, %get3A_591] {strides = array<i32>} : memref<128x128xf32, #tpu.memory_space<vmem>>, vector<1x16xf32>,
        %get3A_593 = vector.shape_cast %get3A_592 : vector<1x16xf32> to vector<16xf32>
        %swap3A_594 = arith.index_cast %add3A_562 : i32 to index
        %swap3A_595 = arith.constant 48 : index
        %swap3A_596 = tpu.vector_load %arg9[%swap3A_594, %swap3A_595] {strides = array<i32>} : memref<128x128xf32, #tpu.memory_space<vmem>>, vector<1x16xf32>,
        %swap3A_597 = vector.shape_cast %swap3A_596 : vector<1x16xf32> to vector<16xf32>
        %swap3A_598 = vector.shape_cast %get3A_593 : vector<16xf32> to vector<1x16xf32>
        tpu.vector_store %arg9[%swap3A_594, %swap3A_595], %swap3A_598 {add = true, strides = array<i32>} : memref<128x128xf32, #tpu.memory_space<vmem>>, vector<1x16xf32>,
        %get3A_599 = arith.index_cast %add3A_562 : i32 to index
        %get3A_600 = arith.constant 64 : index
        %get3A_601 = tpu.vector_load %arg7[%get3A_599, %get3A_600] {strides = array<i32>} : memref<128x128xf32, #tpu.memory_space<vmem>>, vector<1x16xf32>,
        %get3A_602 = vector.shape_cast %get3A_601 : vector<1x16xf32> to vector<16xf32>
        %swap3A_603 = arith.index_cast %add3A_562 : i32 to index
        %swap3A_604 = arith.constant 64 : index
        %swap3A_605 = tpu.vector_load %arg9[%swap3A_603, %swap3A_604] {strides = array<i32>} : memref<128x128xf32, #tpu.memory_space<vmem>>, vector<1x16xf32>,
        %swap3A_606 = vector.shape_cast %swap3A_605 : vector<1x16xf32> to vector<16xf32>
        %swap3A_607 = vector.shape_cast %get3A_602 : vector<16xf32> to vector<1x16xf32>
        tpu.vector_store %arg9[%swap3A_603, %swap3A_604], %swap3A_607 {add = true, strides = array<i32>} : memref<128x128xf32, #tpu.memory_space<vmem>>, vector<1x16xf32>,
        %get3A_608 = arith.index_cast %add3A_562 : i32 to index
        %get3A_609 = arith.constant 80 : index
        %get3A_610 = tpu.vector_load %arg7[%get3A_608, %get3A_609] {strides = array<i32>} : memref<128x128xf32, #tpu.memory_space<vmem>>, vector<1x16xf32>,
        %get3A_611 = vector.shape_cast %get3A_610 : vector<1x16xf32> to vector<16xf32>
        %swap3A_612 = arith.index_cast %add3A_562 : i32 to index
        %swap3A_613 = arith.constant 80 : index
        %swap3A_614 = tpu.vector_load %arg9[%swap3A_612, %swap3A_613] {strides = array<i32>} : memref<128x128xf32, #tpu.memory_space<vmem>>, vector<1x16xf32>,
        %swap3A_615 = vector.shape_cast %swap3A_614 : vector<1x16xf32> to vector<16xf32>
        %swap3A_616 = vector.shape_cast %get3A_611 : vector<16xf32> to vector<1x16xf32>
        tpu.vector_store %arg9[%swap3A_612, %swap3A_613], %swap3A_616 {add = true, strides = array<i32>} : memref<128x128xf32, #tpu.memory_space<vmem>>, vector<1x16xf32>,
        %get3A_617 = arith.index_cast %add3A_562 : i32 to index
        %get3A_618 = arith.constant 96 : index
        %get3A_619 = tpu.vector_load %arg7[%get3A_617, %get3A_618] {strides = array<i32>} : memref<128x128xf32, #tpu.memory_space<vmem>>, vector<1x16xf32>,
        %get3A_620 = vector.shape_cast %get3A_619 : vector<1x16xf32> to vector<16xf32>
        %swap3A_621 = arith.index_cast %add3A_562 : i32 to index
        %swap3A_622 = arith.constant 96 : index
        %swap3A_623 = tpu.vector_load %arg9[%swap3A_621, %swap3A_622] {strides = array<i32>} : memref<128x128xf32, #tpu.memory_space<vmem>>, vector<1x16xf32>,
        %swap3A_624 = vector.shape_cast %swap3A_623 : vector<1x16xf32> to vector<16xf32>
        %swap3A_625 = vector.shape_cast %get3A_620 : vector<16xf32> to vector<1x16xf32>
        tpu.vector_store %arg9[%swap3A_621, %swap3A_622], %swap3A_625 {add = true, strides = array<i32>} : memref<128x128xf32, #tpu.memory_space<vmem>>, vector<1x16xf32>,
        %get3A_626 = arith.index_cast %add3A_562 : i32 to index
        %get3A_627 = arith.constant 112 : index
        %get3A_628 = tpu.vector_load %arg7[%get3A_626, %get3A_627] {strides = array<i32>} : memref<128x128xf32, #tpu.memory_space<vmem>>, vector<1x16xf32>,
        %get3A_629 = vector.shape_cast %get3A_628 : vector<1x16xf32> to vector<16xf32>
        %swap3A_630 = arith.index_cast %add3A_562 : i32 to index
        %swap3A_631 = arith.constant 112 : index
        %swap3A_632 = tpu.vector_load %arg9[%swap3A_630, %swap3A_631] {strides = array<i32>} : memref<128x128xf32, #tpu.memory_space<vmem>>, vector<1x16xf32>,
        %swap3A_633 = vector.shape_cast %swap3A_632 : vector<1x16xf32> to vector<16xf32>
        %swap3A_634 = vector.shape_cast %get3A_629 : vector<16xf32> to vector<1x16xf32>
        tpu.vector_store %arg9[%swap3A_630, %swap3A_631], %swap3A_634 {add = true, strides = array<i32>} : memref<128x128xf32, #tpu.memory_space<vmem>>, vector<1x16xf32>,
        %scan3A_635 = arith.constant 6 : i32
        %scan3A_636 = arith.addi %scan3A_170, %scan3A_635 : i32
        %mul3A_637 = arith.constant 1 : i32
        %mul3A_638 = arith.muli %scan3A_636, %mul3A_637 : i32
        %add3A_639 = arith.constant 0 : i32
        %add3A_640 = arith.addi %add3A_639, %mul3A_638 : i32
        %get3A_641 = arith.index_cast %add3A_640 : i32 to index
        %get3A_642 = arith.constant 0 : index
        %get3A_643 = tpu.vector_load %arg7[%get3A_641, %get3A_642] {strides = array<i32>} : memref<128x128xf32, #tpu.memory_space<vmem>>, vector<1x16xf32>,
        %get3A_644 = vector.shape_cast %get3A_643 : vector<1x16xf32> to vector<16xf32>
        %swap3A_645 = arith.index_cast %add3A_640 : i32 to index
        %swap3A_646 = arith.constant 0 : index
        %swap3A_647 = tpu.vector_load %arg9[%swap3A_645, %swap3A_646] {strides = array<i32>} : memref<128x128xf32, #tpu.memory_space<vmem>>, vector<1x16xf32>,
        %swap3A_648 = vector.shape_cast %swap3A_647 : vector<1x16xf32> to vector<16xf32>
        %swap3A_649 = vector.shape_cast %get3A_644 : vector<16xf32> to vector<1x16xf32>
        tpu.vector_store %arg9[%swap3A_645, %swap3A_646], %swap3A_649 {add = true, strides = array<i32>} : memref<128x128xf32, #tpu.memory_space<vmem>>, vector<1x16xf32>,
        %get3A_650 = arith.index_cast %add3A_640 : i32 to index
        %get3A_651 = arith.constant 16 : index
        %get3A_652 = tpu.vector_load %arg7[%get3A_650, %get3A_651] {strides = array<i32>} : memref<128x128xf32, #tpu.memory_space<vmem>>, vector<1x16xf32>,
        %get3A_653 = vector.shape_cast %get3A_652 : vector<1x16xf32> to vector<16xf32>
        %swap3A_654 = arith.index_cast %add3A_640 : i32 to index
        %swap3A_655 = arith.constant 16 : index
        %swap3A_656 = tpu.vector_load %arg9[%swap3A_654, %swap3A_655] {strides = array<i32>} : memref<128x128xf32, #tpu.memory_space<vmem>>, vector<1x16xf32>,
        %swap3A_657 = vector.shape_cast %swap3A_656 : vector<1x16xf32> to vector<16xf32>
        %swap3A_658 = vector.shape_cast %get3A_653 : vector<16xf32> to vector<1x16xf32>
        tpu.vector_store %arg9[%swap3A_654, %swap3A_655], %swap3A_658 {add = true, strides = array<i32>} : memref<128x128xf32, #tpu.memory_space<vmem>>, vector<1x16xf32>,
        %get3A_659 = arith.index_cast %add3A_640 : i32 to index
        %get3A_660 = arith.constant 32 : index
        %get3A_661 = tpu.vector_load %arg7[%get3A_659, %get3A_660] {strides = array<i32>} : memref<128x128xf32, #tpu.memory_space<vmem>>, vector<1x16xf32>,
        %get3A_662 = vector.shape_cast %get3A_661 : vector<1x16xf32> to vector<16xf32>
        %swap3A_663 = arith.index_cast %add3A_640 : i32 to index
        %swap3A_664 = arith.constant 32 : index
        %swap3A_665 = tpu.vector_load %arg9[%swap3A_663, %swap3A_664] {strides = array<i32>} : memref<128x128xf32, #tpu.memory_space<vmem>>, vector<1x16xf32>,
        %swap3A_666 = vector.shape_cast %swap3A_665 : vector<1x16xf32> to vector<16xf32>
        %swap3A_667 = vector.shape_cast %get3A_662 : vector<16xf32> to vector<1x16xf32>
        tpu.vector_store %arg9[%swap3A_663, %swap3A_664], %swap3A_667 {add = true, strides = array<i32>} : memref<128x128xf32, #tpu.memory_space<vmem>>, vector<1x16xf32>,
        %get3A_668 = arith.index_cast %add3A_640 : i32 to index
        %get3A_669 = arith.constant 48 : index
        %get3A_670 = tpu.vector_load %arg7[%get3A_668, %get3A_669] {strides = array<i32>} : memref<128x128xf32, #tpu.memory_space<vmem>>, vector<1x16xf32>,
        %get3A_671 = vector.shape_cast %get3A_670 : vector<1x16xf32> to vector<16xf32>
        %swap3A_672 = arith.index_cast %add3A_640 : i32 to index
        %swap3A_673 = arith.constant 48 : index
        %swap3A_674 = tpu.vector_load %arg9[%swap3A_672, %swap3A_673] {strides = array<i32>} : memref<128x128xf32, #tpu.memory_space<vmem>>, vector<1x16xf32>,
        %swap3A_675 = vector.shape_cast %swap3A_674 : vector<1x16xf32> to vector<16xf32>
        %swap3A_676 = vector.shape_cast %get3A_671 : vector<16xf32> to vector<1x16xf32>
        tpu.vector_store %arg9[%swap3A_672, %swap3A_673], %swap3A_676 {add = true, strides = array<i32>} : memref<128x128xf32, #tpu.memory_space<vmem>>, vector<1x16xf32>,
        %get3A_677 = arith.index_cast %add3A_640 : i32 to index
        %get3A_678 = arith.constant 64 : index
        %get3A_679 = tpu.vector_load %arg7[%get3A_677, %get3A_678] {strides = array<i32>} : memref<128x128xf32, #tpu.memory_space<vmem>>, vector<1x16xf32>,
        %get3A_680 = vector.shape_cast %get3A_679 : vector<1x16xf32> to vector<16xf32>
        %swap3A_681 = arith.index_cast %add3A_640 : i32 to index
        %swap3A_682 = arith.constant 64 : index
        %swap3A_683 = tpu.vector_load %arg9[%swap3A_681, %swap3A_682] {strides = array<i32>} : memref<128x128xf32, #tpu.memory_space<vmem>>, vector<1x16xf32>,
        %swap3A_684 = vector.shape_cast %swap3A_683 : vector<1x16xf32> to vector<16xf32>
        %swap3A_685 = vector.shape_cast %get3A_680 : vector<16xf32> to vector<1x16xf32>
        tpu.vector_store %arg9[%swap3A_681, %swap3A_682], %swap3A_685 {add = true, strides = array<i32>} : memref<128x128xf32, #tpu.memory_space<vmem>>, vector<1x16xf32>,
        %get3A_686 = arith.index_cast %add3A_640 : i32 to index
        %get3A_687 = arith.constant 80 : index
        %get3A_688 = tpu.vector_load %arg7[%get3A_686, %get3A_687] {strides = array<i32>} : memref<128x128xf32, #tpu.memory_space<vmem>>, vector<1x16xf32>,
        %get3A_689 = vector.shape_cast %get3A_688 : vector<1x16xf32> to vector<16xf32>
        %swap3A_690 = arith.index_cast %add3A_640 : i32 to index
        %swap3A_691 = arith.constant 80 : index
        %swap3A_692 = tpu.vector_load %arg9[%swap3A_690, %swap3A_691] {strides = array<i32>} : memref<128x128xf32, #tpu.memory_space<vmem>>, vector<1x16xf32>,
        %swap3A_693 = vector.shape_cast %swap3A_692 : vector<1x16xf32> to vector<16xf32>
        %swap3A_694 = vector.shape_cast %get3A_689 : vector<16xf32> to vector<1x16xf32>
        tpu.vector_store %arg9[%swap3A_690, %swap3A_691], %swap3A_694 {add = true, strides = array<i32>} : memref<128x128xf32, #tpu.memory_space<vmem>>, vector<1x16xf32>,
        %get3A_695 = arith.index_cast %add3A_640 : i32 to index
        %get3A_696 = arith.constant 96 : index
        %get3A_697 = tpu.vector_load %arg7[%get3A_695, %get3A_696] {strides = array<i32>} : memref<128x128xf32, #tpu.memory_space<vmem>>, vector<1x16xf32>,
        %get3A_698 = vector.shape_cast %get3A_697 : vector<1x16xf32> to vector<16xf32>
        %swap3A_699 = arith.index_cast %add3A_640 : i32 to index
        %swap3A_700 = arith.constant 96 : index
        %swap3A_701 = tpu.vector_load %arg9[%swap3A_699, %swap3A_700] {strides = array<i32>} : memref<128x128xf32, #tpu.memory_space<vmem>>, vector<1x16xf32>,
        %swap3A_702 = vector.shape_cast %swap3A_701 : vector<1x16xf32> to vector<16xf32>
        %swap3A_703 = vector.shape_cast %get3A_698 : vector<16xf32> to vector<1x16xf32>
        tpu.vector_store %arg9[%swap3A_699, %swap3A_700], %swap3A_703 {add = true, strides = array<i32>} : memref<128x128xf32, #tpu.memory_space<vmem>>, vector<1x16xf32>,
        %get3A_704 = arith.index_cast %add3A_640 : i32 to index
        %get3A_705 = arith.constant 112 : index
        %get3A_706 = tpu.vector_load %arg7[%get3A_704, %get3A_705] {strides = array<i32>} : memref<128x128xf32, #tpu.memory_space<vmem>>, vector<1x16xf32>,
        %get3A_707 = vector.shape_cast %get3A_706 : vector<1x16xf32> to vector<16xf32>
        %swap3A_708 = arith.index_cast %add3A_640 : i32 to index
        %swap3A_709 = arith.constant 112 : index
        %swap3A_710 = tpu.vector_load %arg9[%swap3A_708, %swap3A_709] {strides = array<i32>} : memref<128x128xf32, #tpu.memory_space<vmem>>, vector<1x16xf32>,
        %swap3A_711 = vector.shape_cast %swap3A_710 : vector<1x16xf32> to vector<16xf32>
        %swap3A_712 = vector.shape_cast %get3A_707 : vector<16xf32> to vector<1x16xf32>
        tpu.vector_store %arg9[%swap3A_708, %swap3A_709], %swap3A_712 {add = true, strides = array<i32>} : memref<128x128xf32, #tpu.memory_space<vmem>>, vector<1x16xf32>,
        %scan3A_713 = arith.constant 7 : i32
        %scan3A_714 = arith.addi %scan3A_170, %scan3A_713 : i32
        %mul3A_715 = arith.constant 1 : i32
        %mul3A_716 = arith.muli %scan3A_714, %mul3A_715 : i32
        %add3A_717 = arith.constant 0 : i32
        %add3A_718 = arith.addi %add3A_717, %mul3A_716 : i32
        %get3A_719 = arith.index_cast %add3A_718 : i32 to index
        %get3A_720 = arith.constant 0 : index
        %get3A_721 = tpu.vector_load %arg7[%get3A_719, %get3A_720] {strides = array<i32>} : memref<128x128xf32, #tpu.memory_space<vmem>>, vector<1x16xf32>,
        %get3A_722 = vector.shape_cast %get3A_721 : vector<1x16xf32> to vector<16xf32>
        %swap3A_723 = arith.index_cast %add3A_718 : i32 to index
        %swap3A_724 = arith.constant 0 : index
        %swap3A_725 = tpu.vector_load %arg9[%swap3A_723, %swap3A_724] {strides = array<i32>} : memref<128x128xf32, #tpu.memory_space<vmem>>, vector<1x16xf32>,
        %swap3A_726 = vector.shape_cast %swap3A_725 : vector<1x16xf32> to vector<16xf32>
        %swap3A_727 = vector.shape_cast %get3A_722 : vector<16xf32> to vector<1x16xf32>
        tpu.vector_store %arg9[%swap3A_723, %swap3A_724], %swap3A_727 {add = true, strides = array<i32>} : memref<128x128xf32, #tpu.memory_space<vmem>>, vector<1x16xf32>,
        %get3A_728 = arith.index_cast %add3A_718 : i32 to index
        %get3A_729 = arith.constant 16 : index
        %get3A_730 = tpu.vector_load %arg7[%get3A_728, %get3A_729] {strides = array<i32>} : memref<128x128xf32, #tpu.memory_space<vmem>>, vector<1x16xf32>,
        %get3A_731 = vector.shape_cast %get3A_730 : vector<1x16xf32> to vector<16xf32>
        %swap3A_732 = arith.index_cast %add3A_718 : i32 to index
        %swap3A_733 = arith.constant 16 : index
        %swap3A_734 = tpu.vector_load %arg9[%swap3A_732, %swap3A_733] {strides = array<i32>} : memref<128x128xf32, #tpu.memory_space<vmem>>, vector<1x16xf32>,
        %swap3A_735 = vector.shape_cast %swap3A_734 : vector<1x16xf32> to vector<16xf32>
        %swap3A_736 = vector.shape_cast %get3A_731 : vector<16xf32> to vector<1x16xf32>
        tpu.vector_store %arg9[%swap3A_732, %swap3A_733], %swap3A_736 {add = true, strides = array<i32>} : memref<128x128xf32, #tpu.memory_space<vmem>>, vector<1x16xf32>,
        %get3A_737 = arith.index_cast %add3A_718 : i32 to index
        %get3A_738 = arith.constant 32 : index
        %get3A_739 = tpu.vector_load %arg7[%get3A_737, %get3A_738] {strides = array<i32>} : memref<128x128xf32, #tpu.memory_space<vmem>>, vector<1x16xf32>,
        %get3A_740 = vector.shape_cast %get3A_739 : vector<1x16xf32> to vector<16xf32>
        %swap3A_741 = arith.index_cast %add3A_718 : i32 to index
        %swap3A_742 = arith.constant 32 : index
        %swap3A_743 = tpu.vector_load %arg9[%swap3A_741, %swap3A_742] {strides = array<i32>} : memref<128x128xf32, #tpu.memory_space<vmem>>, vector<1x16xf32>,
        %swap3A_744 = vector.shape_cast %swap3A_743 : vector<1x16xf32> to vector<16xf32>
        %swap3A_745 = vector.shape_cast %get3A_740 : vector<16xf32> to vector<1x16xf32>
        tpu.vector_store %arg9[%swap3A_741, %swap3A_742], %swap3A_745 {add = true, strides = array<i32>} : memref<128x128xf32, #tpu.memory_space<vmem>>, vector<1x16xf32>,
        %get3A_746 = arith.index_cast %add3A_718 : i32 to index
        %get3A_747 = arith.constant 48 : index
        %get3A_748 = tpu.vector_load %arg7[%get3A_746, %get3A_747] {strides = array<i32>} : memref<128x128xf32, #tpu.memory_space<vmem>>, vector<1x16xf32>,
        %get3A_749 = vector.shape_cast %get3A_748 : vector<1x16xf32> to vector<16xf32>
        %swap3A_750 = arith.index_cast %add3A_718 : i32 to index
        %swap3A_751 = arith.constant 48 : index
        %swap3A_752 = tpu.vector_load %arg9[%swap3A_750, %swap3A_751] {strides = array<i32>} : memref<128x128xf32, #tpu.memory_space<vmem>>, vector<1x16xf32>,
        %swap3A_753 = vector.shape_cast %swap3A_752 : vector<1x16xf32> to vector<16xf32>
        %swap3A_754 = vector.shape_cast %get3A_749 : vector<16xf32> to vector<1x16xf32>
        tpu.vector_store %arg9[%swap3A_750, %swap3A_751], %swap3A_754 {add = true, strides = array<i32>} : memref<128x128xf32, #tpu.memory_space<vmem>>, vector<1x16xf32>,
        %get3A_755 = arith.index_cast %add3A_718 : i32 to index
        %get3A_756 = arith.constant 64 : index
        %get3A_757 = tpu.vector_load %arg7[%get3A_755, %get3A_756] {strides = array<i32>} : memref<128x128xf32, #tpu.memory_space<vmem>>, vector<1x16xf32>,
        %get3A_758 = vector.shape_cast %get3A_757 : vector<1x16xf32> to vector<16xf32>
        %swap3A_759 = arith.index_cast %add3A_718 : i32 to index
        %swap3A_760 = arith.constant 64 : index
        %swap3A_761 = tpu.vector_load %arg9[%swap3A_759, %swap3A_760] {strides = array<i32>} : memref<128x128xf32, #tpu.memory_space<vmem>>, vector<1x16xf32>,
        %swap3A_762 = vector.shape_cast %swap3A_761 : vector<1x16xf32> to vector<16xf32>
        %swap3A_763 = vector.shape_cast %get3A_758 : vector<16xf32> to vector<1x16xf32>
        tpu.vector_store %arg9[%swap3A_759, %swap3A_760], %swap3A_763 {add = true, strides = array<i32>} : memref<128x128xf32, #tpu.memory_space<vmem>>, vector<1x16xf32>,
        %get3A_764 = arith.index_cast %add3A_718 : i32 to index
        %get3A_765 = arith.constant 80 : index
        %get3A_766 = tpu.vector_load %arg7[%get3A_764, %get3A_765] {strides = array<i32>} : memref<128x128xf32, #tpu.memory_space<vmem>>, vector<1x16xf32>,
        %get3A_767 = vector.shape_cast %get3A_766 : vector<1x16xf32> to vector<16xf32>
        %swap3A_768 = arith.index_cast %add3A_718 : i32 to index
        %swap3A_769 = arith.constant 80 : index
        %swap3A_770 = tpu.vector_load %arg9[%swap3A_768, %swap3A_769] {strides = array<i32>} : memref<128x128xf32, #tpu.memory_space<vmem>>, vector<1x16xf32>,
        %swap3A_771 = vector.shape_cast %swap3A_770 : vector<1x16xf32> to vector<16xf32>
        %swap3A_772 = vector.shape_cast %get3A_767 : vector<16xf32> to vector<1x16xf32>
        tpu.vector_store %arg9[%swap3A_768, %swap3A_769], %swap3A_772 {add = true, strides = array<i32>} : memref<128x128xf32, #tpu.memory_space<vmem>>, vector<1x16xf32>,
        %get3A_773 = arith.index_cast %add3A_718 : i32 to index
        %get3A_774 = arith.constant 96 : index
        %get3A_775 = tpu.vector_load %arg7[%get3A_773, %get3A_774] {strides = array<i32>} : memref<128x128xf32, #tpu.memory_space<vmem>>, vector<1x16xf32>,
        %get3A_776 = vector.shape_cast %get3A_775 : vector<1x16xf32> to vector<16xf32>
        %swap3A_777 = arith.index_cast %add3A_718 : i32 to index
        %swap3A_778 = arith.constant 96 : index
        %swap3A_779 = tpu.vector_load %arg9[%swap3A_777, %swap3A_778] {strides = array<i32>} : memref<128x128xf32, #tpu.memory_space<vmem>>, vector<1x16xf32>,
        %swap3A_780 = vector.shape_cast %swap3A_779 : vector<1x16xf32> to vector<16xf32>
        %swap3A_781 = vector.shape_cast %get3A_776 : vector<16xf32> to vector<1x16xf32>
        tpu.vector_store %arg9[%swap3A_777, %swap3A_778], %swap3A_781 {add = true, strides = array<i32>} : memref<128x128xf32, #tpu.memory_space<vmem>>, vector<1x16xf32>,
        %get3A_782 = arith.index_cast %add3A_718 : i32 to index
        %get3A_783 = arith.constant 112 : index
        %get3A_784 = tpu.vector_load %arg7[%get3A_782, %get3A_783] {strides = array<i32>} : memref<128x128xf32, #tpu.memory_space<vmem>>, vector<1x16xf32>,
        %get3A_785 = vector.shape_cast %get3A_784 : vector<1x16xf32> to vector<16xf32>
        %swap3A_786 = arith.index_cast %add3A_718 : i32 to index
        %swap3A_787 = arith.constant 112 : index
        %swap3A_788 = tpu.vector_load %arg9[%swap3A_786, %swap3A_787] {strides = array<i32>} : memref<128x128xf32, #tpu.memory_space<vmem>>, vector<1x16xf32>,
        %swap3A_789 = vector.shape_cast %swap3A_788 : vector<1x16xf32> to vector<16xf32>
        %swap3A_790 = vector.shape_cast %get3A_785 : vector<16xf32> to vector<1x16xf32>
        tpu.vector_store %arg9[%swap3A_786, %swap3A_787], %swap3A_790 {add = true, strides = array<i32>} : memref<128x128xf32, #tpu.memory_space<vmem>>, vector<1x16xf32>,
      }
      %scan3A_105 = arith.constant 128 : i32
      %mul3A_106 = arith.constant 128 : i32
      %mul3A_107 = arith.muli %add3A_87, %mul3A_106 : i32
      %add3A_108 = arith.addi %mul3A_2, %mul3A_107 : i32
      %multiple_of3A_109 = tpu.assume_multiple %add3A_108, 128 : i32
      %dma_start3A_110 = arith.constant 0 : i32
      %dma_start3A_111 = tpu.memref_slice %arg5[%multiple_of3A_109, %dma_start3A_110] : memref<524288x128xf32, #tpu.memory_space<hbm>> -> memref<128x128xf32, #tpu.memory_space<hbm>>
      %dma_start3A_112 = arith.constant 0 : i32
      %dma_start3A_113 = tpu.memref_slice %arg5[%multiple_of3A_109, %dma_start3A_112] : memref<524288x128xf32, #tpu.memory_space<hbm>> -> memref<128x128xf32, #tpu.memory_space<hbm>>
      tpu.enqueue_dma source(%arg9 : memref<128x128xf32, #tpu.memory_space<vmem>>) target(%dma_start3A_113 : memref<128x128xf32, #tpu.memory_space<hbm>>) target_semaphore(%arg17 : memref<!tpu.dma_semaphore, #tpu.memory_space<semaphore_mem>>)
      %add3A_114 = arith.constant 2 : i32
      %add3A_115 = arith.addi %add3A_60, %add3A_114 : i32
      %dma_wait3A_116 = arith.constant 0 : i32
      %dma_wait3A_117 = tpu.memref_slice %arg6[%add3A_115, %dma_wait3A_116] : memref<128x128xi32, #tpu.memory_space<vmem>> -> memref<1x128xi32, #tpu.memory_space<vmem>>
      %dma_wait3A_118 = tpu.memref_squeeze %dma_wait3A_117 : memref<1x128xi32, #tpu.memory_space<vmem>> -> memref<128xi32, #tpu.memory_space<vmem>>
      %dma_wait3A_119 = arith.constant 0 : i32
      %dma_wait3A_120 = arith.constant 0 : i32
      %dma_wait3A_121 = tpu.memref_slice %arg3[%dma_wait3A_119, %dma_wait3A_120] : memref<100000x128xf32, #tpu.memory_space<hbm>> -> memref<100000x128xf32, #tpu.memory_space<hbm>>
      tpu.wait_indirect_dma semaphore(%arg14 : memref<!tpu.dma_semaphore, #tpu.memory_space<semaphore_mem>>) src(%dma_wait3A_121 : memref<100000x128xf32, #tpu.memory_space<hbm>>) dst(%arg10 : memref<128x128xf32, #tpu.memory_space<vmem>>)
      %add3A_122 = arith.constant 2 : i32
      %add3A_123 = arith.addi %add3A_115, %add3A_122 : i32
      %lt3A_124 = arith.constant 128 : i32
      %lt3A_125 = arith.cmpi slt, %add3A_123, %lt3A_124 : i32
      %convert_element_type3A_126 = arith.extui %lt3A_125 : i1 to i32
      %cond3A_127 = arith.constant 0 : i32
      %cond3A_128 = arith.cmpi ne, %convert_element_type3A_126, %cond3A_127 : i32
      scf.if %cond3A_128 {
        %ge3A = arith.constant 4 : i32
        %ge3A_170 = arith.cmpi sge, %add3A_123, %ge3A : i32
        %convert_element_type3A_171 = arith.extui %ge3A_170 : i1 to i32
        %cond3A_172 = arith.constant 0 : i32
        %cond3A_173 = arith.cmpi ne, %convert_element_type3A_171, %cond3A_172 : i32
        scf.if %cond3A_173 {
          %sub3A = arith.constant 4 : i32
          %sub3A_180 = arith.subi %add3A_123, %sub3A : i32
          %mul3A_181 = arith.constant 128 : i32
          %mul3A_182 = arith.muli %sub3A_180, %mul3A_181 : i32
          %add3A_183 = arith.addi %mul3A_2, %mul3A_182 : i32
          %multiple_of3A_184 = tpu.assume_multiple %add3A_183, 128 : i32
          %dma_wait3A_185 = arith.constant 0 : i32
          %dma_wait3A_186 = tpu.memref_slice %arg5[%multiple_of3A_184, %dma_wait3A_185] : memref<524288x128xf32, #tpu.memory_space<hbm>> -> memref<128x128xf32, #tpu.memory_space<hbm>>
          %dma_wait3A_187 = arith.constant 0 : i32
          %dma_wait3A_188 = tpu.memref_slice %arg5[%multiple_of3A_184, %dma_wait3A_187] : memref<524288x128xf32, #tpu.memory_space<hbm>> -> memref<128x128xf32, #tpu.memory_space<hbm>>
          tpu.wait_dma2 semaphore(%arg16 : memref<!tpu.dma_semaphore, #tpu.memory_space<semaphore_mem>>) src(%arg8 : memref<128x128xf32, #tpu.memory_space<vmem>>) dst(%dma_wait3A_188 : memref<128x128xf32, #tpu.memory_space<hbm>>)
        } else {
        }
        %dma_start3A_174 = arith.constant 0 : i32
        %dma_start3A_175 = tpu.memref_slice %arg6[%add3A_123, %dma_start3A_174] : memref<128x128xi32, #tpu.memory_space<vmem>> -> memref<1x128xi32, #tpu.memory_space<vmem>>
        %dma_start3A_176 = tpu.memref_squeeze %dma_start3A_175 : memref<1x128xi32, #tpu.memory_space<vmem>> -> memref<128xi32, #tpu.memory_space<vmem>>
        %dma_start3A_177 = arith.constant 0 : i32
        %dma_start3A_178 = arith.constant 0 : i32
        %dma_start3A_179 = tpu.memref_slice %arg3[%dma_start3A_177, %dma_start3A_178] : memref<100000x128xf32, #tpu.memory_space<hbm>> -> memref<100000x128xf32, #tpu.memory_space<hbm>>
        tpu.enqueue_indirect_dma source(%dma_start3A_179 : memref<100000x128xf32, #tpu.memory_space<hbm>>) target(%arg8 : memref<128x128xf32, #tpu.memory_space<vmem>>) offsets(%dma_start3A_176 : memref<128xi32, #tpu.memory_space<vmem>>) semaphore(%arg12 : memref<!tpu.dma_semaphore, #tpu.memory_space<semaphore_mem>>)
      } else {
      }
      %scan3A_129 = arith.constant 0 : i32
      %scan3A_130 = arith.constant 128 : i32
      %scan3A_131 = arith.addi %scan3A_129, %scan3A_130 : i32
      %scan3A_132 = arith.constant 8 : i32
      scf.for %scan3A_170 = %scan3A_129 to %scan3A_131 step %scan3A_132  : i32 {
        %mul3A_171 = arith.constant 1 : i32
        %mul3A_172 = arith.muli %scan3A_170, %mul3A_171 : i32
        %add3A_173 = arith.constant 0 : i32
        %add3A_174 = arith.addi %add3A_173, %mul3A_172 : i32
        %get3A = arith.index_cast %add3A_174 : i32 to index
        %get3A_175 = arith.constant 0 : index
        %get3A_176 = tpu.vector_load %arg7[%get3A, %get3A_175] {strides = array<i32>} : memref<128x128xf32, #tpu.memory_space<vmem>>, vector<1x16xf32>,
        %get3A_177 = vector.shape_cast %get3A_176 : vector<1x16xf32> to vector<16xf32>
        %swap3A = arith.index_cast %add3A_174 : i32 to index
        %swap3A_178 = arith.constant 0 : index
        %swap3A_179 = tpu.vector_load %arg10[%swap3A, %swap3A_178] {strides = array<i32>} : memref<128x128xf32, #tpu.memory_space<vmem>>, vector<1x16xf32>,
        %swap3A_180 = vector.shape_cast %swap3A_179 : vector<1x16xf32> to vector<16xf32>
        %swap3A_181 = vector.shape_cast %get3A_177 : vector<16xf32> to vector<1x16xf32>
        tpu.vector_store %arg10[%swap3A, %swap3A_178], %swap3A_181 {add = true, strides = array<i32>} : memref<128x128xf32, #tpu.memory_space<vmem>>, vector<1x16xf32>,
        %get3A_182 = arith.index_cast %add3A_174 : i32 to index
        %get3A_183 = arith.constant 16 : index
        %get3A_184 = tpu.vector_load %arg7[%get3A_182, %get3A_183] {strides = array<i32>} : memref<128x128xf32, #tpu.memory_space<vmem>>, vector<1x16xf32>,
        %get3A_185 = vector.shape_cast %get3A_184 : vector<1x16xf32> to vector<16xf32>
        %swap3A_186 = arith.index_cast %add3A_174 : i32 to index
        %swap3A_187 = arith.constant 16 : index
        %swap3A_188 = tpu.vector_load %arg10[%swap3A_186, %swap3A_187] {strides = array<i32>} : memref<128x128xf32, #tpu.memory_space<vmem>>, vector<1x16xf32>,
        %swap3A_189 = vector.shape_cast %swap3A_188 : vector<1x16xf32> to vector<16xf32>
        %swap3A_190 = vector.shape_cast %get3A_185 : vector<16xf32> to vector<1x16xf32>
        tpu.vector_store %arg10[%swap3A_186, %swap3A_187], %swap3A_190 {add = true, strides = array<i32>} : memref<128x128xf32, #tpu.memory_space<vmem>>, vector<1x16xf32>,
        %get3A_191 = arith.index_cast %add3A_174 : i32 to index
        %get3A_192 = arith.constant 32 : index
        %get3A_193 = tpu.vector_load %arg7[%get3A_191, %get3A_192] {strides = array<i32>} : memref<128x128xf32, #tpu.memory_space<vmem>>, vector<1x16xf32>,
        %get3A_194 = vector.shape_cast %get3A_193 : vector<1x16xf32> to vector<16xf32>
        %swap3A_195 = arith.index_cast %add3A_174 : i32 to index
        %swap3A_196 = arith.constant 32 : index
        %swap3A_197 = tpu.vector_load %arg10[%swap3A_195, %swap3A_196] {strides = array<i32>} : memref<128x128xf32, #tpu.memory_space<vmem>>, vector<1x16xf32>,
        %swap3A_198 = vector.shape_cast %swap3A_197 : vector<1x16xf32> to vector<16xf32>
        %swap3A_199 = vector.shape_cast %get3A_194 : vector<16xf32> to vector<1x16xf32>
        tpu.vector_store %arg10[%swap3A_195, %swap3A_196], %swap3A_199 {add = true, strides = array<i32>} : memref<128x128xf32, #tpu.memory_space<vmem>>, vector<1x16xf32>,
        %get3A_200 = arith.index_cast %add3A_174 : i32 to index
        %get3A_201 = arith.constant 48 : index
        %get3A_202 = tpu.vector_load %arg7[%get3A_200, %get3A_201] {strides = array<i32>} : memref<128x128xf32, #tpu.memory_space<vmem>>, vector<1x16xf32>,
        %get3A_203 = vector.shape_cast %get3A_202 : vector<1x16xf32> to vector<16xf32>
        %swap3A_204 = arith.index_cast %add3A_174 : i32 to index
        %swap3A_205 = arith.constant 48 : index
        %swap3A_206 = tpu.vector_load %arg10[%swap3A_204, %swap3A_205] {strides = array<i32>} : memref<128x128xf32, #tpu.memory_space<vmem>>, vector<1x16xf32>,
        %swap3A_207 = vector.shape_cast %swap3A_206 : vector<1x16xf32> to vector<16xf32>
        %swap3A_208 = vector.shape_cast %get3A_203 : vector<16xf32> to vector<1x16xf32>
        tpu.vector_store %arg10[%swap3A_204, %swap3A_205], %swap3A_208 {add = true, strides = array<i32>} : memref<128x128xf32, #tpu.memory_space<vmem>>, vector<1x16xf32>,
        %get3A_209 = arith.index_cast %add3A_174 : i32 to index
        %get3A_210 = arith.constant 64 : index
        %get3A_211 = tpu.vector_load %arg7[%get3A_209, %get3A_210] {strides = array<i32>} : memref<128x128xf32, #tpu.memory_space<vmem>>, vector<1x16xf32>,
        %get3A_212 = vector.shape_cast %get3A_211 : vector<1x16xf32> to vector<16xf32>
        %swap3A_213 = arith.index_cast %add3A_174 : i32 to index
        %swap3A_214 = arith.constant 64 : index
        %swap3A_215 = tpu.vector_load %arg10[%swap3A_213, %swap3A_214] {strides = array<i32>} : memref<128x128xf32, #tpu.memory_space<vmem>>, vector<1x16xf32>,
        %swap3A_216 = vector.shape_cast %swap3A_215 : vector<1x16xf32> to vector<16xf32>
        %swap3A_217 = vector.shape_cast %get3A_212 : vector<16xf32> to vector<1x16xf32>
        tpu.vector_store %arg10[%swap3A_213, %swap3A_214], %swap3A_217 {add = true, strides = array<i32>} : memref<128x128xf32, #tpu.memory_space<vmem>>, vector<1x16xf32>,
        %get3A_218 = arith.index_cast %add3A_174 : i32 to index
        %get3A_219 = arith.constant 80 : index
        %get3A_220 = tpu.vector_load %arg7[%get3A_218, %get3A_219] {strides = array<i32>} : memref<128x128xf32, #tpu.memory_space<vmem>>, vector<1x16xf32>,
        %get3A_221 = vector.shape_cast %get3A_220 : vector<1x16xf32> to vector<16xf32>
        %swap3A_222 = arith.index_cast %add3A_174 : i32 to index
        %swap3A_223 = arith.constant 80 : index
        %swap3A_224 = tpu.vector_load %arg10[%swap3A_222, %swap3A_223] {strides = array<i32>} : memref<128x128xf32, #tpu.memory_space<vmem>>, vector<1x16xf32>,
        %swap3A_225 = vector.shape_cast %swap3A_224 : vector<1x16xf32> to vector<16xf32>
        %swap3A_226 = vector.shape_cast %get3A_221 : vector<16xf32> to vector<1x16xf32>
        tpu.vector_store %arg10[%swap3A_222, %swap3A_223], %swap3A_226 {add = true, strides = array<i32>} : memref<128x128xf32, #tpu.memory_space<vmem>>, vector<1x16xf32>,
        %get3A_227 = arith.index_cast %add3A_174 : i32 to index
        %get3A_228 = arith.constant 96 : index
        %get3A_229 = tpu.vector_load %arg7[%get3A_227, %get3A_228] {strides = array<i32>} : memref<128x128xf32, #tpu.memory_space<vmem>>, vector<1x16xf32>,
        %get3A_230 = vector.shape_cast %get3A_229 : vector<1x16xf32> to vector<16xf32>
        %swap3A_231 = arith.index_cast %add3A_174 : i32 to index
        %swap3A_232 = arith.constant 96 : index
        %swap3A_233 = tpu.vector_load %arg10[%swap3A_231, %swap3A_232] {strides = array<i32>} : memref<128x128xf32, #tpu.memory_space<vmem>>, vector<1x16xf32>,
        %swap3A_234 = vector.shape_cast %swap3A_233 : vector<1x16xf32> to vector<16xf32>
        %swap3A_235 = vector.shape_cast %get3A_230 : vector<16xf32> to vector<1x16xf32>
        tpu.vector_store %arg10[%swap3A_231, %swap3A_232], %swap3A_235 {add = true, strides = array<i32>} : memref<128x128xf32, #tpu.memory_space<vmem>>, vector<1x16xf32>,
        %get3A_236 = arith.index_cast %add3A_174 : i32 to index
        %get3A_237 = arith.constant 112 : index
        %get3A_238 = tpu.vector_load %arg7[%get3A_236, %get3A_237] {strides = array<i32>} : memref<128x128xf32, #tpu.memory_space<vmem>>, vector<1x16xf32>,
        %get3A_239 = vector.shape_cast %get3A_238 : vector<1x16xf32> to vector<16xf32>
        %swap3A_240 = arith.index_cast %add3A_174 : i32 to index
        %swap3A_241 = arith.constant 112 : index
        %swap3A_242 = tpu.vector_load %arg10[%swap3A_240, %swap3A_241] {strides = array<i32>} : memref<128x128xf32, #tpu.memory_space<vmem>>, vector<1x16xf32>,
        %swap3A_243 = vector.shape_cast %swap3A_242 : vector<1x16xf32> to vector<16xf32>
        %swap3A_244 = vector.shape_cast %get3A_239 : vector<16xf32> to vector<1x16xf32>
        tpu.vector_store %arg10[%swap3A_240, %swap3A_241], %swap3A_244 {add = true, strides = array<i32>} : memref<128x128xf32, #tpu.memory_space<vmem>>, vector<1x16xf32>,
        %scan3A_245 = arith.constant 1 : i32
        %scan3A_246 = arith.addi %scan3A_170, %scan3A_245 : i32
        %mul3A_247 = arith.constant 1 : i32
        %mul3A_248 = arith.muli %scan3A_246, %mul3A_247 : i32
        %add3A_249 = arith.constant 0 : i32
        %add3A_250 = arith.addi %add3A_249, %mul3A_248 : i32
        %get3A_251 = arith.index_cast %add3A_250 : i32 to index
        %get3A_252 = arith.constant 0 : index
        %get3A_253 = tpu.vector_load %arg7[%get3A_251, %get3A_252] {strides = array<i32>} : memref<128x128xf32, #tpu.memory_space<vmem>>, vector<1x16xf32>,
        %get3A_254 = vector.shape_cast %get3A_253 : vector<1x16xf32> to vector<16xf32>
        %swap3A_255 = arith.index_cast %add3A_250 : i32 to index
        %swap3A_256 = arith.constant 0 : index
        %swap3A_257 = tpu.vector_load %arg10[%swap3A_255, %swap3A_256] {strides = array<i32>} : memref<128x128xf32, #tpu.memory_space<vmem>>, vector<1x16xf32>,
        %swap3A_258 = vector.shape_cast %swap3A_257 : vector<1x16xf32> to vector<16xf32>
        %swap3A_259 = vector.shape_cast %get3A_254 : vector<16xf32> to vector<1x16xf32>
        tpu.vector_store %arg10[%swap3A_255, %swap3A_256], %swap3A_259 {add = true, strides = array<i32>} : memref<128x128xf32, #tpu.memory_space<vmem>>, vector<1x16xf32>,
        %get3A_260 = arith.index_cast %add3A_250 : i32 to index
        %get3A_261 = arith.constant 16 : index
        %get3A_262 = tpu.vector_load %arg7[%get3A_260, %get3A_261] {strides = array<i32>} : memref<128x128xf32, #tpu.memory_space<vmem>>, vector<1x16xf32>,
        %get3A_263 = vector.shape_cast %get3A_262 : vector<1x16xf32> to vector<16xf32>
        %swap3A_264 = arith.index_cast %add3A_250 : i32 to index
        %swap3A_265 = arith.constant 16 : index
        %swap3A_266 = tpu.vector_load %arg10[%swap3A_264, %swap3A_265] {strides = array<i32>} : memref<128x128xf32, #tpu.memory_space<vmem>>, vector<1x16xf32>,
        %swap3A_267 = vector.shape_cast %swap3A_266 : vector<1x16xf32> to vector<16xf32>
        %swap3A_268 = vector.shape_cast %get3A_263 : vector<16xf32> to vector<1x16xf32>
        tpu.vector_store %arg10[%swap3A_264, %swap3A_265], %swap3A_268 {add = true, strides = array<i32>} : memref<128x128xf32, #tpu.memory_space<vmem>>, vector<1x16xf32>,
        %get3A_269 = arith.index_cast %add3A_250 : i32 to index
        %get3A_270 = arith.constant 32 : index
        %get3A_271 = tpu.vector_load %arg7[%get3A_269, %get3A_270] {strides = array<i32>} : memref<128x128xf32, #tpu.memory_space<vmem>>, vector<1x16xf32>,
        %get3A_272 = vector.shape_cast %get3A_271 : vector<1x16xf32> to vector<16xf32>
        %swap3A_273 = arith.index_cast %add3A_250 : i32 to index
        %swap3A_274 = arith.constant 32 : index
        %swap3A_275 = tpu.vector_load %arg10[%swap3A_273, %swap3A_274] {strides = array<i32>} : memref<128x128xf32, #tpu.memory_space<vmem>>, vector<1x16xf32>,
        %swap3A_276 = vector.shape_cast %swap3A_275 : vector<1x16xf32> to vector<16xf32>
        %swap3A_277 = vector.shape_cast %get3A_272 : vector<16xf32> to vector<1x16xf32>
        tpu.vector_store %arg10[%swap3A_273, %swap3A_274], %swap3A_277 {add = true, strides = array<i32>} : memref<128x128xf32, #tpu.memory_space<vmem>>, vector<1x16xf32>,
        %get3A_278 = arith.index_cast %add3A_250 : i32 to index
        %get3A_279 = arith.constant 48 : index
        %get3A_280 = tpu.vector_load %arg7[%get3A_278, %get3A_279] {strides = array<i32>} : memref<128x128xf32, #tpu.memory_space<vmem>>, vector<1x16xf32>,
        %get3A_281 = vector.shape_cast %get3A_280 : vector<1x16xf32> to vector<16xf32>
        %swap3A_282 = arith.index_cast %add3A_250 : i32 to index
        %swap3A_283 = arith.constant 48 : index
        %swap3A_284 = tpu.vector_load %arg10[%swap3A_282, %swap3A_283] {strides = array<i32>} : memref<128x128xf32, #tpu.memory_space<vmem>>, vector<1x16xf32>,
        %swap3A_285 = vector.shape_cast %swap3A_284 : vector<1x16xf32> to vector<16xf32>
        %swap3A_286 = vector.shape_cast %get3A_281 : vector<16xf32> to vector<1x16xf32>
        tpu.vector_store %arg10[%swap3A_282, %swap3A_283], %swap3A_286 {add = true, strides = array<i32>} : memref<128x128xf32, #tpu.memory_space<vmem>>, vector<1x16xf32>,
        %get3A_287 = arith.index_cast %add3A_250 : i32 to index
        %get3A_288 = arith.constant 64 : index
        %get3A_289 = tpu.vector_load %arg7[%get3A_287, %get3A_288] {strides = array<i32>} : memref<128x128xf32, #tpu.memory_space<vmem>>, vector<1x16xf32>,
        %get3A_290 = vector.shape_cast %get3A_289 : vector<1x16xf32> to vector<16xf32>
        %swap3A_291 = arith.index_cast %add3A_250 : i32 to index
        %swap3A_292 = arith.constant 64 : index
        %swap3A_293 = tpu.vector_load %arg10[%swap3A_291, %swap3A_292] {strides = array<i32>} : memref<128x128xf32, #tpu.memory_space<vmem>>, vector<1x16xf32>,
        %swap3A_294 = vector.shape_cast %swap3A_293 : vector<1x16xf32> to vector<16xf32>
        %swap3A_295 = vector.shape_cast %get3A_290 : vector<16xf32> to vector<1x16xf32>
        tpu.vector_store %arg10[%swap3A_291, %swap3A_292], %swap3A_295 {add = true, strides = array<i32>} : memref<128x128xf32, #tpu.memory_space<vmem>>, vector<1x16xf32>,
        %get3A_296 = arith.index_cast %add3A_250 : i32 to index
        %get3A_297 = arith.constant 80 : index
        %get3A_298 = tpu.vector_load %arg7[%get3A_296, %get3A_297] {strides = array<i32>} : memref<128x128xf32, #tpu.memory_space<vmem>>, vector<1x16xf32>,
        %get3A_299 = vector.shape_cast %get3A_298 : vector<1x16xf32> to vector<16xf32>
        %swap3A_300 = arith.index_cast %add3A_250 : i32 to index
        %swap3A_301 = arith.constant 80 : index
        %swap3A_302 = tpu.vector_load %arg10[%swap3A_300, %swap3A_301] {strides = array<i32>} : memref<128x128xf32, #tpu.memory_space<vmem>>, vector<1x16xf32>,
        %swap3A_303 = vector.shape_cast %swap3A_302 : vector<1x16xf32> to vector<16xf32>
        %swap3A_304 = vector.shape_cast %get3A_299 : vector<16xf32> to vector<1x16xf32>
        tpu.vector_store %arg10[%swap3A_300, %swap3A_301], %swap3A_304 {add = true, strides = array<i32>} : memref<128x128xf32, #tpu.memory_space<vmem>>, vector<1x16xf32>,
        %get3A_305 = arith.index_cast %add3A_250 : i32 to index
        %get3A_306 = arith.constant 96 : index
        %get3A_307 = tpu.vector_load %arg7[%get3A_305, %get3A_306] {strides = array<i32>} : memref<128x128xf32, #tpu.memory_space<vmem>>, vector<1x16xf32>,
        %get3A_308 = vector.shape_cast %get3A_307 : vector<1x16xf32> to vector<16xf32>
        %swap3A_309 = arith.index_cast %add3A_250 : i32 to index
        %swap3A_310 = arith.constant 96 : index
        %swap3A_311 = tpu.vector_load %arg10[%swap3A_309, %swap3A_310] {strides = array<i32>} : memref<128x128xf32, #tpu.memory_space<vmem>>, vector<1x16xf32>,
        %swap3A_312 = vector.shape_cast %swap3A_311 : vector<1x16xf32> to vector<16xf32>
        %swap3A_313 = vector.shape_cast %get3A_308 : vector<16xf32> to vector<1x16xf32>
        tpu.vector_store %arg10[%swap3A_309, %swap3A_310], %swap3A_313 {add = true, strides = array<i32>} : memref<128x128xf32, #tpu.memory_space<vmem>>, vector<1x16xf32>,
        %get3A_314 = arith.index_cast %add3A_250 : i32 to index
        %get3A_315 = arith.constant 112 : index
        %get3A_316 = tpu.vector_load %arg7[%get3A_314, %get3A_315] {strides = array<i32>} : memref<128x128xf32, #tpu.memory_space<vmem>>, vector<1x16xf32>,
        %get3A_317 = vector.shape_cast %get3A_316 : vector<1x16xf32> to vector<16xf32>
        %swap3A_318 = arith.index_cast %add3A_250 : i32 to index
        %swap3A_319 = arith.constant 112 : index
        %swap3A_320 = tpu.vector_load %arg10[%swap3A_318, %swap3A_319] {strides = array<i32>} : memref<128x128xf32, #tpu.memory_space<vmem>>, vector<1x16xf32>,
        %swap3A_321 = vector.shape_cast %swap3A_320 : vector<1x16xf32> to vector<16xf32>
        %swap3A_322 = vector.shape_cast %get3A_317 : vector<16xf32> to vector<1x16xf32>
        tpu.vector_store %arg10[%swap3A_318, %swap3A_319], %swap3A_322 {add = true, strides = array<i32>} : memref<128x128xf32, #tpu.memory_space<vmem>>, vector<1x16xf32>,
        %scan3A_323 = arith.constant 2 : i32
        %scan3A_324 = arith.addi %scan3A_170, %scan3A_323 : i32
        %mul3A_325 = arith.constant 1 : i32
        %mul3A_326 = arith.muli %scan3A_324, %mul3A_325 : i32
        %add3A_327 = arith.constant 0 : i32
        %add3A_328 = arith.addi %add3A_327, %mul3A_326 : i32
        %get3A_329 = arith.index_cast %add3A_328 : i32 to index
        %get3A_330 = arith.constant 0 : index
        %get3A_331 = tpu.vector_load %arg7[%get3A_329, %get3A_330] {strides = array<i32>} : memref<128x128xf32, #tpu.memory_space<vmem>>, vector<1x16xf32>,
        %get3A_332 = vector.shape_cast %get3A_331 : vector<1x16xf32> to vector<16xf32>
        %swap3A_333 = arith.index_cast %add3A_328 : i32 to index
        %swap3A_334 = arith.constant 0 : index
        %swap3A_335 = tpu.vector_load %arg10[%swap3A_333, %swap3A_334] {strides = array<i32>} : memref<128x128xf32, #tpu.memory_space<vmem>>, vector<1x16xf32>,
        %swap3A_336 = vector.shape_cast %swap3A_335 : vector<1x16xf32> to vector<16xf32>
        %swap3A_337 = vector.shape_cast %get3A_332 : vector<16xf32> to vector<1x16xf32>
        tpu.vector_store %arg10[%swap3A_333, %swap3A_334], %swap3A_337 {add = true, strides = array<i32>} : memref<128x128xf32, #tpu.memory_space<vmem>>, vector<1x16xf32>,
        %get3A_338 = arith.index_cast %add3A_328 : i32 to index
        %get3A_339 = arith.constant 16 : index
        %get3A_340 = tpu.vector_load %arg7[%get3A_338, %get3A_339] {strides = array<i32>} : memref<128x128xf32, #tpu.memory_space<vmem>>, vector<1x16xf32>,
        %get3A_341 = vector.shape_cast %get3A_340 : vector<1x16xf32> to vector<16xf32>
        %swap3A_342 = arith.index_cast %add3A_328 : i32 to index
        %swap3A_343 = arith.constant 16 : index
        %swap3A_344 = tpu.vector_load %arg10[%swap3A_342, %swap3A_343] {strides = array<i32>} : memref<128x128xf32, #tpu.memory_space<vmem>>, vector<1x16xf32>,
        %swap3A_345 = vector.shape_cast %swap3A_344 : vector<1x16xf32> to vector<16xf32>
        %swap3A_346 = vector.shape_cast %get3A_341 : vector<16xf32> to vector<1x16xf32>
        tpu.vector_store %arg10[%swap3A_342, %swap3A_343], %swap3A_346 {add = true, strides = array<i32>} : memref<128x128xf32, #tpu.memory_space<vmem>>, vector<1x16xf32>,
        %get3A_347 = arith.index_cast %add3A_328 : i32 to index
        %get3A_348 = arith.constant 32 : index
        %get3A_349 = tpu.vector_load %arg7[%get3A_347, %get3A_348] {strides = array<i32>} : memref<128x128xf32, #tpu.memory_space<vmem>>, vector<1x16xf32>,
        %get3A_350 = vector.shape_cast %get3A_349 : vector<1x16xf32> to vector<16xf32>
        %swap3A_351 = arith.index_cast %add3A_328 : i32 to index
        %swap3A_352 = arith.constant 32 : index
        %swap3A_353 = tpu.vector_load %arg10[%swap3A_351, %swap3A_352] {strides = array<i32>} : memref<128x128xf32, #tpu.memory_space<vmem>>, vector<1x16xf32>,
        %swap3A_354 = vector.shape_cast %swap3A_353 : vector<1x16xf32> to vector<16xf32>
        %swap3A_355 = vector.shape_cast %get3A_350 : vector<16xf32> to vector<1x16xf32>
        tpu.vector_store %arg10[%swap3A_351, %swap3A_352], %swap3A_355 {add = true, strides = array<i32>} : memref<128x128xf32, #tpu.memory_space<vmem>>, vector<1x16xf32>,
        %get3A_356 = arith.index_cast %add3A_328 : i32 to index
        %get3A_357 = arith.constant 48 : index
        %get3A_358 = tpu.vector_load %arg7[%get3A_356, %get3A_357] {strides = array<i32>} : memref<128x128xf32, #tpu.memory_space<vmem>>, vector<1x16xf32>,
        %get3A_359 = vector.shape_cast %get3A_358 : vector<1x16xf32> to vector<16xf32>
        %swap3A_360 = arith.index_cast %add3A_328 : i32 to index
        %swap3A_361 = arith.constant 48 : index
        %swap3A_362 = tpu.vector_load %arg10[%swap3A_360, %swap3A_361] {strides = array<i32>} : memref<128x128xf32, #tpu.memory_space<vmem>>, vector<1x16xf32>,
        %swap3A_363 = vector.shape_cast %swap3A_362 : vector<1x16xf32> to vector<16xf32>
        %swap3A_364 = vector.shape_cast %get3A_359 : vector<16xf32> to vector<1x16xf32>
        tpu.vector_store %arg10[%swap3A_360, %swap3A_361], %swap3A_364 {add = true, strides = array<i32>} : memref<128x128xf32, #tpu.memory_space<vmem>>, vector<1x16xf32>,
        %get3A_365 = arith.index_cast %add3A_328 : i32 to index
        %get3A_366 = arith.constant 64 : index
        %get3A_367 = tpu.vector_load %arg7[%get3A_365, %get3A_366] {strides = array<i32>} : memref<128x128xf32, #tpu.memory_space<vmem>>, vector<1x16xf32>,
        %get3A_368 = vector.shape_cast %get3A_367 : vector<1x16xf32> to vector<16xf32>
        %swap3A_369 = arith.index_cast %add3A_328 : i32 to index
        %swap3A_370 = arith.constant 64 : index
        %swap3A_371 = tpu.vector_load %arg10[%swap3A_369, %swap3A_370] {strides = array<i32>} : memref<128x128xf32, #tpu.memory_space<vmem>>, vector<1x16xf32>,
        %swap3A_372 = vector.shape_cast %swap3A_371 : vector<1x16xf32> to vector<16xf32>
        %swap3A_373 = vector.shape_cast %get3A_368 : vector<16xf32> to vector<1x16xf32>
        tpu.vector_store %arg10[%swap3A_369, %swap3A_370], %swap3A_373 {add = true, strides = array<i32>} : memref<128x128xf32, #tpu.memory_space<vmem>>, vector<1x16xf32>,
        %get3A_374 = arith.index_cast %add3A_328 : i32 to index
        %get3A_375 = arith.constant 80 : index
        %get3A_376 = tpu.vector_load %arg7[%get3A_374, %get3A_375] {strides = array<i32>} : memref<128x128xf32, #tpu.memory_space<vmem>>, vector<1x16xf32>,
        %get3A_377 = vector.shape_cast %get3A_376 : vector<1x16xf32> to vector<16xf32>
        %swap3A_378 = arith.index_cast %add3A_328 : i32 to index
        %swap3A_379 = arith.constant 80 : index
        %swap3A_380 = tpu.vector_load %arg10[%swap3A_378, %swap3A_379] {strides = array<i32>} : memref<128x128xf32, #tpu.memory_space<vmem>>, vector<1x16xf32>,
        %swap3A_381 = vector.shape_cast %swap3A_380 : vector<1x16xf32> to vector<16xf32>
        %swap3A_382 = vector.shape_cast %get3A_377 : vector<16xf32> to vector<1x16xf32>
        tpu.vector_store %arg10[%swap3A_378, %swap3A_379], %swap3A_382 {add = true, strides = array<i32>} : memref<128x128xf32, #tpu.memory_space<vmem>>, vector<1x16xf32>,
        %get3A_383 = arith.index_cast %add3A_328 : i32 to index
        %get3A_384 = arith.constant 96 : index
        %get3A_385 = tpu.vector_load %arg7[%get3A_383, %get3A_384] {strides = array<i32>} : memref<128x128xf32, #tpu.memory_space<vmem>>, vector<1x16xf32>,
        %get3A_386 = vector.shape_cast %get3A_385 : vector<1x16xf32> to vector<16xf32>
        %swap3A_387 = arith.index_cast %add3A_328 : i32 to index
        %swap3A_388 = arith.constant 96 : index
        %swap3A_389 = tpu.vector_load %arg10[%swap3A_387, %swap3A_388] {strides = array<i32>} : memref<128x128xf32, #tpu.memory_space<vmem>>, vector<1x16xf32>,
        %swap3A_390 = vector.shape_cast %swap3A_389 : vector<1x16xf32> to vector<16xf32>
        %swap3A_391 = vector.shape_cast %get3A_386 : vector<16xf32> to vector<1x16xf32>
        tpu.vector_store %arg10[%swap3A_387, %swap3A_388], %swap3A_391 {add = true, strides = array<i32>} : memref<128x128xf32, #tpu.memory_space<vmem>>, vector<1x16xf32>,
        %get3A_392 = arith.index_cast %add3A_328 : i32 to index
        %get3A_393 = arith.constant 112 : index
        %get3A_394 = tpu.vector_load %arg7[%get3A_392, %get3A_393] {strides = array<i32>} : memref<128x128xf32, #tpu.memory_space<vmem>>, vector<1x16xf32>,
        %get3A_395 = vector.shape_cast %get3A_394 : vector<1x16xf32> to vector<16xf32>
        %swap3A_396 = arith.index_cast %add3A_328 : i32 to index
        %swap3A_397 = arith.constant 112 : index
        %swap3A_398 = tpu.vector_load %arg10[%swap3A_396, %swap3A_397] {strides = array<i32>} : memref<128x128xf32, #tpu.memory_space<vmem>>, vector<1x16xf32>,
        %swap3A_399 = vector.shape_cast %swap3A_398 : vector<1x16xf32> to vector<16xf32>
        %swap3A_400 = vector.shape_cast %get3A_395 : vector<16xf32> to vector<1x16xf32>
        tpu.vector_store %arg10[%swap3A_396, %swap3A_397], %swap3A_400 {add = true, strides = array<i32>} : memref<128x128xf32, #tpu.memory_space<vmem>>, vector<1x16xf32>,
        %scan3A_401 = arith.constant 3 : i32
        %scan3A_402 = arith.addi %scan3A_170, %scan3A_401 : i32
        %mul3A_403 = arith.constant 1 : i32
        %mul3A_404 = arith.muli %scan3A_402, %mul3A_403 : i32
        %add3A_405 = arith.constant 0 : i32
        %add3A_406 = arith.addi %add3A_405, %mul3A_404 : i32
        %get3A_407 = arith.index_cast %add3A_406 : i32 to index
        %get3A_408 = arith.constant 0 : index
        %get3A_409 = tpu.vector_load %arg7[%get3A_407, %get3A_408] {strides = array<i32>} : memref<128x128xf32, #tpu.memory_space<vmem>>, vector<1x16xf32>,
        %get3A_410 = vector.shape_cast %get3A_409 : vector<1x16xf32> to vector<16xf32>
        %swap3A_411 = arith.index_cast %add3A_406 : i32 to index
        %swap3A_412 = arith.constant 0 : index
        %swap3A_413 = tpu.vector_load %arg10[%swap3A_411, %swap3A_412] {strides = array<i32>} : memref<128x128xf32, #tpu.memory_space<vmem>>, vector<1x16xf32>,
        %swap3A_414 = vector.shape_cast %swap3A_413 : vector<1x16xf32> to vector<16xf32>
        %swap3A_415 = vector.shape_cast %get3A_410 : vector<16xf32> to vector<1x16xf32>
        tpu.vector_store %arg10[%swap3A_411, %swap3A_412], %swap3A_415 {add = true, strides = array<i32>} : memref<128x128xf32, #tpu.memory_space<vmem>>, vector<1x16xf32>,
        %get3A_416 = arith.index_cast %add3A_406 : i32 to index
        %get3A_417 = arith.constant 16 : index
        %get3A_418 = tpu.vector_load %arg7[%get3A_416, %get3A_417] {strides = array<i32>} : memref<128x128xf32, #tpu.memory_space<vmem>>, vector<1x16xf32>,
        %get3A_419 = vector.shape_cast %get3A_418 : vector<1x16xf32> to vector<16xf32>
        %swap3A_420 = arith.index_cast %add3A_406 : i32 to index
        %swap3A_421 = arith.constant 16 : index
        %swap3A_422 = tpu.vector_load %arg10[%swap3A_420, %swap3A_421] {strides = array<i32>} : memref<128x128xf32, #tpu.memory_space<vmem>>, vector<1x16xf32>,
        %swap3A_423 = vector.shape_cast %swap3A_422 : vector<1x16xf32> to vector<16xf32>
        %swap3A_424 = vector.shape_cast %get3A_419 : vector<16xf32> to vector<1x16xf32>
        tpu.vector_store %arg10[%swap3A_420, %swap3A_421], %swap3A_424 {add = true, strides = array<i32>} : memref<128x128xf32, #tpu.memory_space<vmem>>, vector<1x16xf32>,
        %get3A_425 = arith.index_cast %add3A_406 : i32 to index
        %get3A_426 = arith.constant 32 : index
        %get3A_427 = tpu.vector_load %arg7[%get3A_425, %get3A_426] {strides = array<i32>} : memref<128x128xf32, #tpu.memory_space<vmem>>, vector<1x16xf32>,
        %get3A_428 = vector.shape_cast %get3A_427 : vector<1x16xf32> to vector<16xf32>
        %swap3A_429 = arith.index_cast %add3A_406 : i32 to index
        %swap3A_430 = arith.constant 32 : index
        %swap3A_431 = tpu.vector_load %arg10[%swap3A_429, %swap3A_430] {strides = array<i32>} : memref<128x128xf32, #tpu.memory_space<vmem>>, vector<1x16xf32>,
        %swap3A_432 = vector.shape_cast %swap3A_431 : vector<1x16xf32> to vector<16xf32>
        %swap3A_433 = vector.shape_cast %get3A_428 : vector<16xf32> to vector<1x16xf32>
        tpu.vector_store %arg10[%swap3A_429, %swap3A_430], %swap3A_433 {add = true, strides = array<i32>} : memref<128x128xf32, #tpu.memory_space<vmem>>, vector<1x16xf32>,
        %get3A_434 = arith.index_cast %add3A_406 : i32 to index
        %get3A_435 = arith.constant 48 : index
        %get3A_436 = tpu.vector_load %arg7[%get3A_434, %get3A_435] {strides = array<i32>} : memref<128x128xf32, #tpu.memory_space<vmem>>, vector<1x16xf32>,
        %get3A_437 = vector.shape_cast %get3A_436 : vector<1x16xf32> to vector<16xf32>
        %swap3A_438 = arith.index_cast %add3A_406 : i32 to index
        %swap3A_439 = arith.constant 48 : index
        %swap3A_440 = tpu.vector_load %arg10[%swap3A_438, %swap3A_439] {strides = array<i32>} : memref<128x128xf32, #tpu.memory_space<vmem>>, vector<1x16xf32>,
        %swap3A_441 = vector.shape_cast %swap3A_440 : vector<1x16xf32> to vector<16xf32>
        %swap3A_442 = vector.shape_cast %get3A_437 : vector<16xf32> to vector<1x16xf32>
        tpu.vector_store %arg10[%swap3A_438, %swap3A_439], %swap3A_442 {add = true, strides = array<i32>} : memref<128x128xf32, #tpu.memory_space<vmem>>, vector<1x16xf32>,
        %get3A_443 = arith.index_cast %add3A_406 : i32 to index
        %get3A_444 = arith.constant 64 : index
        %get3A_445 = tpu.vector_load %arg7[%get3A_443, %get3A_444] {strides = array<i32>} : memref<128x128xf32, #tpu.memory_space<vmem>>, vector<1x16xf32>,
        %get3A_446 = vector.shape_cast %get3A_445 : vector<1x16xf32> to vector<16xf32>
        %swap3A_447 = arith.index_cast %add3A_406 : i32 to index
        %swap3A_448 = arith.constant 64 : index
        %swap3A_449 = tpu.vector_load %arg10[%swap3A_447, %swap3A_448] {strides = array<i32>} : memref<128x128xf32, #tpu.memory_space<vmem>>, vector<1x16xf32>,
        %swap3A_450 = vector.shape_cast %swap3A_449 : vector<1x16xf32> to vector<16xf32>
        %swap3A_451 = vector.shape_cast %get3A_446 : vector<16xf32> to vector<1x16xf32>
        tpu.vector_store %arg10[%swap3A_447, %swap3A_448], %swap3A_451 {add = true, strides = array<i32>} : memref<128x128xf32, #tpu.memory_space<vmem>>, vector<1x16xf32>,
        %get3A_452 = arith.index_cast %add3A_406 : i32 to index
        %get3A_453 = arith.constant 80 : index
        %get3A_454 = tpu.vector_load %arg7[%get3A_452, %get3A_453] {strides = array<i32>} : memref<128x128xf32, #tpu.memory_space<vmem>>, vector<1x16xf32>,
        %get3A_455 = vector.shape_cast %get3A_454 : vector<1x16xf32> to vector<16xf32>
        %swap3A_456 = arith.index_cast %add3A_406 : i32 to index
        %swap3A_457 = arith.constant 80 : index
        %swap3A_458 = tpu.vector_load %arg10[%swap3A_456, %swap3A_457] {strides = array<i32>} : memref<128x128xf32, #tpu.memory_space<vmem>>, vector<1x16xf32>,
        %swap3A_459 = vector.shape_cast %swap3A_458 : vector<1x16xf32> to vector<16xf32>
        %swap3A_460 = vector.shape_cast %get3A_455 : vector<16xf32> to vector<1x16xf32>
        tpu.vector_store %arg10[%swap3A_456, %swap3A_457], %swap3A_460 {add = true, strides = array<i32>} : memref<128x128xf32, #tpu.memory_space<vmem>>, vector<1x16xf32>,
        %get3A_461 = arith.index_cast %add3A_406 : i32 to index
        %get3A_462 = arith.constant 96 : index
        %get3A_463 = tpu.vector_load %arg7[%get3A_461, %get3A_462] {strides = array<i32>} : memref<128x128xf32, #tpu.memory_space<vmem>>, vector<1x16xf32>,
        %get3A_464 = vector.shape_cast %get3A_463 : vector<1x16xf32> to vector<16xf32>
        %swap3A_465 = arith.index_cast %add3A_406 : i32 to index
        %swap3A_466 = arith.constant 96 : index
        %swap3A_467 = tpu.vector_load %arg10[%swap3A_465, %swap3A_466] {strides = array<i32>} : memref<128x128xf32, #tpu.memory_space<vmem>>, vector<1x16xf32>,
        %swap3A_468 = vector.shape_cast %swap3A_467 : vector<1x16xf32> to vector<16xf32>
        %swap3A_469 = vector.shape_cast %get3A_464 : vector<16xf32> to vector<1x16xf32>
        tpu.vector_store %arg10[%swap3A_465, %swap3A_466], %swap3A_469 {add = true, strides = array<i32>} : memref<128x128xf32, #tpu.memory_space<vmem>>, vector<1x16xf32>,
        %get3A_470 = arith.index_cast %add3A_406 : i32 to index
        %get3A_471 = arith.constant 112 : index
        %get3A_472 = tpu.vector_load %arg7[%get3A_470, %get3A_471] {strides = array<i32>} : memref<128x128xf32, #tpu.memory_space<vmem>>, vector<1x16xf32>,
        %get3A_473 = vector.shape_cast %get3A_472 : vector<1x16xf32> to vector<16xf32>
        %swap3A_474 = arith.index_cast %add3A_406 : i32 to index
        %swap3A_475 = arith.constant 112 : index
        %swap3A_476 = tpu.vector_load %arg10[%swap3A_474, %swap3A_475] {strides = array<i32>} : memref<128x128xf32, #tpu.memory_space<vmem>>, vector<1x16xf32>,
        %swap3A_477 = vector.shape_cast %swap3A_476 : vector<1x16xf32> to vector<16xf32>
        %swap3A_478 = vector.shape_cast %get3A_473 : vector<16xf32> to vector<1x16xf32>
        tpu.vector_store %arg10[%swap3A_474, %swap3A_475], %swap3A_478 {add = true, strides = array<i32>} : memref<128x128xf32, #tpu.memory_space<vmem>>, vector<1x16xf32>,
        %scan3A_479 = arith.constant 4 : i32
        %scan3A_480 = arith.addi %scan3A_170, %scan3A_479 : i32
        %mul3A_481 = arith.constant 1 : i32
        %mul3A_482 = arith.muli %scan3A_480, %mul3A_481 : i32
        %add3A_483 = arith.constant 0 : i32
        %add3A_484 = arith.addi %add3A_483, %mul3A_482 : i32
        %get3A_485 = arith.index_cast %add3A_484 : i32 to index
        %get3A_486 = arith.constant 0 : index
        %get3A_487 = tpu.vector_load %arg7[%get3A_485, %get3A_486] {strides = array<i32>} : memref<128x128xf32, #tpu.memory_space<vmem>>, vector<1x16xf32>,
        %get3A_488 = vector.shape_cast %get3A_487 : vector<1x16xf32> to vector<16xf32>
        %swap3A_489 = arith.index_cast %add3A_484 : i32 to index
        %swap3A_490 = arith.constant 0 : index
        %swap3A_491 = tpu.vector_load %arg10[%swap3A_489, %swap3A_490] {strides = array<i32>} : memref<128x128xf32, #tpu.memory_space<vmem>>, vector<1x16xf32>,
        %swap3A_492 = vector.shape_cast %swap3A_491 : vector<1x16xf32> to vector<16xf32>
        %swap3A_493 = vector.shape_cast %get3A_488 : vector<16xf32> to vector<1x16xf32>
        tpu.vector_store %arg10[%swap3A_489, %swap3A_490], %swap3A_493 {add = true, strides = array<i32>} : memref<128x128xf32, #tpu.memory_space<vmem>>, vector<1x16xf32>,
        %get3A_494 = arith.index_cast %add3A_484 : i32 to index
        %get3A_495 = arith.constant 16 : index
        %get3A_496 = tpu.vector_load %arg7[%get3A_494, %get3A_495] {strides = array<i32>} : memref<128x128xf32, #tpu.memory_space<vmem>>, vector<1x16xf32>,
        %get3A_497 = vector.shape_cast %get3A_496 : vector<1x16xf32> to vector<16xf32>
        %swap3A_498 = arith.index_cast %add3A_484 : i32 to index
        %swap3A_499 = arith.constant 16 : index
        %swap3A_500 = tpu.vector_load %arg10[%swap3A_498, %swap3A_499] {strides = array<i32>} : memref<128x128xf32, #tpu.memory_space<vmem>>, vector<1x16xf32>,
        %swap3A_501 = vector.shape_cast %swap3A_500 : vector<1x16xf32> to vector<16xf32>
        %swap3A_502 = vector.shape_cast %get3A_497 : vector<16xf32> to vector<1x16xf32>
        tpu.vector_store %arg10[%swap3A_498, %swap3A_499], %swap3A_502 {add = true, strides = array<i32>} : memref<128x128xf32, #tpu.memory_space<vmem>>, vector<1x16xf32>,
        %get3A_503 = arith.index_cast %add3A_484 : i32 to index
        %get3A_504 = arith.constant 32 : index
        %get3A_505 = tpu.vector_load %arg7[%get3A_503, %get3A_504] {strides = array<i32>} : memref<128x128xf32, #tpu.memory_space<vmem>>, vector<1x16xf32>,
        %get3A_506 = vector.shape_cast %get3A_505 : vector<1x16xf32> to vector<16xf32>
        %swap3A_507 = arith.index_cast %add3A_484 : i32 to index
        %swap3A_508 = arith.constant 32 : index
        %swap3A_509 = tpu.vector_load %arg10[%swap3A_507, %swap3A_508] {strides = array<i32>} : memref<128x128xf32, #tpu.memory_space<vmem>>, vector<1x16xf32>,
        %swap3A_510 = vector.shape_cast %swap3A_509 : vector<1x16xf32> to vector<16xf32>
        %swap3A_511 = vector.shape_cast %get3A_506 : vector<16xf32> to vector<1x16xf32>
        tpu.vector_store %arg10[%swap3A_507, %swap3A_508], %swap3A_511 {add = true, strides = array<i32>} : memref<128x128xf32, #tpu.memory_space<vmem>>, vector<1x16xf32>,
        %get3A_512 = arith.index_cast %add3A_484 : i32 to index
        %get3A_513 = arith.constant 48 : index
        %get3A_514 = tpu.vector_load %arg7[%get3A_512, %get3A_513] {strides = array<i32>} : memref<128x128xf32, #tpu.memory_space<vmem>>, vector<1x16xf32>,
        %get3A_515 = vector.shape_cast %get3A_514 : vector<1x16xf32> to vector<16xf32>
        %swap3A_516 = arith.index_cast %add3A_484 : i32 to index
        %swap3A_517 = arith.constant 48 : index
        %swap3A_518 = tpu.vector_load %arg10[%swap3A_516, %swap3A_517] {strides = array<i32>} : memref<128x128xf32, #tpu.memory_space<vmem>>, vector<1x16xf32>,
        %swap3A_519 = vector.shape_cast %swap3A_518 : vector<1x16xf32> to vector<16xf32>
        %swap3A_520 = vector.shape_cast %get3A_515 : vector<16xf32> to vector<1x16xf32>
        tpu.vector_store %arg10[%swap3A_516, %swap3A_517], %swap3A_520 {add = true, strides = array<i32>} : memref<128x128xf32, #tpu.memory_space<vmem>>, vector<1x16xf32>,
        %get3A_521 = arith.index_cast %add3A_484 : i32 to index
        %get3A_522 = arith.constant 64 : index
        %get3A_523 = tpu.vector_load %arg7[%get3A_521, %get3A_522] {strides = array<i32>} : memref<128x128xf32, #tpu.memory_space<vmem>>, vector<1x16xf32>,
        %get3A_524 = vector.shape_cast %get3A_523 : vector<1x16xf32> to vector<16xf32>
        %swap3A_525 = arith.index_cast %add3A_484 : i32 to index
        %swap3A_526 = arith.constant 64 : index
        %swap3A_527 = tpu.vector_load %arg10[%swap3A_525, %swap3A_526] {strides = array<i32>} : memref<128x128xf32, #tpu.memory_space<vmem>>, vector<1x16xf32>,
        %swap3A_528 = vector.shape_cast %swap3A_527 : vector<1x16xf32> to vector<16xf32>
        %swap3A_529 = vector.shape_cast %get3A_524 : vector<16xf32> to vector<1x16xf32>
        tpu.vector_store %arg10[%swap3A_525, %swap3A_526], %swap3A_529 {add = true, strides = array<i32>} : memref<128x128xf32, #tpu.memory_space<vmem>>, vector<1x16xf32>,
        %get3A_530 = arith.index_cast %add3A_484 : i32 to index
        %get3A_531 = arith.constant 80 : index
        %get3A_532 = tpu.vector_load %arg7[%get3A_530, %get3A_531] {strides = array<i32>} : memref<128x128xf32, #tpu.memory_space<vmem>>, vector<1x16xf32>,
        %get3A_533 = vector.shape_cast %get3A_532 : vector<1x16xf32> to vector<16xf32>
        %swap3A_534 = arith.index_cast %add3A_484 : i32 to index
        %swap3A_535 = arith.constant 80 : index
        %swap3A_536 = tpu.vector_load %arg10[%swap3A_534, %swap3A_535] {strides = array<i32>} : memref<128x128xf32, #tpu.memory_space<vmem>>, vector<1x16xf32>,
        %swap3A_537 = vector.shape_cast %swap3A_536 : vector<1x16xf32> to vector<16xf32>
        %swap3A_538 = vector.shape_cast %get3A_533 : vector<16xf32> to vector<1x16xf32>
        tpu.vector_store %arg10[%swap3A_534, %swap3A_535], %swap3A_538 {add = true, strides = array<i32>} : memref<128x128xf32, #tpu.memory_space<vmem>>, vector<1x16xf32>,
        %get3A_539 = arith.index_cast %add3A_484 : i32 to index
        %get3A_540 = arith.constant 96 : index
        %get3A_541 = tpu.vector_load %arg7[%get3A_539, %get3A_540] {strides = array<i32>} : memref<128x128xf32, #tpu.memory_space<vmem>>, vector<1x16xf32>,
        %get3A_542 = vector.shape_cast %get3A_541 : vector<1x16xf32> to vector<16xf32>
        %swap3A_543 = arith.index_cast %add3A_484 : i32 to index
        %swap3A_544 = arith.constant 96 : index
        %swap3A_545 = tpu.vector_load %arg10[%swap3A_543, %swap3A_544] {strides = array<i32>} : memref<128x128xf32, #tpu.memory_space<vmem>>, vector<1x16xf32>,
        %swap3A_546 = vector.shape_cast %swap3A_545 : vector<1x16xf32> to vector<16xf32>
        %swap3A_547 = vector.shape_cast %get3A_542 : vector<16xf32> to vector<1x16xf32>
        tpu.vector_store %arg10[%swap3A_543, %swap3A_544], %swap3A_547 {add = true, strides = array<i32>} : memref<128x128xf32, #tpu.memory_space<vmem>>, vector<1x16xf32>,
        %get3A_548 = arith.index_cast %add3A_484 : i32 to index
        %get3A_549 = arith.constant 112 : index
        %get3A_550 = tpu.vector_load %arg7[%get3A_548, %get3A_549] {strides = array<i32>} : memref<128x128xf32, #tpu.memory_space<vmem>>, vector<1x16xf32>,
        %get3A_551 = vector.shape_cast %get3A_550 : vector<1x16xf32> to vector<16xf32>
        %swap3A_552 = arith.index_cast %add3A_484 : i32 to index
        %swap3A_553 = arith.constant 112 : index
        %swap3A_554 = tpu.vector_load %arg10[%swap3A_552, %swap3A_553] {strides = array<i32>} : memref<128x128xf32, #tpu.memory_space<vmem>>, vector<1x16xf32>,
        %swap3A_555 = vector.shape_cast %swap3A_554 : vector<1x16xf32> to vector<16xf32>
        %swap3A_556 = vector.shape_cast %get3A_551 : vector<16xf32> to vector<1x16xf32>
        tpu.vector_store %arg10[%swap3A_552, %swap3A_553], %swap3A_556 {add = true, strides = array<i32>} : memref<128x128xf32, #tpu.memory_space<vmem>>, vector<1x16xf32>,
        %scan3A_557 = arith.constant 5 : i32
        %scan3A_558 = arith.addi %scan3A_170, %scan3A_557 : i32
        %mul3A_559 = arith.constant 1 : i32
        %mul3A_560 = arith.muli %scan3A_558, %mul3A_559 : i32
        %add3A_561 = arith.constant 0 : i32
        %add3A_562 = arith.addi %add3A_561, %mul3A_560 : i32
        %get3A_563 = arith.index_cast %add3A_562 : i32 to index
        %get3A_564 = arith.constant 0 : index
        %get3A_565 = tpu.vector_load %arg7[%get3A_563, %get3A_564] {strides = array<i32>} : memref<128x128xf32, #tpu.memory_space<vmem>>, vector<1x16xf32>,
        %get3A_566 = vector.shape_cast %get3A_565 : vector<1x16xf32> to vector<16xf32>
        %swap3A_567 = arith.index_cast %add3A_562 : i32 to index
        %swap3A_568 = arith.constant 0 : index
        %swap3A_569 = tpu.vector_load %arg10[%swap3A_567, %swap3A_568] {strides = array<i32>} : memref<128x128xf32, #tpu.memory_space<vmem>>, vector<1x16xf32>,
        %swap3A_570 = vector.shape_cast %swap3A_569 : vector<1x16xf32> to vector<16xf32>
        %swap3A_571 = vector.shape_cast %get3A_566 : vector<16xf32> to vector<1x16xf32>
        tpu.vector_store %arg10[%swap3A_567, %swap3A_568], %swap3A_571 {add = true, strides = array<i32>} : memref<128x128xf32, #tpu.memory_space<vmem>>, vector<1x16xf32>,
        %get3A_572 = arith.index_cast %add3A_562 : i32 to index
        %get3A_573 = arith.constant 16 : index
        %get3A_574 = tpu.vector_load %arg7[%get3A_572, %get3A_573] {strides = array<i32>} : memref<128x128xf32, #tpu.memory_space<vmem>>, vector<1x16xf32>,
        %get3A_575 = vector.shape_cast %get3A_574 : vector<1x16xf32> to vector<16xf32>
        %swap3A_576 = arith.index_cast %add3A_562 : i32 to index
        %swap3A_577 = arith.constant 16 : index
        %swap3A_578 = tpu.vector_load %arg10[%swap3A_576, %swap3A_577] {strides = array<i32>} : memref<128x128xf32, #tpu.memory_space<vmem>>, vector<1x16xf32>,
        %swap3A_579 = vector.shape_cast %swap3A_578 : vector<1x16xf32> to vector<16xf32>
        %swap3A_580 = vector.shape_cast %get3A_575 : vector<16xf32> to vector<1x16xf32>
        tpu.vector_store %arg10[%swap3A_576, %swap3A_577], %swap3A_580 {add = true, strides = array<i32>} : memref<128x128xf32, #tpu.memory_space<vmem>>, vector<1x16xf32>,
        %get3A_581 = arith.index_cast %add3A_562 : i32 to index
        %get3A_582 = arith.constant 32 : index
        %get3A_583 = tpu.vector_load %arg7[%get3A_581, %get3A_582] {strides = array<i32>} : memref<128x128xf32, #tpu.memory_space<vmem>>, vector<1x16xf32>,
        %get3A_584 = vector.shape_cast %get3A_583 : vector<1x16xf32> to vector<16xf32>
        %swap3A_585 = arith.index_cast %add3A_562 : i32 to index
        %swap3A_586 = arith.constant 32 : index
        %swap3A_587 = tpu.vector_load %arg10[%swap3A_585, %swap3A_586] {strides = array<i32>} : memref<128x128xf32, #tpu.memory_space<vmem>>, vector<1x16xf32>,
        %swap3A_588 = vector.shape_cast %swap3A_587 : vector<1x16xf32> to vector<16xf32>
        %swap3A_589 = vector.shape_cast %get3A_584 : vector<16xf32> to vector<1x16xf32>
        tpu.vector_store %arg10[%swap3A_585, %swap3A_586], %swap3A_589 {add = true, strides = array<i32>} : memref<128x128xf32, #tpu.memory_space<vmem>>, vector<1x16xf32>,
        %get3A_590 = arith.index_cast %add3A_562 : i32 to index
        %get3A_591 = arith.constant 48 : index
        %get3A_592 = tpu.vector_load %arg7[%get3A_590, %get3A_591] {strides = array<i32>} : memref<128x128xf32, #tpu.memory_space<vmem>>, vector<1x16xf32>,
        %get3A_593 = vector.shape_cast %get3A_592 : vector<1x16xf32> to vector<16xf32>
        %swap3A_594 = arith.index_cast %add3A_562 : i32 to index
        %swap3A_595 = arith.constant 48 : index
        %swap3A_596 = tpu.vector_load %arg10[%swap3A_594, %swap3A_595] {strides = array<i32>} : memref<128x128xf32, #tpu.memory_space<vmem>>, vector<1x16xf32>,
        %swap3A_597 = vector.shape_cast %swap3A_596 : vector<1x16xf32> to vector<16xf32>
        %swap3A_598 = vector.shape_cast %get3A_593 : vector<16xf32> to vector<1x16xf32>
        tpu.vector_store %arg10[%swap3A_594, %swap3A_595], %swap3A_598 {add = true, strides = array<i32>} : memref<128x128xf32, #tpu.memory_space<vmem>>, vector<1x16xf32>,
        %get3A_599 = arith.index_cast %add3A_562 : i32 to index
        %get3A_600 = arith.constant 64 : index
        %get3A_601 = tpu.vector_load %arg7[%get3A_599, %get3A_600] {strides = array<i32>} : memref<128x128xf32, #tpu.memory_space<vmem>>, vector<1x16xf32>,
        %get3A_602 = vector.shape_cast %get3A_601 : vector<1x16xf32> to vector<16xf32>
        %swap3A_603 = arith.index_cast %add3A_562 : i32 to index
        %swap3A_604 = arith.constant 64 : index
        %swap3A_605 = tpu.vector_load %arg10[%swap3A_603, %swap3A_604] {strides = array<i32>} : memref<128x128xf32, #tpu.memory_space<vmem>>, vector<1x16xf32>,
        %swap3A_606 = vector.shape_cast %swap3A_605 : vector<1x16xf32> to vector<16xf32>
        %swap3A_607 = vector.shape_cast %get3A_602 : vector<16xf32> to vector<1x16xf32>
        tpu.vector_store %arg10[%swap3A_603, %swap3A_604], %swap3A_607 {add = true, strides = array<i32>} : memref<128x128xf32, #tpu.memory_space<vmem>>, vector<1x16xf32>,
        %get3A_608 = arith.index_cast %add3A_562 : i32 to index
        %get3A_609 = arith.constant 80 : index
        %get3A_610 = tpu.vector_load %arg7[%get3A_608, %get3A_609] {strides = array<i32>} : memref<128x128xf32, #tpu.memory_space<vmem>>, vector<1x16xf32>,
        %get3A_611 = vector.shape_cast %get3A_610 : vector<1x16xf32> to vector<16xf32>
        %swap3A_612 = arith.index_cast %add3A_562 : i32 to index
        %swap3A_613 = arith.constant 80 : index
        %swap3A_614 = tpu.vector_load %arg10[%swap3A_612, %swap3A_613] {strides = array<i32>} : memref<128x128xf32, #tpu.memory_space<vmem>>, vector<1x16xf32>,
        %swap3A_615 = vector.shape_cast %swap3A_614 : vector<1x16xf32> to vector<16xf32>
        %swap3A_616 = vector.shape_cast %get3A_611 : vector<16xf32> to vector<1x16xf32>
        tpu.vector_store %arg10[%swap3A_612, %swap3A_613], %swap3A_616 {add = true, strides = array<i32>} : memref<128x128xf32, #tpu.memory_space<vmem>>, vector<1x16xf32>,
        %get3A_617 = arith.index_cast %add3A_562 : i32 to index
        %get3A_618 = arith.constant 96 : index
        %get3A_619 = tpu.vector_load %arg7[%get3A_617, %get3A_618] {strides = array<i32>} : memref<128x128xf32, #tpu.memory_space<vmem>>, vector<1x16xf32>,
        %get3A_620 = vector.shape_cast %get3A_619 : vector<1x16xf32> to vector<16xf32>
        %swap3A_621 = arith.index_cast %add3A_562 : i32 to index
        %swap3A_622 = arith.constant 96 : index
        %swap3A_623 = tpu.vector_load %arg10[%swap3A_621, %swap3A_622] {strides = array<i32>} : memref<128x128xf32, #tpu.memory_space<vmem>>, vector<1x16xf32>,
        %swap3A_624 = vector.shape_cast %swap3A_623 : vector<1x16xf32> to vector<16xf32>
        %swap3A_625 = vector.shape_cast %get3A_620 : vector<16xf32> to vector<1x16xf32>
        tpu.vector_store %arg10[%swap3A_621, %swap3A_622], %swap3A_625 {add = true, strides = array<i32>} : memref<128x128xf32, #tpu.memory_space<vmem>>, vector<1x16xf32>,
        %get3A_626 = arith.index_cast %add3A_562 : i32 to index
        %get3A_627 = arith.constant 112 : index
        %get3A_628 = tpu.vector_load %arg7[%get3A_626, %get3A_627] {strides = array<i32>} : memref<128x128xf32, #tpu.memory_space<vmem>>, vector<1x16xf32>,
        %get3A_629 = vector.shape_cast %get3A_628 : vector<1x16xf32> to vector<16xf32>
        %swap3A_630 = arith.index_cast %add3A_562 : i32 to index
        %swap3A_631 = arith.constant 112 : index
        %swap3A_632 = tpu.vector_load %arg10[%swap3A_630, %swap3A_631] {strides = array<i32>} : memref<128x128xf32, #tpu.memory_space<vmem>>, vector<1x16xf32>,
        %swap3A_633 = vector.shape_cast %swap3A_632 : vector<1x16xf32> to vector<16xf32>
        %swap3A_634 = vector.shape_cast %get3A_629 : vector<16xf32> to vector<1x16xf32>
        tpu.vector_store %arg10[%swap3A_630, %swap3A_631], %swap3A_634 {add = true, strides = array<i32>} : memref<128x128xf32, #tpu.memory_space<vmem>>, vector<1x16xf32>,
        %scan3A_635 = arith.constant 6 : i32
        %scan3A_636 = arith.addi %scan3A_170, %scan3A_635 : i32
        %mul3A_637 = arith.constant 1 : i32
        %mul3A_638 = arith.muli %scan3A_636, %mul3A_637 : i32
        %add3A_639 = arith.constant 0 : i32
        %add3A_640 = arith.addi %add3A_639, %mul3A_638 : i32
        %get3A_641 = arith.index_cast %add3A_640 : i32 to index
        %get3A_642 = arith.constant 0 : index
        %get3A_643 = tpu.vector_load %arg7[%get3A_641, %get3A_642] {strides = array<i32>} : memref<128x128xf32, #tpu.memory_space<vmem>>, vector<1x16xf32>,
        %get3A_644 = vector.shape_cast %get3A_643 : vector<1x16xf32> to vector<16xf32>
        %swap3A_645 = arith.index_cast %add3A_640 : i32 to index
        %swap3A_646 = arith.constant 0 : index
        %swap3A_647 = tpu.vector_load %arg10[%swap3A_645, %swap3A_646] {strides = array<i32>} : memref<128x128xf32, #tpu.memory_space<vmem>>, vector<1x16xf32>,
        %swap3A_648 = vector.shape_cast %swap3A_647 : vector<1x16xf32> to vector<16xf32>
        %swap3A_649 = vector.shape_cast %get3A_644 : vector<16xf32> to vector<1x16xf32>
        tpu.vector_store %arg10[%swap3A_645, %swap3A_646], %swap3A_649 {add = true, strides = array<i32>} : memref<128x128xf32, #tpu.memory_space<vmem>>, vector<1x16xf32>,
        %get3A_650 = arith.index_cast %add3A_640 : i32 to index
        %get3A_651 = arith.constant 16 : index
        %get3A_652 = tpu.vector_load %arg7[%get3A_650, %get3A_651] {strides = array<i32>} : memref<128x128xf32, #tpu.memory_space<vmem>>, vector<1x16xf32>,
        %get3A_653 = vector.shape_cast %get3A_652 : vector<1x16xf32> to vector<16xf32>
        %swap3A_654 = arith.index_cast %add3A_640 : i32 to index
        %swap3A_655 = arith.constant 16 : index
        %swap3A_656 = tpu.vector_load %arg10[%swap3A_654, %swap3A_655] {strides = array<i32>} : memref<128x128xf32, #tpu.memory_space<vmem>>, vector<1x16xf32>,
        %swap3A_657 = vector.shape_cast %swap3A_656 : vector<1x16xf32> to vector<16xf32>
        %swap3A_658 = vector.shape_cast %get3A_653 : vector<16xf32> to vector<1x16xf32>
        tpu.vector_store %arg10[%swap3A_654, %swap3A_655], %swap3A_658 {add = true, strides = array<i32>} : memref<128x128xf32, #tpu.memory_space<vmem>>, vector<1x16xf32>,
        %get3A_659 = arith.index_cast %add3A_640 : i32 to index
        %get3A_660 = arith.constant 32 : index
        %get3A_661 = tpu.vector_load %arg7[%get3A_659, %get3A_660] {strides = array<i32>} : memref<128x128xf32, #tpu.memory_space<vmem>>, vector<1x16xf32>,
        %get3A_662 = vector.shape_cast %get3A_661 : vector<1x16xf32> to vector<16xf32>
        %swap3A_663 = arith.index_cast %add3A_640 : i32 to index
        %swap3A_664 = arith.constant 32 : index
        %swap3A_665 = tpu.vector_load %arg10[%swap3A_663, %swap3A_664] {strides = array<i32>} : memref<128x128xf32, #tpu.memory_space<vmem>>, vector<1x16xf32>,
        %swap3A_666 = vector.shape_cast %swap3A_665 : vector<1x16xf32> to vector<16xf32>
        %swap3A_667 = vector.shape_cast %get3A_662 : vector<16xf32> to vector<1x16xf32>
        tpu.vector_store %arg10[%swap3A_663, %swap3A_664], %swap3A_667 {add = true, strides = array<i32>} : memref<128x128xf32, #tpu.memory_space<vmem>>, vector<1x16xf32>,
        %get3A_668 = arith.index_cast %add3A_640 : i32 to index
        %get3A_669 = arith.constant 48 : index
        %get3A_670 = tpu.vector_load %arg7[%get3A_668, %get3A_669] {strides = array<i32>} : memref<128x128xf32, #tpu.memory_space<vmem>>, vector<1x16xf32>,
        %get3A_671 = vector.shape_cast %get3A_670 : vector<1x16xf32> to vector<16xf32>
        %swap3A_672 = arith.index_cast %add3A_640 : i32 to index
        %swap3A_673 = arith.constant 48 : index
        %swap3A_674 = tpu.vector_load %arg10[%swap3A_672, %swap3A_673] {strides = array<i32>} : memref<128x128xf32, #tpu.memory_space<vmem>>, vector<1x16xf32>,
        %swap3A_675 = vector.shape_cast %swap3A_674 : vector<1x16xf32> to vector<16xf32>
        %swap3A_676 = vector.shape_cast %get3A_671 : vector<16xf32> to vector<1x16xf32>
        tpu.vector_store %arg10[%swap3A_672, %swap3A_673], %swap3A_676 {add = true, strides = array<i32>} : memref<128x128xf32, #tpu.memory_space<vmem>>, vector<1x16xf32>,
        %get3A_677 = arith.index_cast %add3A_640 : i32 to index
        %get3A_678 = arith.constant 64 : index
        %get3A_679 = tpu.vector_load %arg7[%get3A_677, %get3A_678] {strides = array<i32>} : memref<128x128xf32, #tpu.memory_space<vmem>>, vector<1x16xf32>,
        %get3A_680 = vector.shape_cast %get3A_679 : vector<1x16xf32> to vector<16xf32>
        %swap3A_681 = arith.index_cast %add3A_640 : i32 to index
        %swap3A_682 = arith.constant 64 : index
        %swap3A_683 = tpu.vector_load %arg10[%swap3A_681, %swap3A_682] {strides = array<i32>} : memref<128x128xf32, #tpu.memory_space<vmem>>, vector<1x16xf32>,
        %swap3A_684 = vector.shape_cast %swap3A_683 : vector<1x16xf32> to vector<16xf32>
        %swap3A_685 = vector.shape_cast %get3A_680 : vector<16xf32> to vector<1x16xf32>
        tpu.vector_store %arg10[%swap3A_681, %swap3A_682], %swap3A_685 {add = true, strides = array<i32>} : memref<128x128xf32, #tpu.memory_space<vmem>>, vector<1x16xf32>,
        %get3A_686 = arith.index_cast %add3A_640 : i32 to index
        %get3A_687 = arith.constant 80 : index
        %get3A_688 = tpu.vector_load %arg7[%get3A_686, %get3A_687] {strides = array<i32>} : memref<128x128xf32, #tpu.memory_space<vmem>>, vector<1x16xf32>,
        %get3A_689 = vector.shape_cast %get3A_688 : vector<1x16xf32> to vector<16xf32>
        %swap3A_690 = arith.index_cast %add3A_640 : i32 to index
        %swap3A_691 = arith.constant 80 : index
        %swap3A_692 = tpu.vector_load %arg10[%swap3A_690, %swap3A_691] {strides = array<i32>} : memref<128x128xf32, #tpu.memory_space<vmem>>, vector<1x16xf32>,
        %swap3A_693 = vector.shape_cast %swap3A_692 : vector<1x16xf32> to vector<16xf32>
        %swap3A_694 = vector.shape_cast %get3A_689 : vector<16xf32> to vector<1x16xf32>
        tpu.vector_store %arg10[%swap3A_690, %swap3A_691], %swap3A_694 {add = true, strides = array<i32>} : memref<128x128xf32, #tpu.memory_space<vmem>>, vector<1x16xf32>,
        %get3A_695 = arith.index_cast %add3A_640 : i32 to index
        %get3A_696 = arith.constant 96 : index
        %get3A_697 = tpu.vector_load %arg7[%get3A_695, %get3A_696] {strides = array<i32>} : memref<128x128xf32, #tpu.memory_space<vmem>>, vector<1x16xf32>,
        %get3A_698 = vector.shape_cast %get3A_697 : vector<1x16xf32> to vector<16xf32>
        %swap3A_699 = arith.index_cast %add3A_640 : i32 to index
        %swap3A_700 = arith.constant 96 : index
        %swap3A_701 = tpu.vector_load %arg10[%swap3A_699, %swap3A_700] {strides = array<i32>} : memref<128x128xf32, #tpu.memory_space<vmem>>, vector<1x16xf32>,
        %swap3A_702 = vector.shape_cast %swap3A_701 : vector<1x16xf32> to vector<16xf32>
        %swap3A_703 = vector.shape_cast %get3A_698 : vector<16xf32> to vector<1x16xf32>
        tpu.vector_store %arg10[%swap3A_699, %swap3A_700], %swap3A_703 {add = true, strides = array<i32>} : memref<128x128xf32, #tpu.memory_space<vmem>>, vector<1x16xf32>,
        %get3A_704 = arith.index_cast %add3A_640 : i32 to index
        %get3A_705 = arith.constant 112 : index
        %get3A_706 = tpu.vector_load %arg7[%get3A_704, %get3A_705] {strides = array<i32>} : memref<128x128xf32, #tpu.memory_space<vmem>>, vector<1x16xf32>,
        %get3A_707 = vector.shape_cast %get3A_706 : vector<1x16xf32> to vector<16xf32>
        %swap3A_708 = arith.index_cast %add3A_640 : i32 to index
        %swap3A_709 = arith.constant 112 : index
        %swap3A_710 = tpu.vector_load %arg10[%swap3A_708, %swap3A_709] {strides = array<i32>} : memref<128x128xf32, #tpu.memory_space<vmem>>, vector<1x16xf32>,
        %swap3A_711 = vector.shape_cast %swap3A_710 : vector<1x16xf32> to vector<16xf32>
        %swap3A_712 = vector.shape_cast %get3A_707 : vector<16xf32> to vector<1x16xf32>
        tpu.vector_store %arg10[%swap3A_708, %swap3A_709], %swap3A_712 {add = true, strides = array<i32>} : memref<128x128xf32, #tpu.memory_space<vmem>>, vector<1x16xf32>,
        %scan3A_713 = arith.constant 7 : i32
        %scan3A_714 = arith.addi %scan3A_170, %scan3A_713 : i32
        %mul3A_715 = arith.constant 1 : i32
        %mul3A_716 = arith.muli %scan3A_714, %mul3A_715 : i32
        %add3A_717 = arith.constant 0 : i32
        %add3A_718 = arith.addi %add3A_717, %mul3A_716 : i32
        %get3A_719 = arith.index_cast %add3A_718 : i32 to index
        %get3A_720 = arith.constant 0 : index
        %get3A_721 = tpu.vector_load %arg7[%get3A_719, %get3A_720] {strides = array<i32>} : memref<128x128xf32, #tpu.memory_space<vmem>>, vector<1x16xf32>,
        %get3A_722 = vector.shape_cast %get3A_721 : vector<1x16xf32> to vector<16xf32>
        %swap3A_723 = arith.index_cast %add3A_718 : i32 to index
        %swap3A_724 = arith.constant 0 : index
        %swap3A_725 = tpu.vector_load %arg10[%swap3A_723, %swap3A_724] {strides = array<i32>} : memref<128x128xf32, #tpu.memory_space<vmem>>, vector<1x16xf32>,
        %swap3A_726 = vector.shape_cast %swap3A_725 : vector<1x16xf32> to vector<16xf32>
        %swap3A_727 = vector.shape_cast %get3A_722 : vector<16xf32> to vector<1x16xf32>
        tpu.vector_store %arg10[%swap3A_723, %swap3A_724], %swap3A_727 {add = true, strides = array<i32>} : memref<128x128xf32, #tpu.memory_space<vmem>>, vector<1x16xf32>,
        %get3A_728 = arith.index_cast %add3A_718 : i32 to index
        %get3A_729 = arith.constant 16 : index
        %get3A_730 = tpu.vector_load %arg7[%get3A_728, %get3A_729] {strides = array<i32>} : memref<128x128xf32, #tpu.memory_space<vmem>>, vector<1x16xf32>,
        %get3A_731 = vector.shape_cast %get3A_730 : vector<1x16xf32> to vector<16xf32>
        %swap3A_732 = arith.index_cast %add3A_718 : i32 to index
        %swap3A_733 = arith.constant 16 : index
        %swap3A_734 = tpu.vector_load %arg10[%swap3A_732, %swap3A_733] {strides = array<i32>} : memref<128x128xf32, #tpu.memory_space<vmem>>, vector<1x16xf32>,
        %swap3A_735 = vector.shape_cast %swap3A_734 : vector<1x16xf32> to vector<16xf32>
        %swap3A_736 = vector.shape_cast %get3A_731 : vector<16xf32> to vector<1x16xf32>
        tpu.vector_store %arg10[%swap3A_732, %swap3A_733], %swap3A_736 {add = true, strides = array<i32>} : memref<128x128xf32, #tpu.memory_space<vmem>>, vector<1x16xf32>,
        %get3A_737 = arith.index_cast %add3A_718 : i32 to index
        %get3A_738 = arith.constant 32 : index
        %get3A_739 = tpu.vector_load %arg7[%get3A_737, %get3A_738] {strides = array<i32>} : memref<128x128xf32, #tpu.memory_space<vmem>>, vector<1x16xf32>,
        %get3A_740 = vector.shape_cast %get3A_739 : vector<1x16xf32> to vector<16xf32>
        %swap3A_741 = arith.index_cast %add3A_718 : i32 to index
        %swap3A_742 = arith.constant 32 : index
        %swap3A_743 = tpu.vector_load %arg10[%swap3A_741, %swap3A_742] {strides = array<i32>} : memref<128x128xf32, #tpu.memory_space<vmem>>, vector<1x16xf32>,
        %swap3A_744 = vector.shape_cast %swap3A_743 : vector<1x16xf32> to vector<16xf32>
        %swap3A_745 = vector.shape_cast %get3A_740 : vector<16xf32> to vector<1x16xf32>
        tpu.vector_store %arg10[%swap3A_741, %swap3A_742], %swap3A_745 {add = true, strides = array<i32>} : memref<128x128xf32, #tpu.memory_space<vmem>>, vector<1x16xf32>,
        %get3A_746 = arith.index_cast %add3A_718 : i32 to index
        %get3A_747 = arith.constant 48 : index
        %get3A_748 = tpu.vector_load %arg7[%get3A_746, %get3A_747] {strides = array<i32>} : memref<128x128xf32, #tpu.memory_space<vmem>>, vector<1x16xf32>,
        %get3A_749 = vector.shape_cast %get3A_748 : vector<1x16xf32> to vector<16xf32>
        %swap3A_750 = arith.index_cast %add3A_718 : i32 to index
        %swap3A_751 = arith.constant 48 : index
        %swap3A_752 = tpu.vector_load %arg10[%swap3A_750, %swap3A_751] {strides = array<i32>} : memref<128x128xf32, #tpu.memory_space<vmem>>, vector<1x16xf32>,
        %swap3A_753 = vector.shape_cast %swap3A_752 : vector<1x16xf32> to vector<16xf32>
        %swap3A_754 = vector.shape_cast %get3A_749 : vector<16xf32> to vector<1x16xf32>
        tpu.vector_store %arg10[%swap3A_750, %swap3A_751], %swap3A_754 {add = true, strides = array<i32>} : memref<128x128xf32, #tpu.memory_space<vmem>>, vector<1x16xf32>,
        %get3A_755 = arith.index_cast %add3A_718 : i32 to index
        %get3A_756 = arith.constant 64 : index
        %get3A_757 = tpu.vector_load %arg7[%get3A_755, %get3A_756] {strides = array<i32>} : memref<128x128xf32, #tpu.memory_space<vmem>>, vector<1x16xf32>,
        %get3A_758 = vector.shape_cast %get3A_757 : vector<1x16xf32> to vector<16xf32>
        %swap3A_759 = arith.index_cast %add3A_718 : i32 to index
        %swap3A_760 = arith.constant 64 : index
        %swap3A_761 = tpu.vector_load %arg10[%swap3A_759, %swap3A_760] {strides = array<i32>} : memref<128x128xf32, #tpu.memory_space<vmem>>, vector<1x16xf32>,
        %swap3A_762 = vector.shape_cast %swap3A_761 : vector<1x16xf32> to vector<16xf32>
        %swap3A_763 = vector.shape_cast %get3A_758 : vector<16xf32> to vector<1x16xf32>
        tpu.vector_store %arg10[%swap3A_759, %swap3A_760], %swap3A_763 {add = true, strides = array<i32>} : memref<128x128xf32, #tpu.memory_space<vmem>>, vector<1x16xf32>,
        %get3A_764 = arith.index_cast %add3A_718 : i32 to index
        %get3A_765 = arith.constant 80 : index
        %get3A_766 = tpu.vector_load %arg7[%get3A_764, %get3A_765] {strides = array<i32>} : memref<128x128xf32, #tpu.memory_space<vmem>>, vector<1x16xf32>,
        %get3A_767 = vector.shape_cast %get3A_766 : vector<1x16xf32> to vector<16xf32>
        %swap3A_768 = arith.index_cast %add3A_718 : i32 to index
        %swap3A_769 = arith.constant 80 : index
        %swap3A_770 = tpu.vector_load %arg10[%swap3A_768, %swap3A_769] {strides = array<i32>} : memref<128x128xf32, #tpu.memory_space<vmem>>, vector<1x16xf32>,
        %swap3A_771 = vector.shape_cast %swap3A_770 : vector<1x16xf32> to vector<16xf32>
        %swap3A_772 = vector.shape_cast %get3A_767 : vector<16xf32> to vector<1x16xf32>
        tpu.vector_store %arg10[%swap3A_768, %swap3A_769], %swap3A_772 {add = true, strides = array<i32>} : memref<128x128xf32, #tpu.memory_space<vmem>>, vector<1x16xf32>,
        %get3A_773 = arith.index_cast %add3A_718 : i32 to index
        %get3A_774 = arith.constant 96 : index
        %get3A_775 = tpu.vector_load %arg7[%get3A_773, %get3A_774] {strides = array<i32>} : memref<128x128xf32, #tpu.memory_space<vmem>>, vector<1x16xf32>,
        %get3A_776 = vector.shape_cast %get3A_775 : vector<1x16xf32> to vector<16xf32>
        %swap3A_777 = arith.index_cast %add3A_718 : i32 to index
        %swap3A_778 = arith.constant 96 : index
        %swap3A_779 = tpu.vector_load %arg10[%swap3A_777, %swap3A_778] {strides = array<i32>} : memref<128x128xf32, #tpu.memory_space<vmem>>, vector<1x16xf32>,
        %swap3A_780 = vector.shape_cast %swap3A_779 : vector<1x16xf32> to vector<16xf32>
        %swap3A_781 = vector.shape_cast %get3A_776 : vector<16xf32> to vector<1x16xf32>
        tpu.vector_store %arg10[%swap3A_777, %swap3A_778], %swap3A_781 {add = true, strides = array<i32>} : memref<128x128xf32, #tpu.memory_space<vmem>>, vector<1x16xf32>,
        %get3A_782 = arith.index_cast %add3A_718 : i32 to index
        %get3A_783 = arith.constant 112 : index
        %get3A_784 = tpu.vector_load %arg7[%get3A_782, %get3A_783] {strides = array<i32>} : memref<128x128xf32, #tpu.memory_space<vmem>>, vector<1x16xf32>,
        %get3A_785 = vector.shape_cast %get3A_784 : vector<1x16xf32> to vector<16xf32>
        %swap3A_786 = arith.index_cast %add3A_718 : i32 to index
        %swap3A_787 = arith.constant 112 : index
        %swap3A_788 = tpu.vector_load %arg10[%swap3A_786, %swap3A_787] {strides = array<i32>} : memref<128x128xf32, #tpu.memory_space<vmem>>, vector<1x16xf32>,
        %swap3A_789 = vector.shape_cast %swap3A_788 : vector<1x16xf32> to vector<16xf32>
        %swap3A_790 = vector.shape_cast %get3A_785 : vector<16xf32> to vector<1x16xf32>
        tpu.vector_store %arg10[%swap3A_786, %swap3A_787], %swap3A_790 {add = true, strides = array<i32>} : memref<128x128xf32, #tpu.memory_space<vmem>>, vector<1x16xf32>,
      }
      %scan3A_133 = arith.constant 128 : i32
      %mul3A_134 = arith.constant 128 : i32
      %mul3A_135 = arith.muli %add3A_115, %mul3A_134 : i32
      %add3A_136 = arith.addi %mul3A_2, %mul3A_135 : i32
      %multiple_of3A_137 = tpu.assume_multiple %add3A_136, 128 : i32
      %dma_start3A_138 = arith.constant 0 : i32
      %dma_start3A_139 = tpu.memref_slice %arg5[%multiple_of3A_137, %dma_start3A_138] : memref<524288x128xf32, #tpu.memory_space<hbm>> -> memref<128x128xf32, #tpu.memory_space<hbm>>
      %dma_start3A_140 = arith.constant 0 : i32
      %dma_start3A_141 = tpu.memref_slice %arg5[%multiple_of3A_137, %dma_start3A_140] : memref<524288x128xf32, #tpu.memory_space<hbm>> -> memref<128x128xf32, #tpu.memory_space<hbm>>
      tpu.enqueue_dma source(%arg10 : memref<128x128xf32, #tpu.memory_space<vmem>>) target(%dma_start3A_141 : memref<128x128xf32, #tpu.memory_space<hbm>>) target_semaphore(%arg18 : memref<!tpu.dma_semaphore, #tpu.memory_space<semaphore_mem>>)
      %add3A_142 = arith.constant 3 : i32
      %add3A_143 = arith.addi %add3A_60, %add3A_142 : i32
      %dma_wait3A_144 = arith.constant 0 : i32
      %dma_wait3A_145 = tpu.memref_slice %arg6[%add3A_143, %dma_wait3A_144] : memref<128x128xi32, #tpu.memory_space<vmem>> -> memref<1x128xi32, #tpu.memory_space<vmem>>
      %dma_wait3A_146 = tpu.memref_squeeze %dma_wait3A_145 : memref<1x128xi32, #tpu.memory_space<vmem>> -> memref<128xi32, #tpu.memory_space<vmem>>
      %dma_wait3A_147 = arith.constant 0 : i32
      %dma_wait3A_148 = arith.constant 0 : i32
      %dma_wait3A_149 = tpu.memref_slice %arg3[%dma_wait3A_147, %dma_wait3A_148] : memref<100000x128xf32, #tpu.memory_space<hbm>> -> memref<100000x128xf32, #tpu.memory_space<hbm>>
      tpu.wait_indirect_dma semaphore(%arg15 : memref<!tpu.dma_semaphore, #tpu.memory_space<semaphore_mem>>) src(%dma_wait3A_149 : memref<100000x128xf32, #tpu.memory_space<hbm>>) dst(%arg11 : memref<128x128xf32, #tpu.memory_space<vmem>>)
      %add3A_150 = arith.constant 2 : i32
      %add3A_151 = arith.addi %add3A_143, %add3A_150 : i32
      %lt3A_152 = arith.constant 128 : i32
      %lt3A_153 = arith.cmpi slt, %add3A_151, %lt3A_152 : i32
      %convert_element_type3A_154 = arith.extui %lt3A_153 : i1 to i32
      %cond3A_155 = arith.constant 0 : i32
      %cond3A_156 = arith.cmpi ne, %convert_element_type3A_154, %cond3A_155 : i32
      scf.if %cond3A_156 {
        %ge3A = arith.constant 4 : i32
        %ge3A_170 = arith.cmpi sge, %add3A_151, %ge3A : i32
        %convert_element_type3A_171 = arith.extui %ge3A_170 : i1 to i32
        %cond3A_172 = arith.constant 0 : i32
        %cond3A_173 = arith.cmpi ne, %convert_element_type3A_171, %cond3A_172 : i32
        scf.if %cond3A_173 {
          %sub3A = arith.constant 4 : i32
          %sub3A_180 = arith.subi %add3A_151, %sub3A : i32
          %mul3A_181 = arith.constant 128 : i32
          %mul3A_182 = arith.muli %sub3A_180, %mul3A_181 : i32
          %add3A_183 = arith.addi %mul3A_2, %mul3A_182 : i32
          %multiple_of3A_184 = tpu.assume_multiple %add3A_183, 128 : i32
          %dma_wait3A_185 = arith.constant 0 : i32
          %dma_wait3A_186 = tpu.memref_slice %arg5[%multiple_of3A_184, %dma_wait3A_185] : memref<524288x128xf32, #tpu.memory_space<hbm>> -> memref<128x128xf32, #tpu.memory_space<hbm>>
          %dma_wait3A_187 = arith.constant 0 : i32
          %dma_wait3A_188 = tpu.memref_slice %arg5[%multiple_of3A_184, %dma_wait3A_187] : memref<524288x128xf32, #tpu.memory_space<hbm>> -> memref<128x128xf32, #tpu.memory_space<hbm>>
          tpu.wait_dma2 semaphore(%arg17 : memref<!tpu.dma_semaphore, #tpu.memory_space<semaphore_mem>>) src(%arg9 : memref<128x128xf32, #tpu.memory_space<vmem>>) dst(%dma_wait3A_188 : memref<128x128xf32, #tpu.memory_space<hbm>>)
        } else {
        }
        %dma_start3A_174 = arith.constant 0 : i32
        %dma_start3A_175 = tpu.memref_slice %arg6[%add3A_151, %dma_start3A_174] : memref<128x128xi32, #tpu.memory_space<vmem>> -> memref<1x128xi32, #tpu.memory_space<vmem>>
        %dma_start3A_176 = tpu.memref_squeeze %dma_start3A_175 : memref<1x128xi32, #tpu.memory_space<vmem>> -> memref<128xi32, #tpu.memory_space<vmem>>
        %dma_start3A_177 = arith.constant 0 : i32
        %dma_start3A_178 = arith.constant 0 : i32
        %dma_start3A_179 = tpu.memref_slice %arg3[%dma_start3A_177, %dma_start3A_178] : memref<100000x128xf32, #tpu.memory_space<hbm>> -> memref<100000x128xf32, #tpu.memory_space<hbm>>
        tpu.enqueue_indirect_dma source(%dma_start3A_179 : memref<100000x128xf32, #tpu.memory_space<hbm>>) target(%arg9 : memref<128x128xf32, #tpu.memory_space<vmem>>) offsets(%dma_start3A_176 : memref<128xi32, #tpu.memory_space<vmem>>) semaphore(%arg13 : memref<!tpu.dma_semaphore, #tpu.memory_space<semaphore_mem>>)
      } else {
      }
      %scan3A_157 = arith.constant 0 : i32
      %scan3A_158 = arith.constant 128 : i32
      %scan3A_159 = arith.addi %scan3A_157, %scan3A_158 : i32
      %scan3A_160 = arith.constant 8 : i32
      scf.for %scan3A_170 = %scan3A_157 to %scan3A_159 step %scan3A_160  : i32 {
        %mul3A_171 = arith.constant 1 : i32
        %mul3A_172 = arith.muli %scan3A_170, %mul3A_171 : i32
        %add3A_173 = arith.constant 0 : i32
        %add3A_174 = arith.addi %add3A_173, %mul3A_172 : i32
        %get3A = arith.index_cast %add3A_174 : i32 to index
        %get3A_175 = arith.constant 0 : index
        %get3A_176 = tpu.vector_load %arg7[%get3A, %get3A_175] {strides = array<i32>} : memref<128x128xf32, #tpu.memory_space<vmem>>, vector<1x16xf32>,
        %get3A_177 = vector.shape_cast %get3A_176 : vector<1x16xf32> to vector<16xf32>
        %swap3A = arith.index_cast %add3A_174 : i32 to index
        %swap3A_178 = arith.constant 0 : index
        %swap3A_179 = tpu.vector_load %arg11[%swap3A, %swap3A_178] {strides = array<i32>} : memref<128x128xf32, #tpu.memory_space<vmem>>, vector<1x16xf32>,
        %swap3A_180 = vector.shape_cast %swap3A_179 : vector<1x16xf32> to vector<16xf32>
        %swap3A_181 = vector.shape_cast %get3A_177 : vector<16xf32> to vector<1x16xf32>
        tpu.vector_store %arg11[%swap3A, %swap3A_178], %swap3A_181 {add = true, strides = array<i32>} : memref<128x128xf32, #tpu.memory_space<vmem>>, vector<1x16xf32>,
        %get3A_182 = arith.index_cast %add3A_174 : i32 to index
        %get3A_183 = arith.constant 16 : index
        %get3A_184 = tpu.vector_load %arg7[%get3A_182, %get3A_183] {strides = array<i32>} : memref<128x128xf32, #tpu.memory_space<vmem>>, vector<1x16xf32>,
        %get3A_185 = vector.shape_cast %get3A_184 : vector<1x16xf32> to vector<16xf32>
        %swap3A_186 = arith.index_cast %add3A_174 : i32 to index
        %swap3A_187 = arith.constant 16 : index
        %swap3A_188 = tpu.vector_load %arg11[%swap3A_186, %swap3A_187] {strides = array<i32>} : memref<128x128xf32, #tpu.memory_space<vmem>>, vector<1x16xf32>,
        %swap3A_189 = vector.shape_cast %swap3A_188 : vector<1x16xf32> to vector<16xf32>
        %swap3A_190 = vector.shape_cast %get3A_185 : vector<16xf32> to vector<1x16xf32>
        tpu.vector_store %arg11[%swap3A_186, %swap3A_187], %swap3A_190 {add = true, strides = array<i32>} : memref<128x128xf32, #tpu.memory_space<vmem>>, vector<1x16xf32>,
        %get3A_191 = arith.index_cast %add3A_174 : i32 to index
        %get3A_192 = arith.constant 32 : index
        %get3A_193 = tpu.vector_load %arg7[%get3A_191, %get3A_192] {strides = array<i32>} : memref<128x128xf32, #tpu.memory_space<vmem>>, vector<1x16xf32>,
        %get3A_194 = vector.shape_cast %get3A_193 : vector<1x16xf32> to vector<16xf32>
        %swap3A_195 = arith.index_cast %add3A_174 : i32 to index
        %swap3A_196 = arith.constant 32 : index
        %swap3A_197 = tpu.vector_load %arg11[%swap3A_195, %swap3A_196] {strides = array<i32>} : memref<128x128xf32, #tpu.memory_space<vmem>>, vector<1x16xf32>,
        %swap3A_198 = vector.shape_cast %swap3A_197 : vector<1x16xf32> to vector<16xf32>
        %swap3A_199 = vector.shape_cast %get3A_194 : vector<16xf32> to vector<1x16xf32>
        tpu.vector_store %arg11[%swap3A_195, %swap3A_196], %swap3A_199 {add = true, strides = array<i32>} : memref<128x128xf32, #tpu.memory_space<vmem>>, vector<1x16xf32>,
        %get3A_200 = arith.index_cast %add3A_174 : i32 to index
        %get3A_201 = arith.constant 48 : index
        %get3A_202 = tpu.vector_load %arg7[%get3A_200, %get3A_201] {strides = array<i32>} : memref<128x128xf32, #tpu.memory_space<vmem>>, vector<1x16xf32>,
        %get3A_203 = vector.shape_cast %get3A_202 : vector<1x16xf32> to vector<16xf32>
        %swap3A_204 = arith.index_cast %add3A_174 : i32 to index
        %swap3A_205 = arith.constant 48 : index
        %swap3A_206 = tpu.vector_load %arg11[%swap3A_204, %swap3A_205] {strides = array<i32>} : memref<128x128xf32, #tpu.memory_space<vmem>>, vector<1x16xf32>,
        %swap3A_207 = vector.shape_cast %swap3A_206 : vector<1x16xf32> to vector<16xf32>
        %swap3A_208 = vector.shape_cast %get3A_203 : vector<16xf32> to vector<1x16xf32>
        tpu.vector_store %arg11[%swap3A_204, %swap3A_205], %swap3A_208 {add = true, strides = array<i32>} : memref<128x128xf32, #tpu.memory_space<vmem>>, vector<1x16xf32>,
        %get3A_209 = arith.index_cast %add3A_174 : i32 to index
        %get3A_210 = arith.constant 64 : index
        %get3A_211 = tpu.vector_load %arg7[%get3A_209, %get3A_210] {strides = array<i32>} : memref<128x128xf32, #tpu.memory_space<vmem>>, vector<1x16xf32>,
        %get3A_212 = vector.shape_cast %get3A_211 : vector<1x16xf32> to vector<16xf32>
        %swap3A_213 = arith.index_cast %add3A_174 : i32 to index
        %swap3A_214 = arith.constant 64 : index
        %swap3A_215 = tpu.vector_load %arg11[%swap3A_213, %swap3A_214] {strides = array<i32>} : memref<128x128xf32, #tpu.memory_space<vmem>>, vector<1x16xf32>,
        %swap3A_216 = vector.shape_cast %swap3A_215 : vector<1x16xf32> to vector<16xf32>
        %swap3A_217 = vector.shape_cast %get3A_212 : vector<16xf32> to vector<1x16xf32>
        tpu.vector_store %arg11[%swap3A_213, %swap3A_214], %swap3A_217 {add = true, strides = array<i32>} : memref<128x128xf32, #tpu.memory_space<vmem>>, vector<1x16xf32>,
        %get3A_218 = arith.index_cast %add3A_174 : i32 to index
        %get3A_219 = arith.constant 80 : index
        %get3A_220 = tpu.vector_load %arg7[%get3A_218, %get3A_219] {strides = array<i32>} : memref<128x128xf32, #tpu.memory_space<vmem>>, vector<1x16xf32>,
        %get3A_221 = vector.shape_cast %get3A_220 : vector<1x16xf32> to vector<16xf32>
        %swap3A_222 = arith.index_cast %add3A_174 : i32 to index
        %swap3A_223 = arith.constant 80 : index
        %swap3A_224 = tpu.vector_load %arg11[%swap3A_222, %swap3A_223] {strides = array<i32>} : memref<128x128xf32, #tpu.memory_space<vmem>>, vector<1x16xf32>,
        %swap3A_225 = vector.shape_cast %swap3A_224 : vector<1x16xf32> to vector<16xf32>
        %swap3A_226 = vector.shape_cast %get3A_221 : vector<16xf32> to vector<1x16xf32>
        tpu.vector_store %arg11[%swap3A_222, %swap3A_223], %swap3A_226 {add = true, strides = array<i32>} : memref<128x128xf32, #tpu.memory_space<vmem>>, vector<1x16xf32>,
        %get3A_227 = arith.index_cast %add3A_174 : i32 to index
        %get3A_228 = arith.constant 96 : index
        %get3A_229 = tpu.vector_load %arg7[%get3A_227, %get3A_228] {strides = array<i32>} : memref<128x128xf32, #tpu.memory_space<vmem>>, vector<1x16xf32>,
        %get3A_230 = vector.shape_cast %get3A_229 : vector<1x16xf32> to vector<16xf32>
        %swap3A_231 = arith.index_cast %add3A_174 : i32 to index
        %swap3A_232 = arith.constant 96 : index
        %swap3A_233 = tpu.vector_load %arg11[%swap3A_231, %swap3A_232] {strides = array<i32>} : memref<128x128xf32, #tpu.memory_space<vmem>>, vector<1x16xf32>,
        %swap3A_234 = vector.shape_cast %swap3A_233 : vector<1x16xf32> to vector<16xf32>
        %swap3A_235 = vector.shape_cast %get3A_230 : vector<16xf32> to vector<1x16xf32>
        tpu.vector_store %arg11[%swap3A_231, %swap3A_232], %swap3A_235 {add = true, strides = array<i32>} : memref<128x128xf32, #tpu.memory_space<vmem>>, vector<1x16xf32>,
        %get3A_236 = arith.index_cast %add3A_174 : i32 to index
        %get3A_237 = arith.constant 112 : index
        %get3A_238 = tpu.vector_load %arg7[%get3A_236, %get3A_237] {strides = array<i32>} : memref<128x128xf32, #tpu.memory_space<vmem>>, vector<1x16xf32>,
        %get3A_239 = vector.shape_cast %get3A_238 : vector<1x16xf32> to vector<16xf32>
        %swap3A_240 = arith.index_cast %add3A_174 : i32 to index
        %swap3A_241 = arith.constant 112 : index
        %swap3A_242 = tpu.vector_load %arg11[%swap3A_240, %swap3A_241] {strides = array<i32>} : memref<128x128xf32, #tpu.memory_space<vmem>>, vector<1x16xf32>,
        %swap3A_243 = vector.shape_cast %swap3A_242 : vector<1x16xf32> to vector<16xf32>
        %swap3A_244 = vector.shape_cast %get3A_239 : vector<16xf32> to vector<1x16xf32>
        tpu.vector_store %arg11[%swap3A_240, %swap3A_241], %swap3A_244 {add = true, strides = array<i32>} : memref<128x128xf32, #tpu.memory_space<vmem>>, vector<1x16xf32>,
        %scan3A_245 = arith.constant 1 : i32
        %scan3A_246 = arith.addi %scan3A_170, %scan3A_245 : i32
        %mul3A_247 = arith.constant 1 : i32
        %mul3A_248 = arith.muli %scan3A_246, %mul3A_247 : i32
        %add3A_249 = arith.constant 0 : i32
        %add3A_250 = arith.addi %add3A_249, %mul3A_248 : i32
        %get3A_251 = arith.index_cast %add3A_250 : i32 to index
        %get3A_252 = arith.constant 0 : index
        %get3A_253 = tpu.vector_load %arg7[%get3A_251, %get3A_252] {strides = array<i32>} : memref<128x128xf32, #tpu.memory_space<vmem>>, vector<1x16xf32>,
        %get3A_254 = vector.shape_cast %get3A_253 : vector<1x16xf32> to vector<16xf32>
        %swap3A_255 = arith.index_cast %add3A_250 : i32 to index
        %swap3A_256 = arith.constant 0 : index
        %swap3A_257 = tpu.vector_load %arg11[%swap3A_255, %swap3A_256] {strides = array<i32>} : memref<128x128xf32, #tpu.memory_space<vmem>>, vector<1x16xf32>,
        %swap3A_258 = vector.shape_cast %swap3A_257 : vector<1x16xf32> to vector<16xf32>
        %swap3A_259 = vector.shape_cast %get3A_254 : vector<16xf32> to vector<1x16xf32>
        tpu.vector_store %arg11[%swap3A_255, %swap3A_256], %swap3A_259 {add = true, strides = array<i32>} : memref<128x128xf32, #tpu.memory_space<vmem>>, vector<1x16xf32>,
        %get3A_260 = arith.index_cast %add3A_250 : i32 to index
        %get3A_261 = arith.constant 16 : index
        %get3A_262 = tpu.vector_load %arg7[%get3A_260, %get3A_261] {strides = array<i32>} : memref<128x128xf32, #tpu.memory_space<vmem>>, vector<1x16xf32>,
        %get3A_263 = vector.shape_cast %get3A_262 : vector<1x16xf32> to vector<16xf32>
        %swap3A_264 = arith.index_cast %add3A_250 : i32 to index
        %swap3A_265 = arith.constant 16 : index
        %swap3A_266 = tpu.vector_load %arg11[%swap3A_264, %swap3A_265] {strides = array<i32>} : memref<128x128xf32, #tpu.memory_space<vmem>>, vector<1x16xf32>,
        %swap3A_267 = vector.shape_cast %swap3A_266 : vector<1x16xf32> to vector<16xf32>
        %swap3A_268 = vector.shape_cast %get3A_263 : vector<16xf32> to vector<1x16xf32>
        tpu.vector_store %arg11[%swap3A_264, %swap3A_265], %swap3A_268 {add = true, strides = array<i32>} : memref<128x128xf32, #tpu.memory_space<vmem>>, vector<1x16xf32>,
        %get3A_269 = arith.index_cast %add3A_250 : i32 to index
        %get3A_270 = arith.constant 32 : index
        %get3A_271 = tpu.vector_load %arg7[%get3A_269, %get3A_270] {strides = array<i32>} : memref<128x128xf32, #tpu.memory_space<vmem>>, vector<1x16xf32>,
        %get3A_272 = vector.shape_cast %get3A_271 : vector<1x16xf32> to vector<16xf32>
        %swap3A_273 = arith.index_cast %add3A_250 : i32 to index
        %swap3A_274 = arith.constant 32 : index
        %swap3A_275 = tpu.vector_load %arg11[%swap3A_273, %swap3A_274] {strides = array<i32>} : memref<128x128xf32, #tpu.memory_space<vmem>>, vector<1x16xf32>,
        %swap3A_276 = vector.shape_cast %swap3A_275 : vector<1x16xf32> to vector<16xf32>
        %swap3A_277 = vector.shape_cast %get3A_272 : vector<16xf32> to vector<1x16xf32>
        tpu.vector_store %arg11[%swap3A_273, %swap3A_274], %swap3A_277 {add = true, strides = array<i32>} : memref<128x128xf32, #tpu.memory_space<vmem>>, vector<1x16xf32>,
        %get3A_278 = arith.index_cast %add3A_250 : i32 to index
        %get3A_279 = arith.constant 48 : index
        %get3A_280 = tpu.vector_load %arg7[%get3A_278, %get3A_279] {strides = array<i32>} : memref<128x128xf32, #tpu.memory_space<vmem>>, vector<1x16xf32>,
        %get3A_281 = vector.shape_cast %get3A_280 : vector<1x16xf32> to vector<16xf32>
        %swap3A_282 = arith.index_cast %add3A_250 : i32 to index
        %swap3A_283 = arith.constant 48 : index
        %swap3A_284 = tpu.vector_load %arg11[%swap3A_282, %swap3A_283] {strides = array<i32>} : memref<128x128xf32, #tpu.memory_space<vmem>>, vector<1x16xf32>,
        %swap3A_285 = vector.shape_cast %swap3A_284 : vector<1x16xf32> to vector<16xf32>
        %swap3A_286 = vector.shape_cast %get3A_281 : vector<16xf32> to vector<1x16xf32>
        tpu.vector_store %arg11[%swap3A_282, %swap3A_283], %swap3A_286 {add = true, strides = array<i32>} : memref<128x128xf32, #tpu.memory_space<vmem>>, vector<1x16xf32>,
        %get3A_287 = arith.index_cast %add3A_250 : i32 to index
        %get3A_288 = arith.constant 64 : index
        %get3A_289 = tpu.vector_load %arg7[%get3A_287, %get3A_288] {strides = array<i32>} : memref<128x128xf32, #tpu.memory_space<vmem>>, vector<1x16xf32>,
        %get3A_290 = vector.shape_cast %get3A_289 : vector<1x16xf32> to vector<16xf32>
        %swap3A_291 = arith.index_cast %add3A_250 : i32 to index
        %swap3A_292 = arith.constant 64 : index
        %swap3A_293 = tpu.vector_load %arg11[%swap3A_291, %swap3A_292] {strides = array<i32>} : memref<128x128xf32, #tpu.memory_space<vmem>>, vector<1x16xf32>,
        %swap3A_294 = vector.shape_cast %swap3A_293 : vector<1x16xf32> to vector<16xf32>
        %swap3A_295 = vector.shape_cast %get3A_290 : vector<16xf32> to vector<1x16xf32>
        tpu.vector_store %arg11[%swap3A_291, %swap3A_292], %swap3A_295 {add = true, strides = array<i32>} : memref<128x128xf32, #tpu.memory_space<vmem>>, vector<1x16xf32>,
        %get3A_296 = arith.index_cast %add3A_250 : i32 to index
        %get3A_297 = arith.constant 80 : index
        %get3A_298 = tpu.vector_load %arg7[%get3A_296, %get3A_297] {strides = array<i32>} : memref<128x128xf32, #tpu.memory_space<vmem>>, vector<1x16xf32>,
        %get3A_299 = vector.shape_cast %get3A_298 : vector<1x16xf32> to vector<16xf32>
        %swap3A_300 = arith.index_cast %add3A_250 : i32 to index
        %swap3A_301 = arith.constant 80 : index
        %swap3A_302 = tpu.vector_load %arg11[%swap3A_300, %swap3A_301] {strides = array<i32>} : memref<128x128xf32, #tpu.memory_space<vmem>>, vector<1x16xf32>,
        %swap3A_303 = vector.shape_cast %swap3A_302 : vector<1x16xf32> to vector<16xf32>
        %swap3A_304 = vector.shape_cast %get3A_299 : vector<16xf32> to vector<1x16xf32>
        tpu.vector_store %arg11[%swap3A_300, %swap3A_301], %swap3A_304 {add = true, strides = array<i32>} : memref<128x128xf32, #tpu.memory_space<vmem>>, vector<1x16xf32>,
        %get3A_305 = arith.index_cast %add3A_250 : i32 to index
        %get3A_306 = arith.constant 96 : index
        %get3A_307 = tpu.vector_load %arg7[%get3A_305, %get3A_306] {strides = array<i32>} : memref<128x128xf32, #tpu.memory_space<vmem>>, vector<1x16xf32>,
        %get3A_308 = vector.shape_cast %get3A_307 : vector<1x16xf32> to vector<16xf32>
        %swap3A_309 = arith.index_cast %add3A_250 : i32 to index
        %swap3A_310 = arith.constant 96 : index
        %swap3A_311 = tpu.vector_load %arg11[%swap3A_309, %swap3A_310] {strides = array<i32>} : memref<128x128xf32, #tpu.memory_space<vmem>>, vector<1x16xf32>,
        %swap3A_312 = vector.shape_cast %swap3A_311 : vector<1x16xf32> to vector<16xf32>
        %swap3A_313 = vector.shape_cast %get3A_308 : vector<16xf32> to vector<1x16xf32>
        tpu.vector_store %arg11[%swap3A_309, %swap3A_310], %swap3A_313 {add = true, strides = array<i32>} : memref<128x128xf32, #tpu.memory_space<vmem>>, vector<1x16xf32>,
        %get3A_314 = arith.index_cast %add3A_250 : i32 to index
        %get3A_315 = arith.constant 112 : index
        %get3A_316 = tpu.vector_load %arg7[%get3A_314, %get3A_315] {strides = array<i32>} : memref<128x128xf32, #tpu.memory_space<vmem>>, vector<1x16xf32>,
        %get3A_317 = vector.shape_cast %get3A_316 : vector<1x16xf32> to vector<16xf32>
        %swap3A_318 = arith.index_cast %add3A_250 : i32 to index
        %swap3A_319 = arith.constant 112 : index
        %swap3A_320 = tpu.vector_load %arg11[%swap3A_318, %swap3A_319] {strides = array<i32>} : memref<128x128xf32, #tpu.memory_space<vmem>>, vector<1x16xf32>,
        %swap3A_321 = vector.shape_cast %swap3A_320 : vector<1x16xf32> to vector<16xf32>
        %swap3A_322 = vector.shape_cast %get3A_317 : vector<16xf32> to vector<1x16xf32>
        tpu.vector_store %arg11[%swap3A_318, %swap3A_319], %swap3A_322 {add = true, strides = array<i32>} : memref<128x128xf32, #tpu.memory_space<vmem>>, vector<1x16xf32>,
        %scan3A_323 = arith.constant 2 : i32
        %scan3A_324 = arith.addi %scan3A_170, %scan3A_323 : i32
        %mul3A_325 = arith.constant 1 : i32
        %mul3A_326 = arith.muli %scan3A_324, %mul3A_325 : i32
        %add3A_327 = arith.constant 0 : i32
        %add3A_328 = arith.addi %add3A_327, %mul3A_326 : i32
        %get3A_329 = arith.index_cast %add3A_328 : i32 to index
        %get3A_330 = arith.constant 0 : index
        %get3A_331 = tpu.vector_load %arg7[%get3A_329, %get3A_330] {strides = array<i32>} : memref<128x128xf32, #tpu.memory_space<vmem>>, vector<1x16xf32>,
        %get3A_332 = vector.shape_cast %get3A_331 : vector<1x16xf32> to vector<16xf32>
        %swap3A_333 = arith.index_cast %add3A_328 : i32 to index
        %swap3A_334 = arith.constant 0 : index
        %swap3A_335 = tpu.vector_load %arg11[%swap3A_333, %swap3A_334] {strides = array<i32>} : memref<128x128xf32, #tpu.memory_space<vmem>>, vector<1x16xf32>,
        %swap3A_336 = vector.shape_cast %swap3A_335 : vector<1x16xf32> to vector<16xf32>
        %swap3A_337 = vector.shape_cast %get3A_332 : vector<16xf32> to vector<1x16xf32>
        tpu.vector_store %arg11[%swap3A_333, %swap3A_334], %swap3A_337 {add = true, strides = array<i32>} : memref<128x128xf32, #tpu.memory_space<vmem>>, vector<1x16xf32>,
        %get3A_338 = arith.index_cast %add3A_328 : i32 to index
        %get3A_339 = arith.constant 16 : index
        %get3A_340 = tpu.vector_load %arg7[%get3A_338, %get3A_339] {strides = array<i32>} : memref<128x128xf32, #tpu.memory_space<vmem>>, vector<1x16xf32>,
        %get3A_341 = vector.shape_cast %get3A_340 : vector<1x16xf32> to vector<16xf32>
        %swap3A_342 = arith.index_cast %add3A_328 : i32 to index
        %swap3A_343 = arith.constant 16 : index
        %swap3A_344 = tpu.vector_load %arg11[%swap3A_342, %swap3A_343] {strides = array<i32>} : memref<128x128xf32, #tpu.memory_space<vmem>>, vector<1x16xf32>,
        %swap3A_345 = vector.shape_cast %swap3A_344 : vector<1x16xf32> to vector<16xf32>
        %swap3A_346 = vector.shape_cast %get3A_341 : vector<16xf32> to vector<1x16xf32>
        tpu.vector_store %arg11[%swap3A_342, %swap3A_343], %swap3A_346 {add = true, strides = array<i32>} : memref<128x128xf32, #tpu.memory_space<vmem>>, vector<1x16xf32>,
        %get3A_347 = arith.index_cast %add3A_328 : i32 to index
        %get3A_348 = arith.constant 32 : index
        %get3A_349 = tpu.vector_load %arg7[%get3A_347, %get3A_348] {strides = array<i32>} : memref<128x128xf32, #tpu.memory_space<vmem>>, vector<1x16xf32>,
        %get3A_350 = vector.shape_cast %get3A_349 : vector<1x16xf32> to vector<16xf32>
        %swap3A_351 = arith.index_cast %add3A_328 : i32 to index
        %swap3A_352 = arith.constant 32 : index
        %swap3A_353 = tpu.vector_load %arg11[%swap3A_351, %swap3A_352] {strides = array<i32>} : memref<128x128xf32, #tpu.memory_space<vmem>>, vector<1x16xf32>,
        %swap3A_354 = vector.shape_cast %swap3A_353 : vector<1x16xf32> to vector<16xf32>
        %swap3A_355 = vector.shape_cast %get3A_350 : vector<16xf32> to vector<1x16xf32>
        tpu.vector_store %arg11[%swap3A_351, %swap3A_352], %swap3A_355 {add = true, strides = array<i32>} : memref<128x128xf32, #tpu.memory_space<vmem>>, vector<1x16xf32>,
        %get3A_356 = arith.index_cast %add3A_328 : i32 to index
        %get3A_357 = arith.constant 48 : index
        %get3A_358 = tpu.vector_load %arg7[%get3A_356, %get3A_357] {strides = array<i32>} : memref<128x128xf32, #tpu.memory_space<vmem>>, vector<1x16xf32>,
        %get3A_359 = vector.shape_cast %get3A_358 : vector<1x16xf32> to vector<16xf32>
        %swap3A_360 = arith.index_cast %add3A_328 : i32 to index
        %swap3A_361 = arith.constant 48 : index
        %swap3A_362 = tpu.vector_load %arg11[%swap3A_360, %swap3A_361] {strides = array<i32>} : memref<128x128xf32, #tpu.memory_space<vmem>>, vector<1x16xf32>,
        %swap3A_363 = vector.shape_cast %swap3A_362 : vector<1x16xf32> to vector<16xf32>
        %swap3A_364 = vector.shape_cast %get3A_359 : vector<16xf32> to vector<1x16xf32>
        tpu.vector_store %arg11[%swap3A_360, %swap3A_361], %swap3A_364 {add = true, strides = array<i32>} : memref<128x128xf32, #tpu.memory_space<vmem>>, vector<1x16xf32>,
        %get3A_365 = arith.index_cast %add3A_328 : i32 to index
        %get3A_366 = arith.constant 64 : index
        %get3A_367 = tpu.vector_load %arg7[%get3A_365, %get3A_366] {strides = array<i32>} : memref<128x128xf32, #tpu.memory_space<vmem>>, vector<1x16xf32>,
        %get3A_368 = vector.shape_cast %get3A_367 : vector<1x16xf32> to vector<16xf32>
        %swap3A_369 = arith.index_cast %add3A_328 : i32 to index
        %swap3A_370 = arith.constant 64 : index
        %swap3A_371 = tpu.vector_load %arg11[%swap3A_369, %swap3A_370] {strides = array<i32>} : memref<128x128xf32, #tpu.memory_space<vmem>>, vector<1x16xf32>,
        %swap3A_372 = vector.shape_cast %swap3A_371 : vector<1x16xf32> to vector<16xf32>
        %swap3A_373 = vector.shape_cast %get3A_368 : vector<16xf32> to vector<1x16xf32>
        tpu.vector_store %arg11[%swap3A_369, %swap3A_370], %swap3A_373 {add = true, strides = array<i32>} : memref<128x128xf32, #tpu.memory_space<vmem>>, vector<1x16xf32>,
        %get3A_374 = arith.index_cast %add3A_328 : i32 to index
        %get3A_375 = arith.constant 80 : index
        %get3A_376 = tpu.vector_load %arg7[%get3A_374, %get3A_375] {strides = array<i32>} : memref<128x128xf32, #tpu.memory_space<vmem>>, vector<1x16xf32>,
        %get3A_377 = vector.shape_cast %get3A_376 : vector<1x16xf32> to vector<16xf32>
        %swap3A_378 = arith.index_cast %add3A_328 : i32 to index
        %swap3A_379 = arith.constant 80 : index
        %swap3A_380 = tpu.vector_load %arg11[%swap3A_378, %swap3A_379] {strides = array<i32>} : memref<128x128xf32, #tpu.memory_space<vmem>>, vector<1x16xf32>,
        %swap3A_381 = vector.shape_cast %swap3A_380 : vector<1x16xf32> to vector<16xf32>
        %swap3A_382 = vector.shape_cast %get3A_377 : vector<16xf32> to vector<1x16xf32>
        tpu.vector_store %arg11[%swap3A_378, %swap3A_379], %swap3A_382 {add = true, strides = array<i32>} : memref<128x128xf32, #tpu.memory_space<vmem>>, vector<1x16xf32>,
        %get3A_383 = arith.index_cast %add3A_328 : i32 to index
        %get3A_384 = arith.constant 96 : index
        %get3A_385 = tpu.vector_load %arg7[%get3A_383, %get3A_384] {strides = array<i32>} : memref<128x128xf32, #tpu.memory_space<vmem>>, vector<1x16xf32>,
        %get3A_386 = vector.shape_cast %get3A_385 : vector<1x16xf32> to vector<16xf32>
        %swap3A_387 = arith.index_cast %add3A_328 : i32 to index
        %swap3A_388 = arith.constant 96 : index
        %swap3A_389 = tpu.vector_load %arg11[%swap3A_387, %swap3A_388] {strides = array<i32>} : memref<128x128xf32, #tpu.memory_space<vmem>>, vector<1x16xf32>,
        %swap3A_390 = vector.shape_cast %swap3A_389 : vector<1x16xf32> to vector<16xf32>
        %swap3A_391 = vector.shape_cast %get3A_386 : vector<16xf32> to vector<1x16xf32>
        tpu.vector_store %arg11[%swap3A_387, %swap3A_388], %swap3A_391 {add = true, strides = array<i32>} : memref<128x128xf32, #tpu.memory_space<vmem>>, vector<1x16xf32>,
        %get3A_392 = arith.index_cast %add3A_328 : i32 to index
        %get3A_393 = arith.constant 112 : index
        %get3A_394 = tpu.vector_load %arg7[%get3A_392, %get3A_393] {strides = array<i32>} : memref<128x128xf32, #tpu.memory_space<vmem>>, vector<1x16xf32>,
        %get3A_395 = vector.shape_cast %get3A_394 : vector<1x16xf32> to vector<16xf32>
        %swap3A_396 = arith.index_cast %add3A_328 : i32 to index
        %swap3A_397 = arith.constant 112 : index
        %swap3A_398 = tpu.vector_load %arg11[%swap3A_396, %swap3A_397] {strides = array<i32>} : memref<128x128xf32, #tpu.memory_space<vmem>>, vector<1x16xf32>,
        %swap3A_399 = vector.shape_cast %swap3A_398 : vector<1x16xf32> to vector<16xf32>
        %swap3A_400 = vector.shape_cast %get3A_395 : vector<16xf32> to vector<1x16xf32>
        tpu.vector_store %arg11[%swap3A_396, %swap3A_397], %swap3A_400 {add = true, strides = array<i32>} : memref<128x128xf32, #tpu.memory_space<vmem>>, vector<1x16xf32>,
        %scan3A_401 = arith.constant 3 : i32
        %scan3A_402 = arith.addi %scan3A_170, %scan3A_401 : i32
        %mul3A_403 = arith.constant 1 : i32
        %mul3A_404 = arith.muli %scan3A_402, %mul3A_403 : i32
        %add3A_405 = arith.constant 0 : i32
        %add3A_406 = arith.addi %add3A_405, %mul3A_404 : i32
        %get3A_407 = arith.index_cast %add3A_406 : i32 to index
        %get3A_408 = arith.constant 0 : index
        %get3A_409 = tpu.vector_load %arg7[%get3A_407, %get3A_408] {strides = array<i32>} : memref<128x128xf32, #tpu.memory_space<vmem>>, vector<1x16xf32>,
        %get3A_410 = vector.shape_cast %get3A_409 : vector<1x16xf32> to vector<16xf32>
        %swap3A_411 = arith.index_cast %add3A_406 : i32 to index
        %swap3A_412 = arith.constant 0 : index
        %swap3A_413 = tpu.vector_load %arg11[%swap3A_411, %swap3A_412] {strides = array<i32>} : memref<128x128xf32, #tpu.memory_space<vmem>>, vector<1x16xf32>,
        %swap3A_414 = vector.shape_cast %swap3A_413 : vector<1x16xf32> to vector<16xf32>
        %swap3A_415 = vector.shape_cast %get3A_410 : vector<16xf32> to vector<1x16xf32>
        tpu.vector_store %arg11[%swap3A_411, %swap3A_412], %swap3A_415 {add = true, strides = array<i32>} : memref<128x128xf32, #tpu.memory_space<vmem>>, vector<1x16xf32>,
        %get3A_416 = arith.index_cast %add3A_406 : i32 to index
        %get3A_417 = arith.constant 16 : index
        %get3A_418 = tpu.vector_load %arg7[%get3A_416, %get3A_417] {strides = array<i32>} : memref<128x128xf32, #tpu.memory_space<vmem>>, vector<1x16xf32>,
        %get3A_419 = vector.shape_cast %get3A_418 : vector<1x16xf32> to vector<16xf32>
        %swap3A_420 = arith.index_cast %add3A_406 : i32 to index
        %swap3A_421 = arith.constant 16 : index
        %swap3A_422 = tpu.vector_load %arg11[%swap3A_420, %swap3A_421] {strides = array<i32>} : memref<128x128xf32, #tpu.memory_space<vmem>>, vector<1x16xf32>,
        %swap3A_423 = vector.shape_cast %swap3A_422 : vector<1x16xf32> to vector<16xf32>
        %swap3A_424 = vector.shape_cast %get3A_419 : vector<16xf32> to vector<1x16xf32>
        tpu.vector_store %arg11[%swap3A_420, %swap3A_421], %swap3A_424 {add = true, strides = array<i32>} : memref<128x128xf32, #tpu.memory_space<vmem>>, vector<1x16xf32>,
        %get3A_425 = arith.index_cast %add3A_406 : i32 to index
        %get3A_426 = arith.constant 32 : index
        %get3A_427 = tpu.vector_load %arg7[%get3A_425, %get3A_426] {strides = array<i32>} : memref<128x128xf32, #tpu.memory_space<vmem>>, vector<1x16xf32>,
        %get3A_428 = vector.shape_cast %get3A_427 : vector<1x16xf32> to vector<16xf32>
        %swap3A_429 = arith.index_cast %add3A_406 : i32 to index
        %swap3A_430 = arith.constant 32 : index
        %swap3A_431 = tpu.vector_load %arg11[%swap3A_429, %swap3A_430] {strides = array<i32>} : memref<128x128xf32, #tpu.memory_space<vmem>>, vector<1x16xf32>,
        %swap3A_432 = vector.shape_cast %swap3A_431 : vector<1x16xf32> to vector<16xf32>
        %swap3A_433 = vector.shape_cast %get3A_428 : vector<16xf32> to vector<1x16xf32>
        tpu.vector_store %arg11[%swap3A_429, %swap3A_430], %swap3A_433 {add = true, strides = array<i32>} : memref<128x128xf32, #tpu.memory_space<vmem>>, vector<1x16xf32>,
        %get3A_434 = arith.index_cast %add3A_406 : i32 to index
        %get3A_435 = arith.constant 48 : index
        %get3A_436 = tpu.vector_load %arg7[%get3A_434, %get3A_435] {strides = array<i32>} : memref<128x128xf32, #tpu.memory_space<vmem>>, vector<1x16xf32>,
        %get3A_437 = vector.shape_cast %get3A_436 : vector<1x16xf32> to vector<16xf32>
        %swap3A_438 = arith.index_cast %add3A_406 : i32 to index
        %swap3A_439 = arith.constant 48 : index
        %swap3A_440 = tpu.vector_load %arg11[%swap3A_438, %swap3A_439] {strides = array<i32>} : memref<128x128xf32, #tpu.memory_space<vmem>>, vector<1x16xf32>,
        %swap3A_441 = vector.shape_cast %swap3A_440 : vector<1x16xf32> to vector<16xf32>
        %swap3A_442 = vector.shape_cast %get3A_437 : vector<16xf32> to vector<1x16xf32>
        tpu.vector_store %arg11[%swap3A_438, %swap3A_439], %swap3A_442 {add = true, strides = array<i32>} : memref<128x128xf32, #tpu.memory_space<vmem>>, vector<1x16xf32>,
        %get3A_443 = arith.index_cast %add3A_406 : i32 to index
        %get3A_444 = arith.constant 64 : index
        %get3A_445 = tpu.vector_load %arg7[%get3A_443, %get3A_444] {strides = array<i32>} : memref<128x128xf32, #tpu.memory_space<vmem>>, vector<1x16xf32>,
        %get3A_446 = vector.shape_cast %get3A_445 : vector<1x16xf32> to vector<16xf32>
        %swap3A_447 = arith.index_cast %add3A_406 : i32 to index
        %swap3A_448 = arith.constant 64 : index
        %swap3A_449 = tpu.vector_load %arg11[%swap3A_447, %swap3A_448] {strides = array<i32>} : memref<128x128xf32, #tpu.memory_space<vmem>>, vector<1x16xf32>,
        %swap3A_450 = vector.shape_cast %swap3A_449 : vector<1x16xf32> to vector<16xf32>
        %swap3A_451 = vector.shape_cast %get3A_446 : vector<16xf32> to vector<1x16xf32>
        tpu.vector_store %arg11[%swap3A_447, %swap3A_448], %swap3A_451 {add = true, strides = array<i32>} : memref<128x128xf32, #tpu.memory_space<vmem>>, vector<1x16xf32>,
        %get3A_452 = arith.index_cast %add3A_406 : i32 to index
        %get3A_453 = arith.constant 80 : index
        %get3A_454 = tpu.vector_load %arg7[%get3A_452, %get3A_453] {strides = array<i32>} : memref<128x128xf32, #tpu.memory_space<vmem>>, vector<1x16xf32>,
        %get3A_455 = vector.shape_cast %get3A_454 : vector<1x16xf32> to vector<16xf32>
        %swap3A_456 = arith.index_cast %add3A_406 : i32 to index
        %swap3A_457 = arith.constant 80 : index
        %swap3A_458 = tpu.vector_load %arg11[%swap3A_456, %swap3A_457] {strides = array<i32>} : memref<128x128xf32, #tpu.memory_space<vmem>>, vector<1x16xf32>,
        %swap3A_459 = vector.shape_cast %swap3A_458 : vector<1x16xf32> to vector<16xf32>
        %swap3A_460 = vector.shape_cast %get3A_455 : vector<16xf32> to vector<1x16xf32>
        tpu.vector_store %arg11[%swap3A_456, %swap3A_457], %swap3A_460 {add = true, strides = array<i32>} : memref<128x128xf32, #tpu.memory_space<vmem>>, vector<1x16xf32>,
        %get3A_461 = arith.index_cast %add3A_406 : i32 to index
        %get3A_462 = arith.constant 96 : index
        %get3A_463 = tpu.vector_load %arg7[%get3A_461, %get3A_462] {strides = array<i32>} : memref<128x128xf32, #tpu.memory_space<vmem>>, vector<1x16xf32>,
        %get3A_464 = vector.shape_cast %get3A_463 : vector<1x16xf32> to vector<16xf32>
        %swap3A_465 = arith.index_cast %add3A_406 : i32 to index
        %swap3A_466 = arith.constant 96 : index
        %swap3A_467 = tpu.vector_load %arg11[%swap3A_465, %swap3A_466] {strides = array<i32>} : memref<128x128xf32, #tpu.memory_space<vmem>>, vector<1x16xf32>,
        %swap3A_468 = vector.shape_cast %swap3A_467 : vector<1x16xf32> to vector<16xf32>
        %swap3A_469 = vector.shape_cast %get3A_464 : vector<16xf32> to vector<1x16xf32>
        tpu.vector_store %arg11[%swap3A_465, %swap3A_466], %swap3A_469 {add = true, strides = array<i32>} : memref<128x128xf32, #tpu.memory_space<vmem>>, vector<1x16xf32>,
        %get3A_470 = arith.index_cast %add3A_406 : i32 to index
        %get3A_471 = arith.constant 112 : index
        %get3A_472 = tpu.vector_load %arg7[%get3A_470, %get3A_471] {strides = array<i32>} : memref<128x128xf32, #tpu.memory_space<vmem>>, vector<1x16xf32>,
        %get3A_473 = vector.shape_cast %get3A_472 : vector<1x16xf32> to vector<16xf32>
        %swap3A_474 = arith.index_cast %add3A_406 : i32 to index
        %swap3A_475 = arith.constant 112 : index
        %swap3A_476 = tpu.vector_load %arg11[%swap3A_474, %swap3A_475] {strides = array<i32>} : memref<128x128xf32, #tpu.memory_space<vmem>>, vector<1x16xf32>,
        %swap3A_477 = vector.shape_cast %swap3A_476 : vector<1x16xf32> to vector<16xf32>
        %swap3A_478 = vector.shape_cast %get3A_473 : vector<16xf32> to vector<1x16xf32>
        tpu.vector_store %arg11[%swap3A_474, %swap3A_475], %swap3A_478 {add = true, strides = array<i32>} : memref<128x128xf32, #tpu.memory_space<vmem>>, vector<1x16xf32>,
        %scan3A_479 = arith.constant 4 : i32
        %scan3A_480 = arith.addi %scan3A_170, %scan3A_479 : i32
        %mul3A_481 = arith.constant 1 : i32
        %mul3A_482 = arith.muli %scan3A_480, %mul3A_481 : i32
        %add3A_483 = arith.constant 0 : i32
        %add3A_484 = arith.addi %add3A_483, %mul3A_482 : i32
        %get3A_485 = arith.index_cast %add3A_484 : i32 to index
        %get3A_486 = arith.constant 0 : index
        %get3A_487 = tpu.vector_load %arg7[%get3A_485, %get3A_486] {strides = array<i32>} : memref<128x128xf32, #tpu.memory_space<vmem>>, vector<1x16xf32>,
        %get3A_488 = vector.shape_cast %get3A_487 : vector<1x16xf32> to vector<16xf32>
        %swap3A_489 = arith.index_cast %add3A_484 : i32 to index
        %swap3A_490 = arith.constant 0 : index
        %swap3A_491 = tpu.vector_load %arg11[%swap3A_489, %swap3A_490] {strides = array<i32>} : memref<128x128xf32, #tpu.memory_space<vmem>>, vector<1x16xf32>,
        %swap3A_492 = vector.shape_cast %swap3A_491 : vector<1x16xf32> to vector<16xf32>
        %swap3A_493 = vector.shape_cast %get3A_488 : vector<16xf32> to vector<1x16xf32>
        tpu.vector_store %arg11[%swap3A_489, %swap3A_490], %swap3A_493 {add = true, strides = array<i32>} : memref<128x128xf32, #tpu.memory_space<vmem>>, vector<1x16xf32>,
        %get3A_494 = arith.index_cast %add3A_484 : i32 to index
        %get3A_495 = arith.constant 16 : index
        %get3A_496 = tpu.vector_load %arg7[%get3A_494, %get3A_495] {strides = array<i32>} : memref<128x128xf32, #tpu.memory_space<vmem>>, vector<1x16xf32>,
        %get3A_497 = vector.shape_cast %get3A_496 : vector<1x16xf32> to vector<16xf32>
        %swap3A_498 = arith.index_cast %add3A_484 : i32 to index
        %swap3A_499 = arith.constant 16 : index
        %swap3A_500 = tpu.vector_load %arg11[%swap3A_498, %swap3A_499] {strides = array<i32>} : memref<128x128xf32, #tpu.memory_space<vmem>>, vector<1x16xf32>,
        %swap3A_501 = vector.shape_cast %swap3A_500 : vector<1x16xf32> to vector<16xf32>
        %swap3A_502 = vector.shape_cast %get3A_497 : vector<16xf32> to vector<1x16xf32>
        tpu.vector_store %arg11[%swap3A_498, %swap3A_499], %swap3A_502 {add = true, strides = array<i32>} : memref<128x128xf32, #tpu.memory_space<vmem>>, vector<1x16xf32>,
        %get3A_503 = arith.index_cast %add3A_484 : i32 to index
        %get3A_504 = arith.constant 32 : index
        %get3A_505 = tpu.vector_load %arg7[%get3A_503, %get3A_504] {strides = array<i32>} : memref<128x128xf32, #tpu.memory_space<vmem>>, vector<1x16xf32>,
        %get3A_506 = vector.shape_cast %get3A_505 : vector<1x16xf32> to vector<16xf32>
        %swap3A_507 = arith.index_cast %add3A_484 : i32 to index
        %swap3A_508 = arith.constant 32 : index
        %swap3A_509 = tpu.vector_load %arg11[%swap3A_507, %swap3A_508] {strides = array<i32>} : memref<128x128xf32, #tpu.memory_space<vmem>>, vector<1x16xf32>,
        %swap3A_510 = vector.shape_cast %swap3A_509 : vector<1x16xf32> to vector<16xf32>
        %swap3A_511 = vector.shape_cast %get3A_506 : vector<16xf32> to vector<1x16xf32>
        tpu.vector_store %arg11[%swap3A_507, %swap3A_508], %swap3A_511 {add = true, strides = array<i32>} : memref<128x128xf32, #tpu.memory_space<vmem>>, vector<1x16xf32>,
        %get3A_512 = arith.index_cast %add3A_484 : i32 to index
        %get3A_513 = arith.constant 48 : index
        %get3A_514 = tpu.vector_load %arg7[%get3A_512, %get3A_513] {strides = array<i32>} : memref<128x128xf32, #tpu.memory_space<vmem>>, vector<1x16xf32>,
        %get3A_515 = vector.shape_cast %get3A_514 : vector<1x16xf32> to vector<16xf32>
        %swap3A_516 = arith.index_cast %add3A_484 : i32 to index
        %swap3A_517 = arith.constant 48 : index
        %swap3A_518 = tpu.vector_load %arg11[%swap3A_516, %swap3A_517] {strides = array<i32>} : memref<128x128xf32, #tpu.memory_space<vmem>>, vector<1x16xf32>,
        %swap3A_519 = vector.shape_cast %swap3A_518 : vector<1x16xf32> to vector<16xf32>
        %swap3A_520 = vector.shape_cast %get3A_515 : vector<16xf32> to vector<1x16xf32>
        tpu.vector_store %arg11[%swap3A_516, %swap3A_517], %swap3A_520 {add = true, strides = array<i32>} : memref<128x128xf32, #tpu.memory_space<vmem>>, vector<1x16xf32>,
        %get3A_521 = arith.index_cast %add3A_484 : i32 to index
        %get3A_522 = arith.constant 64 : index
        %get3A_523 = tpu.vector_load %arg7[%get3A_521, %get3A_522] {strides = array<i32>} : memref<128x128xf32, #tpu.memory_space<vmem>>, vector<1x16xf32>,
        %get3A_524 = vector.shape_cast %get3A_523 : vector<1x16xf32> to vector<16xf32>
        %swap3A_525 = arith.index_cast %add3A_484 : i32 to index
        %swap3A_526 = arith.constant 64 : index
        %swap3A_527 = tpu.vector_load %arg11[%swap3A_525, %swap3A_526] {strides = array<i32>} : memref<128x128xf32, #tpu.memory_space<vmem>>, vector<1x16xf32>,
        %swap3A_528 = vector.shape_cast %swap3A_527 : vector<1x16xf32> to vector<16xf32>
        %swap3A_529 = vector.shape_cast %get3A_524 : vector<16xf32> to vector<1x16xf32>
        tpu.vector_store %arg11[%swap3A_525, %swap3A_526], %swap3A_529 {add = true, strides = array<i32>} : memref<128x128xf32, #tpu.memory_space<vmem>>, vector<1x16xf32>,
        %get3A_530 = arith.index_cast %add3A_484 : i32 to index
        %get3A_531 = arith.constant 80 : index
        %get3A_532 = tpu.vector_load %arg7[%get3A_530, %get3A_531] {strides = array<i32>} : memref<128x128xf32, #tpu.memory_space<vmem>>, vector<1x16xf32>,
        %get3A_533 = vector.shape_cast %get3A_532 : vector<1x16xf32> to vector<16xf32>
        %swap3A_534 = arith.index_cast %add3A_484 : i32 to index
        %swap3A_535 = arith.constant 80 : index
        %swap3A_536 = tpu.vector_load %arg11[%swap3A_534, %swap3A_535] {strides = array<i32>} : memref<128x128xf32, #tpu.memory_space<vmem>>, vector<1x16xf32>,
        %swap3A_537 = vector.shape_cast %swap3A_536 : vector<1x16xf32> to vector<16xf32>
        %swap3A_538 = vector.shape_cast %get3A_533 : vector<16xf32> to vector<1x16xf32>
        tpu.vector_store %arg11[%swap3A_534, %swap3A_535], %swap3A_538 {add = true, strides = array<i32>} : memref<128x128xf32, #tpu.memory_space<vmem>>, vector<1x16xf32>,
        %get3A_539 = arith.index_cast %add3A_484 : i32 to index
        %get3A_540 = arith.constant 96 : index
        %get3A_541 = tpu.vector_load %arg7[%get3A_539, %get3A_540] {strides = array<i32>} : memref<128x128xf32, #tpu.memory_space<vmem>>, vector<1x16xf32>,
        %get3A_542 = vector.shape_cast %get3A_541 : vector<1x16xf32> to vector<16xf32>
        %swap3A_543 = arith.index_cast %add3A_484 : i32 to index
        %swap3A_544 = arith.constant 96 : index
        %swap3A_545 = tpu.vector_load %arg11[%swap3A_543, %swap3A_544] {strides = array<i32>} : memref<128x128xf32, #tpu.memory_space<vmem>>, vector<1x16xf32>,
        %swap3A_546 = vector.shape_cast %swap3A_545 : vector<1x16xf32> to vector<16xf32>
        %swap3A_547 = vector.shape_cast %get3A_542 : vector<16xf32> to vector<1x16xf32>
        tpu.vector_store %arg11[%swap3A_543, %swap3A_544], %swap3A_547 {add = true, strides = array<i32>} : memref<128x128xf32, #tpu.memory_space<vmem>>, vector<1x16xf32>,
        %get3A_548 = arith.index_cast %add3A_484 : i32 to index
        %get3A_549 = arith.constant 112 : index
        %get3A_550 = tpu.vector_load %arg7[%get3A_548, %get3A_549] {strides = array<i32>} : memref<128x128xf32, #tpu.memory_space<vmem>>, vector<1x16xf32>,
        %get3A_551 = vector.shape_cast %get3A_550 : vector<1x16xf32> to vector<16xf32>
        %swap3A_552 = arith.index_cast %add3A_484 : i32 to index
        %swap3A_553 = arith.constant 112 : index
        %swap3A_554 = tpu.vector_load %arg11[%swap3A_552, %swap3A_553] {strides = array<i32>} : memref<128x128xf32, #tpu.memory_space<vmem>>, vector<1x16xf32>,
        %swap3A_555 = vector.shape_cast %swap3A_554 : vector<1x16xf32> to vector<16xf32>
        %swap3A_556 = vector.shape_cast %get3A_551 : vector<16xf32> to vector<1x16xf32>
        tpu.vector_store %arg11[%swap3A_552, %swap3A_553], %swap3A_556 {add = true, strides = array<i32>} : memref<128x128xf32, #tpu.memory_space<vmem>>, vector<1x16xf32>,
        %scan3A_557 = arith.constant 5 : i32
        %scan3A_558 = arith.addi %scan3A_170, %scan3A_557 : i32
        %mul3A_559 = arith.constant 1 : i32
        %mul3A_560 = arith.muli %scan3A_558, %mul3A_559 : i32
        %add3A_561 = arith.constant 0 : i32
        %add3A_562 = arith.addi %add3A_561, %mul3A_560 : i32
        %get3A_563 = arith.index_cast %add3A_562 : i32 to index
        %get3A_564 = arith.constant 0 : index
        %get3A_565 = tpu.vector_load %arg7[%get3A_563, %get3A_564] {strides = array<i32>} : memref<128x128xf32, #tpu.memory_space<vmem>>, vector<1x16xf32>,
        %get3A_566 = vector.shape_cast %get3A_565 : vector<1x16xf32> to vector<16xf32>
        %swap3A_567 = arith.index_cast %add3A_562 : i32 to index
        %swap3A_568 = arith.constant 0 : index
        %swap3A_569 = tpu.vector_load %arg11[%swap3A_567, %swap3A_568] {strides = array<i32>} : memref<128x128xf32, #tpu.memory_space<vmem>>, vector<1x16xf32>,
        %swap3A_570 = vector.shape_cast %swap3A_569 : vector<1x16xf32> to vector<16xf32>
        %swap3A_571 = vector.shape_cast %get3A_566 : vector<16xf32> to vector<1x16xf32>
        tpu.vector_store %arg11[%swap3A_567, %swap3A_568], %swap3A_571 {add = true, strides = array<i32>} : memref<128x128xf32, #tpu.memory_space<vmem>>, vector<1x16xf32>,
        %get3A_572 = arith.index_cast %add3A_562 : i32 to index
        %get3A_573 = arith.constant 16 : index
        %get3A_574 = tpu.vector_load %arg7[%get3A_572, %get3A_573] {strides = array<i32>} : memref<128x128xf32, #tpu.memory_space<vmem>>, vector<1x16xf32>,
        %get3A_575 = vector.shape_cast %get3A_574 : vector<1x16xf32> to vector<16xf32>
        %swap3A_576 = arith.index_cast %add3A_562 : i32 to index
        %swap3A_577 = arith.constant 16 : index
        %swap3A_578 = tpu.vector_load %arg11[%swap3A_576, %swap3A_577] {strides = array<i32>} : memref<128x128xf32, #tpu.memory_space<vmem>>, vector<1x16xf32>,
        %swap3A_579 = vector.shape_cast %swap3A_578 : vector<1x16xf32> to vector<16xf32>
        %swap3A_580 = vector.shape_cast %get3A_575 : vector<16xf32> to vector<1x16xf32>
        tpu.vector_store %arg11[%swap3A_576, %swap3A_577], %swap3A_580 {add = true, strides = array<i32>} : memref<128x128xf32, #tpu.memory_space<vmem>>, vector<1x16xf32>,
        %get3A_581 = arith.index_cast %add3A_562 : i32 to index
        %get3A_582 = arith.constant 32 : index
        %get3A_583 = tpu.vector_load %arg7[%get3A_581, %get3A_582] {strides = array<i32>} : memref<128x128xf32, #tpu.memory_space<vmem>>, vector<1x16xf32>,
        %get3A_584 = vector.shape_cast %get3A_583 : vector<1x16xf32> to vector<16xf32>
        %swap3A_585 = arith.index_cast %add3A_562 : i32 to index
        %swap3A_586 = arith.constant 32 : index
        %swap3A_587 = tpu.vector_load %arg11[%swap3A_585, %swap3A_586] {strides = array<i32>} : memref<128x128xf32, #tpu.memory_space<vmem>>, vector<1x16xf32>,
        %swap3A_588 = vector.shape_cast %swap3A_587 : vector<1x16xf32> to vector<16xf32>
        %swap3A_589 = vector.shape_cast %get3A_584 : vector<16xf32> to vector<1x16xf32>
        tpu.vector_store %arg11[%swap3A_585, %swap3A_586], %swap3A_589 {add = true, strides = array<i32>} : memref<128x128xf32, #tpu.memory_space<vmem>>, vector<1x16xf32>,
        %get3A_590 = arith.index_cast %add3A_562 : i32 to index
        %get3A_591 = arith.constant 48 : index
        %get3A_592 = tpu.vector_load %arg7[%get3A_590, %get3A_591] {strides = array<i32>} : memref<128x128xf32, #tpu.memory_space<vmem>>, vector<1x16xf32>,
        %get3A_593 = vector.shape_cast %get3A_592 : vector<1x16xf32> to vector<16xf32>
        %swap3A_594 = arith.index_cast %add3A_562 : i32 to index
        %swap3A_595 = arith.constant 48 : index
        %swap3A_596 = tpu.vector_load %arg11[%swap3A_594, %swap3A_595] {strides = array<i32>} : memref<128x128xf32, #tpu.memory_space<vmem>>, vector<1x16xf32>,
        %swap3A_597 = vector.shape_cast %swap3A_596 : vector<1x16xf32> to vector<16xf32>
        %swap3A_598 = vector.shape_cast %get3A_593 : vector<16xf32> to vector<1x16xf32>
        tpu.vector_store %arg11[%swap3A_594, %swap3A_595], %swap3A_598 {add = true, strides = array<i32>} : memref<128x128xf32, #tpu.memory_space<vmem>>, vector<1x16xf32>,
        %get3A_599 = arith.index_cast %add3A_562 : i32 to index
        %get3A_600 = arith.constant 64 : index
        %get3A_601 = tpu.vector_load %arg7[%get3A_599, %get3A_600] {strides = array<i32>} : memref<128x128xf32, #tpu.memory_space<vmem>>, vector<1x16xf32>,
        %get3A_602 = vector.shape_cast %get3A_601 : vector<1x16xf32> to vector<16xf32>
        %swap3A_603 = arith.index_cast %add3A_562 : i32 to index
        %swap3A_604 = arith.constant 64 : index
        %swap3A_605 = tpu.vector_load %arg11[%swap3A_603, %swap3A_604] {strides = array<i32>} : memref<128x128xf32, #tpu.memory_space<vmem>>, vector<1x16xf32>,
        %swap3A_606 = vector.shape_cast %swap3A_605 : vector<1x16xf32> to vector<16xf32>
        %swap3A_607 = vector.shape_cast %get3A_602 : vector<16xf32> to vector<1x16xf32>
        tpu.vector_store %arg11[%swap3A_603, %swap3A_604], %swap3A_607 {add = true, strides = array<i32>} : memref<128x128xf32, #tpu.memory_space<vmem>>, vector<1x16xf32>,
        %get3A_608 = arith.index_cast %add3A_562 : i32 to index
        %get3A_609 = arith.constant 80 : index
        %get3A_610 = tpu.vector_load %arg7[%get3A_608, %get3A_609] {strides = array<i32>} : memref<128x128xf32, #tpu.memory_space<vmem>>, vector<1x16xf32>,
        %get3A_611 = vector.shape_cast %get3A_610 : vector<1x16xf32> to vector<16xf32>
        %swap3A_612 = arith.index_cast %add3A_562 : i32 to index
        %swap3A_613 = arith.constant 80 : index
        %swap3A_614 = tpu.vector_load %arg11[%swap3A_612, %swap3A_613] {strides = array<i32>} : memref<128x128xf32, #tpu.memory_space<vmem>>, vector<1x16xf32>,
        %swap3A_615 = vector.shape_cast %swap3A_614 : vector<1x16xf32> to vector<16xf32>
        %swap3A_616 = vector.shape_cast %get3A_611 : vector<16xf32> to vector<1x16xf32>
        tpu.vector_store %arg11[%swap3A_612, %swap3A_613], %swap3A_616 {add = true, strides = array<i32>} : memref<128x128xf32, #tpu.memory_space<vmem>>, vector<1x16xf32>,
        %get3A_617 = arith.index_cast %add3A_562 : i32 to index
        %get3A_618 = arith.constant 96 : index
        %get3A_619 = tpu.vector_load %arg7[%get3A_617, %get3A_618] {strides = array<i32>} : memref<128x128xf32, #tpu.memory_space<vmem>>, vector<1x16xf32>,
        %get3A_620 = vector.shape_cast %get3A_619 : vector<1x16xf32> to vector<16xf32>
        %swap3A_621 = arith.index_cast %add3A_562 : i32 to index
        %swap3A_622 = arith.constant 96 : index
        %swap3A_623 = tpu.vector_load %arg11[%swap3A_621, %swap3A_622] {strides = array<i32>} : memref<128x128xf32, #tpu.memory_space<vmem>>, vector<1x16xf32>,
        %swap3A_624 = vector.shape_cast %swap3A_623 : vector<1x16xf32> to vector<16xf32>
        %swap3A_625 = vector.shape_cast %get3A_620 : vector<16xf32> to vector<1x16xf32>
        tpu.vector_store %arg11[%swap3A_621, %swap3A_622], %swap3A_625 {add = true, strides = array<i32>} : memref<128x128xf32, #tpu.memory_space<vmem>>, vector<1x16xf32>,
        %get3A_626 = arith.index_cast %add3A_562 : i32 to index
        %get3A_627 = arith.constant 112 : index
        %get3A_628 = tpu.vector_load %arg7[%get3A_626, %get3A_627] {strides = array<i32>} : memref<128x128xf32, #tpu.memory_space<vmem>>, vector<1x16xf32>,
        %get3A_629 = vector.shape_cast %get3A_628 : vector<1x16xf32> to vector<16xf32>
        %swap3A_630 = arith.index_cast %add3A_562 : i32 to index
        %swap3A_631 = arith.constant 112 : index
        %swap3A_632 = tpu.vector_load %arg11[%swap3A_630, %swap3A_631] {strides = array<i32>} : memref<128x128xf32, #tpu.memory_space<vmem>>, vector<1x16xf32>,
        %swap3A_633 = vector.shape_cast %swap3A_632 : vector<1x16xf32> to vector<16xf32>
        %swap3A_634 = vector.shape_cast %get3A_629 : vector<16xf32> to vector<1x16xf32>
        tpu.vector_store %arg11[%swap3A_630, %swap3A_631], %swap3A_634 {add = true, strides = array<i32>} : memref<128x128xf32, #tpu.memory_space<vmem>>, vector<1x16xf32>,
        %scan3A_635 = arith.constant 6 : i32
        %scan3A_636 = arith.addi %scan3A_170, %scan3A_635 : i32
        %mul3A_637 = arith.constant 1 : i32
        %mul3A_638 = arith.muli %scan3A_636, %mul3A_637 : i32
        %add3A_639 = arith.constant 0 : i32
        %add3A_640 = arith.addi %add3A_639, %mul3A_638 : i32
        %get3A_641 = arith.index_cast %add3A_640 : i32 to index
        %get3A_642 = arith.constant 0 : index
        %get3A_643 = tpu.vector_load %arg7[%get3A_641, %get3A_642] {strides = array<i32>} : memref<128x128xf32, #tpu.memory_space<vmem>>, vector<1x16xf32>,
        %get3A_644 = vector.shape_cast %get3A_643 : vector<1x16xf32> to vector<16xf32>
        %swap3A_645 = arith.index_cast %add3A_640 : i32 to index
        %swap3A_646 = arith.constant 0 : index
        %swap3A_647 = tpu.vector_load %arg11[%swap3A_645, %swap3A_646] {strides = array<i32>} : memref<128x128xf32, #tpu.memory_space<vmem>>, vector<1x16xf32>,
        %swap3A_648 = vector.shape_cast %swap3A_647 : vector<1x16xf32> to vector<16xf32>
        %swap3A_649 = vector.shape_cast %get3A_644 : vector<16xf32> to vector<1x16xf32>
        tpu.vector_store %arg11[%swap3A_645, %swap3A_646], %swap3A_649 {add = true, strides = array<i32>} : memref<128x128xf32, #tpu.memory_space<vmem>>, vector<1x16xf32>,
        %get3A_650 = arith.index_cast %add3A_640 : i32 to index
        %get3A_651 = arith.constant 16 : index
        %get3A_652 = tpu.vector_load %arg7[%get3A_650, %get3A_651] {strides = array<i32>} : memref<128x128xf32, #tpu.memory_space<vmem>>, vector<1x16xf32>,
        %get3A_653 = vector.shape_cast %get3A_652 : vector<1x16xf32> to vector<16xf32>
        %swap3A_654 = arith.index_cast %add3A_640 : i32 to index
        %swap3A_655 = arith.constant 16 : index
        %swap3A_656 = tpu.vector_load %arg11[%swap3A_654, %swap3A_655] {strides = array<i32>} : memref<128x128xf32, #tpu.memory_space<vmem>>, vector<1x16xf32>,
        %swap3A_657 = vector.shape_cast %swap3A_656 : vector<1x16xf32> to vector<16xf32>
        %swap3A_658 = vector.shape_cast %get3A_653 : vector<16xf32> to vector<1x16xf32>
        tpu.vector_store %arg11[%swap3A_654, %swap3A_655], %swap3A_658 {add = true, strides = array<i32>} : memref<128x128xf32, #tpu.memory_space<vmem>>, vector<1x16xf32>,
        %get3A_659 = arith.index_cast %add3A_640 : i32 to index
        %get3A_660 = arith.constant 32 : index
        %get3A_661 = tpu.vector_load %arg7[%get3A_659, %get3A_660] {strides = array<i32>} : memref<128x128xf32, #tpu.memory_space<vmem>>, vector<1x16xf32>,
        %get3A_662 = vector.shape_cast %get3A_661 : vector<1x16xf32> to vector<16xf32>
        %swap3A_663 = arith.index_cast %add3A_640 : i32 to index
        %swap3A_664 = arith.constant 32 : index
        %swap3A_665 = tpu.vector_load %arg11[%swap3A_663, %swap3A_664] {strides = array<i32>} : memref<128x128xf32, #tpu.memory_space<vmem>>, vector<1x16xf32>,
        %swap3A_666 = vector.shape_cast %swap3A_665 : vector<1x16xf32> to vector<16xf32>
        %swap3A_667 = vector.shape_cast %get3A_662 : vector<16xf32> to vector<1x16xf32>
        tpu.vector_store %arg11[%swap3A_663, %swap3A_664], %swap3A_667 {add = true, strides = array<i32>} : memref<128x128xf32, #tpu.memory_space<vmem>>, vector<1x16xf32>,
        %get3A_668 = arith.index_cast %add3A_640 : i32 to index
        %get3A_669 = arith.constant 48 : index
        %get3A_670 = tpu.vector_load %arg7[%get3A_668, %get3A_669] {strides = array<i32>} : memref<128x128xf32, #tpu.memory_space<vmem>>, vector<1x16xf32>,
        %get3A_671 = vector.shape_cast %get3A_670 : vector<1x16xf32> to vector<16xf32>
        %swap3A_672 = arith.index_cast %add3A_640 : i32 to index
        %swap3A_673 = arith.constant 48 : index
        %swap3A_674 = tpu.vector_load %arg11[%swap3A_672, %swap3A_673] {strides = array<i32>} : memref<128x128xf32, #tpu.memory_space<vmem>>, vector<1x16xf32>,
        %swap3A_675 = vector.shape_cast %swap3A_674 : vector<1x16xf32> to vector<16xf32>
        %swap3A_676 = vector.shape_cast %get3A_671 : vector<16xf32> to vector<1x16xf32>
        tpu.vector_store %arg11[%swap3A_672, %swap3A_673], %swap3A_676 {add = true, strides = array<i32>} : memref<128x128xf32, #tpu.memory_space<vmem>>, vector<1x16xf32>,
        %get3A_677 = arith.index_cast %add3A_640 : i32 to index
        %get3A_678 = arith.constant 64 : index
        %get3A_679 = tpu.vector_load %arg7[%get3A_677, %get3A_678] {strides = array<i32>} : memref<128x128xf32, #tpu.memory_space<vmem>>, vector<1x16xf32>,
        %get3A_680 = vector.shape_cast %get3A_679 : vector<1x16xf32> to vector<16xf32>
        %swap3A_681 = arith.index_cast %add3A_640 : i32 to index
        %swap3A_682 = arith.constant 64 : index
        %swap3A_683 = tpu.vector_load %arg11[%swap3A_681, %swap3A_682] {strides = array<i32>} : memref<128x128xf32, #tpu.memory_space<vmem>>, vector<1x16xf32>,
        %swap3A_684 = vector.shape_cast %swap3A_683 : vector<1x16xf32> to vector<16xf32>
        %swap3A_685 = vector.shape_cast %get3A_680 : vector<16xf32> to vector<1x16xf32>
        tpu.vector_store %arg11[%swap3A_681, %swap3A_682], %swap3A_685 {add = true, strides = array<i32>} : memref<128x128xf32, #tpu.memory_space<vmem>>, vector<1x16xf32>,
        %get3A_686 = arith.index_cast %add3A_640 : i32 to index
        %get3A_687 = arith.constant 80 : index
        %get3A_688 = tpu.vector_load %arg7[%get3A_686, %get3A_687] {strides = array<i32>} : memref<128x128xf32, #tpu.memory_space<vmem>>, vector<1x16xf32>,
        %get3A_689 = vector.shape_cast %get3A_688 : vector<1x16xf32> to vector<16xf32>
        %swap3A_690 = arith.index_cast %add3A_640 : i32 to index
        %swap3A_691 = arith.constant 80 : index
        %swap3A_692 = tpu.vector_load %arg11[%swap3A_690, %swap3A_691] {strides = array<i32>} : memref<128x128xf32, #tpu.memory_space<vmem>>, vector<1x16xf32>,
        %swap3A_693 = vector.shape_cast %swap3A_692 : vector<1x16xf32> to vector<16xf32>
        %swap3A_694 = vector.shape_cast %get3A_689 : vector<16xf32> to vector<1x16xf32>
        tpu.vector_store %arg11[%swap3A_690, %swap3A_691], %swap3A_694 {add = true, strides = array<i32>} : memref<128x128xf32, #tpu.memory_space<vmem>>, vector<1x16xf32>,
        %get3A_695 = arith.index_cast %add3A_640 : i32 to index
        %get3A_696 = arith.constant 96 : index
        %get3A_697 = tpu.vector_load %arg7[%get3A_695, %get3A_696] {strides = array<i32>} : memref<128x128xf32, #tpu.memory_space<vmem>>, vector<1x16xf32>,
        %get3A_698 = vector.shape_cast %get3A_697 : vector<1x16xf32> to vector<16xf32>
        %swap3A_699 = arith.index_cast %add3A_640 : i32 to index
        %swap3A_700 = arith.constant 96 : index
        %swap3A_701 = tpu.vector_load %arg11[%swap3A_699, %swap3A_700] {strides = array<i32>} : memref<128x128xf32, #tpu.memory_space<vmem>>, vector<1x16xf32>,
        %swap3A_702 = vector.shape_cast %swap3A_701 : vector<1x16xf32> to vector<16xf32>
        %swap3A_703 = vector.shape_cast %get3A_698 : vector<16xf32> to vector<1x16xf32>
        tpu.vector_store %arg11[%swap3A_699, %swap3A_700], %swap3A_703 {add = true, strides = array<i32>} : memref<128x128xf32, #tpu.memory_space<vmem>>, vector<1x16xf32>,
        %get3A_704 = arith.index_cast %add3A_640 : i32 to index
        %get3A_705 = arith.constant 112 : index
        %get3A_706 = tpu.vector_load %arg7[%get3A_704, %get3A_705] {strides = array<i32>} : memref<128x128xf32, #tpu.memory_space<vmem>>, vector<1x16xf32>,
        %get3A_707 = vector.shape_cast %get3A_706 : vector<1x16xf32> to vector<16xf32>
        %swap3A_708 = arith.index_cast %add3A_640 : i32 to index
        %swap3A_709 = arith.constant 112 : index
        %swap3A_710 = tpu.vector_load %arg11[%swap3A_708, %swap3A_709] {strides = array<i32>} : memref<128x128xf32, #tpu.memory_space<vmem>>, vector<1x16xf32>,
        %swap3A_711 = vector.shape_cast %swap3A_710 : vector<1x16xf32> to vector<16xf32>
        %swap3A_712 = vector.shape_cast %get3A_707 : vector<16xf32> to vector<1x16xf32>
        tpu.vector_store %arg11[%swap3A_708, %swap3A_709], %swap3A_712 {add = true, strides = array<i32>} : memref<128x128xf32, #tpu.memory_space<vmem>>, vector<1x16xf32>,
        %scan3A_713 = arith.constant 7 : i32
        %scan3A_714 = arith.addi %scan3A_170, %scan3A_713 : i32
        %mul3A_715 = arith.constant 1 : i32
        %mul3A_716 = arith.muli %scan3A_714, %mul3A_715 : i32
        %add3A_717 = arith.constant 0 : i32
        %add3A_718 = arith.addi %add3A_717, %mul3A_716 : i32
        %get3A_719 = arith.index_cast %add3A_718 : i32 to index
        %get3A_720 = arith.constant 0 : index
        %get3A_721 = tpu.vector_load %arg7[%get3A_719, %get3A_720] {strides = array<i32>} : memref<128x128xf32, #tpu.memory_space<vmem>>, vector<1x16xf32>,
        %get3A_722 = vector.shape_cast %get3A_721 : vector<1x16xf32> to vector<16xf32>
        %swap3A_723 = arith.index_cast %add3A_718 : i32 to index
        %swap3A_724 = arith.constant 0 : index
        %swap3A_725 = tpu.vector_load %arg11[%swap3A_723, %swap3A_724] {strides = array<i32>} : memref<128x128xf32, #tpu.memory_space<vmem>>, vector<1x16xf32>,
        %swap3A_726 = vector.shape_cast %swap3A_725 : vector<1x16xf32> to vector<16xf32>
        %swap3A_727 = vector.shape_cast %get3A_722 : vector<16xf32> to vector<1x16xf32>
        tpu.vector_store %arg11[%swap3A_723, %swap3A_724], %swap3A_727 {add = true, strides = array<i32>} : memref<128x128xf32, #tpu.memory_space<vmem>>, vector<1x16xf32>,
        %get3A_728 = arith.index_cast %add3A_718 : i32 to index
        %get3A_729 = arith.constant 16 : index
        %get3A_730 = tpu.vector_load %arg7[%get3A_728, %get3A_729] {strides = array<i32>} : memref<128x128xf32, #tpu.memory_space<vmem>>, vector<1x16xf32>,
        %get3A_731 = vector.shape_cast %get3A_730 : vector<1x16xf32> to vector<16xf32>
        %swap3A_732 = arith.index_cast %add3A_718 : i32 to index
        %swap3A_733 = arith.constant 16 : index
        %swap3A_734 = tpu.vector_load %arg11[%swap3A_732, %swap3A_733] {strides = array<i32>} : memref<128x128xf32, #tpu.memory_space<vmem>>, vector<1x16xf32>,
        %swap3A_735 = vector.shape_cast %swap3A_734 : vector<1x16xf32> to vector<16xf32>
        %swap3A_736 = vector.shape_cast %get3A_731 : vector<16xf32> to vector<1x16xf32>
        tpu.vector_store %arg11[%swap3A_732, %swap3A_733], %swap3A_736 {add = true, strides = array<i32>} : memref<128x128xf32, #tpu.memory_space<vmem>>, vector<1x16xf32>,
        %get3A_737 = arith.index_cast %add3A_718 : i32 to index
        %get3A_738 = arith.constant 32 : index
        %get3A_739 = tpu.vector_load %arg7[%get3A_737, %get3A_738] {strides = array<i32>} : memref<128x128xf32, #tpu.memory_space<vmem>>, vector<1x16xf32>,
        %get3A_740 = vector.shape_cast %get3A_739 : vector<1x16xf32> to vector<16xf32>
        %swap3A_741 = arith.index_cast %add3A_718 : i32 to index
        %swap3A_742 = arith.constant 32 : index
        %swap3A_743 = tpu.vector_load %arg11[%swap3A_741, %swap3A_742] {strides = array<i32>} : memref<128x128xf32, #tpu.memory_space<vmem>>, vector<1x16xf32>,
        %swap3A_744 = vector.shape_cast %swap3A_743 : vector<1x16xf32> to vector<16xf32>
        %swap3A_745 = vector.shape_cast %get3A_740 : vector<16xf32> to vector<1x16xf32>
        tpu.vector_store %arg11[%swap3A_741, %swap3A_742], %swap3A_745 {add = true, strides = array<i32>} : memref<128x128xf32, #tpu.memory_space<vmem>>, vector<1x16xf32>,
        %get3A_746 = arith.index_cast %add3A_718 : i32 to index
        %get3A_747 = arith.constant 48 : index
        %get3A_748 = tpu.vector_load %arg7[%get3A_746, %get3A_747] {strides = array<i32>} : memref<128x128xf32, #tpu.memory_space<vmem>>, vector<1x16xf32>,
        %get3A_749 = vector.shape_cast %get3A_748 : vector<1x16xf32> to vector<16xf32>
        %swap3A_750 = arith.index_cast %add3A_718 : i32 to index
        %swap3A_751 = arith.constant 48 : index
        %swap3A_752 = tpu.vector_load %arg11[%swap3A_750, %swap3A_751] {strides = array<i32>} : memref<128x128xf32, #tpu.memory_space<vmem>>, vector<1x16xf32>,
        %swap3A_753 = vector.shape_cast %swap3A_752 : vector<1x16xf32> to vector<16xf32>
        %swap3A_754 = vector.shape_cast %get3A_749 : vector<16xf32> to vector<1x16xf32>
        tpu.vector_store %arg11[%swap3A_750, %swap3A_751], %swap3A_754 {add = true, strides = array<i32>} : memref<128x128xf32, #tpu.memory_space<vmem>>, vector<1x16xf32>,
        %get3A_755 = arith.index_cast %add3A_718 : i32 to index
        %get3A_756 = arith.constant 64 : index
        %get3A_757 = tpu.vector_load %arg7[%get3A_755, %get3A_756] {strides = array<i32>} : memref<128x128xf32, #tpu.memory_space<vmem>>, vector<1x16xf32>,
        %get3A_758 = vector.shape_cast %get3A_757 : vector<1x16xf32> to vector<16xf32>
        %swap3A_759 = arith.index_cast %add3A_718 : i32 to index
        %swap3A_760 = arith.constant 64 : index
        %swap3A_761 = tpu.vector_load %arg11[%swap3A_759, %swap3A_760] {strides = array<i32>} : memref<128x128xf32, #tpu.memory_space<vmem>>, vector<1x16xf32>,
        %swap3A_762 = vector.shape_cast %swap3A_761 : vector<1x16xf32> to vector<16xf32>
        %swap3A_763 = vector.shape_cast %get3A_758 : vector<16xf32> to vector<1x16xf32>
        tpu.vector_store %arg11[%swap3A_759, %swap3A_760], %swap3A_763 {add = true, strides = array<i32>} : memref<128x128xf32, #tpu.memory_space<vmem>>, vector<1x16xf32>,
        %get3A_764 = arith.index_cast %add3A_718 : i32 to index
        %get3A_765 = arith.constant 80 : index
        %get3A_766 = tpu.vector_load %arg7[%get3A_764, %get3A_765] {strides = array<i32>} : memref<128x128xf32, #tpu.memory_space<vmem>>, vector<1x16xf32>,
        %get3A_767 = vector.shape_cast %get3A_766 : vector<1x16xf32> to vector<16xf32>
        %swap3A_768 = arith.index_cast %add3A_718 : i32 to index
        %swap3A_769 = arith.constant 80 : index
        %swap3A_770 = tpu.vector_load %arg11[%swap3A_768, %swap3A_769] {strides = array<i32>} : memref<128x128xf32, #tpu.memory_space<vmem>>, vector<1x16xf32>,
        %swap3A_771 = vector.shape_cast %swap3A_770 : vector<1x16xf32> to vector<16xf32>
        %swap3A_772 = vector.shape_cast %get3A_767 : vector<16xf32> to vector<1x16xf32>
        tpu.vector_store %arg11[%swap3A_768, %swap3A_769], %swap3A_772 {add = true, strides = array<i32>} : memref<128x128xf32, #tpu.memory_space<vmem>>, vector<1x16xf32>,
        %get3A_773 = arith.index_cast %add3A_718 : i32 to index
        %get3A_774 = arith.constant 96 : index
        %get3A_775 = tpu.vector_load %arg7[%get3A_773, %get3A_774] {strides = array<i32>} : memref<128x128xf32, #tpu.memory_space<vmem>>, vector<1x16xf32>,
        %get3A_776 = vector.shape_cast %get3A_775 : vector<1x16xf32> to vector<16xf32>
        %swap3A_777 = arith.index_cast %add3A_718 : i32 to index
        %swap3A_778 = arith.constant 96 : index
        %swap3A_779 = tpu.vector_load %arg11[%swap3A_777, %swap3A_778] {strides = array<i32>} : memref<128x128xf32, #tpu.memory_space<vmem>>, vector<1x16xf32>,
        %swap3A_780 = vector.shape_cast %swap3A_779 : vector<1x16xf32> to vector<16xf32>
        %swap3A_781 = vector.shape_cast %get3A_776 : vector<16xf32> to vector<1x16xf32>
        tpu.vector_store %arg11[%swap3A_777, %swap3A_778], %swap3A_781 {add = true, strides = array<i32>} : memref<128x128xf32, #tpu.memory_space<vmem>>, vector<1x16xf32>,
        %get3A_782 = arith.index_cast %add3A_718 : i32 to index
        %get3A_783 = arith.constant 112 : index
        %get3A_784 = tpu.vector_load %arg7[%get3A_782, %get3A_783] {strides = array<i32>} : memref<128x128xf32, #tpu.memory_space<vmem>>, vector<1x16xf32>,
        %get3A_785 = vector.shape_cast %get3A_784 : vector<1x16xf32> to vector<16xf32>
        %swap3A_786 = arith.index_cast %add3A_718 : i32 to index
        %swap3A_787 = arith.constant 112 : index
        %swap3A_788 = tpu.vector_load %arg11[%swap3A_786, %swap3A_787] {strides = array<i32>} : memref<128x128xf32, #tpu.memory_space<vmem>>, vector<1x16xf32>,
        %swap3A_789 = vector.shape_cast %swap3A_788 : vector<1x16xf32> to vector<16xf32>
        %swap3A_790 = vector.shape_cast %get3A_785 : vector<16xf32> to vector<1x16xf32>
        tpu.vector_store %arg11[%swap3A_786, %swap3A_787], %swap3A_790 {add = true, strides = array<i32>} : memref<128x128xf32, #tpu.memory_space<vmem>>, vector<1x16xf32>,
      }
      %scan3A_161 = arith.constant 128 : i32
      %mul3A_162 = arith.constant 128 : i32
      %mul3A_163 = arith.muli %add3A_143, %mul3A_162 : i32
      %add3A_164 = arith.addi %mul3A_2, %mul3A_163 : i32
      %multiple_of3A_165 = tpu.assume_multiple %add3A_164, 128 : i32
      %dma_start3A_166 = arith.constant 0 : i32
      %dma_start3A_167 = tpu.memref_slice %arg5[%multiple_of3A_165, %dma_start3A_166] : memref<524288x128xf32, #tpu.memory_space<hbm>> -> memref<128x128xf32, #tpu.memory_space<hbm>>
      %dma_start3A_168 = arith.constant 0 : i32
      %dma_start3A_169 = tpu.memref_slice %arg5[%multiple_of3A_165, %dma_start3A_168] : memref<524288x128xf32, #tpu.memory_space<hbm>> -> memref<128x128xf32, #tpu.memory_space<hbm>>
      tpu.enqueue_dma source(%arg11 : memref<128x128xf32, #tpu.memory_space<vmem>>) target(%dma_start3A_169 : memref<128x128xf32, #tpu.memory_space<hbm>>) target_semaphore(%arg19 : memref<!tpu.dma_semaphore, #tpu.memory_space<semaphore_mem>>)
    }
    %scan3A_28 = arith.constant 32 : i32
    %add3A_29 = arith.constant 15872 : i32
    %add3A_30 = arith.addi %mul3A_2, %add3A_29 : i32
    %multiple_of3A = tpu.assume_multiple %add3A_30, 128 : i32
    %dma_wait3A_31 = arith.constant 0 : i32
    %dma_wait3A_32 = tpu.memref_slice %arg5[%multiple_of3A, %dma_wait3A_31] : memref<524288x128xf32, #tpu.memory_space<hbm>> -> memref<128x128xf32, #tpu.memory_space<hbm>>
    %dma_wait3A_33 = arith.constant 0 : i32
    %dma_wait3A_34 = tpu.memref_slice %arg5[%multiple_of3A, %dma_wait3A_33] : memref<524288x128xf32, #tpu.memory_space<hbm>> -> memref<128x128xf32, #tpu.memory_space<hbm>>
    tpu.wait_dma2 semaphore(%arg16 : memref<!tpu.dma_semaphore, #tpu.memory_space<semaphore_mem>>) src(%arg8 : memref<128x128xf32, #tpu.memory_space<vmem>>) dst(%dma_wait3A_34 : memref<128x128xf32, #tpu.memory_space<hbm>>)
    %add3A_35 = arith.constant 16000 : i32
    %add3A_36 = arith.addi %mul3A_2, %add3A_35 : i32
    %multiple_of3A_37 = tpu.assume_multiple %add3A_36, 128 : i32
    %dma_wait3A_38 = arith.constant 0 : i32
    %dma_wait3A_39 = tpu.memref_slice %arg5[%multiple_of3A_37, %dma_wait3A_38] : memref<524288x128xf32, #tpu.memory_space<hbm>> -> memref<128x128xf32, #tpu.memory_space<hbm>>
    %dma_wait3A_40 = arith.constant 0 : i32
    %dma_wait3A_41 = tpu.memref_slice %arg5[%multiple_of3A_37, %dma_wait3A_40] : memref<524288x128xf32, #tpu.memory_space<hbm>> -> memref<128x128xf32, #tpu.memory_space<hbm>>
    tpu.wait_dma2 semaphore(%arg17 : memref<!tpu.dma_semaphore, #tpu.memory_space<semaphore_mem>>) src(%arg9 : memref<128x128xf32, #tpu.memory_space<vmem>>) dst(%dma_wait3A_41 : memref<128x128xf32, #tpu.memory_space<hbm>>)
    %add3A_42 = arith.constant 16128 : i32
    %add3A_43 = arith.addi %mul3A_2, %add3A_42 : i32
    %multiple_of3A_44 = tpu.assume_multiple %add3A_43, 128 : i32
    %dma_wait3A_45 = arith.constant 0 : i32
    %dma_wait3A_46 = tpu.memref_slice %arg5[%multiple_of3A_44, %dma_wait3A_45] : memref<524288x128xf32, #tpu.memory_space<hbm>> -> memref<128x128xf32, #tpu.memory_space<hbm>>
    %dma_wait3A_47 = arith.constant 0 : i32
    %dma_wait3A_48 = tpu.memref_slice %arg5[%multiple_of3A_44, %dma_wait3A_47] : memref<524288x128xf32, #tpu.memory_space<hbm>> -> memref<128x128xf32, #tpu.memory_space<hbm>>
    tpu.wait_dma2 semaphore(%arg18 : memref<!tpu.dma_semaphore, #tpu.memory_space<semaphore_mem>>) src(%arg10 : memref<128x128xf32, #tpu.memory_space<vmem>>) dst(%dma_wait3A_48 : memref<128x128xf32, #tpu.memory_space<hbm>>)
    %add3A_49 = arith.constant 16256 : i32
    %add3A_50 = arith.addi %mul3A_2, %add3A_49 : i32
    %multiple_of3A_51 = tpu.assume_multiple %add3A_50, 128 : i32
    %dma_wait3A_52 = arith.constant 0 : i32
    %dma_wait3A_53 = tpu.memref_slice %arg5[%multiple_of3A_51, %dma_wait3A_52] : memref<524288x128xf32, #tpu.memory_space<hbm>> -> memref<128x128xf32, #tpu.memory_space<hbm>>
    %dma_wait3A_54 = arith.constant 0 : i32
    %dma_wait3A_55 = tpu.memref_slice %arg5[%multiple_of3A_51, %dma_wait3A_54] : memref<524288x128xf32, #tpu.memory_space<hbm>> -> memref<128x128xf32, #tpu.memory_space<hbm>>
    tpu.wait_dma2 semaphore(%arg19 : memref<!tpu.dma_semaphore, #tpu.memory_space<semaphore_mem>>) src(%arg11 : memref<128x128xf32, #tpu.memory_space<vmem>>) dst(%dma_wait3A_55 : memref<128x128xf32, #tpu.memory_space<hbm>>)
    return
  }
}

</mosaic_0001>

<sc_bundles>
// kernel: kernel.3.cloned.1.call-start
scs
__scs_entry_jumppad:
0x0: {  	(pc) =	sbr.rel $0x88, $3  }
0x1: {  	(tag) =	ssettag $0x0;
	lr =	simm.s32 $0x1  }
0x2: {  	[smem:$0x3F9E] =	sst lr;
	_ =	strace $0xD0000000  }
0x3: {  	_ = 	snop  }
0x4: {  	_ = 	snop  }
0x5: {  	_ = 	snop  }
0x6: {  	_ = 	snop  }
0x7: {  	_ = 	snop  }
__scs_overlays_trampoline_lowered:
0x8: {  	[smem:$0x3FAD] =	sst s0  }
0x9: {  	[smem:$0x3FAE] =	sst s1  }
0xa: {  	[smem:$0x3FAF] =	sst s2  }
0xb: {  	[smem:$0x3FB0] =	sst s3  }
0xc: {  	[smem:$0x3FB1] =	sst s4  }
0xd: {  	[smem:$0x3FB2] =	sst s5  }
0xe: {  	[smem:$0x3FB3] =	sst s6  }
0xf: {  	[smem:$0x3FB4] =	sst s7  }
0x10: {  	[smem:$0x3FB5] =	sst s8  }
0x11: {  	[smem:$0x3FB6] =	sst s9;
	s0 =	simm.s32 @!p0 $0x0  }
0x12: {  	s1 =	sld [smem:$0x3F9C];
	s0 =	simm.s32 @p0 $0x1  }
0x13: {  	[smem:$0x3FB7] =	sst s0;
	s0 =	simm.s32 @!p1 $0x0  }
0x14: {  	s2 =	sld [smem:$0x3F9B];
	s0 =	simm.s32 @p1 $0x1  }
0x15: {  	[smem:$0x3FB8] =	sst s0;
	s0 =	simm.s32 @!p2 $0x0  }
0x16: {  	s3 =	sld [smem:$0x3FDB];
	s0 =	simm.s32 @p2 $0x1  }
0x17: {  	s4 =	simm.s32 $0x1BF5;
	[smem:$0x3FBA] =	sst s0  }
0x18: {  	s0 =	sld [smem:$0x3F9D];
	_ =	swait.ge [sflag:s4], $0x0  }
0x19: {  	s7 =	sld [smem:$0x3F9E]  }
0x1a: {  	s8 =	sadd.s32 $0xFFFFE003, lr  }
0x1b: {  	s9 =	sadd.s32 $0xFFFFFEF7, lr;
	s5 =	simm.s32 $0xFFFFFFFF;
	p2 =	slt.u32 s8, $0xFFFFF086  }
0x1c: {  	p1 =	slt.u32 s9, $0xF7A;
	s5 =	simm.s32 @!p2 $0x0  }
0x1d: {  	s5 =	simm.s32 @p1 $0x1;
	p0 =	seq.s32 s7, s2  }
0x1e: {  	s7 =	smul.u32 @!p0 $0xF7A, s2;
	p2 =	seq.s32 @!p0 s5, $0x0  }
0x1f: {  	s9 =	smul.u32 $0xF7A, s1;
	s8 =	simm.s32 @!p0 $0x1BF5;
	p2 =	por !p2, p0  }
0x20: {  	[sflag:s8] =	ssyncset.s32 @!p0 $0xFFFFF086;
	s6 =	sadd.s32 @!p0 s3, s7;
	s7 =	simm.s32 @!p0 $0x108  }
0x21: {  	s3 =	sadd.s32 s3, s9;
	s6 =	sadd.s32 @!p0 $0x88, s6;
	s7 =	simm.s32 @p2 $0x1082  }
0x22: {  	[simem:s7], [sflag:s8] =	dma.local @!p0 [hbm:s6], $0xF7A  }
0x23: {  	s9 =	sor.u32 $0xD0000000, s2;
	s6 =	simm.s32 $0x108;
	_ =	swait.ge @!p0 [sflag:s8], $0x0  }
0x24: {  	s3 =	sadd.s32 $0x88, s3;
	s6 =	simm.s32 @!p1 $0x1082;
	[sflag:s4] =	ssyncset.s32 $0xFFFFF086  }
0x25: {  	[simem:s6], [sflag:s4] =	dma.local [hbm:s3], $0xF7A  }
0x26: {  	[smem:$0x3F9E] =	sst s1;
	(tag) =	ssettag s2;
	_ =	strace s9  }
0x27: {  	s1 =	sld [smem:$0x3FAE]  }
0x28: {  	s2 =	sld [smem:$0x3FAF]  }
0x29: {  	s4 =	sld [smem:$0x3FB1]  }
0x2a: {  	p0 =	seq.s32 s5, $0x0;
	s5 =	sld [smem:$0x3FB2]  }
0x2b: {  	s6 =	sld [smem:$0x3FB3]  }
0x2c: {  	s7 =	sld [smem:$0x3FB4]  }
0x2d: {  	s3 =	simm.s32 $0x108;
	s8 =	sld [smem:$0x3FB5]  }
0x2e: {  	s3 =	simm.s32 @!p0 $0x1082;
	s9 =	sld [smem:$0x3FB6]  }
0x2f: {  	lr =	sadd.s32 s0, s3;
	s0 =	sld [smem:$0x3FAD]  }
0x30: {  	s3 =	sld [smem:$0x3FB0]  }
0x31: {  	[smem:$0x3FB9] =	sst s10  }
0x32: {  	s10 =	sld [smem:$0x3FB7];
	_ =	sdelay $0x3  }
0x33: {  	p0 =	seq.s32 s10, $0x1;
	s10 =	sld [smem:$0x3FB9];
	_ =	sdelay $0x3  }
0x34: {  	[smem:$0x3FB9] =	sst s10  }
0x35: {  	s10 =	sld [smem:$0x3FB8];
	_ =	sdelay $0x3  }
0x36: {  	p1 =	seq.s32 s10, $0x1;
	s10 =	sld [smem:$0x3FB9];
	_ =	sdelay $0x3  }
0x37: {  	[smem:$0x3FB9] =	sst s10  }
0x38: {  	s10 =	sld [smem:$0x3FBA]  }
0x39: {  	_ = 	snop;
	(pc) =	sbr.ind lr, $3  }
0x3a: {  	_ = 	snop  }
0x3b: {  	_ = 	snop  }
0x3c: {  	p2 =	seq.s32 s10, $0x1;
	s10 =	sld [smem:$0x3FB9]  }
0x3d: {  	_ =	shalt  }
0x3e: {  	_ =	shalt  }
0x3f: {  	_ =	shalt  }
0x40: {  	_ =	shalt  }
0x41: {  	_ =	shalt  }
0x42: {  	_ =	shalt  }
0x43: {  	_ =	shalt  }
0x44: {  	_ =	shalt  }
0x45: {  	_ =	shalt  }
0x46: {  	_ =	shalt  }
0x47: {  	_ =	shalt  }
0x48: {  	_ =	shalt  }
0x49: {  	_ =	shalt  }
0x4a: {  	_ =	shalt  }
0x4b: {  	_ =	shalt  }
0x4c: {  	_ =	shalt  }
0x4d: {  	_ =	shalt  }
0x4e: {  	_ =	shalt  }
0x4f: {  	_ =	shalt  }
0x50: {  	_ =	shalt  }
0x51: {  	_ =	shalt  }
0x52: {  	_ =	shalt  }
0x53: {  	_ =	shalt  }
0x54: {  	_ =	shalt  }
0x55: {  	_ =	shalt  }
0x56: {  	_ =	shalt  }
0x57: {  	_ =	shalt  }
0x58: {  	_ =	shalt  }
0x59: {  	_ =	shalt  }
0x5a: {  	_ =	shalt  }
0x5b: {  	_ =	shalt  }
0x5c: {  	_ =	shalt  }
0x5d: {  	_ =	shalt  }
0x5e: {  	_ =	shalt  }
0x5f: {  	_ =	shalt  }
0x60: {  	_ =	shalt  }
0x61: {  	_ =	shalt  }
0x62: {  	_ =	shalt  }
0x63: {  	_ =	shalt  }
0x64: {  	_ =	shalt  }
0x65: {  	_ =	shalt  }
0x66: {  	_ =	shalt  }
0x67: {  	_ =	shalt  }
0x68: {  	_ =	shalt  }
0x69: {  	_ =	shalt  }
0x6a: {  	_ =	shalt  }
0x6b: {  	_ =	shalt  }
0x6c: {  	_ =	shalt  }
0x6d: {  	_ =	shalt  }
0x6e: {  	_ =	shalt  }
0x6f: {  	_ =	shalt  }
0x70: {  	_ =	shalt  }
0x71: {  	_ =	shalt  }
0x72: {  	_ =	shalt  }
0x73: {  	_ =	shalt  }
0x74: {  	_ =	shalt  }
0x75: {  	_ =	shalt  }
0x76: {  	_ =	shalt  }
0x77: {  	_ =	shalt  }
0x78: {  	_ =	shalt  }
0x79: {  	_ =	shalt  }
0x7a: {  	_ =	shalt  }
0x7b: {  	_ =	shalt  }
0x7c: {  	_ =	shalt  }
0x7d: {  	_ =	shalt  }
0x7e: {  	_ =	shalt  }
0x7f: {  	_ =	shalt  }
0x80: {  	_ =	shalt  }
0x81: {  	_ =	shalt  }
0x82: {  	_ =	shalt  }
0x83: {  	_ =	shalt  }
0x84: {  	_ =	shalt  }
0x85: {  	_ =	shalt  }
0x86: {  	_ =	shalt  }
0x87: {  	_ =	shalt  }
.Lfunc_end0:
.L_simem_size_0:
called_computation_lowered:
.L_overlay_start_0:
0x88: {  	s2 =	sld [smem:$0x3FD9]  }
0x89: {  	s3 =	sld [smem:$0x3FFE];
	_ =	sdelay $0x1  }
0x8a: {  	s1 =	srdreg.scid  }
0x8b: {  	s0 =	sand.u32 $0x1, s1  }
0x8c: {  	s18 =	sshll.u32 s0, $0xA;
	s2 =	sadd.s32 s3, s2  }
0x8d: {  	s2 =	sadd.s32 s2, s18  }
0x8e: {  	[smem:$0x3FC5] =	sst s2  }
0x8f: {  	_ = 	snop  }
0x90: {  	s2 =	sld [smem:$0x3FC9]  }
0x91: {  	s19 =	sld [smem:$0x3FC8]  }
0x92: {  	s4 =	sld [smem:$0x3FC7]  }
0x93: {  	s5 =	sld [smem:$0x3FD0];
	(tm) =	ssettm $0x1  }
0x94: {  	s6 =	sld [smem:$0x3FFB];
	_ =	sdelay $0x3  }
0x95: {  	_ =	strace s6  }
0x96: {  	s6 =	sld [smem:$0x3FFC];
	_ =	sdelay $0x3  }
0x97: {  	_ =	strace s6  }
0x98: {  	s6 =	sld [smem:$0x3FFD];
	_ =	sdelay $0x3  }
0x99: {  	_ =	strace s6  }
0x9a: {  	_ =	strace $0x8FFFFFFF  }
0x9b: {  	s20 =	sld [smem:$0x3FDB];
	_ =	sdelay $0x1  }
0x9c: {  	s7 =	simm.s32 $_scs_section_size  }
0x9d: {  	s8 =	simm.s32 $_size__tile_overlayer_lowered;
	s9 =	simm.s32 $_tile_overlayer_lowered  }
0x9e: {  	s23 =	simm.s32 $0x1BFF;
	s22 =	sshll.u32 s9, $0x1;
	s6 =	sadd.s32 s7, s20  }
0x9f: {  	s10 =	simm.s32 $0x0;
	s21 =	sshll.u32 s8, $0x1;
	s8 =	sadd.s32 s22, s6  }
0xa0: {  	[timem:s10], [sflag:s23] =	dma.local [hbm:s8], s21  }
0xa1: {  	_ =	swait.ge [sflag:s23], s21  }
0xa2: {  	s7 =	ssub.s32 $0x0, s21;
	[sflag:s23] =	ssyncset.done $0x0  }
0xa3: {  	[sflag:s23] =	ssyncadd.s32 s7;
	_ =	sdelay $0x1  }
0xa4: {  	s24 =	simm.s32 $0x1B8B  }
0xa5: {  	_ =	swait.ge [sflag:s24], $0x1  }
0xa6: {  	[sflag:s24] =	ssyncset.done $0x0  }
0xa7: {  	s25 =	simm.s32 $0x1B8E;
	[sflag:s24] =	ssyncadd.s32 $0xFFFFFFFF  }
0xa8: {  	s26 =	simm.s32 $execute0_lowered;
	[smem:$0x3FD2] =	sst s25  }
0xa9: {  	s7 =	sshll.u32 s26, $0x1;
	_ =	strace $0x80000046;
	[dreg:$0x1] =	wrdreg $0xFFFFFFFF  }
0xaa: {  	s28 =	simm.s32 $_size_execute0_lowered;
	s6 =	sadd.s32 s6, s7;
	[dreg:$0x0] =	wrdreg $0x0  }
0xab: {  	s7 =	sshll.u32 s28, $0x1;
	[dreg:$0x2] =	wrdreg s6  }
0xac: {  	[dreg:$0x3] =	wrdreg s7  }
0xad: {  	[dreg:$0x4] =	wrdreg $0xC0  }
0xae: {  	_ =	task [dreg:s10], $0x5FFFF  }
0xaf: {  	[dreg:$0x1] =	wrdreg $0xFFFFFFFF  }
0xb0: {  	[dreg:$0x0] =	wrdreg $0x60  }
0xb1: {  	[dreg:$0x2] =	wrdreg s2  }
0xb2: {  	[dreg:$0x3] =	wrdreg s19  }
0xb3: {  	[dreg:$0x4] =	wrdreg s4  }
0xb4: {  	[dreg:$0x5] =	wrdreg s5  }
0xb5: {  	[dreg:$0x6] =	wrdreg $0x9  }
0xb6: {  	_ =	task.clear_ibuf [dreg:s10], $0x7FFFF;
	_ =	strace $0x90000046  }
0xb7: {  	s29 =	simm.s32 $0x9;
	_ =	strace $0x80000048  }
0xb8: {  	_ =	swait.ge [sflag:s29], $0x1  }
0xb9: {  	[sflag:s29] =	ssyncadd.s32 $0xFFFFFFFF  }
0xba: {  	_ =	strace $0x90000048  }
0xbb: {  	_ =	sfence  }
0xbc: {  	s30 =	sld [smem:$0x0];
	_ =	sdelay $0x2  }
0xbd: {  	s31 =	sshll.u32 s1, $0xD;
	s1 =	sshrl.u32 s1, $0x2  }
0xbe: {  	s3 =	sand.u32 $0x4000, s31;
	s1 =	sadd.s32 s1, s30  }
0xbf: {  	s0 =	sor.u32 s3, s0;
	s1 =	sshll.u32 s1, $0x11  }
0xc0: {  	s0 =	sor.u32 s1, s0  }
0xc1: {  	s0 =	sadd.s32 $0x8F2B, s0  }
0xc2: {  	[sflag:s0] =	ssyncadd.remote.s32 $0x1  }
0xc3: {  	_ =	sfence.sel $0xFFFF  }
0xc4: {  	[dreg:$0x0] =	wrdreg $0xFFFFFFFF;
	(pc) =	sbr.abs _section_cstart, $3  }
0xc5: {  	[dreg:$0x1] =	wrdreg $0xFFFFFFFF  }
0xc6: {  	_ =	task.clear_ibuf [dreg:s10], $0x2FFFF;
	_ =	strace $0x9FFFFFFF  }
0xc7: {  	(tm) =	ssettm $0x7FFFFFFF  }
tec
execute0_lowered:
.L_overlay_start_1:
0x0: {  	(tag) =	ssettag $0x1  }
0x1: {  	s5 =	rddreg [dreg:$0x0]  }
0x2: {  	s1 =	rddreg [dreg:$0x1]  }
0x3: {  	s2 =	rddreg [dreg:$0x2]  }
0x4: {  	s6 =	rddreg [dreg:$0x3]  }
0x5: {  	s0 =	rddreg [dreg:$0x4];
	s7 =	srdreg.scid  }
0x6: {  	s4 =	simm.s32 $0x0;
	s3 =	stileid.u32;
	s11 =	simm.s32 $0x8000  }
0x7: {  	s12 =	simm.s32 $0xC000;
	s13 =	simm.s32 $0x6;
	s14 =	simm.s32 $0x1  }
0x8: {  	s15 =	simm.s32 $0x10000;
	s16 =	simm.s32 $0x2;
	s17 =	simm.s32 $0x14000  }
0x9: {  	s18 =	simm.s32 $0x3;
	s19 =	simm.s32 $0x4;
	s20 =	simm.s32 $0x7  }
0xa: {  	s21 =	simm.s32 $0x8;
	s22 =	simm.s32 $0x0;
	s7 =	sand.u32 $0x1, s7  }
0xb: {  	[smem:$0x7FF] =	sst s4;
	s9 =	sshll.u32 s3, $0x1;
	s8 =	ssub.s32 $0x2, s7  }
0xc: {  	_ =	strace $0x80000047;
	s7 =	sor.u32 s7, s9;
	s10 =	sshrl.u32 s8, $0x1  }
0xd: {  	s9 =	sshll.u32 s7, $0x12;
	s7 =	sshll.u32 s7, $0xB;
	s8 =	ssub.s32 s8, s10  }
0xe: {  	s5 =	sadd.s32 s5, s7;
	s6 =	sadd.s32 s6, s9;
	s9 =	simm.s32 $0x5  }
0xf: {  	s10 =	simm.s32 $0x80;
	s7 =	smax.u32 s8, $0x1;
	s8 =	simm.s32 $0x4000  }
.LBB2_1:
0x10: {  	[tilespmem:s4], [sflag:$0x5] =	stream.linear.gather [hbm4b:s5+s4], $0x4000, $0x38;
	[tilespmem:$0x18000] =	vst v63  }
0x11: {  	_ = 	snop  }
0x12: {  	[tilespmem:s8], [sflag:$0x6] =	stream.linear.gather [hbm4b:s2+s4], $0x4000, $0x38;
	[tilespmem:$0x18000] =	vst v63  }
0x13: {  	_ =	swait.ge [sflag:s9], $0x4000  }
0x14: {  	[sflag:s9] =	ssyncset.done $0x0  }
0x15: {  	[sflag:s9] =	ssyncadd.s32 $0xFFFFC000  }
0x16: {  	[tilespmem:s11], [sflag:$0x1] =	stream.indirect.gather [hbm4b:s1+s10], $0x80, s4, s10, $0xb8;
	[tilespmem:$0x18000] =	vst v63  }
0x17: {  	_ = 	snop  }
0x18: {  	[tilespmem:s12], [sflag:$0x2] =	stream.indirect.gather [hbm4b:s1+s10], $0x80, s10, s10, $0xb8;
	[tilespmem:$0x18000] =	vst v63  }
0x19: {  	_ =	swait.ge [sflag:s13], $0x4000  }
0x1a: {  	[sflag:s13] =	ssyncset.done $0x0  }
0x1b: {  	s23 =	simm.s32 $0x0;
	[sflag:s13] =	ssyncadd.s32 $0xFFFFC000  }
.LBB2_2:
0x1c: {  	_ =	swait.ge [sflag:s14], $0x4000  }
0x1d: {  	p0 =	seq.s32 s23, $0x0;
	[sflag:s14] =	ssyncset.done $0x0  }
0x1e: {  	s25 =	sshll.u32 s23, $0x2;
	s26 =	simm.s32 @!p0 $0x7;
	[sflag:s14] =	ssyncadd.s32 $0xFFFFC000  }
0x1f: {  	s24 =	sor.u32 $0x2, s25;
	_ =	swait.ge @!p0 [sflag:s26], $0x4000  }
0x20: {  	s28 =	sshll.u32 s24, $0x7;
	[sflag:s26] =	ssyncset.done @!p0 $0x0  }
0x21: {  	s31 =	sand.u32 $0x3FFFFF80, s28;
	[sflag:s26] =	ssyncadd.s32 @!p0 $0xFFFFC000;
	s26 =	simm.s32 $0x0  }
0x22: {  	[tilespmem:s15], [sflag:$0x3] =	stream.indirect.gather [hbm4b:s1+s10], $0x80, s31, s10, $0xb8;
	[tilespmem:$0x18000] =	vst v63  }
0x23: {  	v0 =	vld [tilespmem:s26+$0x43F0]  }
0x24: {  	v1 =	vld [tilespmem:s26+$0x4000]  }
0x25: {  	v2 =	vld [tilespmem:s26+$0x4010]  }
0x26: {  	v3 =	vld [tilespmem:s26+$0x4020]  }
0x27: {  	v4 =	vld [tilespmem:s26+$0x4030]  }
0x28: {  	v5 =	vld [tilespmem:s26+$0x4040]  }
0x29: {  	v6 =	vld [tilespmem:s26+$0x4050]  }
0x2a: {  	v7 =	vld [tilespmem:s26+$0x4060]  }
0x2b: {  	v8 =	vld [tilespmem:s26+$0x4070]  }
0x2c: {  	v9 =	vld [tilespmem:s26+$0x4080]  }
0x2d: {  	v10 =	vld [tilespmem:s26+$0x4090]  }
0x2e: {  	v11 =	vld [tilespmem:s26+$0x40A0]  }
0x2f: {  	v12 =	vld [tilespmem:s26+$0x40B0]  }
0x30: {  	v13 =	vld [tilespmem:s26+$0x40C0]  }
0x31: {  	v14 =	vld [tilespmem:s26+$0x40D0]  }
0x32: {  	v15 =	vld [tilespmem:s26+$0x40E0]  }
0x33: {  	v16 =	vld [tilespmem:s26+$0x40F0]  }
0x34: {  	v17 =	vld [tilespmem:s26+$0x4100]  }
0x35: {  	v18 =	vld [tilespmem:s26+$0x4110]  }
0x36: {  	v19 =	vld [tilespmem:s26+$0x4120]  }
0x37: {  	v20 =	vld [tilespmem:s26+$0x4130]  }
0x38: {  	v21 =	vld [tilespmem:s26+$0x4140]  }
0x39: {  	v22 =	vld [tilespmem:s26+$0x4150]  }
0x3a: {  	v23 =	vld [tilespmem:s26+$0x4160]  }
0x3b: {  	v24 =	vld [tilespmem:s26+$0x4170]  }
0x3c: {  	v25 =	vld [tilespmem:s26+$0x4180]  }
0x3d: {  	v26 =	vld [tilespmem:s26+$0x4190]  }
0x3e: {  	v27 =	vld [tilespmem:s26+$0x41A0]  }
0x3f: {  	v28 =	vld [tilespmem:s26+$0x41B0]  }
0x40: {  	v29 =	vld [tilespmem:s26+$0x41C0]  }
0x41: {  	v30 =	vld [tilespmem:s26+$0x41D0]  }
0x42: {  	v31 =	vld [tilespmem:s26+$0x41E0]  }
0x43: {  	v32 =	vld [tilespmem:s26+$0x41F0]  }
0x44: {  	v33 =	vld [tilespmem:s26+$0x4200]  }
0x45: {  	v34 =	vld [tilespmem:s26+$0x4210]  }
0x46: {  	v35 =	vld [tilespmem:s26+$0x4220]  }
0x47: {  	v36 =	vld [tilespmem:s26+$0x4230]  }
0x48: {  	v37 =	vld [tilespmem:s26+$0x4240]  }
0x49: {  	v38 =	vld [tilespmem:s26+$0x4250]  }
0x4a: {  	v39 =	vld [tilespmem:s26+$0x4260]  }
0x4b: {  	v40 =	vld [tilespmem:s26+$0x4270]  }
0x4c: {  	v41 =	vld [tilespmem:s26+$0x4280]  }
0x4d: {  	v42 =	vld [tilespmem:s26+$0x4290]  }
0x4e: {  	v43 =	vld [tilespmem:s26+$0x42A0]  }
0x4f: {  	v44 =	vld [tilespmem:s26+$0x42B0]  }
0x50: {  	v45 =	vld [tilespmem:s26+$0x42C0]  }
0x51: {  	v46 =	vld [tilespmem:s26+$0x42D0]  }
0x52: {  	v47 =	vld [tilespmem:s26+$0x42E0]  }
0x53: {  	v48 =	vld [tilespmem:s26+$0x42F0]  }
0x54: {  	v49 =	vld [tilespmem:s26+$0x4300]  }
0x55: {  	v50 =	vld [tilespmem:s26+$0x4310]  }
0x56: {  	v51 =	vld [tilespmem:s26+$0x4320]  }
0x57: {  	v52 =	vld [tilespmem:s26+$0x4330]  }
0x58: {  	v53 =	vld [tilespmem:s26+$0x4340]  }
0x59: {  	v54 =	vld [tilespmem:s26+$0x4350]  }
0x5a: {  	v55 =	vld [tilespmem:s26+$0x4360]  }
0x5b: {  	v56 =	vld [tilespmem:s26+$0x4370]  }
0x5c: {  	v57 =	vld [tilespmem:s26+$0x4380]  }
0x5d: {  	v58 =	vld [tilespmem:s26+$0x4390]  }
0x5e: {  	v59 =	vld [tilespmem:s26+$0x43A0]  }
0x5f: {  	v60 =	vld [tilespmem:s26+$0x43B0]  }
0x60: {  	v61 =	vld [tilespmem:s26+$0x43C0]  }
0x61: {  	v62 =	vld [tilespmem:s26+$0x43D0]  }
0x62: {  	[tilespmem:s26+$0x83F0] =	vst.add.f32.msk $0xffff, v0  }
0x63: {  	v0 =	vld [tilespmem:s26+$0x43E0]  }
0x64: {  	[tilespmem:s26+$0x8000] =	vst.add.f32.msk $0xffff, v1  }
0x65: {  	[tilespmem:s26+$0x8010] =	vst.add.f32.msk $0xffff, v2  }
0x66: {  	[tilespmem:s26+$0x8020] =	vst.add.f32.msk $0xffff, v3  }
0x67: {  	[tilespmem:s26+$0x8030] =	vst.add.f32.msk $0xffff, v4  }
0x68: {  	[tilespmem:s26+$0x8040] =	vst.add.f32.msk $0xffff, v5  }
0x69: {  	[tilespmem:s26+$0x8050] =	vst.add.f32.msk $0xffff, v6  }
0x6a: {  	[tilespmem:s26+$0x8060] =	vst.add.f32.msk $0xffff, v7  }
0x6b: {  	[tilespmem:s26+$0x8070] =	vst.add.f32.msk $0xffff, v8  }
0x6c: {  	[tilespmem:s26+$0x8080] =	vst.add.f32.msk $0xffff, v9  }
0x6d: {  	[tilespmem:s26+$0x8090] =	vst.add.f32.msk $0xffff, v10  }
0x6e: {  	[tilespmem:s26+$0x80A0] =	vst.add.f32.msk $0xffff, v11  }
0x6f: {  	[tilespmem:s26+$0x80B0] =	vst.add.f32.msk $0xffff, v12  }
0x70: {  	[tilespmem:s26+$0x80C0] =	vst.add.f32.msk $0xffff, v13  }
0x71: {  	[tilespmem:s26+$0x80D0] =	vst.add.f32.msk $0xffff, v14  }
0x72: {  	[tilespmem:s26+$0x80E0] =	vst.add.f32.msk $0xffff, v15  }
0x73: {  	[tilespmem:s26+$0x80F0] =	vst.add.f32.msk $0xffff, v16  }
0x74: {  	[tilespmem:s26+$0x8100] =	vst.add.f32.msk $0xffff, v17  }
0x75: {  	[tilespmem:s26+$0x8110] =	vst.add.f32.msk $0xffff, v18  }
0x76: {  	[tilespmem:s26+$0x8120] =	vst.add.f32.msk $0xffff, v19  }
0x77: {  	[tilespmem:s26+$0x8130] =	vst.add.f32.msk $0xffff, v20  }
0x78: {  	[tilespmem:s26+$0x8140] =	vst.add.f32.msk $0xffff, v21  }
0x79: {  	[tilespmem:s26+$0x8150] =	vst.add.f32.msk $0xffff, v22  }
0x7a: {  	[tilespmem:s26+$0x8160] =	vst.add.f32.msk $0xffff, v23  }
0x7b: {  	[tilespmem:s26+$0x8170] =	vst.add.f32.msk $0xffff, v24  }
0x7c: {  	[tilespmem:s26+$0x8180] =	vst.add.f32.msk $0xffff, v25  }
0x7d: {  	[tilespmem:s26+$0x8190] =	vst.add.f32.msk $0xffff, v26  }
0x7e: {  	[tilespmem:s26+$0x81A0] =	vst.add.f32.msk $0xffff, v27  }
0x7f: {  	[tilespmem:s26+$0x81B0] =	vst.add.f32.msk $0xffff, v28  }
0x80: {  	[tilespmem:s26+$0x81C0] =	vst.add.f32.msk $0xffff, v29  }
0x81: {  	[tilespmem:s26+$0x81D0] =	vst.add.f32.msk $0xffff, v30  }
0x82: {  	[tilespmem:s26+$0x81E0] =	vst.add.f32.msk $0xffff, v31  }
0x83: {  	[tilespmem:s26+$0x81F0] =	vst.add.f32.msk $0xffff, v32  }
0x84: {  	[tilespmem:s26+$0x8200] =	vst.add.f32.msk $0xffff, v33  }
0x85: {  	[tilespmem:s26+$0x8210] =	vst.add.f32.msk $0xffff, v34  }
0x86: {  	[tilespmem:s26+$0x8220] =	vst.add.f32.msk $0xffff, v35  }
0x87: {  	[tilespmem:s26+$0x8230] =	vst.add.f32.msk $0xffff, v36  }
0x88: {  	[tilespmem:s26+$0x8240] =	vst.add.f32.msk $0xffff, v37  }
0x89: {  	[tilespmem:s26+$0x8250] =	vst.add.f32.msk $0xffff, v38  }
0x8a: {  	[tilespmem:s26+$0x8260] =	vst.add.f32.msk $0xffff, v39  }
0x8b: {  	[tilespmem:s26+$0x8270] =	vst.add.f32.msk $0xffff, v40  }
0x8c: {  	[tilespmem:s26+$0x8280] =	vst.add.f32.msk $0xffff, v41  }
0x8d: {  	[tilespmem:s26+$0x8290] =	vst.add.f32.msk $0xffff, v42  }
0x8e: {  	[tilespmem:s26+$0x82A0] =	vst.add.f32.msk $0xffff, v43  }
0x8f: {  	[tilespmem:s26+$0x82B0] =	vst.add.f32.msk $0xffff, v44  }
0x90: {  	[tilespmem:s26+$0x82C0] =	vst.add.f32.msk $0xffff, v45  }
0x91: {  	[tilespmem:s26+$0x82D0] =	vst.add.f32.msk $0xffff, v46  }
0x92: {  	[tilespmem:s26+$0x82E0] =	vst.add.f32.msk $0xffff, v47  }
0x93: {  	[tilespmem:s26+$0x82F0] =	vst.add.f32.msk $0xffff, v48  }
0x94: {  	[tilespmem:s26+$0x8300] =	vst.add.f32.msk $0xffff, v49  }
0x95: {  	[tilespmem:s26+$0x8310] =	vst.add.f32.msk $0xffff, v50  }
0x96: {  	[tilespmem:s26+$0x8320] =	vst.add.f32.msk $0xffff, v51  }
0x97: {  	[tilespmem:s26+$0x8330] =	vst.add.f32.msk $0xffff, v52  }
0x98: {  	[tilespmem:s26+$0x8340] =	vst.add.f32.msk $0xffff, v53  }
0x99: {  	[tilespmem:s26+$0x8350] =	vst.add.f32.msk $0xffff, v54  }
0x9a: {  	[tilespmem:s26+$0x8360] =	vst.add.f32.msk $0xffff, v55  }
0x9b: {  	[tilespmem:s26+$0x8370] =	vst.add.f32.msk $0xffff, v56  }
0x9c: {  	[tilespmem:s26+$0x8380] =	vst.add.f32.msk $0xffff, v57  }
0x9d: {  	[tilespmem:s26+$0x8390] =	vst.add.f32.msk $0xffff, v58  }
0x9e: {  	[tilespmem:s26+$0x83A0] =	vst.add.f32.msk $0xffff, v59  }
0x9f: {  	[tilespmem:s26+$0x83B0] =	vst.add.f32.msk $0xffff, v60  }
0xa0: {  	[tilespmem:s26+$0x83C0] =	vst.add.f32.msk $0xffff, v61  }
0xa1: {  	s29 =	simm.s32 $0x1000;
	s28 =	simm.s32 $0x0;
	[tilespmem:s26+$0x83D0] =	vst.add.f32.msk $0xffff, v62  }
.LBB2_3:
0xa2: {  	s28 =	sadd.s32 $0x8, s28;
	[tilespmem:s26+$0x83E0] =	vst.add.f32.msk $0xffff, v0;
	s26 =	sshra.s32 s29, $0x2  }
0xa3: {  	v0 =	vld [tilespmem:s26+$0x43F0];
	p1 =	slt.u32 s28, $0x78  }
0xa4: {  	v1 =	vld [tilespmem:s26+$0x4000]  }
0xa5: {  	v2 =	vld [tilespmem:s26+$0x4010]  }
0xa6: {  	v3 =	vld [tilespmem:s26+$0x4020]  }
0xa7: {  	v4 =	vld [tilespmem:s26+$0x4030]  }
0xa8: {  	[tilespmem:s26+$0x83F0] =	vst.add.f32.msk $0xffff, v0  }
0xa9: {  	v5 =	vld [tilespmem:s26+$0x4040]  }
0xaa: {  	v6 =	vld [tilespmem:s26+$0x4050]  }
0xab: {  	v7 =	vld [tilespmem:s26+$0x4060]  }
0xac: {  	v8 =	vld [tilespmem:s26+$0x4070]  }
0xad: {  	v9 =	vld [tilespmem:s26+$0x4080]  }
0xae: {  	v10 =	vld [tilespmem:s26+$0x4090]  }
0xaf: {  	v11 =	vld [tilespmem:s26+$0x40A0]  }
0xb0: {  	v12 =	vld [tilespmem:s26+$0x40B0]  }
0xb1: {  	v13 =	vld [tilespmem:s26+$0x40C0]  }
0xb2: {  	v14 =	vld [tilespmem:s26+$0x40D0]  }
0xb3: {  	v15 =	vld [tilespmem:s26+$0x40E0]  }
0xb4: {  	v16 =	vld [tilespmem:s26+$0x40F0]  }
0xb5: {  	v17 =	vld [tilespmem:s26+$0x4100]  }
0xb6: {  	v18 =	vld [tilespmem:s26+$0x4110]  }
0xb7: {  	v19 =	vld [tilespmem:s26+$0x4120]  }
0xb8: {  	v20 =	vld [tilespmem:s26+$0x4130]  }
0xb9: {  	v21 =	vld [tilespmem:s26+$0x4140]  }
0xba: {  	v22 =	vld [tilespmem:s26+$0x4150]  }
0xbb: {  	v23 =	vld [tilespmem:s26+$0x4160]  }
0xbc: {  	v24 =	vld [tilespmem:s26+$0x4170]  }
0xbd: {  	v25 =	vld [tilespmem:s26+$0x4180]  }
0xbe: {  	v26 =	vld [tilespmem:s26+$0x4190]  }
0xbf: {  	v27 =	vld [tilespmem:s26+$0x41A0]  }
0xc0: {  	v28 =	vld [tilespmem:s26+$0x41B0]  }
0xc1: {  	v29 =	vld [tilespmem:s26+$0x41C0]  }
0xc2: {  	v30 =	vld [tilespmem:s26+$0x41D0]  }
0xc3: {  	v31 =	vld [tilespmem:s26+$0x41E0]  }
0xc4: {  	v32 =	vld [tilespmem:s26+$0x41F0]  }
0xc5: {  	v33 =	vld [tilespmem:s26+$0x4200]  }
0xc6: {  	v34 =	vld [tilespmem:s26+$0x4210]  }
0xc7: {  	v35 =	vld [tilespmem:s26+$0x4220]  }
0xc8: {  	v36 =	vld [tilespmem:s26+$0x4230]  }
0xc9: {  	v37 =	vld [tilespmem:s26+$0x4240]  }
0xca: {  	v38 =	vld [tilespmem:s26+$0x4250]  }
0xcb: {  	v39 =	vld [tilespmem:s26+$0x4260]  }
0xcc: {  	v40 =	vld [tilespmem:s26+$0x4270]  }
0xcd: {  	v41 =	vld [tilespmem:s26+$0x4280]  }
0xce: {  	v42 =	vld [tilespmem:s26+$0x4290]  }
0xcf: {  	v43 =	vld [tilespmem:s26+$0x42A0]  }
0xd0: {  	v44 =	vld [tilespmem:s26+$0x42B0]  }
0xd1: {  	v45 =	vld [tilespmem:s26+$0x42C0]  }
0xd2: {  	v46 =	vld [tilespmem:s26+$0x42D0]  }
0xd3: {  	v47 =	vld [tilespmem:s26+$0x42E0]  }
0xd4: {  	v48 =	vld [tilespmem:s26+$0x42F0]  }
0xd5: {  	v49 =	vld [tilespmem:s26+$0x4300]  }
0xd6: {  	v50 =	vld [tilespmem:s26+$0x4310]  }
0xd7: {  	v51 =	vld [tilespmem:s26+$0x4320]  }
0xd8: {  	v52 =	vld [tilespmem:s26+$0x4330]  }
0xd9: {  	v53 =	vld [tilespmem:s26+$0x4340]  }
0xda: {  	v54 =	vld [tilespmem:s26+$0x4350]  }
0xdb: {  	v55 =	vld [tilespmem:s26+$0x4360]  }
0xdc: {  	v56 =	vld [tilespmem:s26+$0x4370]  }
0xdd: {  	v57 =	vld [tilespmem:s26+$0x4380]  }
0xde: {  	v58 =	vld [tilespmem:s26+$0x4390]  }
0xdf: {  	v59 =	vld [tilespmem:s26+$0x43A0]  }
0xe0: {  	v60 =	vld [tilespmem:s26+$0x43B0]  }
0xe1: {  	v61 =	vld [tilespmem:s26+$0x43C0]  }
0xe2: {  	v62 =	vld [tilespmem:s26+$0x43D0]  }
0xe3: {  	v0 =	vld [tilespmem:s26+$0x43E0]  }
0xe4: {  	[tilespmem:s26+$0x8000] =	vst.add.f32.msk $0xffff, v1  }
0xe5: {  	[tilespmem:s26+$0x8010] =	vst.add.f32.msk $0xffff, v2  }
0xe6: {  	[tilespmem:s26+$0x8020] =	vst.add.f32.msk $0xffff, v3  }
0xe7: {  	[tilespmem:s26+$0x8030] =	vst.add.f32.msk $0xffff, v4  }
0xe8: {  	[tilespmem:s26+$0x8040] =	vst.add.f32.msk $0xffff, v5  }
0xe9: {  	[tilespmem:s26+$0x8050] =	vst.add.f32.msk $0xffff, v6  }
0xea: {  	[tilespmem:s26+$0x8060] =	vst.add.f32.msk $0xffff, v7  }
0xeb: {  	[tilespmem:s26+$0x8070] =	vst.add.f32.msk $0xffff, v8  }
0xec: {  	[tilespmem:s26+$0x8080] =	vst.add.f32.msk $0xffff, v9  }
0xed: {  	[tilespmem:s26+$0x8090] =	vst.add.f32.msk $0xffff, v10  }
0xee: {  	[tilespmem:s26+$0x80A0] =	vst.add.f32.msk $0xffff, v11  }
0xef: {  	[tilespmem:s26+$0x80B0] =	vst.add.f32.msk $0xffff, v12  }
0xf0: {  	[tilespmem:s26+$0x80C0] =	vst.add.f32.msk $0xffff, v13  }
0xf1: {  	[tilespmem:s26+$0x80D0] =	vst.add.f32.msk $0xffff, v14  }
0xf2: {  	[tilespmem:s26+$0x80E0] =	vst.add.f32.msk $0xffff, v15  }
0xf3: {  	[tilespmem:s26+$0x80F0] =	vst.add.f32.msk $0xffff, v16  }
0xf4: {  	[tilespmem:s26+$0x8100] =	vst.add.f32.msk $0xffff, v17  }
0xf5: {  	[tilespmem:s26+$0x8110] =	vst.add.f32.msk $0xffff, v18  }
0xf6: {  	[tilespmem:s26+$0x8120] =	vst.add.f32.msk $0xffff, v19  }
0xf7: {  	[tilespmem:s26+$0x8130] =	vst.add.f32.msk $0xffff, v20  }
0xf8: {  	[tilespmem:s26+$0x8140] =	vst.add.f32.msk $0xffff, v21  }
0xf9: {  	[tilespmem:s26+$0x8150] =	vst.add.f32.msk $0xffff, v22  }
0xfa: {  	[tilespmem:s26+$0x8160] =	vst.add.f32.msk $0xffff, v23  }
0xfb: {  	[tilespmem:s26+$0x8170] =	vst.add.f32.msk $0xffff, v24  }
0xfc: {  	[tilespmem:s26+$0x8180] =	vst.add.f32.msk $0xffff, v25  }
0xfd: {  	[tilespmem:s26+$0x8190] =	vst.add.f32.msk $0xffff, v26  }
0xfe: {  	[tilespmem:s26+$0x81A0] =	vst.add.f32.msk $0xffff, v27  }
0xff: {  	[tilespmem:s26+$0x81B0] =	vst.add.f32.msk $0xffff, v28  }
0x100: {  	[tilespmem:s26+$0x81C0] =	vst.add.f32.msk $0xffff, v29  }
0x101: {  	[tilespmem:s26+$0x81D0] =	vst.add.f32.msk $0xffff, v30  }
0x102: {  	[tilespmem:s26+$0x81E0] =	vst.add.f32.msk $0xffff, v31  }
0x103: {  	[tilespmem:s26+$0x81F0] =	vst.add.f32.msk $0xffff, v32  }
0x104: {  	[tilespmem:s26+$0x8200] =	vst.add.f32.msk $0xffff, v33  }
0x105: {  	[tilespmem:s26+$0x8210] =	vst.add.f32.msk $0xffff, v34  }
0x106: {  	[tilespmem:s26+$0x8220] =	vst.add.f32.msk $0xffff, v35  }
0x107: {  	[tilespmem:s26+$0x8230] =	vst.add.f32.msk $0xffff, v36  }
0x108: {  	[tilespmem:s26+$0x8240] =	vst.add.f32.msk $0xffff, v37  }
0x109: {  	[tilespmem:s26+$0x8250] =	vst.add.f32.msk $0xffff, v38  }
0x10a: {  	[tilespmem:s26+$0x8260] =	vst.add.f32.msk $0xffff, v39  }
0x10b: {  	[tilespmem:s26+$0x8270] =	vst.add.f32.msk $0xffff, v40  }
0x10c: {  	[tilespmem:s26+$0x8280] =	vst.add.f32.msk $0xffff, v41  }
0x10d: {  	[tilespmem:s26+$0x8290] =	vst.add.f32.msk $0xffff, v42  }
0x10e: {  	[tilespmem:s26+$0x82A0] =	vst.add.f32.msk $0xffff, v43  }
0x10f: {  	[tilespmem:s26+$0x82B0] =	vst.add.f32.msk $0xffff, v44  }
0x110: {  	[tilespmem:s26+$0x82C0] =	vst.add.f32.msk $0xffff, v45  }
0x111: {  	[tilespmem:s26+$0x82D0] =	vst.add.f32.msk $0xffff, v46  }
0x112: {  	[tilespmem:s26+$0x82E0] =	vst.add.f32.msk $0xffff, v47  }
0x113: {  	[tilespmem:s26+$0x82F0] =	vst.add.f32.msk $0xffff, v48  }
0x114: {  	[tilespmem:s26+$0x8300] =	vst.add.f32.msk $0xffff, v49  }
0x115: {  	[tilespmem:s26+$0x8310] =	vst.add.f32.msk $0xffff, v50  }
0x116: {  	[tilespmem:s26+$0x8320] =	vst.add.f32.msk $0xffff, v51  }
0x117: {  	[tilespmem:s26+$0x8330] =	vst.add.f32.msk $0xffff, v52  }
0x118: {  	[tilespmem:s26+$0x8340] =	vst.add.f32.msk $0xffff, v53  }
0x119: {  	[tilespmem:s26+$0x8350] =	vst.add.f32.msk $0xffff, v54  }
0x11a: {  	[tilespmem:s26+$0x8360] =	vst.add.f32.msk $0xffff, v55  }
0x11b: {  	[tilespmem:s26+$0x8370] =	vst.add.f32.msk $0xffff, v56  }
0x11c: {  	[tilespmem:s26+$0x8380] =	vst.add.f32.msk $0xffff, v57  }
.Ltmp0:
0x11d: {  	[tilespmem:s26+$0x8390] =	vst.add.f32.msk $0xffff, v58;
	(pc) =	sbr.rel @p1 .LBB2_3-.Ltmp0, $4  }
0x11e: {  	[tilespmem:s26+$0x83A0] =	vst.add.f32.msk $0xffff, v59  }
0x11f: {  	[tilespmem:s26+$0x83B0] =	vst.add.f32.msk $0xffff, v60  }
0x120: {  	[tilespmem:s26+$0x83C0] =	vst.add.f32.msk $0xffff, v61  }
0x121: {  	s29 =	sadd.s32 $0x1000, s29;
	[tilespmem:s26+$0x83D0] =	vst.add.f32.msk $0xffff, v62  }
0x122: {  	s28 =	sshll.u32 s23, $0xD  }
0x123: {  	[tilespmem:s26+$0x83E0] =	vst.add.f32.msk $0xffff, v0;
	s26 =	sadd.s32 s28, s6  }
0x124: {  	[hbm4b:s26+s4] =	stream.linear.scatter [tilespmem:s11], [sflag:$0x5], $0x4000, $0x38;
	[tilespmem:$0x18000] =	vst v63  }
0x125: {  	_ =	swait.ge [sflag:s16], $0x4000  }
0x126: {  	[sflag:s16] =	ssyncset.done $0x0  }
0x127: {  	s28 =	simm.s32 @!p0 $0x8;
	[sflag:s16] =	ssyncadd.s32 $0xFFFFC000  }
0x128: {  	s25 =	sor.u32 $0x3, s25;
	_ =	swait.ge @!p0 [sflag:s28], $0x4000  }
0x129: {  	s29 =	sshll.u32 s25, $0x7;
	[sflag:s28] =	ssyncset.done @!p0 $0x0  }
0x12a: {  	[sflag:s28] =	ssyncadd.s32 @!p0 $0xFFFFC000;
	s28 =	sand.u32 $0x3FFFFF80, s29  }
0x12b: {  	[tilespmem:s17], [sflag:$0x4] =	stream.indirect.gather [hbm4b:s1+s10], $0x80, s28, s10, $0xb8;
	[tilespmem:$0x18000] =	vst v63  }
0x12c: {  	s28 =	simm.s32 $0x0  }
0x12d: {  	v0 =	vld [tilespmem:s28+$0x43F0]  }
0x12e: {  	v1 =	vld [tilespmem:s28+$0x4000]  }
0x12f: {  	v2 =	vld [tilespmem:s28+$0x4010]  }
0x130: {  	v3 =	vld [tilespmem:s28+$0x4020]  }
0x131: {  	v4 =	vld [tilespmem:s28+$0x4030]  }
0x132: {  	v5 =	vld [tilespmem:s28+$0x4040]  }
0x133: {  	v6 =	vld [tilespmem:s28+$0x4050]  }
0x134: {  	v7 =	vld [tilespmem:s28+$0x4060]  }
0x135: {  	v8 =	vld [tilespmem:s28+$0x4070]  }
0x136: {  	v9 =	vld [tilespmem:s28+$0x4080]  }
0x137: {  	v10 =	vld [tilespmem:s28+$0x4090]  }
0x138: {  	v11 =	vld [tilespmem:s28+$0x40A0]  }
0x139: {  	v12 =	vld [tilespmem:s28+$0x40B0]  }
0x13a: {  	v13 =	vld [tilespmem:s28+$0x40C0]  }
0x13b: {  	v14 =	vld [tilespmem:s28+$0x40D0]  }
0x13c: {  	v15 =	vld [tilespmem:s28+$0x40E0]  }
0x13d: {  	v16 =	vld [tilespmem:s28+$0x40F0]  }
0x13e: {  	v17 =	vld [tilespmem:s28+$0x4100]  }
0x13f: {  	v18 =	vld [tilespmem:s28+$0x4110]  }
0x140: {  	v19 =	vld [tilespmem:s28+$0x4120]  }
0x141: {  	v20 =	vld [tilespmem:s28+$0x4130]  }
0x142: {  	v21 =	vld [tilespmem:s28+$0x4140]  }
0x143: {  	v22 =	vld [tilespmem:s28+$0x4150]  }
0x144: {  	v23 =	vld [tilespmem:s28+$0x4160]  }
0x145: {  	v24 =	vld [tilespmem:s28+$0x4170]  }
0x146: {  	v25 =	vld [tilespmem:s28+$0x4180]  }
0x147: {  	v26 =	vld [tilespmem:s28+$0x4190]  }
0x148: {  	v27 =	vld [tilespmem:s28+$0x41A0]  }
0x149: {  	v28 =	vld [tilespmem:s28+$0x41B0]  }
0x14a: {  	v29 =	vld [tilespmem:s28+$0x41C0]  }
0x14b: {  	v30 =	vld [tilespmem:s28+$0x41D0]  }
0x14c: {  	v31 =	vld [tilespmem:s28+$0x41E0]  }
0x14d: {  	v32 =	vld [tilespmem:s28+$0x41F0]  }
0x14e: {  	v33 =	vld [tilespmem:s28+$0x4200]  }
0x14f: {  	v34 =	vld [tilespmem:s28+$0x4210]  }
0x150: {  	v35 =	vld [tilespmem:s28+$0x4220]  }
0x151: {  	v36 =	vld [tilespmem:s28+$0x4230]  }
0x152: {  	v37 =	vld [tilespmem:s28+$0x4240]  }
0x153: {  	v38 =	vld [tilespmem:s28+$0x4250]  }
0x154: {  	v39 =	vld [tilespmem:s28+$0x4260]  }
0x155: {  	v40 =	vld [tilespmem:s28+$0x4270]  }
0x156: {  	v41 =	vld [tilespmem:s28+$0x4280]  }
0x157: {  	v42 =	vld [tilespmem:s28+$0x4290]  }
0x158: {  	v43 =	vld [tilespmem:s28+$0x42A0]  }
0x159: {  	v44 =	vld [tilespmem:s28+$0x42B0]  }
0x15a: {  	v45 =	vld [tilespmem:s28+$0x42C0]  }
0x15b: {  	v46 =	vld [tilespmem:s28+$0x42D0]  }
0x15c: {  	v47 =	vld [tilespmem:s28+$0x42E0]  }
0x15d: {  	v48 =	vld [tilespmem:s28+$0x42F0]  }
0x15e: {  	v49 =	vld [tilespmem:s28+$0x4300]  }
0x15f: {  	v50 =	vld [tilespmem:s28+$0x4310]  }
0x160: {  	v51 =	vld [tilespmem:s28+$0x4320]  }
0x161: {  	v52 =	vld [tilespmem:s28+$0x4330]  }
0x162: {  	v53 =	vld [tilespmem:s28+$0x4340]  }
0x163: {  	v54 =	vld [tilespmem:s28+$0x4350]  }
0x164: {  	v55 =	vld [tilespmem:s28+$0x4360]  }
0x165: {  	v56 =	vld [tilespmem:s28+$0x4370]  }
0x166: {  	v57 =	vld [tilespmem:s28+$0x4380]  }
0x167: {  	v58 =	vld [tilespmem:s28+$0x4390]  }
0x168: {  	v59 =	vld [tilespmem:s28+$0x43A0]  }
0x169: {  	v60 =	vld [tilespmem:s28+$0x43B0]  }
0x16a: {  	v61 =	vld [tilespmem:s28+$0x43C0]  }
0x16b: {  	v62 =	vld [tilespmem:s28+$0x43D0]  }
0x16c: {  	[tilespmem:s28+$0xC3F0] =	vst.add.f32.msk $0xffff, v0  }
0x16d: {  	v0 =	vld [tilespmem:s28+$0x43E0]  }
0x16e: {  	[tilespmem:s28+$0xC000] =	vst.add.f32.msk $0xffff, v1  }
0x16f: {  	[tilespmem:s28+$0xC010] =	vst.add.f32.msk $0xffff, v2  }
0x170: {  	[tilespmem:s28+$0xC020] =	vst.add.f32.msk $0xffff, v3  }
0x171: {  	[tilespmem:s28+$0xC030] =	vst.add.f32.msk $0xffff, v4  }
0x172: {  	[tilespmem:s28+$0xC040] =	vst.add.f32.msk $0xffff, v5  }
0x173: {  	[tilespmem:s28+$0xC050] =	vst.add.f32.msk $0xffff, v6  }
0x174: {  	[tilespmem:s28+$0xC060] =	vst.add.f32.msk $0xffff, v7  }
0x175: {  	[tilespmem:s28+$0xC070] =	vst.add.f32.msk $0xffff, v8  }
0x176: {  	[tilespmem:s28+$0xC080] =	vst.add.f32.msk $0xffff, v9  }
0x177: {  	[tilespmem:s28+$0xC090] =	vst.add.f32.msk $0xffff, v10  }
0x178: {  	[tilespmem:s28+$0xC0A0] =	vst.add.f32.msk $0xffff, v11  }
0x179: {  	[tilespmem:s28+$0xC0B0] =	vst.add.f32.msk $0xffff, v12  }
0x17a: {  	[tilespmem:s28+$0xC0C0] =	vst.add.f32.msk $0xffff, v13  }
0x17b: {  	[tilespmem:s28+$0xC0D0] =	vst.add.f32.msk $0xffff, v14  }
0x17c: {  	[tilespmem:s28+$0xC0E0] =	vst.add.f32.msk $0xffff, v15  }
0x17d: {  	[tilespmem:s28+$0xC0F0] =	vst.add.f32.msk $0xffff, v16  }
0x17e: {  	[tilespmem:s28+$0xC100] =	vst.add.f32.msk $0xffff, v17  }
0x17f: {  	[tilespmem:s28+$0xC110] =	vst.add.f32.msk $0xffff, v18  }
0x180: {  	[tilespmem:s28+$0xC120] =	vst.add.f32.msk $0xffff, v19  }
0x181: {  	[tilespmem:s28+$0xC130] =	vst.add.f32.msk $0xffff, v20  }
0x182: {  	[tilespmem:s28+$0xC140] =	vst.add.f32.msk $0xffff, v21  }
0x183: {  	[tilespmem:s28+$0xC150] =	vst.add.f32.msk $0xffff, v22  }
0x184: {  	[tilespmem:s28+$0xC160] =	vst.add.f32.msk $0xffff, v23  }
0x185: {  	[tilespmem:s28+$0xC170] =	vst.add.f32.msk $0xffff, v24  }
0x186: {  	[tilespmem:s28+$0xC180] =	vst.add.f32.msk $0xffff, v25  }
0x187: {  	[tilespmem:s28+$0xC190] =	vst.add.f32.msk $0xffff, v26  }
0x188: {  	[tilespmem:s28+$0xC1A0] =	vst.add.f32.msk $0xffff, v27  }
0x189: {  	[tilespmem:s28+$0xC1B0] =	vst.add.f32.msk $0xffff, v28  }
0x18a: {  	[tilespmem:s28+$0xC1C0] =	vst.add.f32.msk $0xffff, v29  }
0x18b: {  	[tilespmem:s28+$0xC1D0] =	vst.add.f32.msk $0xffff, v30  }
0x18c: {  	[tilespmem:s28+$0xC1E0] =	vst.add.f32.msk $0xffff, v31  }
0x18d: {  	[tilespmem:s28+$0xC1F0] =	vst.add.f32.msk $0xffff, v32  }
0x18e: {  	[tilespmem:s28+$0xC200] =	vst.add.f32.msk $0xffff, v33  }
0x18f: {  	[tilespmem:s28+$0xC210] =	vst.add.f32.msk $0xffff, v34  }
0x190: {  	[tilespmem:s28+$0xC220] =	vst.add.f32.msk $0xffff, v35  }
0x191: {  	[tilespmem:s28+$0xC230] =	vst.add.f32.msk $0xffff, v36  }
0x192: {  	[tilespmem:s28+$0xC240] =	vst.add.f32.msk $0xffff, v37  }
0x193: {  	[tilespmem:s28+$0xC250] =	vst.add.f32.msk $0xffff, v38  }
0x194: {  	[tilespmem:s28+$0xC260] =	vst.add.f32.msk $0xffff, v39  }
0x195: {  	[tilespmem:s28+$0xC270] =	vst.add.f32.msk $0xffff, v40  }
0x196: {  	[tilespmem:s28+$0xC280] =	vst.add.f32.msk $0xffff, v41  }
0x197: {  	[tilespmem:s28+$0xC290] =	vst.add.f32.msk $0xffff, v42  }
0x198: {  	[tilespmem:s28+$0xC2A0] =	vst.add.f32.msk $0xffff, v43  }
0x199: {  	[tilespmem:s28+$0xC2B0] =	vst.add.f32.msk $0xffff, v44  }
0x19a: {  	[tilespmem:s28+$0xC2C0] =	vst.add.f32.msk $0xffff, v45  }
0x19b: {  	[tilespmem:s28+$0xC2D0] =	vst.add.f32.msk $0xffff, v46  }
0x19c: {  	[tilespmem:s28+$0xC2E0] =	vst.add.f32.msk $0xffff, v47  }
0x19d: {  	[tilespmem:s28+$0xC2F0] =	vst.add.f32.msk $0xffff, v48  }
0x19e: {  	[tilespmem:s28+$0xC300] =	vst.add.f32.msk $0xffff, v49  }
0x19f: {  	[tilespmem:s28+$0xC310] =	vst.add.f32.msk $0xffff, v50  }
0x1a0: {  	[tilespmem:s28+$0xC320] =	vst.add.f32.msk $0xffff, v51  }
0x1a1: {  	[tilespmem:s28+$0xC330] =	vst.add.f32.msk $0xffff, v52  }
0x1a2: {  	[tilespmem:s28+$0xC340] =	vst.add.f32.msk $0xffff, v53  }
0x1a3: {  	[tilespmem:s28+$0xC350] =	vst.add.f32.msk $0xffff, v54  }
0x1a4: {  	[tilespmem:s28+$0xC360] =	vst.add.f32.msk $0xffff, v55  }
0x1a5: {  	[tilespmem:s28+$0xC370] =	vst.add.f32.msk $0xffff, v56  }
0x1a6: {  	[tilespmem:s28+$0xC380] =	vst.add.f32.msk $0xffff, v57  }
0x1a7: {  	[tilespmem:s28+$0xC390] =	vst.add.f32.msk $0xffff, v58  }
0x1a8: {  	[tilespmem:s28+$0xC3A0] =	vst.add.f32.msk $0xffff, v59  }
0x1a9: {  	[tilespmem:s28+$0xC3B0] =	vst.add.f32.msk $0xffff, v60  }
0x1aa: {  	[tilespmem:s28+$0xC3C0] =	vst.add.f32.msk $0xffff, v61  }
0x1ab: {  	s30 =	simm.s32 $0x1000;
	s29 =	simm.s32 $0x0;
	[tilespmem:s28+$0xC3D0] =	vst.add.f32.msk $0xffff, v62  }
.LBB2_5:
0x1ac: {  	s29 =	sadd.s32 $0x8, s29;
	[tilespmem:s28+$0xC3E0] =	vst.add.f32.msk $0xffff, v0;
	s28 =	sshra.s32 s30, $0x2  }
0x1ad: {  	v0 =	vld [tilespmem:s28+$0x43F0];
	p0 =	slt.u32 s29, $0x78  }
0x1ae: {  	v1 =	vld [tilespmem:s28+$0x4000]  }
0x1af: {  	v2 =	vld [tilespmem:s28+$0x4010]  }
0x1b0: {  	v3 =	vld [tilespmem:s28+$0x4020]  }
0x1b1: {  	v4 =	vld [tilespmem:s28+$0x4030]  }
0x1b2: {  	[tilespmem:s28+$0xC3F0] =	vst.add.f32.msk $0xffff, v0  }
0x1b3: {  	v5 =	vld [tilespmem:s28+$0x4040]  }
0x1b4: {  	v6 =	vld [tilespmem:s28+$0x4050]  }
0x1b5: {  	v7 =	vld [tilespmem:s28+$0x4060]  }
0x1b6: {  	v8 =	vld [tilespmem:s28+$0x4070]  }
0x1b7: {  	v9 =	vld [tilespmem:s28+$0x4080]  }
0x1b8: {  	v10 =	vld [tilespmem:s28+$0x4090]  }
0x1b9: {  	v11 =	vld [tilespmem:s28+$0x40A0]  }
0x1ba: {  	v12 =	vld [tilespmem:s28+$0x40B0]  }
0x1bb: {  	v13 =	vld [tilespmem:s28+$0x40C0]  }
0x1bc: {  	v14 =	vld [tilespmem:s28+$0x40D0]  }
0x1bd: {  	v15 =	vld [tilespmem:s28+$0x40E0]  }
0x1be: {  	v16 =	vld [tilespmem:s28+$0x40F0]  }
0x1bf: {  	v17 =	vld [tilespmem:s28+$0x4100]  }
0x1c0: {  	v18 =	vld [tilespmem:s28+$0x4110]  }
0x1c1: {  	v19 =	vld [tilespmem:s28+$0x4120]  }
0x1c2: {  	v20 =	vld [tilespmem:s28+$0x4130]  }
0x1c3: {  	v21 =	vld [tilespmem:s28+$0x4140]  }
0x1c4: {  	v22 =	vld [tilespmem:s28+$0x4150]  }
0x1c5: {  	v23 =	vld [tilespmem:s28+$0x4160]  }
0x1c6: {  	v24 =	vld [tilespmem:s28+$0x4170]  }
0x1c7: {  	v25 =	vld [tilespmem:s28+$0x4180]  }
0x1c8: {  	v26 =	vld [tilespmem:s28+$0x4190]  }
0x1c9: {  	v27 =	vld [tilespmem:s28+$0x41A0]  }
0x1ca: {  	v28 =	vld [tilespmem:s28+$0x41B0]  }
0x1cb: {  	v29 =	vld [tilespmem:s28+$0x41C0]  }
0x1cc: {  	v30 =	vld [tilespmem:s28+$0x41D0]  }
0x1cd: {  	v31 =	vld [tilespmem:s28+$0x41E0]  }
0x1ce: {  	v32 =	vld [tilespmem:s28+$0x41F0]  }
0x1cf: {  	v33 =	vld [tilespmem:s28+$0x4200]  }
0x1d0: {  	v34 =	vld [tilespmem:s28+$0x4210]  }
0x1d1: {  	v35 =	vld [tilespmem:s28+$0x4220]  }
0x1d2: {  	v36 =	vld [tilespmem:s28+$0x4230]  }
0x1d3: {  	v37 =	vld [tilespmem:s28+$0x4240]  }
0x1d4: {  	v38 =	vld [tilespmem:s28+$0x4250]  }
0x1d5: {  	v39 =	vld [tilespmem:s28+$0x4260]  }
0x1d6: {  	v40 =	vld [tilespmem:s28+$0x4270]  }
0x1d7: {  	v41 =	vld [tilespmem:s28+$0x4280]  }
0x1d8: {  	v42 =	vld [tilespmem:s28+$0x4290]  }
0x1d9: {  	v43 =	vld [tilespmem:s28+$0x42A0]  }
0x1da: {  	v44 =	vld [tilespmem:s28+$0x42B0]  }
0x1db: {  	v45 =	vld [tilespmem:s28+$0x42C0]  }
0x1dc: {  	v46 =	vld [tilespmem:s28+$0x42D0]  }
0x1dd: {  	v47 =	vld [tilespmem:s28+$0x42E0]  }
0x1de: {  	v48 =	vld [tilespmem:s28+$0x42F0]  }
0x1df: {  	v49 =	vld [tilespmem:s28+$0x4300]  }
0x1e0: {  	v50 =	vld [tilespmem:s28+$0x4310]  }
0x1e1: {  	v51 =	vld [tilespmem:s28+$0x4320]  }
0x1e2: {  	v52 =	vld [tilespmem:s28+$0x4330]  }
0x1e3: {  	v53 =	vld [tilespmem:s28+$0x4340]  }
0x1e4: {  	v54 =	vld [tilespmem:s28+$0x4350]  }
0x1e5: {  	v55 =	vld [tilespmem:s28+$0x4360]  }
0x1e6: {  	v56 =	vld [tilespmem:s28+$0x4370]  }
0x1e7: {  	v57 =	vld [tilespmem:s28+$0x4380]  }
0x1e8: {  	v58 =	vld [tilespmem:s28+$0x4390]  }
0x1e9: {  	v59 =	vld [tilespmem:s28+$0x43A0]  }
0x1ea: {  	v60 =	vld [tilespmem:s28+$0x43B0]  }
0x1eb: {  	v61 =	vld [tilespmem:s28+$0x43C0]  }
0x1ec: {  	v62 =	vld [tilespmem:s28+$0x43D0]  }
0x1ed: {  	v0 =	vld [tilespmem:s28+$0x43E0]  }
0x1ee: {  	[tilespmem:s28+$0xC000] =	vst.add.f32.msk $0xffff, v1  }
0x1ef: {  	[tilespmem:s28+$0xC010] =	vst.add.f32.msk $0xffff, v2  }
0x1f0: {  	[tilespmem:s28+$0xC020] =	vst.add.f32.msk $0xffff, v3  }
0x1f1: {  	[tilespmem:s28+$0xC030] =	vst.add.f32.msk $0xffff, v4  }
0x1f2: {  	[tilespmem:s28+$0xC040] =	vst.add.f32.msk $0xffff, v5  }
0x1f3: {  	[tilespmem:s28+$0xC050] =	vst.add.f32.msk $0xffff, v6  }
0x1f4: {  	[tilespmem:s28+$0xC060] =	vst.add.f32.msk $0xffff, v7  }
0x1f5: {  	[tilespmem:s28+$0xC070] =	vst.add.f32.msk $0xffff, v8  }
0x1f6: {  	[tilespmem:s28+$0xC080] =	vst.add.f32.msk $0xffff, v9  }
0x1f7: {  	[tilespmem:s28+$0xC090] =	vst.add.f32.msk $0xffff, v10  }
0x1f8: {  	[tilespmem:s28+$0xC0A0] =	vst.add.f32.msk $0xffff, v11  }
0x1f9: {  	[tilespmem:s28+$0xC0B0] =	vst.add.f32.msk $0xffff, v12  }
0x1fa: {  	[tilespmem:s28+$0xC0C0] =	vst.add.f32.msk $0xffff, v13  }
0x1fb: {  	[tilespmem:s28+$0xC0D0] =	vst.add.f32.msk $0xffff, v14  }
0x1fc: {  	[tilespmem:s28+$0xC0E0] =	vst.add.f32.msk $0xffff, v15  }
0x1fd: {  	[tilespmem:s28+$0xC0F0] =	vst.add.f32.msk $0xffff, v16  }
0x1fe: {  	[tilespmem:s28+$0xC100] =	vst.add.f32.msk $0xffff, v17  }
0x1ff: {  	[tilespmem:s28+$0xC110] =	vst.add.f32.msk $0xffff, v18  }
0x200: {  	[tilespmem:s28+$0xC120] =	vst.add.f32.msk $0xffff, v19  }
0x201: {  	[tilespmem:s28+$0xC130] =	vst.add.f32.msk $0xffff, v20  }
0x202: {  	[tilespmem:s28+$0xC140] =	vst.add.f32.msk $0xffff, v21  }
0x203: {  	[tilespmem:s28+$0xC150] =	vst.add.f32.msk $0xffff, v22  }
0x204: {  	[tilespmem:s28+$0xC160] =	vst.add.f32.msk $0xffff, v23  }
0x205: {  	[tilespmem:s28+$0xC170] =	vst.add.f32.msk $0xffff, v24  }
0x206: {  	[tilespmem:s28+$0xC180] =	vst.add.f32.msk $0xffff, v25  }
0x207: {  	[tilespmem:s28+$0xC190] =	vst.add.f32.msk $0xffff, v26  }
0x208: {  	[tilespmem:s28+$0xC1A0] =	vst.add.f32.msk $0xffff, v27  }
0x209: {  	[tilespmem:s28+$0xC1B0] =	vst.add.f32.msk $0xffff, v28  }
0x20a: {  	[tilespmem:s28+$0xC1C0] =	vst.add.f32.msk $0xffff, v29  }
0x20b: {  	[tilespmem:s28+$0xC1D0] =	vst.add.f32.msk $0xffff, v30  }
0x20c: {  	[tilespmem:s28+$0xC1E0] =	vst.add.f32.msk $0xffff, v31  }
0x20d: {  	[tilespmem:s28+$0xC1F0] =	vst.add.f32.msk $0xffff, v32  }
0x20e: {  	[tilespmem:s28+$0xC200] =	vst.add.f32.msk $0xffff, v33  }
0x20f: {  	[tilespmem:s28+$0xC210] =	vst.add.f32.msk $0xffff, v34  }
0x210: {  	[tilespmem:s28+$0xC220] =	vst.add.f32.msk $0xffff, v35  }
0x211: {  	[tilespmem:s28+$0xC230] =	vst.add.f32.msk $0xffff, v36  }
0x212: {  	[tilespmem:s28+$0xC240] =	vst.add.f32.msk $0xffff, v37  }
0x213: {  	[tilespmem:s28+$0xC250] =	vst.add.f32.msk $0xffff, v38  }
0x214: {  	[tilespmem:s28+$0xC260] =	vst.add.f32.msk $0xffff, v39  }
0x215: {  	[tilespmem:s28+$0xC270] =	vst.add.f32.msk $0xffff, v40  }
0x216: {  	[tilespmem:s28+$0xC280] =	vst.add.f32.msk $0xffff, v41  }
0x217: {  	[tilespmem:s28+$0xC290] =	vst.add.f32.msk $0xffff, v42  }
0x218: {  	[tilespmem:s28+$0xC2A0] =	vst.add.f32.msk $0xffff, v43  }
0x219: {  	[tilespmem:s28+$0xC2B0] =	vst.add.f32.msk $0xffff, v44  }
0x21a: {  	[tilespmem:s28+$0xC2C0] =	vst.add.f32.msk $0xffff, v45  }
0x21b: {  	[tilespmem:s28+$0xC2D0] =	vst.add.f32.msk $0xffff, v46  }
0x21c: {  	[tilespmem:s28+$0xC2E0] =	vst.add.f32.msk $0xffff, v47  }
0x21d: {  	[tilespmem:s28+$0xC2F0] =	vst.add.f32.msk $0xffff, v48  }
0x21e: {  	[tilespmem:s28+$0xC300] =	vst.add.f32.msk $0xffff, v49  }
0x21f: {  	[tilespmem:s28+$0xC310] =	vst.add.f32.msk $0xffff, v50  }
0x220: {  	[tilespmem:s28+$0xC320] =	vst.add.f32.msk $0xffff, v51  }
0x221: {  	[tilespmem:s28+$0xC330] =	vst.add.f32.msk $0xffff, v52  }
0x222: {  	[tilespmem:s28+$0xC340] =	vst.add.f32.msk $0xffff, v53  }
0x223: {  	[tilespmem:s28+$0xC350] =	vst.add.f32.msk $0xffff, v54  }
0x224: {  	[tilespmem:s28+$0xC360] =	vst.add.f32.msk $0xffff, v55  }
0x225: {  	[tilespmem:s28+$0xC370] =	vst.add.f32.msk $0xffff, v56  }
0x226: {  	[tilespmem:s28+$0xC380] =	vst.add.f32.msk $0xffff, v57  }
.Ltmp1:
0x227: {  	[tilespmem:s28+$0xC390] =	vst.add.f32.msk $0xffff, v58;
	(pc) =	sbr.rel @p0 .LBB2_5-.Ltmp1, $4  }
0x228: {  	[tilespmem:s28+$0xC3A0] =	vst.add.f32.msk $0xffff, v59  }
0x229: {  	[tilespmem:s28+$0xC3B0] =	vst.add.f32.msk $0xffff, v60  }
0x22a: {  	[tilespmem:s28+$0xC3C0] =	vst.add.f32.msk $0xffff, v61  }
0x22b: {  	s30 =	sadd.s32 $0x1000, s30;
	[tilespmem:s28+$0xC3D0] =	vst.add.f32.msk $0xffff, v62  }
0x22c: {  	[tilespmem:s28+$0xC3E0] =	vst.add.f32.msk $0xffff, v0;
	s26 =	sadd.s32 $0x800, s26  }
0x22d: {  	[hbm4b:s26+s4] =	stream.linear.scatter [tilespmem:s12], [sflag:$0x6], $0x4000, $0x38;
	[tilespmem:$0x18000] =	vst v63  }
0x22e: {  	_ =	swait.ge [sflag:s18], $0x4000  }
0x22f: {  	p0 =	seq.s32 s23, $0x1F;
	[sflag:s18] =	ssyncset.done $0x0  }
0x230: {  	s26 =	simm.s32 @!p0 $0x5;
	[sflag:s18] =	ssyncadd.s32 $0xFFFFC000  }
0x231: {  	_ =	swait.ge @!p0 [sflag:s26], $0x4000  }
0x232: {  	s28 =	sshll.u32 @!p0 s23, $0x9;
	[sflag:s26] =	ssyncset.done @!p0 $0x0  }
0x233: {  	[sflag:s26] =	ssyncadd.s32 @!p0 $0xFFFFC000;
	s26 =	sand.u32 @!p0 $0x3FFFFE00, s28  }
0x234: {  	s29 =	simm.s32 @!p0 $0x80;
	s30 =	simm.s32 @!p0 $0x8000;
	s28 =	sadd.s32 @!p0 $0x200, s26  }
0x235: {  	[tilespmem:s30], [sflag:$0x1] =	stream.indirect.gather @!p0 [hbm4b:s1+s29], $0x80, s28, s29, $0xb8;
	[tilespmem:$0x18000] =	vst v63  }
0x236: {  	s28 =	simm.s32 $0x0  }
0x237: {  	v0 =	vld [tilespmem:s28+$0x43F0]  }
0x238: {  	v1 =	vld [tilespmem:s28+$0x4000]  }
0x239: {  	v2 =	vld [tilespmem:s28+$0x4010]  }
0x23a: {  	v3 =	vld [tilespmem:s28+$0x4020]  }
0x23b: {  	v4 =	vld [tilespmem:s28+$0x4030]  }
0x23c: {  	v5 =	vld [tilespmem:s28+$0x4040]  }
0x23d: {  	v6 =	vld [tilespmem:s28+$0x4050]  }
0x23e: {  	v7 =	vld [tilespmem:s28+$0x4060]  }
0x23f: {  	v8 =	vld [tilespmem:s28+$0x4070]  }
0x240: {  	v9 =	vld [tilespmem:s28+$0x4080]  }
0x241: {  	v10 =	vld [tilespmem:s28+$0x4090]  }
0x242: {  	v11 =	vld [tilespmem:s28+$0x40A0]  }
0x243: {  	v12 =	vld [tilespmem:s28+$0x40B0]  }
0x244: {  	v13 =	vld [tilespmem:s28+$0x40C0]  }
0x245: {  	v14 =	vld [tilespmem:s28+$0x40D0]  }
0x246: {  	v15 =	vld [tilespmem:s28+$0x40E0]  }
0x247: {  	v16 =	vld [tilespmem:s28+$0x40F0]  }
0x248: {  	v17 =	vld [tilespmem:s28+$0x4100]  }
0x249: {  	v18 =	vld [tilespmem:s28+$0x4110]  }
0x24a: {  	v19 =	vld [tilespmem:s28+$0x4120]  }
0x24b: {  	v20 =	vld [tilespmem:s28+$0x4130]  }
0x24c: {  	v21 =	vld [tilespmem:s28+$0x4140]  }
0x24d: {  	v22 =	vld [tilespmem:s28+$0x4150]  }
0x24e: {  	v23 =	vld [tilespmem:s28+$0x4160]  }
0x24f: {  	v24 =	vld [tilespmem:s28+$0x4170]  }
0x250: {  	v25 =	vld [tilespmem:s28+$0x4180]  }
0x251: {  	v26 =	vld [tilespmem:s28+$0x4190]  }
0x252: {  	v27 =	vld [tilespmem:s28+$0x41A0]  }
0x253: {  	v28 =	vld [tilespmem:s28+$0x41B0]  }
0x254: {  	v29 =	vld [tilespmem:s28+$0x41C0]  }
0x255: {  	v30 =	vld [tilespmem:s28+$0x41D0]  }
0x256: {  	v31 =	vld [tilespmem:s28+$0x41E0]  }
0x257: {  	v32 =	vld [tilespmem:s28+$0x41F0]  }
0x258: {  	v33 =	vld [tilespmem:s28+$0x4200]  }
0x259: {  	v34 =	vld [tilespmem:s28+$0x4210]  }
0x25a: {  	v35 =	vld [tilespmem:s28+$0x4220]  }
0x25b: {  	v36 =	vld [tilespmem:s28+$0x4230]  }
0x25c: {  	v37 =	vld [tilespmem:s28+$0x4240]  }
0x25d: {  	v38 =	vld [tilespmem:s28+$0x4250]  }
0x25e: {  	v39 =	vld [tilespmem:s28+$0x4260]  }
0x25f: {  	v40 =	vld [tilespmem:s28+$0x4270]  }
0x260: {  	v41 =	vld [tilespmem:s28+$0x4280]  }
0x261: {  	v42 =	vld [tilespmem:s28+$0x4290]  }
0x262: {  	v43 =	vld [tilespmem:s28+$0x42A0]  }
0x263: {  	v44 =	vld [tilespmem:s28+$0x42B0]  }
0x264: {  	v45 =	vld [tilespmem:s28+$0x42C0]  }
0x265: {  	v46 =	vld [tilespmem:s28+$0x42D0]  }
0x266: {  	v47 =	vld [tilespmem:s28+$0x42E0]  }
0x267: {  	v48 =	vld [tilespmem:s28+$0x42F0]  }
0x268: {  	v49 =	vld [tilespmem:s28+$0x4300]  }
0x269: {  	v50 =	vld [tilespmem:s28+$0x4310]  }
0x26a: {  	v51 =	vld [tilespmem:s28+$0x4320]  }
0x26b: {  	v52 =	vld [tilespmem:s28+$0x4330]  }
0x26c: {  	v53 =	vld [tilespmem:s28+$0x4340]  }
0x26d: {  	v54 =	vld [tilespmem:s28+$0x4350]  }
0x26e: {  	v55 =	vld [tilespmem:s28+$0x4360]  }
0x26f: {  	v56 =	vld [tilespmem:s28+$0x4370]  }
0x270: {  	v57 =	vld [tilespmem:s28+$0x4380]  }
0x271: {  	v58 =	vld [tilespmem:s28+$0x4390]  }
0x272: {  	v59 =	vld [tilespmem:s28+$0x43A0]  }
0x273: {  	v60 =	vld [tilespmem:s28+$0x43B0]  }
0x274: {  	v61 =	vld [tilespmem:s28+$0x43C0]  }
0x275: {  	v62 =	vld [tilespmem:s28+$0x43D0]  }
0x276: {  	[tilespmem:s28+$0x103F0] =	vst.add.f32.msk $0xffff, v0  }
0x277: {  	v0 =	vld [tilespmem:s28+$0x43E0]  }
0x278: {  	[tilespmem:s28+$0x10000] =	vst.add.f32.msk $0xffff, v1  }
0x279: {  	[tilespmem:s28+$0x10010] =	vst.add.f32.msk $0xffff, v2  }
0x27a: {  	[tilespmem:s28+$0x10020] =	vst.add.f32.msk $0xffff, v3  }
0x27b: {  	[tilespmem:s28+$0x10030] =	vst.add.f32.msk $0xffff, v4  }
0x27c: {  	[tilespmem:s28+$0x10040] =	vst.add.f32.msk $0xffff, v5  }
0x27d: {  	[tilespmem:s28+$0x10050] =	vst.add.f32.msk $0xffff, v6  }
0x27e: {  	[tilespmem:s28+$0x10060] =	vst.add.f32.msk $0xffff, v7  }
0x27f: {  	[tilespmem:s28+$0x10070] =	vst.add.f32.msk $0xffff, v8  }
0x280: {  	[tilespmem:s28+$0x10080] =	vst.add.f32.msk $0xffff, v9  }
0x281: {  	[tilespmem:s28+$0x10090] =	vst.add.f32.msk $0xffff, v10  }
0x282: {  	[tilespmem:s28+$0x100A0] =	vst.add.f32.msk $0xffff, v11  }
0x283: {  	[tilespmem:s28+$0x100B0] =	vst.add.f32.msk $0xffff, v12  }
0x284: {  	[tilespmem:s28+$0x100C0] =	vst.add.f32.msk $0xffff, v13  }
0x285: {  	[tilespmem:s28+$0x100D0] =	vst.add.f32.msk $0xffff, v14  }
0x286: {  	[tilespmem:s28+$0x100E0] =	vst.add.f32.msk $0xffff, v15  }
0x287: {  	[tilespmem:s28+$0x100F0] =	vst.add.f32.msk $0xffff, v16  }
0x288: {  	[tilespmem:s28+$0x10100] =	vst.add.f32.msk $0xffff, v17  }
0x289: {  	[tilespmem:s28+$0x10110] =	vst.add.f32.msk $0xffff, v18  }
0x28a: {  	[tilespmem:s28+$0x10120] =	vst.add.f32.msk $0xffff, v19  }
0x28b: {  	[tilespmem:s28+$0x10130] =	vst.add.f32.msk $0xffff, v20  }
0x28c: {  	[tilespmem:s28+$0x10140] =	vst.add.f32.msk $0xffff, v21  }
0x28d: {  	[tilespmem:s28+$0x10150] =	vst.add.f32.msk $0xffff, v22  }
0x28e: {  	[tilespmem:s28+$0x10160] =	vst.add.f32.msk $0xffff, v23  }
0x28f: {  	[tilespmem:s28+$0x10170] =	vst.add.f32.msk $0xffff, v24  }
0x290: {  	[tilespmem:s28+$0x10180] =	vst.add.f32.msk $0xffff, v25  }
0x291: {  	[tilespmem:s28+$0x10190] =	vst.add.f32.msk $0xffff, v26  }
0x292: {  	[tilespmem:s28+$0x101A0] =	vst.add.f32.msk $0xffff, v27  }
0x293: {  	[tilespmem:s28+$0x101B0] =	vst.add.f32.msk $0xffff, v28  }
0x294: {  	[tilespmem:s28+$0x101C0] =	vst.add.f32.msk $0xffff, v29  }
0x295: {  	[tilespmem:s28+$0x101D0] =	vst.add.f32.msk $0xffff, v30  }
0x296: {  	[tilespmem:s28+$0x101E0] =	vst.add.f32.msk $0xffff, v31  }
0x297: {  	[tilespmem:s28+$0x101F0] =	vst.add.f32.msk $0xffff, v32  }
0x298: {  	[tilespmem:s28+$0x10200] =	vst.add.f32.msk $0xffff, v33  }
0x299: {  	[tilespmem:s28+$0x10210] =	vst.add.f32.msk $0xffff, v34  }
0x29a: {  	[tilespmem:s28+$0x10220] =	vst.add.f32.msk $0xffff, v35  }
0x29b: {  	[tilespmem:s28+$0x10230] =	vst.add.f32.msk $0xffff, v36  }
0x29c: {  	[tilespmem:s28+$0x10240] =	vst.add.f32.msk $0xffff, v37  }
0x29d: {  	[tilespmem:s28+$0x10250] =	vst.add.f32.msk $0xffff, v38  }
0x29e: {  	[tilespmem:s28+$0x10260] =	vst.add.f32.msk $0xffff, v39  }
0x29f: {  	[tilespmem:s28+$0x10270] =	vst.add.f32.msk $0xffff, v40  }
0x2a0: {  	[tilespmem:s28+$0x10280] =	vst.add.f32.msk $0xffff, v41  }
0x2a1: {  	[tilespmem:s28+$0x10290] =	vst.add.f32.msk $0xffff, v42  }
0x2a2: {  	[tilespmem:s28+$0x102A0] =	vst.add.f32.msk $0xffff, v43  }
0x2a3: {  	[tilespmem:s28+$0x102B0] =	vst.add.f32.msk $0xffff, v44  }
0x2a4: {  	[tilespmem:s28+$0x102C0] =	vst.add.f32.msk $0xffff, v45  }
0x2a5: {  	[tilespmem:s28+$0x102D0] =	vst.add.f32.msk $0xffff, v46  }
0x2a6: {  	[tilespmem:s28+$0x102E0] =	vst.add.f32.msk $0xffff, v47  }
0x2a7: {  	[tilespmem:s28+$0x102F0] =	vst.add.f32.msk $0xffff, v48  }
0x2a8: {  	[tilespmem:s28+$0x10300] =	vst.add.f32.msk $0xffff, v49  }
0x2a9: {  	[tilespmem:s28+$0x10310] =	vst.add.f32.msk $0xffff, v50  }
0x2aa: {  	[tilespmem:s28+$0x10320] =	vst.add.f32.msk $0xffff, v51  }
0x2ab: {  	[tilespmem:s28+$0x10330] =	vst.add.f32.msk $0xffff, v52  }
0x2ac: {  	[tilespmem:s28+$0x10340] =	vst.add.f32.msk $0xffff, v53  }
0x2ad: {  	[tilespmem:s28+$0x10350] =	vst.add.f32.msk $0xffff, v54  }
0x2ae: {  	[tilespmem:s28+$0x10360] =	vst.add.f32.msk $0xffff, v55  }
0x2af: {  	[tilespmem:s28+$0x10370] =	vst.add.f32.msk $0xffff, v56  }
0x2b0: {  	[tilespmem:s28+$0x10380] =	vst.add.f32.msk $0xffff, v57  }
0x2b1: {  	[tilespmem:s28+$0x10390] =	vst.add.f32.msk $0xffff, v58  }
0x2b2: {  	[tilespmem:s28+$0x103A0] =	vst.add.f32.msk $0xffff, v59  }
0x2b3: {  	[tilespmem:s28+$0x103B0] =	vst.add.f32.msk $0xffff, v60  }
0x2b4: {  	[tilespmem:s28+$0x103C0] =	vst.add.f32.msk $0xffff, v61  }
0x2b5: {  	s29 =	simm.s32 $0x0;
	s30 =	simm.s32 $0x1000;
	[tilespmem:s28+$0x103D0] =	vst.add.f32.msk $0xffff, v62  }
.LBB2_7:
0x2b6: {  	s29 =	sadd.s32 $0x8, s29;
	[tilespmem:s28+$0x103E0] =	vst.add.f32.msk $0xffff, v0;
	s28 =	sshra.s32 s30, $0x2  }
0x2b7: {  	v0 =	vld [tilespmem:s28+$0x43F0];
	p1 =	slt.u32 s29, $0x78  }
0x2b8: {  	v1 =	vld [tilespmem:s28+$0x4000]  }
0x2b9: {  	v2 =	vld [tilespmem:s28+$0x4010]  }
0x2ba: {  	v3 =	vld [tilespmem:s28+$0x4020]  }
0x2bb: {  	v4 =	vld [tilespmem:s28+$0x4030]  }
0x2bc: {  	[tilespmem:s28+$0x103F0] =	vst.add.f32.msk $0xffff, v0  }
0x2bd: {  	v5 =	vld [tilespmem:s28+$0x4040]  }
0x2be: {  	v6 =	vld [tilespmem:s28+$0x4050]  }
0x2bf: {  	v7 =	vld [tilespmem:s28+$0x4060]  }
0x2c0: {  	v8 =	vld [tilespmem:s28+$0x4070]  }
0x2c1: {  	v9 =	vld [tilespmem:s28+$0x4080]  }
0x2c2: {  	v10 =	vld [tilespmem:s28+$0x4090]  }
0x2c3: {  	v11 =	vld [tilespmem:s28+$0x40A0]  }
0x2c4: {  	v12 =	vld [tilespmem:s28+$0x40B0]  }
0x2c5: {  	v13 =	vld [tilespmem:s28+$0x40C0]  }
0x2c6: {  	v14 =	vld [tilespmem:s28+$0x40D0]  }
0x2c7: {  	v15 =	vld [tilespmem:s28+$0x40E0]  }
0x2c8: {  	v16 =	vld [tilespmem:s28+$0x40F0]  }
0x2c9: {  	v17 =	vld [tilespmem:s28+$0x4100]  }
0x2ca: {  	v18 =	vld [tilespmem:s28+$0x4110]  }
0x2cb: {  	v19 =	vld [tilespmem:s28+$0x4120]  }
0x2cc: {  	v20 =	vld [tilespmem:s28+$0x4130]  }
0x2cd: {  	v21 =	vld [tilespmem:s28+$0x4140]  }
0x2ce: {  	v22 =	vld [tilespmem:s28+$0x4150]  }
0x2cf: {  	v23 =	vld [tilespmem:s28+$0x4160]  }
0x2d0: {  	v24 =	vld [tilespmem:s28+$0x4170]  }
0x2d1: {  	v25 =	vld [tilespmem:s28+$0x4180]  }
0x2d2: {  	v26 =	vld [tilespmem:s28+$0x4190]  }
0x2d3: {  	v27 =	vld [tilespmem:s28+$0x41A0]  }
0x2d4: {  	v28 =	vld [tilespmem:s28+$0x41B0]  }
0x2d5: {  	v29 =	vld [tilespmem:s28+$0x41C0]  }
0x2d6: {  	v30 =	vld [tilespmem:s28+$0x41D0]  }
0x2d7: {  	v31 =	vld [tilespmem:s28+$0x41E0]  }
0x2d8: {  	v32 =	vld [tilespmem:s28+$0x41F0]  }
0x2d9: {  	v33 =	vld [tilespmem:s28+$0x4200]  }
0x2da: {  	v34 =	vld [tilespmem:s28+$0x4210]  }
0x2db: {  	v35 =	vld [tilespmem:s28+$0x4220]  }
0x2dc: {  	v36 =	vld [tilespmem:s28+$0x4230]  }
0x2dd: {  	v37 =	vld [tilespmem:s28+$0x4240]  }
0x2de: {  	v38 =	vld [tilespmem:s28+$0x4250]  }
0x2df: {  	v39 =	vld [tilespmem:s28+$0x4260]  }
0x2e0: {  	v40 =	vld [tilespmem:s28+$0x4270]  }
0x2e1: {  	v41 =	vld [tilespmem:s28+$0x4280]  }
0x2e2: {  	v42 =	vld [tilespmem:s28+$0x4290]  }
0x2e3: {  	v43 =	vld [tilespmem:s28+$0x42A0]  }
0x2e4: {  	v44 =	vld [tilespmem:s28+$0x42B0]  }
0x2e5: {  	v45 =	vld [tilespmem:s28+$0x42C0]  }
0x2e6: {  	v46 =	vld [tilespmem:s28+$0x42D0]  }
0x2e7: {  	v47 =	vld [tilespmem:s28+$0x42E0]  }
0x2e8: {  	v48 =	vld [tilespmem:s28+$0x42F0]  }
0x2e9: {  	v49 =	vld [tilespmem:s28+$0x4300]  }
0x2ea: {  	v50 =	vld [tilespmem:s28+$0x4310]  }
0x2eb: {  	v51 =	vld [tilespmem:s28+$0x4320]  }
0x2ec: {  	v52 =	vld [tilespmem:s28+$0x4330]  }
0x2ed: {  	v53 =	vld [tilespmem:s28+$0x4340]  }
0x2ee: {  	v54 =	vld [tilespmem:s28+$0x4350]  }
0x2ef: {  	v55 =	vld [tilespmem:s28+$0x4360]  }
0x2f0: {  	v56 =	vld [tilespmem:s28+$0x4370]  }
0x2f1: {  	v57 =	vld [tilespmem:s28+$0x4380]  }
0x2f2: {  	v58 =	vld [tilespmem:s28+$0x4390]  }
0x2f3: {  	v59 =	vld [tilespmem:s28+$0x43A0]  }
0x2f4: {  	v60 =	vld [tilespmem:s28+$0x43B0]  }
0x2f5: {  	v61 =	vld [tilespmem:s28+$0x43C0]  }
0x2f6: {  	v62 =	vld [tilespmem:s28+$0x43D0]  }
0x2f7: {  	v0 =	vld [tilespmem:s28+$0x43E0]  }
0x2f8: {  	[tilespmem:s28+$0x10000] =	vst.add.f32.msk $0xffff, v1  }
0x2f9: {  	[tilespmem:s28+$0x10010] =	vst.add.f32.msk $0xffff, v2  }
0x2fa: {  	[tilespmem:s28+$0x10020] =	vst.add.f32.msk $0xffff, v3  }
0x2fb: {  	[tilespmem:s28+$0x10030] =	vst.add.f32.msk $0xffff, v4  }
0x2fc: {  	[tilespmem:s28+$0x10040] =	vst.add.f32.msk $0xffff, v5  }
0x2fd: {  	[tilespmem:s28+$0x10050] =	vst.add.f32.msk $0xffff, v6  }
0x2fe: {  	[tilespmem:s28+$0x10060] =	vst.add.f32.msk $0xffff, v7  }
0x2ff: {  	[tilespmem:s28+$0x10070] =	vst.add.f32.msk $0xffff, v8  }
0x300: {  	[tilespmem:s28+$0x10080] =	vst.add.f32.msk $0xffff, v9  }
0x301: {  	[tilespmem:s28+$0x10090] =	vst.add.f32.msk $0xffff, v10  }
0x302: {  	[tilespmem:s28+$0x100A0] =	vst.add.f32.msk $0xffff, v11  }
0x303: {  	[tilespmem:s28+$0x100B0] =	vst.add.f32.msk $0xffff, v12  }
0x304: {  	[tilespmem:s28+$0x100C0] =	vst.add.f32.msk $0xffff, v13  }
0x305: {  	[tilespmem:s28+$0x100D0] =	vst.add.f32.msk $0xffff, v14  }
0x306: {  	[tilespmem:s28+$0x100E0] =	vst.add.f32.msk $0xffff, v15  }
0x307: {  	[tilespmem:s28+$0x100F0] =	vst.add.f32.msk $0xffff, v16  }
0x308: {  	[tilespmem:s28+$0x10100] =	vst.add.f32.msk $0xffff, v17  }
0x309: {  	[tilespmem:s28+$0x10110] =	vst.add.f32.msk $0xffff, v18  }
0x30a: {  	[tilespmem:s28+$0x10120] =	vst.add.f32.msk $0xffff, v19  }
0x30b: {  	[tilespmem:s28+$0x10130] =	vst.add.f32.msk $0xffff, v20  }
0x30c: {  	[tilespmem:s28+$0x10140] =	vst.add.f32.msk $0xffff, v21  }
0x30d: {  	[tilespmem:s28+$0x10150] =	vst.add.f32.msk $0xffff, v22  }
0x30e: {  	[tilespmem:s28+$0x10160] =	vst.add.f32.msk $0xffff, v23  }
0x30f: {  	[tilespmem:s28+$0x10170] =	vst.add.f32.msk $0xffff, v24  }
0x310: {  	[tilespmem:s28+$0x10180] =	vst.add.f32.msk $0xffff, v25  }
0x311: {  	[tilespmem:s28+$0x10190] =	vst.add.f32.msk $0xffff, v26  }
0x312: {  	[tilespmem:s28+$0x101A0] =	vst.add.f32.msk $0xffff, v27  }
0x313: {  	[tilespmem:s28+$0x101B0] =	vst.add.f32.msk $0xffff, v28  }
0x314: {  	[tilespmem:s28+$0x101C0] =	vst.add.f32.msk $0xffff, v29  }
0x315: {  	[tilespmem:s28+$0x101D0] =	vst.add.f32.msk $0xffff, v30  }
0x316: {  	[tilespmem:s28+$0x101E0] =	vst.add.f32.msk $0xffff, v31  }
0x317: {  	[tilespmem:s28+$0x101F0] =	vst.add.f32.msk $0xffff, v32  }
0x318: {  	[tilespmem:s28+$0x10200] =	vst.add.f32.msk $0xffff, v33  }
0x319: {  	[tilespmem:s28+$0x10210] =	vst.add.f32.msk $0xffff, v34  }
0x31a: {  	[tilespmem:s28+$0x10220] =	vst.add.f32.msk $0xffff, v35  }
0x31b: {  	[tilespmem:s28+$0x10230] =	vst.add.f32.msk $0xffff, v36  }
0x31c: {  	[tilespmem:s28+$0x10240] =	vst.add.f32.msk $0xffff, v37  }
0x31d: {  	[tilespmem:s28+$0x10250] =	vst.add.f32.msk $0xffff, v38  }
0x31e: {  	[tilespmem:s28+$0x10260] =	vst.add.f32.msk $0xffff, v39  }
0x31f: {  	[tilespmem:s28+$0x10270] =	vst.add.f32.msk $0xffff, v40  }
0x320: {  	[tilespmem:s28+$0x10280] =	vst.add.f32.msk $0xffff, v41  }
0x321: {  	[tilespmem:s28+$0x10290] =	vst.add.f32.msk $0xffff, v42  }
0x322: {  	[tilespmem:s28+$0x102A0] =	vst.add.f32.msk $0xffff, v43  }
0x323: {  	[tilespmem:s28+$0x102B0] =	vst.add.f32.msk $0xffff, v44  }
0x324: {  	[tilespmem:s28+$0x102C0] =	vst.add.f32.msk $0xffff, v45  }
0x325: {  	[tilespmem:s28+$0x102D0] =	vst.add.f32.msk $0xffff, v46  }
0x326: {  	[tilespmem:s28+$0x102E0] =	vst.add.f32.msk $0xffff, v47  }
0x327: {  	[tilespmem:s28+$0x102F0] =	vst.add.f32.msk $0xffff, v48  }
0x328: {  	[tilespmem:s28+$0x10300] =	vst.add.f32.msk $0xffff, v49  }
0x329: {  	[tilespmem:s28+$0x10310] =	vst.add.f32.msk $0xffff, v50  }
0x32a: {  	[tilespmem:s28+$0x10320] =	vst.add.f32.msk $0xffff, v51  }
0x32b: {  	[tilespmem:s28+$0x10330] =	vst.add.f32.msk $0xffff, v52  }
0x32c: {  	[tilespmem:s28+$0x10340] =	vst.add.f32.msk $0xffff, v53  }
0x32d: {  	[tilespmem:s28+$0x10350] =	vst.add.f32.msk $0xffff, v54  }
0x32e: {  	[tilespmem:s28+$0x10360] =	vst.add.f32.msk $0xffff, v55  }
0x32f: {  	[tilespmem:s28+$0x10370] =	vst.add.f32.msk $0xffff, v56  }
0x330: {  	[tilespmem:s28+$0x10380] =	vst.add.f32.msk $0xffff, v57  }
.Ltmp2:
0x331: {  	[tilespmem:s28+$0x10390] =	vst.add.f32.msk $0xffff, v58;
	(pc) =	sbr.rel @p1 .LBB2_7-.Ltmp2, $4  }
0x332: {  	[tilespmem:s28+$0x103A0] =	vst.add.f32.msk $0xffff, v59  }
0x333: {  	[tilespmem:s28+$0x103B0] =	vst.add.f32.msk $0xffff, v60  }
0x334: {  	[tilespmem:s28+$0x103C0] =	vst.add.f32.msk $0xffff, v61  }
0x335: {  	s30 =	sadd.s32 $0x1000, s30;
	[tilespmem:s28+$0x103D0] =	vst.add.f32.msk $0xffff, v62  }
0x336: {  	s24 =	sshll.u32 s24, $0xB  }
0x337: {  	[tilespmem:s28+$0x103E0] =	vst.add.f32.msk $0xffff, v0;
	s24 =	sadd.s32 s24, s6  }
0x338: {  	[hbm4b:s24+s4] =	stream.linear.scatter [tilespmem:s15], [sflag:$0x7], $0x4000, $0x38;
	[tilespmem:$0x18000] =	vst v63  }
0x339: {  	_ =	swait.ge [sflag:s19], $0x4000  }
0x33a: {  	[sflag:s19] =	ssyncset.done $0x0  }
0x33b: {  	s24 =	simm.s32 @!p0 $0x6;
	[sflag:s19] =	ssyncadd.s32 $0xFFFFC000  }
0x33c: {  	_ =	swait.ge @!p0 [sflag:s24], $0x4000  }
0x33d: {  	s28 =	simm.s32 @!p0 $0xC000;
	[sflag:s24] =	ssyncset.done @!p0 $0x0  }
0x33e: {  	[sflag:s24] =	ssyncadd.s32 @!p0 $0xFFFFC000;
	s24 =	sadd.s32 @!p0 $0x280, s26;
	s26 =	simm.s32 @!p0 $0x80  }
0x33f: {  	[tilespmem:s28], [sflag:$0x2] =	stream.indirect.gather @!p0 [hbm4b:s1+s26], $0x80, s24, s26, $0xb8;
	[tilespmem:$0x18000] =	vst v63  }
0x340: {  	s24 =	simm.s32 $0x0  }
0x341: {  	v0 =	vld [tilespmem:s24+$0x43F0]  }
0x342: {  	v1 =	vld [tilespmem:s24+$0x4000]  }
0x343: {  	v2 =	vld [tilespmem:s24+$0x4010]  }
0x344: {  	v3 =	vld [tilespmem:s24+$0x4020]  }
0x345: {  	v4 =	vld [tilespmem:s24+$0x4030]  }
0x346: {  	v5 =	vld [tilespmem:s24+$0x4040]  }
0x347: {  	v6 =	vld [tilespmem:s24+$0x4050]  }
0x348: {  	v7 =	vld [tilespmem:s24+$0x4060]  }
0x349: {  	v8 =	vld [tilespmem:s24+$0x4070]  }
0x34a: {  	v9 =	vld [tilespmem:s24+$0x4080]  }
0x34b: {  	v10 =	vld [tilespmem:s24+$0x4090]  }
0x34c: {  	v11 =	vld [tilespmem:s24+$0x40A0]  }
0x34d: {  	v12 =	vld [tilespmem:s24+$0x40B0]  }
0x34e: {  	v13 =	vld [tilespmem:s24+$0x40C0]  }
0x34f: {  	v14 =	vld [tilespmem:s24+$0x40D0]  }
0x350: {  	v15 =	vld [tilespmem:s24+$0x40E0]  }
0x351: {  	v16 =	vld [tilespmem:s24+$0x40F0]  }
0x352: {  	v17 =	vld [tilespmem:s24+$0x4100]  }
0x353: {  	v18 =	vld [tilespmem:s24+$0x4110]  }
0x354: {  	v19 =	vld [tilespmem:s24+$0x4120]  }
0x355: {  	v20 =	vld [tilespmem:s24+$0x4130]  }
0x356: {  	v21 =	vld [tilespmem:s24+$0x4140]  }
0x357: {  	v22 =	vld [tilespmem:s24+$0x4150]  }
0x358: {  	v23 =	vld [tilespmem:s24+$0x4160]  }
0x359: {  	v24 =	vld [tilespmem:s24+$0x4170]  }
0x35a: {  	v25 =	vld [tilespmem:s24+$0x4180]  }
0x35b: {  	v26 =	vld [tilespmem:s24+$0x4190]  }
0x35c: {  	v27 =	vld [tilespmem:s24+$0x41A0]  }
0x35d: {  	v28 =	vld [tilespmem:s24+$0x41B0]  }
0x35e: {  	v29 =	vld [tilespmem:s24+$0x41C0]  }
0x35f: {  	v30 =	vld [tilespmem:s24+$0x41D0]  }
0x360: {  	v31 =	vld [tilespmem:s24+$0x41E0]  }
0x361: {  	v32 =	vld [tilespmem:s24+$0x41F0]  }
0x362: {  	v33 =	vld [tilespmem:s24+$0x4200]  }
0x363: {  	v34 =	vld [tilespmem:s24+$0x4210]  }
0x364: {  	v35 =	vld [tilespmem:s24+$0x4220]  }
0x365: {  	v36 =	vld [tilespmem:s24+$0x4230]  }
0x366: {  	v37 =	vld [tilespmem:s24+$0x4240]  }
0x367: {  	v38 =	vld [tilespmem:s24+$0x4250]  }
0x368: {  	v39 =	vld [tilespmem:s24+$0x4260]  }
0x369: {  	v40 =	vld [tilespmem:s24+$0x4270]  }
0x36a: {  	v41 =	vld [tilespmem:s24+$0x4280]  }
0x36b: {  	v42 =	vld [tilespmem:s24+$0x4290]  }
0x36c: {  	v43 =	vld [tilespmem:s24+$0x42A0]  }
0x36d: {  	v44 =	vld [tilespmem:s24+$0x42B0]  }
0x36e: {  	v45 =	vld [tilespmem:s24+$0x42C0]  }
0x36f: {  	v46 =	vld [tilespmem:s24+$0x42D0]  }
0x370: {  	v47 =	vld [tilespmem:s24+$0x42E0]  }
0x371: {  	v48 =	vld [tilespmem:s24+$0x42F0]  }
0x372: {  	v49 =	vld [tilespmem:s24+$0x4300]  }
0x373: {  	v50 =	vld [tilespmem:s24+$0x4310]  }
0x374: {  	v51 =	vld [tilespmem:s24+$0x4320]  }
0x375: {  	v52 =	vld [tilespmem:s24+$0x4330]  }
0x376: {  	v53 =	vld [tilespmem:s24+$0x4340]  }
0x377: {  	v54 =	vld [tilespmem:s24+$0x4350]  }
0x378: {  	v55 =	vld [tilespmem:s24+$0x4360]  }
0x379: {  	v56 =	vld [tilespmem:s24+$0x4370]  }
0x37a: {  	v57 =	vld [tilespmem:s24+$0x4380]  }
0x37b: {  	v58 =	vld [tilespmem:s24+$0x4390]  }
0x37c: {  	v59 =	vld [tilespmem:s24+$0x43A0]  }
0x37d: {  	v60 =	vld [tilespmem:s24+$0x43B0]  }
0x37e: {  	v61 =	vld [tilespmem:s24+$0x43C0]  }
0x37f: {  	v62 =	vld [tilespmem:s24+$0x43D0]  }
0x380: {  	[tilespmem:s24+$0x143F0] =	vst.add.f32.msk $0xffff, v0  }
0x381: {  	v0 =	vld [tilespmem:s24+$0x43E0]  }
0x382: {  	[tilespmem:s24+$0x14000] =	vst.add.f32.msk $0xffff, v1  }
0x383: {  	[tilespmem:s24+$0x14010] =	vst.add.f32.msk $0xffff, v2  }
0x384: {  	[tilespmem:s24+$0x14020] =	vst.add.f32.msk $0xffff, v3  }
0x385: {  	[tilespmem:s24+$0x14030] =	vst.add.f32.msk $0xffff, v4  }
0x386: {  	[tilespmem:s24+$0x14040] =	vst.add.f32.msk $0xffff, v5  }
0x387: {  	[tilespmem:s24+$0x14050] =	vst.add.f32.msk $0xffff, v6  }
0x388: {  	[tilespmem:s24+$0x14060] =	vst.add.f32.msk $0xffff, v7  }
0x389: {  	[tilespmem:s24+$0x14070] =	vst.add.f32.msk $0xffff, v8  }
0x38a: {  	[tilespmem:s24+$0x14080] =	vst.add.f32.msk $0xffff, v9  }
0x38b: {  	[tilespmem:s24+$0x14090] =	vst.add.f32.msk $0xffff, v10  }
0x38c: {  	[tilespmem:s24+$0x140A0] =	vst.add.f32.msk $0xffff, v11  }
0x38d: {  	[tilespmem:s24+$0x140B0] =	vst.add.f32.msk $0xffff, v12  }
0x38e: {  	[tilespmem:s24+$0x140C0] =	vst.add.f32.msk $0xffff, v13  }
0x38f: {  	[tilespmem:s24+$0x140D0] =	vst.add.f32.msk $0xffff, v14  }
0x390: {  	[tilespmem:s24+$0x140E0] =	vst.add.f32.msk $0xffff, v15  }
0x391: {  	[tilespmem:s24+$0x140F0] =	vst.add.f32.msk $0xffff, v16  }
0x392: {  	[tilespmem:s24+$0x14100] =	vst.add.f32.msk $0xffff, v17  }
0x393: {  	[tilespmem:s24+$0x14110] =	vst.add.f32.msk $0xffff, v18  }
0x394: {  	[tilespmem:s24+$0x14120] =	vst.add.f32.msk $0xffff, v19  }
0x395: {  	[tilespmem:s24+$0x14130] =	vst.add.f32.msk $0xffff, v20  }
0x396: {  	[tilespmem:s24+$0x14140] =	vst.add.f32.msk $0xffff, v21  }
0x397: {  	[tilespmem:s24+$0x14150] =	vst.add.f32.msk $0xffff, v22  }
0x398: {  	[tilespmem:s24+$0x14160] =	vst.add.f32.msk $0xffff, v23  }
0x399: {  	[tilespmem:s24+$0x14170] =	vst.add.f32.msk $0xffff, v24  }
0x39a: {  	[tilespmem:s24+$0x14180] =	vst.add.f32.msk $0xffff, v25  }
0x39b: {  	[tilespmem:s24+$0x14190] =	vst.add.f32.msk $0xffff, v26  }
0x39c: {  	[tilespmem:s24+$0x141A0] =	vst.add.f32.msk $0xffff, v27  }
0x39d: {  	[tilespmem:s24+$0x141B0] =	vst.add.f32.msk $0xffff, v28  }
0x39e: {  	[tilespmem:s24+$0x141C0] =	vst.add.f32.msk $0xffff, v29  }
0x39f: {  	[tilespmem:s24+$0x141D0] =	vst.add.f32.msk $0xffff, v30  }
0x3a0: {  	[tilespmem:s24+$0x141E0] =	vst.add.f32.msk $0xffff, v31  }
0x3a1: {  	[tilespmem:s24+$0x141F0] =	vst.add.f32.msk $0xffff, v32  }
0x3a2: {  	[tilespmem:s24+$0x14200] =	vst.add.f32.msk $0xffff, v33  }
0x3a3: {  	[tilespmem:s24+$0x14210] =	vst.add.f32.msk $0xffff, v34  }
0x3a4: {  	[tilespmem:s24+$0x14220] =	vst.add.f32.msk $0xffff, v35  }
0x3a5: {  	[tilespmem:s24+$0x14230] =	vst.add.f32.msk $0xffff, v36  }
0x3a6: {  	[tilespmem:s24+$0x14240] =	vst.add.f32.msk $0xffff, v37  }
0x3a7: {  	[tilespmem:s24+$0x14250] =	vst.add.f32.msk $0xffff, v38  }
0x3a8: {  	[tilespmem:s24+$0x14260] =	vst.add.f32.msk $0xffff, v39  }
0x3a9: {  	[tilespmem:s24+$0x14270] =	vst.add.f32.msk $0xffff, v40  }
0x3aa: {  	[tilespmem:s24+$0x14280] =	vst.add.f32.msk $0xffff, v41  }
0x3ab: {  	[tilespmem:s24+$0x14290] =	vst.add.f32.msk $0xffff, v42  }
0x3ac: {  	[tilespmem:s24+$0x142A0] =	vst.add.f32.msk $0xffff, v43  }
0x3ad: {  	[tilespmem:s24+$0x142B0] =	vst.add.f32.msk $0xffff, v44  }
0x3ae: {  	[tilespmem:s24+$0x142C0] =	vst.add.f32.msk $0xffff, v45  }
0x3af: {  	[tilespmem:s24+$0x142D0] =	vst.add.f32.msk $0xffff, v46  }
0x3b0: {  	[tilespmem:s24+$0x142E0] =	vst.add.f32.msk $0xffff, v47  }
0x3b1: {  	[tilespmem:s24+$0x142F0] =	vst.add.f32.msk $0xffff, v48  }
0x3b2: {  	[tilespmem:s24+$0x14300] =	vst.add.f32.msk $0xffff, v49  }
0x3b3: {  	[tilespmem:s24+$0x14310] =	vst.add.f32.msk $0xffff, v50  }
0x3b4: {  	[tilespmem:s24+$0x14320] =	vst.add.f32.msk $0xffff, v51  }
0x3b5: {  	[tilespmem:s24+$0x14330] =	vst.add.f32.msk $0xffff, v52  }
0x3b6: {  	[tilespmem:s24+$0x14340] =	vst.add.f32.msk $0xffff, v53  }
0x3b7: {  	[tilespmem:s24+$0x14350] =	vst.add.f32.msk $0xffff, v54  }
0x3b8: {  	[tilespmem:s24+$0x14360] =	vst.add.f32.msk $0xffff, v55  }
0x3b9: {  	[tilespmem:s24+$0x14370] =	vst.add.f32.msk $0xffff, v56  }
0x3ba: {  	[tilespmem:s24+$0x14380] =	vst.add.f32.msk $0xffff, v57  }
0x3bb: {  	[tilespmem:s24+$0x14390] =	vst.add.f32.msk $0xffff, v58  }
0x3bc: {  	[tilespmem:s24+$0x143A0] =	vst.add.f32.msk $0xffff, v59  }
0x3bd: {  	[tilespmem:s24+$0x143B0] =	vst.add.f32.msk $0xffff, v60  }
0x3be: {  	[tilespmem:s24+$0x143C0] =	vst.add.f32.msk $0xffff, v61  }
0x3bf: {  	s26 =	simm.s32 $0x0;
	s28 =	simm.s32 $0x1000;
	[tilespmem:s24+$0x143D0] =	vst.add.f32.msk $0xffff, v62  }
.LBB2_9:
0x3c0: {  	s26 =	sadd.s32 $0x8, s26;
	[tilespmem:s24+$0x143E0] =	vst.add.f32.msk $0xffff, v0;
	s24 =	sshra.s32 s28, $0x2  }
0x3c1: {  	v0 =	vld [tilespmem:s24+$0x43F0];
	p0 =	slt.u32 s26, $0x78  }
0x3c2: {  	v1 =	vld [tilespmem:s24+$0x4000]  }
0x3c3: {  	v2 =	vld [tilespmem:s24+$0x4010]  }
0x3c4: {  	v3 =	vld [tilespmem:s24+$0x4020]  }
0x3c5: {  	v4 =	vld [tilespmem:s24+$0x4030]  }
0x3c6: {  	[tilespmem:s24+$0x143F0] =	vst.add.f32.msk $0xffff, v0  }
0x3c7: {  	v5 =	vld [tilespmem:s24+$0x4040]  }
0x3c8: {  	v6 =	vld [tilespmem:s24+$0x4050]  }
0x3c9: {  	v7 =	vld [tilespmem:s24+$0x4060]  }
0x3ca: {  	v8 =	vld [tilespmem:s24+$0x4070]  }
0x3cb: {  	v9 =	vld [tilespmem:s24+$0x4080]  }
0x3cc: {  	v10 =	vld [tilespmem:s24+$0x4090]  }
0x3cd: {  	v11 =	vld [tilespmem:s24+$0x40A0]  }
0x3ce: {  	v12 =	vld [tilespmem:s24+$0x40B0]  }
0x3cf: {  	v13 =	vld [tilespmem:s24+$0x40C0]  }
0x3d0: {  	v14 =	vld [tilespmem:s24+$0x40D0]  }
0x3d1: {  	v15 =	vld [tilespmem:s24+$0x40E0]  }
0x3d2: {  	v16 =	vld [tilespmem:s24+$0x40F0]  }
0x3d3: {  	v17 =	vld [tilespmem:s24+$0x4100]  }
0x3d4: {  	v18 =	vld [tilespmem:s24+$0x4110]  }
0x3d5: {  	v19 =	vld [tilespmem:s24+$0x4120]  }
0x3d6: {  	v20 =	vld [tilespmem:s24+$0x4130]  }
0x3d7: {  	v21 =	vld [tilespmem:s24+$0x4140]  }
0x3d8: {  	v22 =	vld [tilespmem:s24+$0x4150]  }
0x3d9: {  	v23 =	vld [tilespmem:s24+$0x4160]  }
0x3da: {  	v24 =	vld [tilespmem:s24+$0x4170]  }
0x3db: {  	v25 =	vld [tilespmem:s24+$0x4180]  }
0x3dc: {  	v26 =	vld [tilespmem:s24+$0x4190]  }
0x3dd: {  	v27 =	vld [tilespmem:s24+$0x41A0]  }
0x3de: {  	v28 =	vld [tilespmem:s24+$0x41B0]  }
0x3df: {  	v29 =	vld [tilespmem:s24+$0x41C0]  }
0x3e0: {  	v30 =	vld [tilespmem:s24+$0x41D0]  }
0x3e1: {  	v31 =	vld [tilespmem:s24+$0x41E0]  }
0x3e2: {  	v32 =	vld [tilespmem:s24+$0x41F0]  }
0x3e3: {  	v33 =	vld [tilespmem:s24+$0x4200]  }
0x3e4: {  	v34 =	vld [tilespmem:s24+$0x4210]  }
0x3e5: {  	v35 =	vld [tilespmem:s24+$0x4220]  }
0x3e6: {  	v36 =	vld [tilespmem:s24+$0x4230]  }
0x3e7: {  	v37 =	vld [tilespmem:s24+$0x4240]  }
0x3e8: {  	v38 =	vld [tilespmem:s24+$0x4250]  }
0x3e9: {  	v39 =	vld [tilespmem:s24+$0x4260]  }
0x3ea: {  	v40 =	vld [tilespmem:s24+$0x4270]  }
0x3eb: {  	v41 =	vld [tilespmem:s24+$0x4280]  }
0x3ec: {  	v42 =	vld [tilespmem:s24+$0x4290]  }
0x3ed: {  	v43 =	vld [tilespmem:s24+$0x42A0]  }
0x3ee: {  	v44 =	vld [tilespmem:s24+$0x42B0]  }
0x3ef: {  	v45 =	vld [tilespmem:s24+$0x42C0]  }
0x3f0: {  	v46 =	vld [tilespmem:s24+$0x42D0]  }
0x3f1: {  	v47 =	vld [tilespmem:s24+$0x42E0]  }
0x3f2: {  	v48 =	vld [tilespmem:s24+$0x42F0]  }
0x3f3: {  	v49 =	vld [tilespmem:s24+$0x4300]  }
0x3f4: {  	v50 =	vld [tilespmem:s24+$0x4310]  }
0x3f5: {  	v51 =	vld [tilespmem:s24+$0x4320]  }
0x3f6: {  	v52 =	vld [tilespmem:s24+$0x4330]  }
0x3f7: {  	v53 =	vld [tilespmem:s24+$0x4340]  }
0x3f8: {  	v54 =	vld [tilespmem:s24+$0x4350]  }
0x3f9: {  	v55 =	vld [tilespmem:s24+$0x4360]  }
0x3fa: {  	v56 =	vld [tilespmem:s24+$0x4370]  }
0x3fb: {  	v57 =	vld [tilespmem:s24+$0x4380]  }
0x3fc: {  	v58 =	vld [tilespmem:s24+$0x4390]  }
0x3fd: {  	v59 =	vld [tilespmem:s24+$0x43A0]  }
0x3fe: {  	v60 =	vld [tilespmem:s24+$0x43B0]  }
0x3ff: {  	v61 =	vld [tilespmem:s24+$0x43C0]  }
0x400: {  	v62 =	vld [tilespmem:s24+$0x43D0]  }
0x401: {  	v0 =	vld [tilespmem:s24+$0x43E0]  }
0x402: {  	[tilespmem:s24+$0x14000] =	vst.add.f32.msk $0xffff, v1  }
0x403: {  	[tilespmem:s24+$0x14010] =	vst.add.f32.msk $0xffff, v2  }
0x404: {  	[tilespmem:s24+$0x14020] =	vst.add.f32.msk $0xffff, v3  }
0x405: {  	[tilespmem:s24+$0x14030] =	vst.add.f32.msk $0xffff, v4  }
0x406: {  	[tilespmem:s24+$0x14040] =	vst.add.f32.msk $0xffff, v5  }
0x407: {  	[tilespmem:s24+$0x14050] =	vst.add.f32.msk $0xffff, v6  }
0x408: {  	[tilespmem:s24+$0x14060] =	vst.add.f32.msk $0xffff, v7  }
0x409: {  	[tilespmem:s24+$0x14070] =	vst.add.f32.msk $0xffff, v8  }
0x40a: {  	[tilespmem:s24+$0x14080] =	vst.add.f32.msk $0xffff, v9  }
0x40b: {  	[tilespmem:s24+$0x14090] =	vst.add.f32.msk $0xffff, v10  }
0x40c: {  	[tilespmem:s24+$0x140A0] =	vst.add.f32.msk $0xffff, v11  }
0x40d: {  	[tilespmem:s24+$0x140B0] =	vst.add.f32.msk $0xffff, v12  }
0x40e: {  	[tilespmem:s24+$0x140C0] =	vst.add.f32.msk $0xffff, v13  }
0x40f: {  	[tilespmem:s24+$0x140D0] =	vst.add.f32.msk $0xffff, v14  }
0x410: {  	[tilespmem:s24+$0x140E0] =	vst.add.f32.msk $0xffff, v15  }
0x411: {  	[tilespmem:s24+$0x140F0] =	vst.add.f32.msk $0xffff, v16  }
0x412: {  	[tilespmem:s24+$0x14100] =	vst.add.f32.msk $0xffff, v17  }
0x413: {  	[tilespmem:s24+$0x14110] =	vst.add.f32.msk $0xffff, v18  }
0x414: {  	[tilespmem:s24+$0x14120] =	vst.add.f32.msk $0xffff, v19  }
0x415: {  	[tilespmem:s24+$0x14130] =	vst.add.f32.msk $0xffff, v20  }
0x416: {  	[tilespmem:s24+$0x14140] =	vst.add.f32.msk $0xffff, v21  }
0x417: {  	[tilespmem:s24+$0x14150] =	vst.add.f32.msk $0xffff, v22  }
0x418: {  	[tilespmem:s24+$0x14160] =	vst.add.f32.msk $0xffff, v23  }
0x419: {  	[tilespmem:s24+$0x14170] =	vst.add.f32.msk $0xffff, v24  }
0x41a: {  	[tilespmem:s24+$0x14180] =	vst.add.f32.msk $0xffff, v25  }
0x41b: {  	[tilespmem:s24+$0x14190] =	vst.add.f32.msk $0xffff, v26  }
0x41c: {  	[tilespmem:s24+$0x141A0] =	vst.add.f32.msk $0xffff, v27  }
0x41d: {  	[tilespmem:s24+$0x141B0] =	vst.add.f32.msk $0xffff, v28  }
0x41e: {  	[tilespmem:s24+$0x141C0] =	vst.add.f32.msk $0xffff, v29  }
0x41f: {  	[tilespmem:s24+$0x141D0] =	vst.add.f32.msk $0xffff, v30  }
0x420: {  	[tilespmem:s24+$0x141E0] =	vst.add.f32.msk $0xffff, v31  }
0x421: {  	[tilespmem:s24+$0x141F0] =	vst.add.f32.msk $0xffff, v32  }
0x422: {  	[tilespmem:s24+$0x14200] =	vst.add.f32.msk $0xffff, v33  }
0x423: {  	[tilespmem:s24+$0x14210] =	vst.add.f32.msk $0xffff, v34  }
0x424: {  	[tilespmem:s24+$0x14220] =	vst.add.f32.msk $0xffff, v35  }
0x425: {  	[tilespmem:s24+$0x14230] =	vst.add.f32.msk $0xffff, v36  }
0x426: {  	[tilespmem:s24+$0x14240] =	vst.add.f32.msk $0xffff, v37  }
0x427: {  	[tilespmem:s24+$0x14250] =	vst.add.f32.msk $0xffff, v38  }
0x428: {  	[tilespmem:s24+$0x14260] =	vst.add.f32.msk $0xffff, v39  }
0x429: {  	[tilespmem:s24+$0x14270] =	vst.add.f32.msk $0xffff, v40  }
0x42a: {  	[tilespmem:s24+$0x14280] =	vst.add.f32.msk $0xffff, v41  }
0x42b: {  	[tilespmem:s24+$0x14290] =	vst.add.f32.msk $0xffff, v42  }
0x42c: {  	[tilespmem:s24+$0x142A0] =	vst.add.f32.msk $0xffff, v43  }
0x42d: {  	[tilespmem:s24+$0x142B0] =	vst.add.f32.msk $0xffff, v44  }
0x42e: {  	[tilespmem:s24+$0x142C0] =	vst.add.f32.msk $0xffff, v45  }
0x42f: {  	[tilespmem:s24+$0x142D0] =	vst.add.f32.msk $0xffff, v46  }
0x430: {  	[tilespmem:s24+$0x142E0] =	vst.add.f32.msk $0xffff, v47  }
0x431: {  	[tilespmem:s24+$0x142F0] =	vst.add.f32.msk $0xffff, v48  }
0x432: {  	[tilespmem:s24+$0x14300] =	vst.add.f32.msk $0xffff, v49  }
0x433: {  	[tilespmem:s24+$0x14310] =	vst.add.f32.msk $0xffff, v50  }
0x434: {  	[tilespmem:s24+$0x14320] =	vst.add.f32.msk $0xffff, v51  }
0x435: {  	[tilespmem:s24+$0x14330] =	vst.add.f32.msk $0xffff, v52  }
0x436: {  	[tilespmem:s24+$0x14340] =	vst.add.f32.msk $0xffff, v53  }
0x437: {  	[tilespmem:s24+$0x14350] =	vst.add.f32.msk $0xffff, v54  }
0x438: {  	[tilespmem:s24+$0x14360] =	vst.add.f32.msk $0xffff, v55  }
0x439: {  	[tilespmem:s24+$0x14370] =	vst.add.f32.msk $0xffff, v56  }
0x43a: {  	[tilespmem:s24+$0x14380] =	vst.add.f32.msk $0xffff, v57  }
.Ltmp3:
0x43b: {  	[tilespmem:s24+$0x14390] =	vst.add.f32.msk $0xffff, v58;
	(pc) =	sbr.rel @p0 .LBB2_9-.Ltmp3, $4  }
0x43c: {  	[tilespmem:s24+$0x143A0] =	vst.add.f32.msk $0xffff, v59  }
0x43d: {  	[tilespmem:s24+$0x143B0] =	vst.add.f32.msk $0xffff, v60  }
0x43e: {  	[tilespmem:s24+$0x143C0] =	vst.add.f32.msk $0xffff, v61  }
0x43f: {  	s28 =	sadd.s32 $0x1000, s28;
	[tilespmem:s24+$0x143D0] =	vst.add.f32.msk $0xffff, v62  }
0x440: {  	s23 =	sadd.s32 $0x1, s23  }
0x441: {  	p0 =	sne.s32 s23, $0x20  }
.Ltmp4:
0x442: {  	_ = 	snop;
	(pc) =	sbr.rel @p0 .LBB2_2-.Ltmp4, $4  }
0x443: {  	_ = 	snop  }
0x444: {  	s25 =	sshll.u32 s25, $0xB  }
0x445: {  	[tilespmem:s24+$0x143E0] =	vst.add.f32.msk $0xffff, v0;
	s31 =	sadd.s32 s25, s6  }
0x446: {  	[hbm4b:s31+s4] =	stream.linear.scatter [tilespmem:s17], [sflag:$0x8], $0x4000, $0x38;
	[tilespmem:$0x18000] =	vst v63  }
0x447: {  	_ =	swait.ge [sflag:s9], $0x4000  }
0x448: {  	[sflag:s9] =	ssyncset.done $0x0  }
0x449: {  	[sflag:s9] =	ssyncadd.s32 $0xFFFFC000  }
0x44a: {  	_ =	swait.ge [sflag:s13], $0x4000  }
0x44b: {  	[sflag:s13] =	ssyncset.done $0x0  }
0x44c: {  	s22 =	sadd.s32 $0x1, s22;
	[sflag:s13] =	ssyncadd.s32 $0xFFFFC000  }
0x44d: {  	p0 =	sne.s32 s22, s7;
	_ =	swait.ge [sflag:s20], $0x4000  }
.Ltmp5:
0x44e: {  	[sflag:s20] =	ssyncset.done $0x0;
	(pc) =	sbr.rel @p0 .LBB2_1-.Ltmp5, $4  }
0x44f: {  	[sflag:s20] =	ssyncadd.s32 $0xFFFFC000  }
0x450: {  	_ =	swait.ge [sflag:s21], $0x4000  }
0x451: {  	[sflag:s21] =	ssyncset.done $0x0  }
0x452: {  	[sflag:s21] =	ssyncadd.s32 $0xFFFFC000  }
0x453: {  	_ =	sfence.sel $0x180000  }
0x454: {  	[bflag:$0x0] =	sbarrier.arrive $0xFFFF  }
0x455: {  	p0 =	sne.s32 s3, $0x0;
	_ =	strace $0x90000047  }
0x456: {  	s0 =	sadd.s32 @!p0 $0x100000, s0;
	[bflag:$0x2] =	sbarrier.arrive $0xFFFF  }
0x457: {  	[sflag:s0] =	ssyncadd.tile.s32 @!p0 $0x1;
	_ =	shalt  }
.Lfunc_end2:
_tile_overlayer_lowered:
.L_overlay_start_2:
0x458: {  	(tag) =	ssettag $0x2  }
0x459: {  	s0 =	rddreg [dreg:$0x0];
	s2 =	stileid.u32  }
0x45a: {  	s1 =	rddreg [dreg:$0x1];
	p0 =	sne.s32 s2, $0x0  }
0x45b: {  	s3 =	rddreg [dreg:$0x2];
	[bflag:$0x3] =	sbarrier.arrive $0xFFFF;
	s2 =	simm.s32 @!p0 $0x1C09  }
0x45c: {  	[timem:s3], [sflag:s2] =	dma.local @!p0 [hbm:s0], s1  }
0x45d: {  	s0 =	simm.s32 @!p0 $0x9  }
0x45e: {  	_ =	swait.ge @!p0 [sflag:s0], s1  }
0x45f: {  	s1 =	ssub.s32 @!p0 $0x0, s1;
	[sflag:s0] =	ssyncset.done @!p0 $0x0  }
0x460: {  	[sflag:s0] =	ssyncadd.s32 @!p0 s1  }
0x461: {  	[bflag:$0x3] =	sbarrier.arrive $0xFFFF  }
0x462: {  	_ =	shalt  }

</sc_bundles>
